<compile_context>
chip_gen: v7x
topology: tpu7x:2x2x1
jax: 0.10.2.dev20260603
libtpu: 0.0.44.dev20260713+nightly
codegen_flags: <defaults>
</compile_context>

<pallas_src>
import functools

import jax
import jax.numpy as jnp
from jax import lax
from jax.experimental import pallas as pl
from jax.experimental.pallas import tpu as pltpu
from jax.experimental.pallas import tpu_sc as plsc

NN = 10000
NE = 320000
D = 128
NCORE = 2
NSUB = 16
NWORK = NCORE * NSUB
CH = 128
SCH = 80
EBLK = 3200


def _mesh():
    return plsc.VectorSubcoreMesh(core_axis_name="c", subcore_axis_name="s",
                                  num_cores=NCORE, num_subcores=NSUB)


def _mlp_core(x_ref, w_ref, b_ref):
    h = x_ref[...]
    for l in range(4):
        h = lax.dot_general(h, w_ref[l], (((1,), (0,)), ((), ())),
                            preferred_element_type=jnp.float32)
        h = jnp.tanh(h + b_ref[l][None, :])
    return h


def _mlp_body(x_ref, w_ref, b_ref, o_ref):
    o_ref[...] = _mlp_core(x_ref, w_ref, b_ref)


def _mlp_body2(x_ref, w_ref, b_ref, o_ref, o16_ref):
    h = _mlp_core(x_ref, w_ref, b_ref)
    o_ref[...] = h
    o16_ref[...] = h.astype(jnp.bfloat16)


def _mlp(x, ws, bs, blk, with_bf16=False):
    n = x.shape[0]
    ospec = pl.BlockSpec((blk, D), lambda i: (i, 0))
    if with_bf16:
        body, out_specs, out_shape = _mlp_body2, [ospec, ospec], [
            jax.ShapeDtypeStruct((n, D), jnp.float32),
            jax.ShapeDtypeStruct((n, D), jnp.bfloat16)]
    else:
        body, out_specs, out_shape = _mlp_body, ospec, jax.ShapeDtypeStruct(
            (n, D), jnp.float32)
    return pl.pallas_call(
        body,
        grid=(n // blk,),
        in_specs=[pl.BlockSpec((blk, D), lambda i: (i, 0)),
                  pl.BlockSpec((4, D, D), lambda i: (0, 0, 0)),
                  pl.BlockSpec((4, D), lambda i: (0, 0))],
        out_specs=out_specs,
        out_shape=out_shape,
    )(x, ws, bs)


def _unpack(x32):
    lo = lax.bitcast_convert_type((x32 & 0xFFFF) << 16, jnp.float32)
    hi = lax.bitcast_convert_type(x32 & jnp.int32(-65536), jnp.float32)
    return lo, hi


def _attn_body(gs_ref, gd_ref, eh_ref, attn_ref, m_ref):
    i = pl.program_id(0)
    gsl, gsh = _unpack(gs_ref[...])
    gdl, gdh = _unpack(gd_ref[...])
    eh = eh_ref[...]
    prod = gsl * eh[:, :D // 2] * gdl + gsh * eh[:, D // 2:] * gdh
    a = jnp.sum(prod, axis=1, keepdims=True)
    attn_ref[...] = a
    bm = jnp.max(a)

    @pl.when(i == 0)
    def _():
        m_ref[0, 0] = bm

    @pl.when(i > 0)
    def _():
        m_ref[0, 0] = jnp.maximum(m_ref[0, 0], bm)


def _attn(gsrc, gdst, eh):
    return pl.pallas_call(
        _attn_body,
        grid=(NE // EBLK,),
        in_specs=[pl.BlockSpec((EBLK, D // 2), lambda i: (i, 0)),
                  pl.BlockSpec((EBLK, D // 2), lambda i: (i, 0)),
                  pl.BlockSpec((EBLK, D), lambda i: (i, 0))],
        out_specs=[pl.BlockSpec((EBLK, 1), lambda i: (i, 0)),
                   pl.BlockSpec((1, 1), lambda i: (0, 0),
                                memory_space=pltpu.SMEM)],
        out_shape=[jax.ShapeDtypeStruct((NE, 1), jnp.float32),
                   jax.ShapeDtypeStruct((1, 1), jnp.float32)],
    )(gsrc, gdst, eh)


def _pw_body(attn_ref, m_ref, gs_ref, w_ref, p_ref):
    p = jnp.exp(attn_ref[...] - m_ref[0, 0])
    gsl, gsh = _unpack(gs_ref[...])
    w_ref[...] = jnp.concatenate([gsl * p, gsh * p], axis=1)
    p_ref[...] = p


def _pw(attn, m, gsrc):
    return pl.pallas_call(
        _pw_body,
        grid=(NE // EBLK,),
        in_specs=[pl.BlockSpec((EBLK, 1), lambda i: (i, 0)),
                  pl.BlockSpec((1, 1), lambda i: (0, 0),
                               memory_space=pltpu.SMEM),
                  pl.BlockSpec((EBLK, D // 2), lambda i: (i, 0))],
        out_specs=[pl.BlockSpec((EBLK, D), lambda i: (i, 0)),
                   pl.BlockSpec((EBLK, 1), lambda i: (i, 0))],
        out_shape=[jax.ShapeDtypeStruct((NE, D), jnp.float32),
                   jax.ShapeDtypeStruct((NE, 1), jnp.float32)],
    )(attn, m, gsrc)


def _sc_gather(table, idx):
    d = table.shape[1]
    dt = table.dtype
    perw = idx.shape[0] // NWORK
    nfull = perw // CH
    tail = perw - nfull * CH
    assert tail % 8 == 0 and perw % 8 == 0 and nfull >= 5

    @functools.partial(
        pl.kernel, mesh=_mesh(),
        out_type=jax.ShapeDtypeStruct((idx.shape[0], d), dt),
        scratch_types=[pltpu.VMEM((perw,), jnp.int32),
                       pltpu.VMEM((3, CH, d), dt),
                       pltpu.SemaphoreType.DMA((3,)),
                       pltpu.SemaphoreType.DMA((3,))],
        compiler_params=pltpu.CompilerParams(use_tc_tiling_on_sc=False),
    )
    def k(table_hbm, idx_hbm, out_hbm, idx_all, rows, semg, semw):
        wid = lax.axis_index("s") * NCORE + lax.axis_index("c")
        base = wid * perw
        pltpu.sync_copy(idx_hbm.at[pl.ds(base, perw)], idx_all)

        def g_desc(c, s):
            return pltpu.make_async_copy(
                table_hbm.at[idx_all.at[pl.ds(c * CH, CH)]],
                rows.at[s], semg.at[s])

        def w_desc(c, s):
            return pltpu.make_async_copy(
                rows.at[s], out_hbm.at[pl.ds(base + c * CH, CH)], semw.at[s])

        def step(c, s, sp, first):
            g_desc(c, s).wait()
            w_desc(c, s).start()
            nxt = c + 2

            @pl.when(nxt < nfull)
            def _():
                if not first:
                    w_desc(nxt - 3, sp).wait()
                g_desc(nxt, sp).start()

        g_desc(0, 0).start()
        g_desc(1, 1).start()
        step(0, 0, 2, True)
        step(1, 1, 0, False)
        step(2, 2, 1, False)

        @pl.loop(1, nfull // 3)
        def _(kk):
            c = kk * 3
            step(c, 0, 2, False)
            step(c + 1, 1, 0, False)
            step(c + 2, 2, 1, False)

        for c in range(3 * (nfull // 3), nfull):
            step(c, c % 3, (c + 2) % 3, False)

        w_desc(nfull - 3, (nfull - 3) % 3).wait()
        w_desc(nfull - 2, (nfull - 2) % 3).wait()
        w_desc(nfull - 1, (nfull - 1) % 3).wait()

        if tail:
            off = base + nfull * CH
            rows_t = rows.at[0].at[pl.ds(0, tail)]
            pltpu.async_copy(
                table_hbm.at[idx_all.at[pl.ds(nfull * CH, tail)]],
                rows_t, semg.at[0]).wait()
            pltpu.sync_copy(rows_t, out_hbm.at[pl.ds(off, tail)])

    return k(table, idx)


def _sc_scatter(w, p, dstidx, zeros):
    perw = dstidx.shape[0] // NWORK
    snf = perw // SCH
    stail = perw - snf * SCH
    assert stail % 8 == 0 and snf >= 5
    zr0 = 632
    zr_last = NN - 15 * zr0

    @functools.partial(
        pl.kernel, mesh=_mesh(),
        out_type=[jax.ShapeDtypeStruct((NCORE, NN, D), jnp.float32),
                  jax.ShapeDtypeStruct((NWORK, NN), jnp.float32)],
        scratch_types=[pltpu.VMEM((3, SCH), jnp.int32),
                       pltpu.VMEM((max(stail, 8),), jnp.int32),
                       pltpu.VMEM((3, SCH, D), jnp.float32),
                       pltpu.VMEM((3, SCH), jnp.float32),
                       pltpu.VMEM((NN,), jnp.float32),
                       pltpu.VMEM_SHARED((NN, D), jnp.float32),
                       pltpu.SemaphoreType.DMA((3,)),
                       pltpu.SemaphoreType.DMA((3,)),
                       pltpu.SemaphoreType.DMA((3,)),
                       pltpu.SemaphoreType.DMA((3,))],
        compiler_params=pltpu.CompilerParams(needs_layout_passes=False),
    )
    def k(w_hbm, p_hbm, dst_hbm, z_hbm, out_hbm, s_hbm,
          idx_v, idx_t, rows_v, p_v, s_tile, acc_sh, semi, semr, semp, sems):
        c = lax.axis_index("c")
        s = lax.axis_index("s")

        def rows_slice(src_ref, dst_ref):
            @pl.when(s < 15)
            def _():
                pltpu.sync_copy(src_ref.at[pl.ds(s * zr0, zr0)],
                                dst_ref.at[pl.ds(s * zr0, zr0)])

            @pl.when(s == 15)
            def _():
                pltpu.sync_copy(src_ref.at[pl.ds(15 * zr0, zr_last)],
                                dst_ref.at[pl.ds(15 * zr0, zr_last)])

        rows_slice(z_hbm, acc_sh)
        zvec = jnp.zeros((16,), jnp.float32)

        @pl.loop(0, NN, step=16)
        def _(i):
            s_tile[pl.ds(i, 16)] = zvec

        plsc.subcore_barrier()

        base = (c * NSUB + s) * perw

        def i_desc(cc, sl):
            return pltpu.make_async_copy(
                dst_hbm.at[pl.ds(base + cc * SCH, SCH)], idx_v.at[sl],
                semi.at[sl])

        def r_desc(cc, sl):
            return pltpu.make_async_copy(
                w_hbm.at[pl.ds(base + cc * SCH, SCH)], rows_v.at[sl],
                semr.at[sl])

        def p_desc(cc, sl):
            return pltpu.make_async_copy(
                p_hbm.at[pl.ds(base + cc * SCH, SCH)], p_v.at[sl],
                semp.at[sl])

        def s_start(sl):
            pltpu.async_copy(rows_v.at[sl], acc_sh.at[idx_v.at[sl]],
                             sems.at[sl], add=True)

        def s_wait(sl):
            pltpu.make_async_copy(rows_v.at[sl], acc_sh.at[idx_v.at[sl]],
                                  sems.at[sl]).wait()

        def alu(sl):
            for g in range(SCH // 16):
                ii = idx_v[sl, pl.ds(g * 16, 16)]
                pi = p_v[sl, pl.ds(g * 16, 16)]
                plsc.addupdate_scatter(s_tile, [ii], pi)

        def step(cc, sl, slp, first):
            if not first:
                s_wait(sl)
            i_desc(cc, sl).start()
            r_desc(cc, sl).start()
            p_desc(cc, sl).start()
            i_desc(cc - 1, slp).wait()
            r_desc(cc - 1, slp).wait()
            p_desc(cc - 1, slp).wait()
            s_start(slp)
            alu(slp)

        i_desc(0, 0).start()
        r_desc(0, 0).start()
        p_desc(0, 0).start()
        step(1, 1, 0, True)
        step(2, 2, 1, True)

        @pl.loop(1, (snf - 5) // 3 + 1)
        def _(kk):
            cc = kk * 3
            step(cc, 0, 2, False)
            step(cc + 1, 1, 0, False)
            step(cc + 2, 2, 1, False)

        for cc in range(3 * ((snf - 5) // 3 + 1), snf):
            step(cc, cc % 3, (cc - 1) % 3, False)

        lsl = (snf - 1) % 3
        i_desc(snf - 1, lsl).wait()
        r_desc(snf - 1, lsl).wait()
        p_desc(snf - 1, lsl).wait()
        s_start(lsl)
        alu(lsl)
        for sl in range(3):
            s_wait(sl)

        if stail:
            off = base + snf * SCH
            rows_t = rows_v.at[0].at[pl.ds(0, stail)]
            pt = p_v.at[0].at[pl.ds(0, stail)]
            pltpu.sync_copy(dst_hbm.at[pl.ds(off, stail)], idx_t)
            pltpu.sync_copy(w_hbm.at[pl.ds(off, stail)], rows_t)
            pltpu.sync_copy(p_hbm.at[pl.ds(off, stail)], pt)
            pltpu.sync_copy(rows_t, acc_sh.at[idx_t], add=True)
            lane = lax.iota(jnp.int32, 16)
            for g in range(0, stail, 16):
                rem = stail - g
                if rem >= 16:
                    ii = idx_t[pl.ds(g, 16)]
                    pi = p_v[0, pl.ds(g, 16)]
                    plsc.addupdate_scatter(s_tile, [ii], pi)
                else:
                    ii = idx_t[pl.ds(stail - 16, 16)]
                    pi = p_v[0, pl.ds(stail - 16, 16)]
                    plsc.addupdate_scatter(s_tile, [ii], pi,
                                           mask=lane >= (16 - rem))

        plsc.subcore_barrier()
        rows_slice(acc_sh, out_hbm.at[c])
        pltpu.sync_copy(s_tile, s_hbm.at[c * NSUB + s])

    return k(w, p, dstidx, zeros)


NBLK = 2000


def _scomb_body(s_ref, o_ref):
    o_ref[...] = lax.dot_general(s_ref[...], jnp.ones((NWORK, 1), jnp.float32),
                                 (((0,), (0,)), ((), ())),
                                 preferred_element_type=jnp.float32)


def _scomb(s_part):
    return pl.pallas_call(
        _scomb_body,
        out_shape=jax.ShapeDtypeStruct((NN, 1), jnp.float32),
    )(s_part)


def _fin_body(acc_ref, s_ref, nh_ref, nhout_ref, nz_ref):
    a = acc_ref[0] + acc_ref[1]
    s = s_ref[...]
    nz = jnp.where(s > 0.0, a / s, 0.0)
    nz_ref[...] = nz
    nhout_ref[...] = nh_ref[...] + nz


def _finalize(acc, s_col, n_h):
    return pl.pallas_call(
        _fin_body,
        grid=(NN // NBLK,),
        in_specs=[pl.BlockSpec((NCORE, NBLK, D), lambda i: (0, i, 0)),
                  pl.BlockSpec((NBLK, 1), lambda i: (i, 0)),
                  pl.BlockSpec((NBLK, D), lambda i: (i, 0))],
        out_specs=[pl.BlockSpec((NBLK, D), lambda i: (i, 0)),
                   pl.BlockSpec((NBLK, D), lambda i: (i, 0))],
        out_shape=[jax.ShapeDtypeStruct((NN, D), jnp.float32),
                   jax.ShapeDtypeStruct((NN, D), jnp.float32)],
    )(acc, s_col, n_h)


def _eadd_body(eh_ref, gnz_ref, o_ref):
    o_ref[...] = eh_ref[...] + gnz_ref[...]


def _eadd(e_h, gnz):
    return pl.pallas_call(
        _eadd_body,
        grid=(NE // EBLK,),
        in_specs=[pl.BlockSpec((EBLK, D), lambda i: (i, 0)),
                  pl.BlockSpec((EBLK, D), lambda i: (i, 0))],
        out_specs=pl.BlockSpec((EBLK, D), lambda i: (i, 0)),
        out_shape=jax.ShapeDtypeStruct((NE, D), jnp.float32),
    )(e_h, gnz)


def kernel(nh, eh, edge_index, nf_params, ef_params):
    src, dst = edge_index[0], edge_index[1]
    wn = jnp.stack([w for w, _ in nf_params])
    bn = jnp.stack([b for _, b in nf_params])
    we = jnp.stack([w for w, _ in ef_params])
    be = jnp.stack([b for _, b in ef_params])

    n_h, n_h16 = _mlp(nh, wn, bn, blk=2000, with_bf16=True)
    e_h = _mlp(eh, we, be, blk=EBLK)

    lo16 = lax.bitcast_convert_type(n_h16[:, :D // 2], jnp.uint16)
    hi16 = lax.bitcast_convert_type(n_h16[:, D // 2:], jnp.uint16)
    n_hp = lax.bitcast_convert_type(
        (hi16.astype(jnp.uint32) << 16) | lo16.astype(jnp.uint32), jnp.int32)
    gsrc = _sc_gather(n_hp, src)
    gdst = _sc_gather(n_hp, dst)

    attn, m = _attn(gsrc, gdst, e_h)
    w128, pcol = _pw(attn, m, gsrc)

    zeros = jnp.zeros((NN, D), jnp.float32)
    acc, s_part = _sc_scatter(w128, pcol.reshape(NE), dst, zeros)

    nh_out, nz = _finalize(acc, _scomb(s_part), n_h)

    gnz = _sc_gather(nz, src)
    eh_out = _eadd(e_h, gnz)
    return (nh_out, eh_out)

# --- scband reference (transcript-rebuilt; emitter-appended) ---
"""Pipeline reference for scband-gnnlayer-82600811036854 (READ-ONLY COPY).

The authoritative reference and input builder live on the scoring server;
editing this copy changes nothing except your own understanding.
"""

import jax, jax.numpy as jnp
import numpy as np

N_NODES = 10000
N_EDGES = 320000
D = 128


def init_params(key, dims):
    params = []
    keys = jax.random.split(key, len(dims) - 1)
    for k, (din, dout) in zip(keys, zip(dims[:-1], dims[1:])):
        W = jax.random.normal(k, (din, dout), dtype=jnp.float32) * (1.0 / np.sqrt(din))
        b = jnp.zeros((dout,), dtype=jnp.float32)
        params.append((W, b))
    return params


def mlp(x, params):
    # build_layer: Linear->Tanh x4
    for W, b in params:
        x = jnp.tanh(x @ W + b)
    return x


def scatter_softmax(attn, seg, num_segments):
    m = jax.ops.segment_max(attn, seg, num_segments=num_segments)
    a = jnp.exp(attn - m[seg])
    s = jax.ops.segment_sum(a, seg, num_segments=num_segments)
    return a / s[seg]


def setup_inputs(seed: int = 0) -> dict:
    key = jax.random.key(seed)
    ks = jax.random.split(key, 5)
    nh = jax.random.normal(ks[0], (N_NODES, D), dtype=jnp.float32)
    eh = jax.random.normal(ks[1], (N_EDGES, D), dtype=jnp.float32)
    edge_index = jax.random.randint(ks[2], (2, N_EDGES), 0, N_NODES, dtype=jnp.int32)
    dims = [D, D, D, D, D]  # input_dim=hidden_dim=output_dim=128, 4 linear layers
    nf_params = init_params(ks[3], dims)
    ef_params = init_params(ks[4], dims)
    return {"nh": nh, "eh": eh, "edge_index": edge_index,
            "nf_params": nf_params, "ef_params": ef_params}


def reference(nh, eh, edge_index, nf_params, ef_params):
    src, dst = edge_index[0], edge_index[1]
    n_h = mlp(nh, nf_params)
    e_h = mlp(eh, ef_params)
    src_nh = n_h[src]
    dst_nh = n_h[dst]
    msg = src_nh * e_h
    attn = jnp.sum(msg * dst_nh, axis=-1)
    attn = scatter_softmax(attn, dst, N_NODES)
    nz = jax.ops.segment_sum(attn[:, None] * src_nh, dst, num_segments=N_NODES)
    n_h = n_h + nz
    e_h = e_h + nz[src]
    return (n_h, e_h)

if __name__ == "__main__":
    import jax
    _d = setup_inputs()
    print(jax.jit(kernel)(*tuple(_d.values())))

</pallas_src>

<mosaic_0001>
#map = affine_map<(d0, d1) -> (0, 0)>
#map1 = affine_map<(d0, d1) -> (0)>
module attributes {stable_mosaic.version = 14 : i64} {
  func.func @k(%arg0: i32, %arg1: i32, %arg2: memref<10000x128xf32, #tpu.memory_space<hbm>>, %arg3: memref<320000xi32, #tpu.memory_space<hbm>>, %arg4: memref<320000x128xf32, #tpu.memory_space<hbm>>, %arg5: memref<10000xi32, #tpu.memory_space<vmem>>, %arg6: memref<3x128x128xf32, #tpu.memory_space<vmem>>, %arg7: memref<3x!tpu.dma_semaphore, #tpu.memory_space<semaphore_mem>>, %arg8: memref<3x!tpu.dma_semaphore, #tpu.memory_space<semaphore_mem>>) attributes {dimension_semantics = [#tpu.dimension_semantics<core_parallel>, #tpu.dimension_semantics<subcore_parallel>], iteration_bounds = array<i64: 2, 16>, scalar_prefetch = 0 : i64, scratch_operands = 4 : i64, tpu.core_type = #tpu.core_type<sc_vector_subcore>, window_params = [{transform_indices = #map}, {transform_indices = #map1}, {transform_indices = #map}]} {
    %mul3A = arith.constant 2 : i32
    %mul3A_0 = arith.muli %arg1, %mul3A : i32
    %add3A = arith.addi %mul3A_0, %arg0 : i32
    %mul3A_1 = arith.constant 10000 : i32
    %mul3A_2 = arith.muli %add3A, %mul3A_1 : i32
    "tpu.region"() ({
      %run_scoped3A_287 = tpu.sem_alloc : memref<!tpu.dma_semaphore, #tpu.memory_space<semaphore_mem>>
      %dma_start3A_288 = tpu.memref_slice %arg3[%mul3A_2] : memref<320000xi32, #tpu.memory_space<hbm>> -> memref<10000xi32, #tpu.memory_space<hbm>>
      %dma_start3A_289 = tpu.memref_slice %arg3[%mul3A_2] : memref<320000xi32, #tpu.memory_space<hbm>> -> memref<10000xi32, #tpu.memory_space<hbm>>
      tpu.enqueue_dma source(%dma_start3A_289 : memref<10000xi32, #tpu.memory_space<hbm>>) target(%arg5 : memref<10000xi32, #tpu.memory_space<vmem>>) target_semaphore(%run_scoped3A_287 : memref<!tpu.dma_semaphore, #tpu.memory_space<semaphore_mem>>)
      %dma_wait3A_290 = tpu.memref_slice %arg3[%mul3A_2] : memref<320000xi32, #tpu.memory_space<hbm>> -> memref<10000xi32, #tpu.memory_space<hbm>>
      %dma_wait3A_291 = tpu.memref_slice %arg3[%mul3A_2] : memref<320000xi32, #tpu.memory_space<hbm>> -> memref<10000xi32, #tpu.memory_space<hbm>>
      tpu.wait_dma2 semaphore(%run_scoped3A_287 : memref<!tpu.dma_semaphore, #tpu.memory_space<semaphore_mem>>) src(%dma_wait3A_291 : memref<10000xi32, #tpu.memory_space<hbm>>) dst(%arg5 : memref<10000xi32, #tpu.memory_space<vmem>>)
      tpu.yield
    }) : () -> ()
    %dma_start3A = arith.constant 0 : i32
    %dma_start3A_3 = arith.constant 0 : i32
    %dma_start3A_4 = arith.constant 0 : i32
    %dma_start3A_5 = arith.constant 0 : i32
    %dma_start3A_6 = tpu.memref_slice %arg6[%dma_start3A, %dma_start3A_4, %dma_start3A_5] : memref<3x128x128xf32, #tpu.memory_space<vmem>> -> memref<1x128x128xf32, #tpu.memory_space<vmem>>
    %dma_start3A_7 = tpu.memref_squeeze %dma_start3A_6 : memref<1x128x128xf32, #tpu.memory_space<vmem>> -> memref<128x128xf32, #tpu.memory_space<vmem>>
    %dma_start3A_8 = arith.constant 0 : i32
    %dma_start3A_9 = tpu.memref_slice %arg5[%dma_start3A_8] : memref<10000xi32, #tpu.memory_space<vmem>> -> memref<128xi32, #tpu.memory_space<vmem>>
    %dma_start3A_10 = arith.constant 0 : i32
    %dma_start3A_11 = arith.constant 0 : i32
    %dma_start3A_12 = tpu.memref_slice %arg2[%dma_start3A_10, %dma_start3A_11] : memref<10000x128xf32, #tpu.memory_space<hbm>> -> memref<10000x128xf32, #tpu.memory_space<hbm>>
    %dma_start3A_13 = tpu.memref_slice %arg7[%dma_start3A_3] : memref<3x!tpu.dma_semaphore, #tpu.memory_space<semaphore_mem>> -> memref<1x!tpu.dma_semaphore, #tpu.memory_space<semaphore_mem>>
    %dma_start3A_14 = tpu.memref_squeeze %dma_start3A_13 : memref<1x!tpu.dma_semaphore, #tpu.memory_space<semaphore_mem>> -> memref<!tpu.dma_semaphore, #tpu.memory_space<semaphore_mem>>
    tpu.enqueue_indirect_dma source(%dma_start3A_12 : memref<10000x128xf32, #tpu.memory_space<hbm>>) target(%dma_start3A_7 : memref<128x128xf32, #tpu.memory_space<vmem>>) offsets(%dma_start3A_9 : memref<128xi32, #tpu.memory_space<vmem>>) semaphore(%dma_start3A_14 : memref<!tpu.dma_semaphore, #tpu.memory_space<semaphore_mem>>)
    %dma_start3A_15 = arith.constant 1 : i32
    %dma_start3A_16 = arith.constant 1 : i32
    %dma_start3A_17 = arith.constant 0 : i32
    %dma_start3A_18 = arith.constant 0 : i32
    %dma_start3A_19 = tpu.memref_slice %arg6[%dma_start3A_15, %dma_start3A_17, %dma_start3A_18] : memref<3x128x128xf32, #tpu.memory_space<vmem>> -> memref<1x128x128xf32, #tpu.memory_space<vmem>>
    %dma_start3A_20 = tpu.memref_squeeze %dma_start3A_19 : memref<1x128x128xf32, #tpu.memory_space<vmem>> -> memref<128x128xf32, #tpu.memory_space<vmem>>
    %dma_start3A_21 = arith.constant 128 : i32
    %dma_start3A_22 = tpu.memref_slice %arg5[%dma_start3A_21] : memref<10000xi32, #tpu.memory_space<vmem>> -> memref<128xi32, #tpu.memory_space<vmem>>
    %dma_start3A_23 = arith.constant 0 : i32
    %dma_start3A_24 = arith.constant 0 : i32
    %dma_start3A_25 = tpu.memref_slice %arg2[%dma_start3A_23, %dma_start3A_24] : memref<10000x128xf32, #tpu.memory_space<hbm>> -> memref<10000x128xf32, #tpu.memory_space<hbm>>
    %dma_start3A_26 = tpu.memref_slice %arg7[%dma_start3A_16] : memref<3x!tpu.dma_semaphore, #tpu.memory_space<semaphore_mem>> -> memref<1x!tpu.dma_semaphore, #tpu.memory_space<semaphore_mem>>
    %dma_start3A_27 = tpu.memref_squeeze %dma_start3A_26 : memref<1x!tpu.dma_semaphore, #tpu.memory_space<semaphore_mem>> -> memref<!tpu.dma_semaphore, #tpu.memory_space<semaphore_mem>>
    tpu.enqueue_indirect_dma source(%dma_start3A_25 : memref<10000x128xf32, #tpu.memory_space<hbm>>) target(%dma_start3A_20 : memref<128x128xf32, #tpu.memory_space<vmem>>) offsets(%dma_start3A_22 : memref<128xi32, #tpu.memory_space<vmem>>) semaphore(%dma_start3A_27 : memref<!tpu.dma_semaphore, #tpu.memory_space<semaphore_mem>>)
    %dma_wait3A = arith.constant 0 : i32
    %dma_wait3A_28 = arith.constant 0 : i32
    %dma_wait3A_29 = arith.constant 0 : i32
    %dma_wait3A_30 = arith.constant 0 : i32
    %dma_wait3A_31 = tpu.memref_slice %arg6[%dma_wait3A, %dma_wait3A_29, %dma_wait3A_30] : memref<3x128x128xf32, #tpu.memory_space<vmem>> -> memref<1x128x128xf32, #tpu.memory_space<vmem>>
    %dma_wait3A_32 = tpu.memref_squeeze %dma_wait3A_31 : memref<1x128x128xf32, #tpu.memory_space<vmem>> -> memref<128x128xf32, #tpu.memory_space<vmem>>
    %dma_wait3A_33 = arith.constant 0 : i32
    %dma_wait3A_34 = tpu.memref_slice %arg5[%dma_wait3A_33] : memref<10000xi32, #tpu.memory_space<vmem>> -> memref<128xi32, #tpu.memory_space<vmem>>
    %dma_wait3A_35 = arith.constant 0 : i32
    %dma_wait3A_36 = arith.constant 0 : i32
    %dma_wait3A_37 = tpu.memref_slice %arg2[%dma_wait3A_35, %dma_wait3A_36] : memref<10000x128xf32, #tpu.memory_space<hbm>> -> memref<10000x128xf32, #tpu.memory_space<hbm>>
    %dma_wait3A_38 = tpu.memref_slice %arg7[%dma_wait3A_28] : memref<3x!tpu.dma_semaphore, #tpu.memory_space<semaphore_mem>> -> memref<1x!tpu.dma_semaphore, #tpu.memory_space<semaphore_mem>>
    %dma_wait3A_39 = tpu.memref_squeeze %dma_wait3A_38 : memref<1x!tpu.dma_semaphore, #tpu.memory_space<semaphore_mem>> -> memref<!tpu.dma_semaphore, #tpu.memory_space<semaphore_mem>>
    tpu.wait_indirect_dma semaphore(%dma_wait3A_39 : memref<!tpu.dma_semaphore, #tpu.memory_space<semaphore_mem>>) src(%dma_wait3A_37 : memref<10000x128xf32, #tpu.memory_space<hbm>>) dst(%dma_wait3A_32 : memref<128x128xf32, #tpu.memory_space<vmem>>)
    %add3A_40 = arith.constant 0 : i32
    %add3A_41 = arith.addi %mul3A_2, %add3A_40 : i32
    %dma_start3A_42 = arith.constant 0 : i32
    %dma_start3A_43 = arith.constant 0 : i32
    %dma_start3A_44 = arith.constant 0 : i32
    %dma_start3A_45 = arith.constant 0 : i32
    %dma_start3A_46 = tpu.memref_slice %arg6[%dma_start3A_42, %dma_start3A_44, %dma_start3A_45] : memref<3x128x128xf32, #tpu.memory_space<vmem>> -> memref<1x128x128xf32, #tpu.memory_space<vmem>>
    %dma_start3A_47 = tpu.memref_squeeze %dma_start3A_46 : memref<1x128x128xf32, #tpu.memory_space<vmem>> -> memref<128x128xf32, #tpu.memory_space<vmem>>
    %dma_start3A_48 = arith.constant 0 : i32
    %dma_start3A_49 = tpu.memref_slice %arg4[%add3A_41, %dma_start3A_48] : memref<320000x128xf32, #tpu.memory_space<hbm>> -> memref<128x128xf32, #tpu.memory_space<hbm>>
    %dma_start3A_50 = tpu.memref_slice %arg8[%dma_start3A_43] : memref<3x!tpu.dma_semaphore, #tpu.memory_space<semaphore_mem>> -> memref<1x!tpu.dma_semaphore, #tpu.memory_space<semaphore_mem>>
    %dma_start3A_51 = tpu.memref_squeeze %dma_start3A_50 : memref<1x!tpu.dma_semaphore, #tpu.memory_space<semaphore_mem>> -> memref<!tpu.dma_semaphore, #tpu.memory_space<semaphore_mem>>
    %dma_start3A_52 = arith.constant 0 : i32
    %dma_start3A_53 = tpu.memref_slice %arg4[%add3A_41, %dma_start3A_52] : memref<320000x128xf32, #tpu.memory_space<hbm>> -> memref<128x128xf32, #tpu.memory_space<hbm>>
    %dma_start3A_54 = arith.constant 0 : i32
    %dma_start3A_55 = arith.constant 0 : i32
    %dma_start3A_56 = tpu.memref_slice %arg6[%dma_start3A_42, %dma_start3A_54, %dma_start3A_55] : memref<3x128x128xf32, #tpu.memory_space<vmem>> -> memref<1x128x128xf32, #tpu.memory_space<vmem>>
    %dma_start3A_57 = tpu.memref_squeeze %dma_start3A_56 : memref<1x128x128xf32, #tpu.memory_space<vmem>> -> memref<128x128xf32, #tpu.memory_space<vmem>>
    tpu.enqueue_dma source(%dma_start3A_57 : memref<128x128xf32, #tpu.memory_space<vmem>>) target(%dma_start3A_53 : memref<128x128xf32, #tpu.memory_space<hbm>>) target_semaphore(%dma_start3A_51 : memref<!tpu.dma_semaphore, #tpu.memory_space<semaphore_mem>>)
    %dma_start3A_58 = arith.constant 2 : i32
    %dma_start3A_59 = arith.constant 2 : i32
    %dma_start3A_60 = arith.constant 0 : i32
    %dma_start3A_61 = arith.constant 0 : i32
    %dma_start3A_62 = tpu.memref_slice %arg6[%dma_start3A_58, %dma_start3A_60, %dma_start3A_61] : memref<3x128x128xf32, #tpu.memory_space<vmem>> -> memref<1x128x128xf32, #tpu.memory_space<vmem>>
    %dma_start3A_63 = tpu.memref_squeeze %dma_start3A_62 : memref<1x128x128xf32, #tpu.memory_space<vmem>> -> memref<128x128xf32, #tpu.memory_space<vmem>>
    %dma_start3A_64 = arith.constant 256 : i32
    %dma_start3A_65 = tpu.memref_slice %arg5[%dma_start3A_64] : memref<10000xi32, #tpu.memory_space<vmem>> -> memref<128xi32, #tpu.memory_space<vmem>>
    %dma_start3A_66 = arith.constant 0 : i32
    %dma_start3A_67 = arith.constant 0 : i32
    %dma_start3A_68 = tpu.memref_slice %arg2[%dma_start3A_66, %dma_start3A_67] : memref<10000x128xf32, #tpu.memory_space<hbm>> -> memref<10000x128xf32, #tpu.memory_space<hbm>>
    %dma_start3A_69 = tpu.memref_slice %arg7[%dma_start3A_59] : memref<3x!tpu.dma_semaphore, #tpu.memory_space<semaphore_mem>> -> memref<1x!tpu.dma_semaphore, #tpu.memory_space<semaphore_mem>>
    %dma_start3A_70 = tpu.memref_squeeze %dma_start3A_69 : memref<1x!tpu.dma_semaphore, #tpu.memory_space<semaphore_mem>> -> memref<!tpu.dma_semaphore, #tpu.memory_space<semaphore_mem>>
    tpu.enqueue_indirect_dma source(%dma_start3A_68 : memref<10000x128xf32, #tpu.memory_space<hbm>>) target(%dma_start3A_63 : memref<128x128xf32, #tpu.memory_space<vmem>>) offsets(%dma_start3A_65 : memref<128xi32, #tpu.memory_space<vmem>>) semaphore(%dma_start3A_70 : memref<!tpu.dma_semaphore, #tpu.memory_space<semaphore_mem>>)
    %dma_wait3A_71 = arith.constant 1 : i32
    %dma_wait3A_72 = arith.constant 1 : i32
    %dma_wait3A_73 = arith.constant 0 : i32
    %dma_wait3A_74 = arith.constant 0 : i32
    %dma_wait3A_75 = tpu.memref_slice %arg6[%dma_wait3A_71, %dma_wait3A_73, %dma_wait3A_74] : memref<3x128x128xf32, #tpu.memory_space<vmem>> -> memref<1x128x128xf32, #tpu.memory_space<vmem>>
    %dma_wait3A_76 = tpu.memref_squeeze %dma_wait3A_75 : memref<1x128x128xf32, #tpu.memory_space<vmem>> -> memref<128x128xf32, #tpu.memory_space<vmem>>
    %dma_wait3A_77 = arith.constant 128 : i32
    %dma_wait3A_78 = tpu.memref_slice %arg5[%dma_wait3A_77] : memref<10000xi32, #tpu.memory_space<vmem>> -> memref<128xi32, #tpu.memory_space<vmem>>
    %dma_wait3A_79 = arith.constant 0 : i32
    %dma_wait3A_80 = arith.constant 0 : i32
    %dma_wait3A_81 = tpu.memref_slice %arg2[%dma_wait3A_79, %dma_wait3A_80] : memref<10000x128xf32, #tpu.memory_space<hbm>> -> memref<10000x128xf32, #tpu.memory_space<hbm>>
    %dma_wait3A_82 = tpu.memref_slice %arg7[%dma_wait3A_72] : memref<3x!tpu.dma_semaphore, #tpu.memory_space<semaphore_mem>> -> memref<1x!tpu.dma_semaphore, #tpu.memory_space<semaphore_mem>>
    %dma_wait3A_83 = tpu.memref_squeeze %dma_wait3A_82 : memref<1x!tpu.dma_semaphore, #tpu.memory_space<semaphore_mem>> -> memref<!tpu.dma_semaphore, #tpu.memory_space<semaphore_mem>>
    tpu.wait_indirect_dma semaphore(%dma_wait3A_83 : memref<!tpu.dma_semaphore, #tpu.memory_space<semaphore_mem>>) src(%dma_wait3A_81 : memref<10000x128xf32, #tpu.memory_space<hbm>>) dst(%dma_wait3A_76 : memref<128x128xf32, #tpu.memory_space<vmem>>)
    %add3A_84 = arith.constant 128 : i32
    %add3A_85 = arith.addi %mul3A_2, %add3A_84 : i32
    %dma_start3A_86 = arith.constant 1 : i32
    %dma_start3A_87 = arith.constant 1 : i32
    %dma_start3A_88 = arith.constant 0 : i32
    %dma_start3A_89 = arith.constant 0 : i32
    %dma_start3A_90 = tpu.memref_slice %arg6[%dma_start3A_86, %dma_start3A_88, %dma_start3A_89] : memref<3x128x128xf32, #tpu.memory_space<vmem>> -> memref<1x128x128xf32, #tpu.memory_space<vmem>>
    %dma_start3A_91 = tpu.memref_squeeze %dma_start3A_90 : memref<1x128x128xf32, #tpu.memory_space<vmem>> -> memref<128x128xf32, #tpu.memory_space<vmem>>
    %dma_start3A_92 = arith.constant 0 : i32
    %dma_start3A_93 = tpu.memref_slice %arg4[%add3A_85, %dma_start3A_92] : memref<320000x128xf32, #tpu.memory_space<hbm>> -> memref<128x128xf32, #tpu.memory_space<hbm>>
    %dma_start3A_94 = tpu.memref_slice %arg8[%dma_start3A_87] : memref<3x!tpu.dma_semaphore, #tpu.memory_space<semaphore_mem>> -> memref<1x!tpu.dma_semaphore, #tpu.memory_space<semaphore_mem>>
    %dma_start3A_95 = tpu.memref_squeeze %dma_start3A_94 : memref<1x!tpu.dma_semaphore, #tpu.memory_space<semaphore_mem>> -> memref<!tpu.dma_semaphore, #tpu.memory_space<semaphore_mem>>
    %dma_start3A_96 = arith.constant 0 : i32
    %dma_start3A_97 = tpu.memref_slice %arg4[%add3A_85, %dma_start3A_96] : memref<320000x128xf32, #tpu.memory_space<hbm>> -> memref<128x128xf32, #tpu.memory_space<hbm>>
    %dma_start3A_98 = arith.constant 0 : i32
    %dma_start3A_99 = arith.constant 0 : i32
    %dma_start3A_100 = tpu.memref_slice %arg6[%dma_start3A_86, %dma_start3A_98, %dma_start3A_99] : memref<3x128x128xf32, #tpu.memory_space<vmem>> -> memref<1x128x128xf32, #tpu.memory_space<vmem>>
    %dma_start3A_101 = tpu.memref_squeeze %dma_start3A_100 : memref<1x128x128xf32, #tpu.memory_space<vmem>> -> memref<128x128xf32, #tpu.memory_space<vmem>>
    tpu.enqueue_dma source(%dma_start3A_101 : memref<128x128xf32, #tpu.memory_space<vmem>>) target(%dma_start3A_97 : memref<128x128xf32, #tpu.memory_space<hbm>>) target_semaphore(%dma_start3A_95 : memref<!tpu.dma_semaphore, #tpu.memory_space<semaphore_mem>>)
    %add3A_102 = arith.constant 0 : i32
    %add3A_103 = arith.addi %mul3A_2, %add3A_102 : i32
    %dma_wait3A_104 = arith.constant 0 : i32
    %dma_wait3A_105 = arith.constant 0 : i32
    %dma_wait3A_106 = arith.constant 0 : i32
    %dma_wait3A_107 = arith.constant 0 : i32
    %dma_wait3A_108 = tpu.memref_slice %arg6[%dma_wait3A_104, %dma_wait3A_106, %dma_wait3A_107] : memref<3x128x128xf32, #tpu.memory_space<vmem>> -> memref<1x128x128xf32, #tpu.memory_space<vmem>>
    %dma_wait3A_109 = tpu.memref_squeeze %dma_wait3A_108 : memref<1x128x128xf32, #tpu.memory_space<vmem>> -> memref<128x128xf32, #tpu.memory_space<vmem>>
    %dma_wait3A_110 = arith.constant 0 : i32
    %dma_wait3A_111 = tpu.memref_slice %arg4[%add3A_103, %dma_wait3A_110] : memref<320000x128xf32, #tpu.memory_space<hbm>> -> memref<128x128xf32, #tpu.memory_space<hbm>>
    %dma_wait3A_112 = tpu.memref_slice %arg8[%dma_wait3A_105] : memref<3x!tpu.dma_semaphore, #tpu.memory_space<semaphore_mem>> -> memref<1x!tpu.dma_semaphore, #tpu.memory_space<semaphore_mem>>
    %dma_wait3A_113 = tpu.memref_squeeze %dma_wait3A_112 : memref<1x!tpu.dma_semaphore, #tpu.memory_space<semaphore_mem>> -> memref<!tpu.dma_semaphore, #tpu.memory_space<semaphore_mem>>
    %dma_wait3A_114 = arith.constant 0 : i32
    %dma_wait3A_115 = tpu.memref_slice %arg4[%add3A_103, %dma_wait3A_114] : memref<320000x128xf32, #tpu.memory_space<hbm>> -> memref<128x128xf32, #tpu.memory_space<hbm>>
    %dma_wait3A_116 = arith.constant 0 : i32
    %dma_wait3A_117 = arith.constant 0 : i32
    %dma_wait3A_118 = tpu.memref_slice %arg6[%dma_wait3A_104, %dma_wait3A_116, %dma_wait3A_117] : memref<3x128x128xf32, #tpu.memory_space<vmem>> -> memref<1x128x128xf32, #tpu.memory_space<vmem>>
    %dma_wait3A_119 = tpu.memref_squeeze %dma_wait3A_118 : memref<1x128x128xf32, #tpu.memory_space<vmem>> -> memref<128x128xf32, #tpu.memory_space<vmem>>
    tpu.wait_dma2 semaphore(%dma_wait3A_113 : memref<!tpu.dma_semaphore, #tpu.memory_space<semaphore_mem>>) src(%dma_wait3A_119 : memref<128x128xf32, #tpu.memory_space<vmem>>) dst(%dma_wait3A_115 : memref<128x128xf32, #tpu.memory_space<hbm>>)
    %dma_start3A_120 = arith.constant 0 : i32
    %dma_start3A_121 = arith.constant 0 : i32
    %dma_start3A_122 = arith.constant 0 : i32
    %dma_start3A_123 = arith.constant 0 : i32
    %dma_start3A_124 = tpu.memref_slice %arg6[%dma_start3A_120, %dma_start3A_122, %dma_start3A_123] : memref<3x128x128xf32, #tpu.memory_space<vmem>> -> memref<1x128x128xf32, #tpu.memory_space<vmem>>
    %dma_start3A_125 = tpu.memref_squeeze %dma_start3A_124 : memref<1x128x128xf32, #tpu.memory_space<vmem>> -> memref<128x128xf32, #tpu.memory_space<vmem>>
    %dma_start3A_126 = arith.constant 384 : i32
    %dma_start3A_127 = tpu.memref_slice %arg5[%dma_start3A_126] : memref<10000xi32, #tpu.memory_space<vmem>> -> memref<128xi32, #tpu.memory_space<vmem>>
    %dma_start3A_128 = arith.constant 0 : i32
    %dma_start3A_129 = arith.constant 0 : i32
    %dma_start3A_130 = tpu.memref_slice %arg2[%dma_start3A_128, %dma_start3A_129] : memref<10000x128xf32, #tpu.memory_space<hbm>> -> memref<10000x128xf32, #tpu.memory_space<hbm>>
    %dma_start3A_131 = tpu.memref_slice %arg7[%dma_start3A_121] : memref<3x!tpu.dma_semaphore, #tpu.memory_space<semaphore_mem>> -> memref<1x!tpu.dma_semaphore, #tpu.memory_space<semaphore_mem>>
    %dma_start3A_132 = tpu.memref_squeeze %dma_start3A_131 : memref<1x!tpu.dma_semaphore, #tpu.memory_space<semaphore_mem>> -> memref<!tpu.dma_semaphore, #tpu.memory_space<semaphore_mem>>
    tpu.enqueue_indirect_dma source(%dma_start3A_130 : memref<10000x128xf32, #tpu.memory_space<hbm>>) target(%dma_start3A_125 : memref<128x128xf32, #tpu.memory_space<vmem>>) offsets(%dma_start3A_127 : memref<128xi32, #tpu.memory_space<vmem>>) semaphore(%dma_start3A_132 : memref<!tpu.dma_semaphore, #tpu.memory_space<semaphore_mem>>)
    %dma_wait3A_133 = arith.constant 2 : i32
    %dma_wait3A_134 = arith.constant 2 : i32
    %dma_wait3A_135 = arith.constant 0 : i32
    %dma_wait3A_136 = arith.constant 0 : i32
    %dma_wait3A_137 = tpu.memref_slice %arg6[%dma_wait3A_133, %dma_wait3A_135, %dma_wait3A_136] : memref<3x128x128xf32, #tpu.memory_space<vmem>> -> memref<1x128x128xf32, #tpu.memory_space<vmem>>
    %dma_wait3A_138 = tpu.memref_squeeze %dma_wait3A_137 : memref<1x128x128xf32, #tpu.memory_space<vmem>> -> memref<128x128xf32, #tpu.memory_space<vmem>>
    %dma_wait3A_139 = arith.constant 256 : i32
    %dma_wait3A_140 = tpu.memref_slice %arg5[%dma_wait3A_139] : memref<10000xi32, #tpu.memory_space<vmem>> -> memref<128xi32, #tpu.memory_space<vmem>>
    %dma_wait3A_141 = arith.constant 0 : i32
    %dma_wait3A_142 = arith.constant 0 : i32
    %dma_wait3A_143 = tpu.memref_slice %arg2[%dma_wait3A_141, %dma_wait3A_142] : memref<10000x128xf32, #tpu.memory_space<hbm>> -> memref<10000x128xf32, #tpu.memory_space<hbm>>
    %dma_wait3A_144 = tpu.memref_slice %arg7[%dma_wait3A_134] : memref<3x!tpu.dma_semaphore, #tpu.memory_space<semaphore_mem>> -> memref<1x!tpu.dma_semaphore, #tpu.memory_space<semaphore_mem>>
    %dma_wait3A_145 = tpu.memref_squeeze %dma_wait3A_144 : memref<1x!tpu.dma_semaphore, #tpu.memory_space<semaphore_mem>> -> memref<!tpu.dma_semaphore, #tpu.memory_space<semaphore_mem>>
    tpu.wait_indirect_dma semaphore(%dma_wait3A_145 : memref<!tpu.dma_semaphore, #tpu.memory_space<semaphore_mem>>) src(%dma_wait3A_143 : memref<10000x128xf32, #tpu.memory_space<hbm>>) dst(%dma_wait3A_138 : memref<128x128xf32, #tpu.memory_space<vmem>>)
    %add3A_146 = arith.constant 256 : i32
    %add3A_147 = arith.addi %mul3A_2, %add3A_146 : i32
    %dma_start3A_148 = arith.constant 2 : i32
    %dma_start3A_149 = arith.constant 2 : i32
    %dma_start3A_150 = arith.constant 0 : i32
    %dma_start3A_151 = arith.constant 0 : i32
    %dma_start3A_152 = tpu.memref_slice %arg6[%dma_start3A_148, %dma_start3A_150, %dma_start3A_151] : memref<3x128x128xf32, #tpu.memory_space<vmem>> -> memref<1x128x128xf32, #tpu.memory_space<vmem>>
    %dma_start3A_153 = tpu.memref_squeeze %dma_start3A_152 : memref<1x128x128xf32, #tpu.memory_space<vmem>> -> memref<128x128xf32, #tpu.memory_space<vmem>>
    %dma_start3A_154 = arith.constant 0 : i32
    %dma_start3A_155 = tpu.memref_slice %arg4[%add3A_147, %dma_start3A_154] : memref<320000x128xf32, #tpu.memory_space<hbm>> -> memref<128x128xf32, #tpu.memory_space<hbm>>
    %dma_start3A_156 = tpu.memref_slice %arg8[%dma_start3A_149] : memref<3x!tpu.dma_semaphore, #tpu.memory_space<semaphore_mem>> -> memref<1x!tpu.dma_semaphore, #tpu.memory_space<semaphore_mem>>
    %dma_start3A_157 = tpu.memref_squeeze %dma_start3A_156 : memref<1x!tpu.dma_semaphore, #tpu.memory_space<semaphore_mem>> -> memref<!tpu.dma_semaphore, #tpu.memory_space<semaphore_mem>>
    %dma_start3A_158 = arith.constant 0 : i32
    %dma_start3A_159 = tpu.memref_slice %arg4[%add3A_147, %dma_start3A_158] : memref<320000x128xf32, #tpu.memory_space<hbm>> -> memref<128x128xf32, #tpu.memory_space<hbm>>
    %dma_start3A_160 = arith.constant 0 : i32
    %dma_start3A_161 = arith.constant 0 : i32
    %dma_start3A_162 = tpu.memref_slice %arg6[%dma_start3A_148, %dma_start3A_160, %dma_start3A_161] : memref<3x128x128xf32, #tpu.memory_space<vmem>> -> memref<1x128x128xf32, #tpu.memory_space<vmem>>
    %dma_start3A_163 = tpu.memref_squeeze %dma_start3A_162 : memref<1x128x128xf32, #tpu.memory_space<vmem>> -> memref<128x128xf32, #tpu.memory_space<vmem>>
    tpu.enqueue_dma source(%dma_start3A_163 : memref<128x128xf32, #tpu.memory_space<vmem>>) target(%dma_start3A_159 : memref<128x128xf32, #tpu.memory_space<hbm>>) target_semaphore(%dma_start3A_157 : memref<!tpu.dma_semaphore, #tpu.memory_space<semaphore_mem>>)
    %add3A_164 = arith.constant 128 : i32
    %add3A_165 = arith.addi %mul3A_2, %add3A_164 : i32
    %dma_wait3A_166 = arith.constant 1 : i32
    %dma_wait3A_167 = arith.constant 1 : i32
    %dma_wait3A_168 = arith.constant 0 : i32
    %dma_wait3A_169 = arith.constant 0 : i32
    %dma_wait3A_170 = tpu.memref_slice %arg6[%dma_wait3A_166, %dma_wait3A_168, %dma_wait3A_169] : memref<3x128x128xf32, #tpu.memory_space<vmem>> -> memref<1x128x128xf32, #tpu.memory_space<vmem>>
    %dma_wait3A_171 = tpu.memref_squeeze %dma_wait3A_170 : memref<1x128x128xf32, #tpu.memory_space<vmem>> -> memref<128x128xf32, #tpu.memory_space<vmem>>
    %dma_wait3A_172 = arith.constant 0 : i32
    %dma_wait3A_173 = tpu.memref_slice %arg4[%add3A_165, %dma_wait3A_172] : memref<320000x128xf32, #tpu.memory_space<hbm>> -> memref<128x128xf32, #tpu.memory_space<hbm>>
    %dma_wait3A_174 = tpu.memref_slice %arg8[%dma_wait3A_167] : memref<3x!tpu.dma_semaphore, #tpu.memory_space<semaphore_mem>> -> memref<1x!tpu.dma_semaphore, #tpu.memory_space<semaphore_mem>>
    %dma_wait3A_175 = tpu.memref_squeeze %dma_wait3A_174 : memref<1x!tpu.dma_semaphore, #tpu.memory_space<semaphore_mem>> -> memref<!tpu.dma_semaphore, #tpu.memory_space<semaphore_mem>>
    %dma_wait3A_176 = arith.constant 0 : i32
    %dma_wait3A_177 = tpu.memref_slice %arg4[%add3A_165, %dma_wait3A_176] : memref<320000x128xf32, #tpu.memory_space<hbm>> -> memref<128x128xf32, #tpu.memory_space<hbm>>
    %dma_wait3A_178 = arith.constant 0 : i32
    %dma_wait3A_179 = arith.constant 0 : i32
    %dma_wait3A_180 = tpu.memref_slice %arg6[%dma_wait3A_166, %dma_wait3A_178, %dma_wait3A_179] : memref<3x128x128xf32, #tpu.memory_space<vmem>> -> memref<1x128x128xf32, #tpu.memory_space<vmem>>
    %dma_wait3A_181 = tpu.memref_squeeze %dma_wait3A_180 : memref<1x128x128xf32, #tpu.memory_space<vmem>> -> memref<128x128xf32, #tpu.memory_space<vmem>>
    tpu.wait_dma2 semaphore(%dma_wait3A_175 : memref<!tpu.dma_semaphore, #tpu.memory_space<semaphore_mem>>) src(%dma_wait3A_181 : memref<128x128xf32, #tpu.memory_space<vmem>>) dst(%dma_wait3A_177 : memref<128x128xf32, #tpu.memory_space<hbm>>)
    %dma_start3A_182 = arith.constant 1 : i32
    %dma_start3A_183 = arith.constant 1 : i32
    %dma_start3A_184 = arith.constant 0 : i32
    %dma_start3A_185 = arith.constant 0 : i32
    %dma_start3A_186 = tpu.memref_slice %arg6[%dma_start3A_182, %dma_start3A_184, %dma_start3A_185] : memref<3x128x128xf32, #tpu.memory_space<vmem>> -> memref<1x128x128xf32, #tpu.memory_space<vmem>>
    %dma_start3A_187 = tpu.memref_squeeze %dma_start3A_186 : memref<1x128x128xf32, #tpu.memory_space<vmem>> -> memref<128x128xf32, #tpu.memory_space<vmem>>
    %dma_start3A_188 = arith.constant 512 : i32
    %dma_start3A_189 = tpu.memref_slice %arg5[%dma_start3A_188] : memref<10000xi32, #tpu.memory_space<vmem>> -> memref<128xi32, #tpu.memory_space<vmem>>
    %dma_start3A_190 = arith.constant 0 : i32
    %dma_start3A_191 = arith.constant 0 : i32
    %dma_start3A_192 = tpu.memref_slice %arg2[%dma_start3A_190, %dma_start3A_191] : memref<10000x128xf32, #tpu.memory_space<hbm>> -> memref<10000x128xf32, #tpu.memory_space<hbm>>
    %dma_start3A_193 = tpu.memref_slice %arg7[%dma_start3A_183] : memref<3x!tpu.dma_semaphore, #tpu.memory_space<semaphore_mem>> -> memref<1x!tpu.dma_semaphore, #tpu.memory_space<semaphore_mem>>
    %dma_start3A_194 = tpu.memref_squeeze %dma_start3A_193 : memref<1x!tpu.dma_semaphore, #tpu.memory_space<semaphore_mem>> -> memref<!tpu.dma_semaphore, #tpu.memory_space<semaphore_mem>>
    tpu.enqueue_indirect_dma source(%dma_start3A_192 : memref<10000x128xf32, #tpu.memory_space<hbm>>) target(%dma_start3A_187 : memref<128x128xf32, #tpu.memory_space<vmem>>) offsets(%dma_start3A_189 : memref<128xi32, #tpu.memory_space<vmem>>) semaphore(%dma_start3A_194 : memref<!tpu.dma_semaphore, #tpu.memory_space<semaphore_mem>>)
    %scan3A = arith.constant 0 : i32
    %scan3A_195 = arith.constant 25 : i32
    %scan3A_196 = arith.addi %scan3A, %scan3A_195 : i32
    %scan3A_197 = arith.constant 1 : i32
    scf.for %scan3A_287 = %scan3A to %scan3A_196 step %scan3A_197  : i32 {
      %mul3A_288 = arith.constant 1 : i32
      %mul3A_289 = arith.muli %scan3A_287, %mul3A_288 : i32
      %add3A_290 = arith.constant 1 : i32
      %add3A_291 = arith.addi %add3A_290, %mul3A_289 : i32
      %mul3A_292 = arith.constant 3 : i32
      %mul3A_293 = arith.muli %add3A_291, %mul3A_292 : i32
      %mul3A_294 = arith.constant 128 : i32
      %mul3A_295 = arith.muli %mul3A_293, %mul3A_294 : i32
      %dma_wait3A_296 = arith.constant 0 : i32
      %dma_wait3A_297 = arith.constant 0 : i32
      %dma_wait3A_298 = arith.constant 0 : i32
      %dma_wait3A_299 = arith.constant 0 : i32
      %dma_wait3A_300 = tpu.memref_slice %arg6[%dma_wait3A_296, %dma_wait3A_298, %dma_wait3A_299] : memref<3x128x128xf32, #tpu.memory_space<vmem>> -> memref<1x128x128xf32, #tpu.memory_space<vmem>>
      %dma_wait3A_301 = tpu.memref_squeeze %dma_wait3A_300 : memref<1x128x128xf32, #tpu.memory_space<vmem>> -> memref<128x128xf32, #tpu.memory_space<vmem>>
      %dma_wait3A_302 = tpu.memref_slice %arg5[%mul3A_295] : memref<10000xi32, #tpu.memory_space<vmem>> -> memref<128xi32, #tpu.memory_space<vmem>>
      %dma_wait3A_303 = arith.constant 0 : i32
      %dma_wait3A_304 = arith.constant 0 : i32
      %dma_wait3A_305 = tpu.memref_slice %arg2[%dma_wait3A_303, %dma_wait3A_304] : memref<10000x128xf32, #tpu.memory_space<hbm>> -> memref<10000x128xf32, #tpu.memory_space<hbm>>
      %dma_wait3A_306 = tpu.memref_slice %arg7[%dma_wait3A_297] : memref<3x!tpu.dma_semaphore, #tpu.memory_space<semaphore_mem>> -> memref<1x!tpu.dma_semaphore, #tpu.memory_space<semaphore_mem>>
      %dma_wait3A_307 = tpu.memref_squeeze %dma_wait3A_306 : memref<1x!tpu.dma_semaphore, #tpu.memory_space<semaphore_mem>> -> memref<!tpu.dma_semaphore, #tpu.memory_space<semaphore_mem>>
      tpu.wait_indirect_dma semaphore(%dma_wait3A_307 : memref<!tpu.dma_semaphore, #tpu.memory_space<semaphore_mem>>) src(%dma_wait3A_305 : memref<10000x128xf32, #tpu.memory_space<hbm>>) dst(%dma_wait3A_301 : memref<128x128xf32, #tpu.memory_space<vmem>>)
      %mul3A_308 = arith.constant 128 : i32
      %mul3A_309 = arith.muli %mul3A_293, %mul3A_308 : i32
      %add3A_310 = arith.addi %mul3A_2, %mul3A_309 : i32
      %dma_start3A_311 = arith.constant 0 : i32
      %dma_start3A_312 = arith.constant 0 : i32
      %dma_start3A_313 = arith.constant 0 : i32
      %dma_start3A_314 = arith.constant 0 : i32
      %dma_start3A_315 = tpu.memref_slice %arg6[%dma_start3A_311, %dma_start3A_313, %dma_start3A_314] : memref<3x128x128xf32, #tpu.memory_space<vmem>> -> memref<1x128x128xf32, #tpu.memory_space<vmem>>
      %dma_start3A_316 = tpu.memref_squeeze %dma_start3A_315 : memref<1x128x128xf32, #tpu.memory_space<vmem>> -> memref<128x128xf32, #tpu.memory_space<vmem>>
      %dma_start3A_317 = arith.constant 0 : i32
      %dma_start3A_318 = tpu.memref_slice %arg4[%add3A_310, %dma_start3A_317] : memref<320000x128xf32, #tpu.memory_space<hbm>> -> memref<128x128xf32, #tpu.memory_space<hbm>>
      %dma_start3A_319 = tpu.memref_slice %arg8[%dma_start3A_312] : memref<3x!tpu.dma_semaphore, #tpu.memory_space<semaphore_mem>> -> memref<1x!tpu.dma_semaphore, #tpu.memory_space<semaphore_mem>>
      %dma_start3A_320 = tpu.memref_squeeze %dma_start3A_319 : memref<1x!tpu.dma_semaphore, #tpu.memory_space<semaphore_mem>> -> memref<!tpu.dma_semaphore, #tpu.memory_space<semaphore_mem>>
      %dma_start3A_321 = arith.constant 0 : i32
      %dma_start3A_322 = tpu.memref_slice %arg4[%add3A_310, %dma_start3A_321] : memref<320000x128xf32, #tpu.memory_space<hbm>> -> memref<128x128xf32, #tpu.memory_space<hbm>>
      %dma_start3A_323 = arith.constant 0 : i32
      %dma_start3A_324 = arith.constant 0 : i32
      %dma_start3A_325 = tpu.memref_slice %arg6[%dma_start3A_311, %dma_start3A_323, %dma_start3A_324] : memref<3x128x128xf32, #tpu.memory_space<vmem>> -> memref<1x128x128xf32, #tpu.memory_space<vmem>>
      %dma_start3A_326 = tpu.memref_squeeze %dma_start3A_325 : memref<1x128x128xf32, #tpu.memory_space<vmem>> -> memref<128x128xf32, #tpu.memory_space<vmem>>
      tpu.enqueue_dma source(%dma_start3A_326 : memref<128x128xf32, #tpu.memory_space<vmem>>) target(%dma_start3A_322 : memref<128x128xf32, #tpu.memory_space<hbm>>) target_semaphore(%dma_start3A_320 : memref<!tpu.dma_semaphore, #tpu.memory_space<semaphore_mem>>)
      %add3A_327 = arith.constant 2 : i32
      %add3A_328 = arith.addi %mul3A_293, %add3A_327 : i32
      %lt3A = arith.constant 78 : i32
      %lt3A_329 = arith.cmpi slt, %add3A_328, %lt3A : i32
      %convert_element_type3A = arith.extui %lt3A_329 : i1 to i32
      %cond3A = arith.constant 0 : i32
      %cond3A_330 = arith.cmpi ne, %convert_element_type3A, %cond3A : i32
      scf.if %cond3A_330 {
        %sub3A = arith.constant 3 : i32
        %sub3A_415 = arith.subi %add3A_328, %sub3A : i32
        %mul3A_416 = arith.constant 128 : i32
        %mul3A_417 = arith.muli %sub3A_415, %mul3A_416 : i32
        %add3A_418 = arith.addi %mul3A_2, %mul3A_417 : i32
        %dma_wait3A_419 = arith.constant 2 : i32
        %dma_wait3A_420 = arith.constant 2 : i32
        %dma_wait3A_421 = arith.constant 0 : i32
        %dma_wait3A_422 = arith.constant 0 : i32
        %dma_wait3A_423 = tpu.memref_slice %arg6[%dma_wait3A_419, %dma_wait3A_421, %dma_wait3A_422] : memref<3x128x128xf32, #tpu.memory_space<vmem>> -> memref<1x128x128xf32, #tpu.memory_space<vmem>>
        %dma_wait3A_424 = tpu.memref_squeeze %dma_wait3A_423 : memref<1x128x128xf32, #tpu.memory_space<vmem>> -> memref<128x128xf32, #tpu.memory_space<vmem>>
        %dma_wait3A_425 = arith.constant 0 : i32
        %dma_wait3A_426 = tpu.memref_slice %arg4[%add3A_418, %dma_wait3A_425] : memref<320000x128xf32, #tpu.memory_space<hbm>> -> memref<128x128xf32, #tpu.memory_space<hbm>>
        %dma_wait3A_427 = tpu.memref_slice %arg8[%dma_wait3A_420] : memref<3x!tpu.dma_semaphore, #tpu.memory_space<semaphore_mem>> -> memref<1x!tpu.dma_semaphore, #tpu.memory_space<semaphore_mem>>
        %dma_wait3A_428 = tpu.memref_squeeze %dma_wait3A_427 : memref<1x!tpu.dma_semaphore, #tpu.memory_space<semaphore_mem>> -> memref<!tpu.dma_semaphore, #tpu.memory_space<semaphore_mem>>
        %dma_wait3A_429 = arith.constant 0 : i32
        %dma_wait3A_430 = tpu.memref_slice %arg4[%add3A_418, %dma_wait3A_429] : memref<320000x128xf32, #tpu.memory_space<hbm>> -> memref<128x128xf32, #tpu.memory_space<hbm>>
        %dma_wait3A_431 = arith.constant 0 : i32
        %dma_wait3A_432 = arith.constant 0 : i32
        %dma_wait3A_433 = tpu.memref_slice %arg6[%dma_wait3A_419, %dma_wait3A_431, %dma_wait3A_432] : memref<3x128x128xf32, #tpu.memory_space<vmem>> -> memref<1x128x128xf32, #tpu.memory_space<vmem>>
        %dma_wait3A_434 = tpu.memref_squeeze %dma_wait3A_433 : memref<1x128x128xf32, #tpu.memory_space<vmem>> -> memref<128x128xf32, #tpu.memory_space<vmem>>
        tpu.wait_dma2 semaphore(%dma_wait3A_428 : memref<!tpu.dma_semaphore, #tpu.memory_space<semaphore_mem>>) src(%dma_wait3A_434 : memref<128x128xf32, #tpu.memory_space<vmem>>) dst(%dma_wait3A_430 : memref<128x128xf32, #tpu.memory_space<hbm>>)
        %mul3A_435 = arith.constant 128 : i32
        %mul3A_436 = arith.muli %add3A_328, %mul3A_435 : i32
        %dma_start3A_437 = arith.constant 2 : i32
        %dma_start3A_438 = arith.constant 2 : i32
        %dma_start3A_439 = arith.constant 0 : i32
        %dma_start3A_440 = arith.constant 0 : i32
        %dma_start3A_441 = tpu.memref_slice %arg6[%dma_start3A_437, %dma_start3A_439, %dma_start3A_440] : memref<3x128x128xf32, #tpu.memory_space<vmem>> -> memref<1x128x128xf32, #tpu.memory_space<vmem>>
        %dma_start3A_442 = tpu.memref_squeeze %dma_start3A_441 : memref<1x128x128xf32, #tpu.memory_space<vmem>> -> memref<128x128xf32, #tpu.memory_space<vmem>>
        %dma_start3A_443 = tpu.memref_slice %arg5[%mul3A_436] : memref<10000xi32, #tpu.memory_space<vmem>> -> memref<128xi32, #tpu.memory_space<vmem>>
        %dma_start3A_444 = arith.constant 0 : i32
        %dma_start3A_445 = arith.constant 0 : i32
        %dma_start3A_446 = tpu.memref_slice %arg2[%dma_start3A_444, %dma_start3A_445] : memref<10000x128xf32, #tpu.memory_space<hbm>> -> memref<10000x128xf32, #tpu.memory_space<hbm>>
        %dma_start3A_447 = tpu.memref_slice %arg7[%dma_start3A_438] : memref<3x!tpu.dma_semaphore, #tpu.memory_space<semaphore_mem>> -> memref<1x!tpu.dma_semaphore, #tpu.memory_space<semaphore_mem>>
        %dma_start3A_448 = tpu.memref_squeeze %dma_start3A_447 : memref<1x!tpu.dma_semaphore, #tpu.memory_space<semaphore_mem>> -> memref<!tpu.dma_semaphore, #tpu.memory_space<semaphore_mem>>
        tpu.enqueue_indirect_dma source(%dma_start3A_446 : memref<10000x128xf32, #tpu.memory_space<hbm>>) target(%dma_start3A_442 : memref<128x128xf32, #tpu.memory_space<vmem>>) offsets(%dma_start3A_443 : memref<128xi32, #tpu.memory_space<vmem>>) semaphore(%dma_start3A_448 : memref<!tpu.dma_semaphore, #tpu.memory_space<semaphore_mem>>)
      } else {
      }
      %add3A_331 = arith.constant 1 : i32
      %add3A_332 = arith.addi %mul3A_293, %add3A_331 : i32
      %mul3A_333 = arith.constant 128 : i32
      %mul3A_334 = arith.muli %add3A_332, %mul3A_333 : i32
      %dma_wait3A_335 = arith.constant 1 : i32
      %dma_wait3A_336 = arith.constant 1 : i32
      %dma_wait3A_337 = arith.constant 0 : i32
      %dma_wait3A_338 = arith.constant 0 : i32
      %dma_wait3A_339 = tpu.memref_slice %arg6[%dma_wait3A_335, %dma_wait3A_337, %dma_wait3A_338] : memref<3x128x128xf32, #tpu.memory_space<vmem>> -> memref<1x128x128xf32, #tpu.memory_space<vmem>>
      %dma_wait3A_340 = tpu.memref_squeeze %dma_wait3A_339 : memref<1x128x128xf32, #tpu.memory_space<vmem>> -> memref<128x128xf32, #tpu.memory_space<vmem>>
      %dma_wait3A_341 = tpu.memref_slice %arg5[%mul3A_334] : memref<10000xi32, #tpu.memory_space<vmem>> -> memref<128xi32, #tpu.memory_space<vmem>>
      %dma_wait3A_342 = arith.constant 0 : i32
      %dma_wait3A_343 = arith.constant 0 : i32
      %dma_wait3A_344 = tpu.memref_slice %arg2[%dma_wait3A_342, %dma_wait3A_343] : memref<10000x128xf32, #tpu.memory_space<hbm>> -> memref<10000x128xf32, #tpu.memory_space<hbm>>
      %dma_wait3A_345 = tpu.memref_slice %arg7[%dma_wait3A_336] : memref<3x!tpu.dma_semaphore, #tpu.memory_space<semaphore_mem>> -> memref<1x!tpu.dma_semaphore, #tpu.memory_space<semaphore_mem>>
      %dma_wait3A_346 = tpu.memref_squeeze %dma_wait3A_345 : memref<1x!tpu.dma_semaphore, #tpu.memory_space<semaphore_mem>> -> memref<!tpu.dma_semaphore, #tpu.memory_space<semaphore_mem>>
      tpu.wait_indirect_dma semaphore(%dma_wait3A_346 : memref<!tpu.dma_semaphore, #tpu.memory_space<semaphore_mem>>) src(%dma_wait3A_344 : memref<10000x128xf32, #tpu.memory_space<hbm>>) dst(%dma_wait3A_340 : memref<128x128xf32, #tpu.memory_space<vmem>>)
      %mul3A_347 = arith.constant 128 : i32
      %mul3A_348 = arith.muli %add3A_332, %mul3A_347 : i32
      %add3A_349 = arith.addi %mul3A_2, %mul3A_348 : i32
      %dma_start3A_350 = arith.constant 1 : i32
      %dma_start3A_351 = arith.constant 1 : i32
      %dma_start3A_352 = arith.constant 0 : i32
      %dma_start3A_353 = arith.constant 0 : i32
      %dma_start3A_354 = tpu.memref_slice %arg6[%dma_start3A_350, %dma_start3A_352, %dma_start3A_353] : memref<3x128x128xf32, #tpu.memory_space<vmem>> -> memref<1x128x128xf32, #tpu.memory_space<vmem>>
      %dma_start3A_355 = tpu.memref_squeeze %dma_start3A_354 : memref<1x128x128xf32, #tpu.memory_space<vmem>> -> memref<128x128xf32, #tpu.memory_space<vmem>>
      %dma_start3A_356 = arith.constant 0 : i32
      %dma_start3A_357 = tpu.memref_slice %arg4[%add3A_349, %dma_start3A_356] : memref<320000x128xf32, #tpu.memory_space<hbm>> -> memref<128x128xf32, #tpu.memory_space<hbm>>
      %dma_start3A_358 = tpu.memref_slice %arg8[%dma_start3A_351] : memref<3x!tpu.dma_semaphore, #tpu.memory_space<semaphore_mem>> -> memref<1x!tpu.dma_semaphore, #tpu.memory_space<semaphore_mem>>
      %dma_start3A_359 = tpu.memref_squeeze %dma_start3A_358 : memref<1x!tpu.dma_semaphore, #tpu.memory_space<semaphore_mem>> -> memref<!tpu.dma_semaphore, #tpu.memory_space<semaphore_mem>>
      %dma_start3A_360 = arith.constant 0 : i32
      %dma_start3A_361 = tpu.memref_slice %arg4[%add3A_349, %dma_start3A_360] : memref<320000x128xf32, #tpu.memory_space<hbm>> -> memref<128x128xf32, #tpu.memory_space<hbm>>
      %dma_start3A_362 = arith.constant 0 : i32
      %dma_start3A_363 = arith.constant 0 : i32
      %dma_start3A_364 = tpu.memref_slice %arg6[%dma_start3A_350, %dma_start3A_362, %dma_start3A_363] : memref<3x128x128xf32, #tpu.memory_space<vmem>> -> memref<1x128x128xf32, #tpu.memory_space<vmem>>
      %dma_start3A_365 = tpu.memref_squeeze %dma_start3A_364 : memref<1x128x128xf32, #tpu.memory_space<vmem>> -> memref<128x128xf32, #tpu.memory_space<vmem>>
      tpu.enqueue_dma source(%dma_start3A_365 : memref<128x128xf32, #tpu.memory_space<vmem>>) target(%dma_start3A_361 : memref<128x128xf32, #tpu.memory_space<hbm>>) target_semaphore(%dma_start3A_359 : memref<!tpu.dma_semaphore, #tpu.memory_space<semaphore_mem>>)
      %add3A_366 = arith.constant 2 : i32
      %add3A_367 = arith.addi %add3A_332, %add3A_366 : i32
      %lt3A_368 = arith.constant 78 : i32
      %lt3A_369 = arith.cmpi slt, %add3A_367, %lt3A_368 : i32
      %convert_element_type3A_370 = arith.extui %lt3A_369 : i1 to i32
      %cond3A_371 = arith.constant 0 : i32
      %cond3A_372 = arith.cmpi ne, %convert_element_type3A_370, %cond3A_371 : i32
      scf.if %cond3A_372 {
        %sub3A = arith.constant 3 : i32
        %sub3A_415 = arith.subi %add3A_367, %sub3A : i32
        %mul3A_416 = arith.constant 128 : i32
        %mul3A_417 = arith.muli %sub3A_415, %mul3A_416 : i32
        %add3A_418 = arith.addi %mul3A_2, %mul3A_417 : i32
        %dma_wait3A_419 = arith.constant 0 : i32
        %dma_wait3A_420 = arith.constant 0 : i32
        %dma_wait3A_421 = arith.constant 0 : i32
        %dma_wait3A_422 = arith.constant 0 : i32
        %dma_wait3A_423 = tpu.memref_slice %arg6[%dma_wait3A_419, %dma_wait3A_421, %dma_wait3A_422] : memref<3x128x128xf32, #tpu.memory_space<vmem>> -> memref<1x128x128xf32, #tpu.memory_space<vmem>>
        %dma_wait3A_424 = tpu.memref_squeeze %dma_wait3A_423 : memref<1x128x128xf32, #tpu.memory_space<vmem>> -> memref<128x128xf32, #tpu.memory_space<vmem>>
        %dma_wait3A_425 = arith.constant 0 : i32
        %dma_wait3A_426 = tpu.memref_slice %arg4[%add3A_418, %dma_wait3A_425] : memref<320000x128xf32, #tpu.memory_space<hbm>> -> memref<128x128xf32, #tpu.memory_space<hbm>>
        %dma_wait3A_427 = tpu.memref_slice %arg8[%dma_wait3A_420] : memref<3x!tpu.dma_semaphore, #tpu.memory_space<semaphore_mem>> -> memref<1x!tpu.dma_semaphore, #tpu.memory_space<semaphore_mem>>
        %dma_wait3A_428 = tpu.memref_squeeze %dma_wait3A_427 : memref<1x!tpu.dma_semaphore, #tpu.memory_space<semaphore_mem>> -> memref<!tpu.dma_semaphore, #tpu.memory_space<semaphore_mem>>
        %dma_wait3A_429 = arith.constant 0 : i32
        %dma_wait3A_430 = tpu.memref_slice %arg4[%add3A_418, %dma_wait3A_429] : memref<320000x128xf32, #tpu.memory_space<hbm>> -> memref<128x128xf32, #tpu.memory_space<hbm>>
        %dma_wait3A_431 = arith.constant 0 : i32
        %dma_wait3A_432 = arith.constant 0 : i32
        %dma_wait3A_433 = tpu.memref_slice %arg6[%dma_wait3A_419, %dma_wait3A_431, %dma_wait3A_432] : memref<3x128x128xf32, #tpu.memory_space<vmem>> -> memref<1x128x128xf32, #tpu.memory_space<vmem>>
        %dma_wait3A_434 = tpu.memref_squeeze %dma_wait3A_433 : memref<1x128x128xf32, #tpu.memory_space<vmem>> -> memref<128x128xf32, #tpu.memory_space<vmem>>
        tpu.wait_dma2 semaphore(%dma_wait3A_428 : memref<!tpu.dma_semaphore, #tpu.memory_space<semaphore_mem>>) src(%dma_wait3A_434 : memref<128x128xf32, #tpu.memory_space<vmem>>) dst(%dma_wait3A_430 : memref<128x128xf32, #tpu.memory_space<hbm>>)
        %mul3A_435 = arith.constant 128 : i32
        %mul3A_436 = arith.muli %add3A_367, %mul3A_435 : i32
        %dma_start3A_437 = arith.constant 0 : i32
        %dma_start3A_438 = arith.constant 0 : i32
        %dma_start3A_439 = arith.constant 0 : i32
        %dma_start3A_440 = arith.constant 0 : i32
        %dma_start3A_441 = tpu.memref_slice %arg6[%dma_start3A_437, %dma_start3A_439, %dma_start3A_440] : memref<3x128x128xf32, #tpu.memory_space<vmem>> -> memref<1x128x128xf32, #tpu.memory_space<vmem>>
        %dma_start3A_442 = tpu.memref_squeeze %dma_start3A_441 : memref<1x128x128xf32, #tpu.memory_space<vmem>> -> memref<128x128xf32, #tpu.memory_space<vmem>>
        %dma_start3A_443 = tpu.memref_slice %arg5[%mul3A_436] : memref<10000xi32, #tpu.memory_space<vmem>> -> memref<128xi32, #tpu.memory_space<vmem>>
        %dma_start3A_444 = arith.constant 0 : i32
        %dma_start3A_445 = arith.constant 0 : i32
        %dma_start3A_446 = tpu.memref_slice %arg2[%dma_start3A_444, %dma_start3A_445] : memref<10000x128xf32, #tpu.memory_space<hbm>> -> memref<10000x128xf32, #tpu.memory_space<hbm>>
        %dma_start3A_447 = tpu.memref_slice %arg7[%dma_start3A_438] : memref<3x!tpu.dma_semaphore, #tpu.memory_space<semaphore_mem>> -> memref<1x!tpu.dma_semaphore, #tpu.memory_space<semaphore_mem>>
        %dma_start3A_448 = tpu.memref_squeeze %dma_start3A_447 : memref<1x!tpu.dma_semaphore, #tpu.memory_space<semaphore_mem>> -> memref<!tpu.dma_semaphore, #tpu.memory_space<semaphore_mem>>
        tpu.enqueue_indirect_dma source(%dma_start3A_446 : memref<10000x128xf32, #tpu.memory_space<hbm>>) target(%dma_start3A_442 : memref<128x128xf32, #tpu.memory_space<vmem>>) offsets(%dma_start3A_443 : memref<128xi32, #tpu.memory_space<vmem>>) semaphore(%dma_start3A_448 : memref<!tpu.dma_semaphore, #tpu.memory_space<semaphore_mem>>)
      } else {
      }
      %add3A_373 = arith.constant 2 : i32
      %add3A_374 = arith.addi %mul3A_293, %add3A_373 : i32
      %mul3A_375 = arith.constant 128 : i32
      %mul3A_376 = arith.muli %add3A_374, %mul3A_375 : i32
      %dma_wait3A_377 = arith.constant 2 : i32
      %dma_wait3A_378 = arith.constant 2 : i32
      %dma_wait3A_379 = arith.constant 0 : i32
      %dma_wait3A_380 = arith.constant 0 : i32
      %dma_wait3A_381 = tpu.memref_slice %arg6[%dma_wait3A_377, %dma_wait3A_379, %dma_wait3A_380] : memref<3x128x128xf32, #tpu.memory_space<vmem>> -> memref<1x128x128xf32, #tpu.memory_space<vmem>>
      %dma_wait3A_382 = tpu.memref_squeeze %dma_wait3A_381 : memref<1x128x128xf32, #tpu.memory_space<vmem>> -> memref<128x128xf32, #tpu.memory_space<vmem>>
      %dma_wait3A_383 = tpu.memref_slice %arg5[%mul3A_376] : memref<10000xi32, #tpu.memory_space<vmem>> -> memref<128xi32, #tpu.memory_space<vmem>>
      %dma_wait3A_384 = arith.constant 0 : i32
      %dma_wait3A_385 = arith.constant 0 : i32
      %dma_wait3A_386 = tpu.memref_slice %arg2[%dma_wait3A_384, %dma_wait3A_385] : memref<10000x128xf32, #tpu.memory_space<hbm>> -> memref<10000x128xf32, #tpu.memory_space<hbm>>
      %dma_wait3A_387 = tpu.memref_slice %arg7[%dma_wait3A_378] : memref<3x!tpu.dma_semaphore, #tpu.memory_space<semaphore_mem>> -> memref<1x!tpu.dma_semaphore, #tpu.memory_space<semaphore_mem>>
      %dma_wait3A_388 = tpu.memref_squeeze %dma_wait3A_387 : memref<1x!tpu.dma_semaphore, #tpu.memory_space<semaphore_mem>> -> memref<!tpu.dma_semaphore, #tpu.memory_space<semaphore_mem>>
      tpu.wait_indirect_dma semaphore(%dma_wait3A_388 : memref<!tpu.dma_semaphore, #tpu.memory_space<semaphore_mem>>) src(%dma_wait3A_386 : memref<10000x128xf32, #tpu.memory_space<hbm>>) dst(%dma_wait3A_382 : memref<128x128xf32, #tpu.memory_space<vmem>>)
      %mul3A_389 = arith.constant 128 : i32
      %mul3A_390 = arith.muli %add3A_374, %mul3A_389 : i32
      %add3A_391 = arith.addi %mul3A_2, %mul3A_390 : i32
      %dma_start3A_392 = arith.constant 2 : i32
      %dma_start3A_393 = arith.constant 2 : i32
      %dma_start3A_394 = arith.constant 0 : i32
      %dma_start3A_395 = arith.constant 0 : i32
      %dma_start3A_396 = tpu.memref_slice %arg6[%dma_start3A_392, %dma_start3A_394, %dma_start3A_395] : memref<3x128x128xf32, #tpu.memory_space<vmem>> -> memref<1x128x128xf32, #tpu.memory_space<vmem>>
      %dma_start3A_397 = tpu.memref_squeeze %dma_start3A_396 : memref<1x128x128xf32, #tpu.memory_space<vmem>> -> memref<128x128xf32, #tpu.memory_space<vmem>>
      %dma_start3A_398 = arith.constant 0 : i32
      %dma_start3A_399 = tpu.memref_slice %arg4[%add3A_391, %dma_start3A_398] : memref<320000x128xf32, #tpu.memory_space<hbm>> -> memref<128x128xf32, #tpu.memory_space<hbm>>
      %dma_start3A_400 = tpu.memref_slice %arg8[%dma_start3A_393] : memref<3x!tpu.dma_semaphore, #tpu.memory_space<semaphore_mem>> -> memref<1x!tpu.dma_semaphore, #tpu.memory_space<semaphore_mem>>
      %dma_start3A_401 = tpu.memref_squeeze %dma_start3A_400 : memref<1x!tpu.dma_semaphore, #tpu.memory_space<semaphore_mem>> -> memref<!tpu.dma_semaphore, #tpu.memory_space<semaphore_mem>>
      %dma_start3A_402 = arith.constant 0 : i32
      %dma_start3A_403 = tpu.memref_slice %arg4[%add3A_391, %dma_start3A_402] : memref<320000x128xf32, #tpu.memory_space<hbm>> -> memref<128x128xf32, #tpu.memory_space<hbm>>
      %dma_start3A_404 = arith.constant 0 : i32
      %dma_start3A_405 = arith.constant 0 : i32
      %dma_start3A_406 = tpu.memref_slice %arg6[%dma_start3A_392, %dma_start3A_404, %dma_start3A_405] : memref<3x128x128xf32, #tpu.memory_space<vmem>> -> memref<1x128x128xf32, #tpu.memory_space<vmem>>
      %dma_start3A_407 = tpu.memref_squeeze %dma_start3A_406 : memref<1x128x128xf32, #tpu.memory_space<vmem>> -> memref<128x128xf32, #tpu.memory_space<vmem>>
      tpu.enqueue_dma source(%dma_start3A_407 : memref<128x128xf32, #tpu.memory_space<vmem>>) target(%dma_start3A_403 : memref<128x128xf32, #tpu.memory_space<hbm>>) target_semaphore(%dma_start3A_401 : memref<!tpu.dma_semaphore, #tpu.memory_space<semaphore_mem>>)
      %add3A_408 = arith.constant 2 : i32
      %add3A_409 = arith.addi %add3A_374, %add3A_408 : i32
      %lt3A_410 = arith.constant 78 : i32
      %lt3A_411 = arith.cmpi slt, %add3A_409, %lt3A_410 : i32
      %convert_element_type3A_412 = arith.extui %lt3A_411 : i1 to i32
      %cond3A_413 = arith.constant 0 : i32
      %cond3A_414 = arith.cmpi ne, %convert_element_type3A_412, %cond3A_413 : i32
      scf.if %cond3A_414 {
        %sub3A = arith.constant 3 : i32
        %sub3A_415 = arith.subi %add3A_409, %sub3A : i32
        %mul3A_416 = arith.constant 128 : i32
        %mul3A_417 = arith.muli %sub3A_415, %mul3A_416 : i32
        %add3A_418 = arith.addi %mul3A_2, %mul3A_417 : i32
        %dma_wait3A_419 = arith.constant 1 : i32
        %dma_wait3A_420 = arith.constant 1 : i32
        %dma_wait3A_421 = arith.constant 0 : i32
        %dma_wait3A_422 = arith.constant 0 : i32
        %dma_wait3A_423 = tpu.memref_slice %arg6[%dma_wait3A_419, %dma_wait3A_421, %dma_wait3A_422] : memref<3x128x128xf32, #tpu.memory_space<vmem>> -> memref<1x128x128xf32, #tpu.memory_space<vmem>>
        %dma_wait3A_424 = tpu.memref_squeeze %dma_wait3A_423 : memref<1x128x128xf32, #tpu.memory_space<vmem>> -> memref<128x128xf32, #tpu.memory_space<vmem>>
        %dma_wait3A_425 = arith.constant 0 : i32
        %dma_wait3A_426 = tpu.memref_slice %arg4[%add3A_418, %dma_wait3A_425] : memref<320000x128xf32, #tpu.memory_space<hbm>> -> memref<128x128xf32, #tpu.memory_space<hbm>>
        %dma_wait3A_427 = tpu.memref_slice %arg8[%dma_wait3A_420] : memref<3x!tpu.dma_semaphore, #tpu.memory_space<semaphore_mem>> -> memref<1x!tpu.dma_semaphore, #tpu.memory_space<semaphore_mem>>
        %dma_wait3A_428 = tpu.memref_squeeze %dma_wait3A_427 : memref<1x!tpu.dma_semaphore, #tpu.memory_space<semaphore_mem>> -> memref<!tpu.dma_semaphore, #tpu.memory_space<semaphore_mem>>
        %dma_wait3A_429 = arith.constant 0 : i32
        %dma_wait3A_430 = tpu.memref_slice %arg4[%add3A_418, %dma_wait3A_429] : memref<320000x128xf32, #tpu.memory_space<hbm>> -> memref<128x128xf32, #tpu.memory_space<hbm>>
        %dma_wait3A_431 = arith.constant 0 : i32
        %dma_wait3A_432 = arith.constant 0 : i32
        %dma_wait3A_433 = tpu.memref_slice %arg6[%dma_wait3A_419, %dma_wait3A_431, %dma_wait3A_432] : memref<3x128x128xf32, #tpu.memory_space<vmem>> -> memref<1x128x128xf32, #tpu.memory_space<vmem>>
        %dma_wait3A_434 = tpu.memref_squeeze %dma_wait3A_433 : memref<1x128x128xf32, #tpu.memory_space<vmem>> -> memref<128x128xf32, #tpu.memory_space<vmem>>
        tpu.wait_dma2 semaphore(%dma_wait3A_428 : memref<!tpu.dma_semaphore, #tpu.memory_space<semaphore_mem>>) src(%dma_wait3A_434 : memref<128x128xf32, #tpu.memory_space<vmem>>) dst(%dma_wait3A_430 : memref<128x128xf32, #tpu.memory_space<hbm>>)
        %mul3A_435 = arith.constant 128 : i32
        %mul3A_436 = arith.muli %add3A_409, %mul3A_435 : i32
        %dma_start3A_437 = arith.constant 1 : i32
        %dma_start3A_438 = arith.constant 1 : i32
        %dma_start3A_439 = arith.constant 0 : i32
        %dma_start3A_440 = arith.constant 0 : i32
        %dma_start3A_441 = tpu.memref_slice %arg6[%dma_start3A_437, %dma_start3A_439, %dma_start3A_440] : memref<3x128x128xf32, #tpu.memory_space<vmem>> -> memref<1x128x128xf32, #tpu.memory_space<vmem>>
        %dma_start3A_442 = tpu.memref_squeeze %dma_start3A_441 : memref<1x128x128xf32, #tpu.memory_space<vmem>> -> memref<128x128xf32, #tpu.memory_space<vmem>>
        %dma_start3A_443 = tpu.memref_slice %arg5[%mul3A_436] : memref<10000xi32, #tpu.memory_space<vmem>> -> memref<128xi32, #tpu.memory_space<vmem>>
        %dma_start3A_444 = arith.constant 0 : i32
        %dma_start3A_445 = arith.constant 0 : i32
        %dma_start3A_446 = tpu.memref_slice %arg2[%dma_start3A_444, %dma_start3A_445] : memref<10000x128xf32, #tpu.memory_space<hbm>> -> memref<10000x128xf32, #tpu.memory_space<hbm>>
        %dma_start3A_447 = tpu.memref_slice %arg7[%dma_start3A_438] : memref<3x!tpu.dma_semaphore, #tpu.memory_space<semaphore_mem>> -> memref<1x!tpu.dma_semaphore, #tpu.memory_space<semaphore_mem>>
        %dma_start3A_448 = tpu.memref_squeeze %dma_start3A_447 : memref<1x!tpu.dma_semaphore, #tpu.memory_space<semaphore_mem>> -> memref<!tpu.dma_semaphore, #tpu.memory_space<semaphore_mem>>
        tpu.enqueue_indirect_dma source(%dma_start3A_446 : memref<10000x128xf32, #tpu.memory_space<hbm>>) target(%dma_start3A_442 : memref<128x128xf32, #tpu.memory_space<vmem>>) offsets(%dma_start3A_443 : memref<128xi32, #tpu.memory_space<vmem>>) semaphore(%dma_start3A_448 : memref<!tpu.dma_semaphore, #tpu.memory_space<semaphore_mem>>)
      } else {
      }
    }
    %scan3A_198 = arith.constant 25 : i32
    %add3A_199 = arith.constant 9600 : i32
    %add3A_200 = arith.addi %mul3A_2, %add3A_199 : i32
    %dma_wait3A_201 = arith.constant 0 : i32
    %dma_wait3A_202 = arith.constant 0 : i32
    %dma_wait3A_203 = arith.constant 0 : i32
    %dma_wait3A_204 = arith.constant 0 : i32
    %dma_wait3A_205 = tpu.memref_slice %arg6[%dma_wait3A_201, %dma_wait3A_203, %dma_wait3A_204] : memref<3x128x128xf32, #tpu.memory_space<vmem>> -> memref<1x128x128xf32, #tpu.memory_space<vmem>>
    %dma_wait3A_206 = tpu.memref_squeeze %dma_wait3A_205 : memref<1x128x128xf32, #tpu.memory_space<vmem>> -> memref<128x128xf32, #tpu.memory_space<vmem>>
    %dma_wait3A_207 = arith.constant 0 : i32
    %dma_wait3A_208 = tpu.memref_slice %arg4[%add3A_200, %dma_wait3A_207] : memref<320000x128xf32, #tpu.memory_space<hbm>> -> memref<128x128xf32, #tpu.memory_space<hbm>>
    %dma_wait3A_209 = tpu.memref_slice %arg8[%dma_wait3A_202] : memref<3x!tpu.dma_semaphore, #tpu.memory_space<semaphore_mem>> -> memref<1x!tpu.dma_semaphore, #tpu.memory_space<semaphore_mem>>
    %dma_wait3A_210 = tpu.memref_squeeze %dma_wait3A_209 : memref<1x!tpu.dma_semaphore, #tpu.memory_space<semaphore_mem>> -> memref<!tpu.dma_semaphore, #tpu.memory_space<semaphore_mem>>
    %dma_wait3A_211 = arith.constant 0 : i32
    %dma_wait3A_212 = tpu.memref_slice %arg4[%add3A_200, %dma_wait3A_211] : memref<320000x128xf32, #tpu.memory_space<hbm>> -> memref<128x128xf32, #tpu.memory_space<hbm>>
    %dma_wait3A_213 = arith.constant 0 : i32
    %dma_wait3A_214 = arith.constant 0 : i32
    %dma_wait3A_215 = tpu.memref_slice %arg6[%dma_wait3A_201, %dma_wait3A_213, %dma_wait3A_214] : memref<3x128x128xf32, #tpu.memory_space<vmem>> -> memref<1x128x128xf32, #tpu.memory_space<vmem>>
    %dma_wait3A_216 = tpu.memref_squeeze %dma_wait3A_215 : memref<1x128x128xf32, #tpu.memory_space<vmem>> -> memref<128x128xf32, #tpu.memory_space<vmem>>
    tpu.wait_dma2 semaphore(%dma_wait3A_210 : memref<!tpu.dma_semaphore, #tpu.memory_space<semaphore_mem>>) src(%dma_wait3A_216 : memref<128x128xf32, #tpu.memory_space<vmem>>) dst(%dma_wait3A_212 : memref<128x128xf32, #tpu.memory_space<hbm>>)
    %add3A_217 = arith.constant 9728 : i32
    %add3A_218 = arith.addi %mul3A_2, %add3A_217 : i32
    %dma_wait3A_219 = arith.constant 1 : i32
    %dma_wait3A_220 = arith.constant 1 : i32
    %dma_wait3A_221 = arith.constant 0 : i32
    %dma_wait3A_222 = arith.constant 0 : i32
    %dma_wait3A_223 = tpu.memref_slice %arg6[%dma_wait3A_219, %dma_wait3A_221, %dma_wait3A_222] : memref<3x128x128xf32, #tpu.memory_space<vmem>> -> memref<1x128x128xf32, #tpu.memory_space<vmem>>
    %dma_wait3A_224 = tpu.memref_squeeze %dma_wait3A_223 : memref<1x128x128xf32, #tpu.memory_space<vmem>> -> memref<128x128xf32, #tpu.memory_space<vmem>>
    %dma_wait3A_225 = arith.constant 0 : i32
    %dma_wait3A_226 = tpu.memref_slice %arg4[%add3A_218, %dma_wait3A_225] : memref<320000x128xf32, #tpu.memory_space<hbm>> -> memref<128x128xf32, #tpu.memory_space<hbm>>
    %dma_wait3A_227 = tpu.memref_slice %arg8[%dma_wait3A_220] : memref<3x!tpu.dma_semaphore, #tpu.memory_space<semaphore_mem>> -> memref<1x!tpu.dma_semaphore, #tpu.memory_space<semaphore_mem>>
    %dma_wait3A_228 = tpu.memref_squeeze %dma_wait3A_227 : memref<1x!tpu.dma_semaphore, #tpu.memory_space<semaphore_mem>> -> memref<!tpu.dma_semaphore, #tpu.memory_space<semaphore_mem>>
    %dma_wait3A_229 = arith.constant 0 : i32
    %dma_wait3A_230 = tpu.memref_slice %arg4[%add3A_218, %dma_wait3A_229] : memref<320000x128xf32, #tpu.memory_space<hbm>> -> memref<128x128xf32, #tpu.memory_space<hbm>>
    %dma_wait3A_231 = arith.constant 0 : i32
    %dma_wait3A_232 = arith.constant 0 : i32
    %dma_wait3A_233 = tpu.memref_slice %arg6[%dma_wait3A_219, %dma_wait3A_231, %dma_wait3A_232] : memref<3x128x128xf32, #tpu.memory_space<vmem>> -> memref<1x128x128xf32, #tpu.memory_space<vmem>>
    %dma_wait3A_234 = tpu.memref_squeeze %dma_wait3A_233 : memref<1x128x128xf32, #tpu.memory_space<vmem>> -> memref<128x128xf32, #tpu.memory_space<vmem>>
    tpu.wait_dma2 semaphore(%dma_wait3A_228 : memref<!tpu.dma_semaphore, #tpu.memory_space<semaphore_mem>>) src(%dma_wait3A_234 : memref<128x128xf32, #tpu.memory_space<vmem>>) dst(%dma_wait3A_230 : memref<128x128xf32, #tpu.memory_space<hbm>>)
    %add3A_235 = arith.constant 9856 : i32
    %add3A_236 = arith.addi %mul3A_2, %add3A_235 : i32
    %dma_wait3A_237 = arith.constant 2 : i32
    %dma_wait3A_238 = arith.constant 2 : i32
    %dma_wait3A_239 = arith.constant 0 : i32
    %dma_wait3A_240 = arith.constant 0 : i32
    %dma_wait3A_241 = tpu.memref_slice %arg6[%dma_wait3A_237, %dma_wait3A_239, %dma_wait3A_240] : memref<3x128x128xf32, #tpu.memory_space<vmem>> -> memref<1x128x128xf32, #tpu.memory_space<vmem>>
    %dma_wait3A_242 = tpu.memref_squeeze %dma_wait3A_241 : memref<1x128x128xf32, #tpu.memory_space<vmem>> -> memref<128x128xf32, #tpu.memory_space<vmem>>
    %dma_wait3A_243 = arith.constant 0 : i32
    %dma_wait3A_244 = tpu.memref_slice %arg4[%add3A_236, %dma_wait3A_243] : memref<320000x128xf32, #tpu.memory_space<hbm>> -> memref<128x128xf32, #tpu.memory_space<hbm>>
    %dma_wait3A_245 = tpu.memref_slice %arg8[%dma_wait3A_238] : memref<3x!tpu.dma_semaphore, #tpu.memory_space<semaphore_mem>> -> memref<1x!tpu.dma_semaphore, #tpu.memory_space<semaphore_mem>>
    %dma_wait3A_246 = tpu.memref_squeeze %dma_wait3A_245 : memref<1x!tpu.dma_semaphore, #tpu.memory_space<semaphore_mem>> -> memref<!tpu.dma_semaphore, #tpu.memory_space<semaphore_mem>>
    %dma_wait3A_247 = arith.constant 0 : i32
    %dma_wait3A_248 = tpu.memref_slice %arg4[%add3A_236, %dma_wait3A_247] : memref<320000x128xf32, #tpu.memory_space<hbm>> -> memref<128x128xf32, #tpu.memory_space<hbm>>
    %dma_wait3A_249 = arith.constant 0 : i32
    %dma_wait3A_250 = arith.constant 0 : i32
    %dma_wait3A_251 = tpu.memref_slice %arg6[%dma_wait3A_237, %dma_wait3A_249, %dma_wait3A_250] : memref<3x128x128xf32, #tpu.memory_space<vmem>> -> memref<1x128x128xf32, #tpu.memory_space<vmem>>
    %dma_wait3A_252 = tpu.memref_squeeze %dma_wait3A_251 : memref<1x128x128xf32, #tpu.memory_space<vmem>> -> memref<128x128xf32, #tpu.memory_space<vmem>>
    tpu.wait_dma2 semaphore(%dma_wait3A_246 : memref<!tpu.dma_semaphore, #tpu.memory_space<semaphore_mem>>) src(%dma_wait3A_252 : memref<128x128xf32, #tpu.memory_space<vmem>>) dst(%dma_wait3A_248 : memref<128x128xf32, #tpu.memory_space<hbm>>)
    %add3A_253 = arith.constant 9984 : i32
    %add3A_254 = arith.addi %mul3A_2, %add3A_253 : i32
    %dma_start3A_255 = arith.constant 0 : i32
    %dma_start3A_256 = arith.constant 0 : i32
    %dma_start3A_257 = arith.constant 0 : i32
    %dma_start3A_258 = arith.constant 0 : i32
    %dma_start3A_259 = tpu.memref_slice %arg6[%dma_start3A_255, %dma_start3A_257, %dma_start3A_258] : memref<3x128x128xf32, #tpu.memory_space<vmem>> -> memref<1x128x128xf32, #tpu.memory_space<vmem>>
    %dma_start3A_260 = tpu.memref_squeeze %dma_start3A_259 : memref<1x128x128xf32, #tpu.memory_space<vmem>> -> memref<128x128xf32, #tpu.memory_space<vmem>>
    %dma_start3A_261 = arith.constant 0 : i32
    %dma_start3A_262 = arith.constant 0 : i32
    %dma_start3A_263 = tpu.memref_slice %dma_start3A_260[%dma_start3A_261, %dma_start3A_262] : memref<128x128xf32, #tpu.memory_space<vmem>> -> memref<16x128xf32, #tpu.memory_space<vmem>>
    %dma_start3A_264 = arith.constant 9984 : i32
    %dma_start3A_265 = tpu.memref_slice %arg5[%dma_start3A_264] : memref<10000xi32, #tpu.memory_space<vmem>> -> memref<16xi32, #tpu.memory_space<vmem>>
    %dma_start3A_266 = arith.constant 0 : i32
    %dma_start3A_267 = arith.constant 0 : i32
    %dma_start3A_268 = tpu.memref_slice %arg2[%dma_start3A_266, %dma_start3A_267] : memref<10000x128xf32, #tpu.memory_space<hbm>> -> memref<10000x128xf32, #tpu.memory_space<hbm>>
    %dma_start3A_269 = tpu.memref_slice %arg7[%dma_start3A_256] : memref<3x!tpu.dma_semaphore, #tpu.memory_space<semaphore_mem>> -> memref<1x!tpu.dma_semaphore, #tpu.memory_space<semaphore_mem>>
    %dma_start3A_270 = tpu.memref_squeeze %dma_start3A_269 : memref<1x!tpu.dma_semaphore, #tpu.memory_space<semaphore_mem>> -> memref<!tpu.dma_semaphore, #tpu.memory_space<semaphore_mem>>
    tpu.enqueue_indirect_dma source(%dma_start3A_268 : memref<10000x128xf32, #tpu.memory_space<hbm>>) target(%dma_start3A_263 : memref<16x128xf32, #tpu.memory_space<vmem>>) offsets(%dma_start3A_265 : memref<16xi32, #tpu.memory_space<vmem>>) semaphore(%dma_start3A_270 : memref<!tpu.dma_semaphore, #tpu.memory_space<semaphore_mem>>)
    %dma_wait3A_271 = arith.constant 0 : i32
    %dma_wait3A_272 = arith.constant 0 : i32
    %dma_wait3A_273 = arith.constant 0 : i32
    %dma_wait3A_274 = arith.constant 0 : i32
    %dma_wait3A_275 = tpu.memref_slice %arg6[%dma_wait3A_271, %dma_wait3A_273, %dma_wait3A_274] : memref<3x128x128xf32, #tpu.memory_space<vmem>> -> memref<1x128x128xf32, #tpu.memory_space<vmem>>
    %dma_wait3A_276 = tpu.memref_squeeze %dma_wait3A_275 : memref<1x128x128xf32, #tpu.memory_space<vmem>> -> memref<128x128xf32, #tpu.memory_space<vmem>>
    %dma_wait3A_277 = arith.constant 0 : i32
    %dma_wait3A_278 = arith.constant 0 : i32
    %dma_wait3A_279 = tpu.memref_slice %dma_wait3A_276[%dma_wait3A_277, %dma_wait3A_278] : memref<128x128xf32, #tpu.memory_space<vmem>> -> memref<16x128xf32, #tpu.memory_space<vmem>>
    %dma_wait3A_280 = arith.constant 9984 : i32
    %dma_wait3A_281 = tpu.memref_slice %arg5[%dma_wait3A_280] : memref<10000xi32, #tpu.memory_space<vmem>> -> memref<16xi32, #tpu.memory_space<vmem>>
    %dma_wait3A_282 = arith.constant 0 : i32
    %dma_wait3A_283 = arith.constant 0 : i32
    %dma_wait3A_284 = tpu.memref_slice %arg2[%dma_wait3A_282, %dma_wait3A_283] : memref<10000x128xf32, #tpu.memory_space<hbm>> -> memref<10000x128xf32, #tpu.memory_space<hbm>>
    %dma_wait3A_285 = tpu.memref_slice %arg7[%dma_wait3A_272] : memref<3x!tpu.dma_semaphore, #tpu.memory_space<semaphore_mem>> -> memref<1x!tpu.dma_semaphore, #tpu.memory_space<semaphore_mem>>
    %dma_wait3A_286 = tpu.memref_squeeze %dma_wait3A_285 : memref<1x!tpu.dma_semaphore, #tpu.memory_space<semaphore_mem>> -> memref<!tpu.dma_semaphore, #tpu.memory_space<semaphore_mem>>
    tpu.wait_indirect_dma semaphore(%dma_wait3A_286 : memref<!tpu.dma_semaphore, #tpu.memory_space<semaphore_mem>>) src(%dma_wait3A_284 : memref<10000x128xf32, #tpu.memory_space<hbm>>) dst(%dma_wait3A_279 : memref<16x128xf32, #tpu.memory_space<vmem>>)
    %run_scoped3A = arith.constant 0 : i32
    "tpu.region"() ({
      %run_scoped3A_287 = tpu.sem_alloc : memref<!tpu.dma_semaphore, #tpu.memory_space<semaphore_mem>>
      %dma_start3A_288 = arith.constant 0 : i32
      %dma_start3A_289 = arith.constant 0 : i32
      %dma_start3A_290 = tpu.memref_slice %arg6[%run_scoped3A, %dma_start3A_288, %dma_start3A_289] : memref<3x128x128xf32, #tpu.memory_space<vmem>> -> memref<1x128x128xf32, #tpu.memory_space<vmem>>
      %dma_start3A_291 = tpu.memref_squeeze %dma_start3A_290 : memref<1x128x128xf32, #tpu.memory_space<vmem>> -> memref<128x128xf32, #tpu.memory_space<vmem>>
      %dma_start3A_292 = arith.constant 0 : i32
      %dma_start3A_293 = arith.constant 0 : i32
      %dma_start3A_294 = tpu.memref_slice %dma_start3A_291[%dma_start3A_292, %dma_start3A_293] : memref<128x128xf32, #tpu.memory_space<vmem>> -> memref<16x128xf32, #tpu.memory_space<vmem>>
      %dma_start3A_295 = arith.constant 0 : i32
      %dma_start3A_296 = tpu.memref_slice %arg4[%add3A_254, %dma_start3A_295] : memref<320000x128xf32, #tpu.memory_space<hbm>> -> memref<16x128xf32, #tpu.memory_space<hbm>>
      %dma_start3A_297 = arith.constant 0 : i32
      %dma_start3A_298 = tpu.memref_slice %arg4[%add3A_254, %dma_start3A_297] : memref<320000x128xf32, #tpu.memory_space<hbm>> -> memref<16x128xf32, #tpu.memory_space<hbm>>
      %dma_start3A_299 = arith.constant 0 : i32
      %dma_start3A_300 = arith.constant 0 : i32
      %dma_start3A_301 = tpu.memref_slice %arg6[%run_scoped3A, %dma_start3A_299, %dma_start3A_300] : memref<3x128x128xf32, #tpu.memory_space<vmem>> -> memref<1x128x128xf32, #tpu.memory_space<vmem>>
      %dma_start3A_302 = tpu.memref_squeeze %dma_start3A_301 : memref<1x128x128xf32, #tpu.memory_space<vmem>> -> memref<128x128xf32, #tpu.memory_space<vmem>>
      %dma_start3A_303 = arith.constant 0 : i32
      %dma_start3A_304 = arith.constant 0 : i32
      %dma_start3A_305 = tpu.memref_slice %dma_start3A_302[%dma_start3A_303, %dma_start3A_304] : memref<128x128xf32, #tpu.memory_space<vmem>> -> memref<16x128xf32, #tpu.memory_space<vmem>>
      tpu.enqueue_dma source(%dma_start3A_305 : memref<16x128xf32, #tpu.memory_space<vmem>>) target(%dma_start3A_298 : memref<16x128xf32, #tpu.memory_space<hbm>>) target_semaphore(%run_scoped3A_287 : memref<!tpu.dma_semaphore, #tpu.memory_space<semaphore_mem>>)
      %dma_wait3A_306 = arith.constant 0 : i32
      %dma_wait3A_307 = arith.constant 0 : i32
      %dma_wait3A_308 = tpu.memref_slice %arg6[%run_scoped3A, %dma_wait3A_306, %dma_wait3A_307] : memref<3x128x128xf32, #tpu.memory_space<vmem>> -> memref<1x128x128xf32, #tpu.memory_space<vmem>>
      %dma_wait3A_309 = tpu.memref_squeeze %dma_wait3A_308 : memref<1x128x128xf32, #tpu.memory_space<vmem>> -> memref<128x128xf32, #tpu.memory_space<vmem>>
      %dma_wait3A_310 = arith.constant 0 : i32
      %dma_wait3A_311 = arith.constant 0 : i32
      %dma_wait3A_312 = tpu.memref_slice %dma_wait3A_309[%dma_wait3A_310, %dma_wait3A_311] : memref<128x128xf32, #tpu.memory_space<vmem>> -> memref<16x128xf32, #tpu.memory_space<vmem>>
      %dma_wait3A_313 = arith.constant 0 : i32
      %dma_wait3A_314 = tpu.memref_slice %arg4[%add3A_254, %dma_wait3A_313] : memref<320000x128xf32, #tpu.memory_space<hbm>> -> memref<16x128xf32, #tpu.memory_space<hbm>>
      %dma_wait3A_315 = arith.constant 0 : i32
      %dma_wait3A_316 = tpu.memref_slice %arg4[%add3A_254, %dma_wait3A_315] : memref<320000x128xf32, #tpu.memory_space<hbm>> -> memref<16x128xf32, #tpu.memory_space<hbm>>
      %dma_wait3A_317 = arith.constant 0 : i32
      %dma_wait3A_318 = arith.constant 0 : i32
      %dma_wait3A_319 = tpu.memref_slice %arg6[%run_scoped3A, %dma_wait3A_317, %dma_wait3A_318] : memref<3x128x128xf32, #tpu.memory_space<vmem>> -> memref<1x128x128xf32, #tpu.memory_space<vmem>>
      %dma_wait3A_320 = tpu.memref_squeeze %dma_wait3A_319 : memref<1x128x128xf32, #tpu.memory_space<vmem>> -> memref<128x128xf32, #tpu.memory_space<vmem>>
      %dma_wait3A_321 = arith.constant 0 : i32
      %dma_wait3A_322 = arith.constant 0 : i32
      %dma_wait3A_323 = tpu.memref_slice %dma_wait3A_320[%dma_wait3A_321, %dma_wait3A_322] : memref<128x128xf32, #tpu.memory_space<vmem>> -> memref<16x128xf32, #tpu.memory_space<vmem>>
      tpu.wait_dma2 semaphore(%run_scoped3A_287 : memref<!tpu.dma_semaphore, #tpu.memory_space<semaphore_mem>>) src(%dma_wait3A_323 : memref<16x128xf32, #tpu.memory_space<vmem>>) dst(%dma_wait3A_316 : memref<16x128xf32, #tpu.memory_space<hbm>>)
      tpu.yield
    }) : () -> ()
    return
  }
}

#map = affine_map<(d0, d1) -> (0, 0)>
#map1 = affine_map<(d0, d1) -> (0)>
module attributes {stable_mosaic.version = 14 : i64} {
  func.func @k(%arg0: i32, %arg1: i32, %arg2: memref<10000x64xi32, #tpu.memory_space<hbm>>, %arg3: memref<320000xi32, #tpu.memory_space<hbm>>, %arg4: memref<320000x64xi32, #tpu.memory_space<hbm>>, %arg5: memref<10000xi32, #tpu.memory_space<vmem>>, %arg6: memref<3x128x64xi32, #tpu.memory_space<vmem>>, %arg7: memref<3x!tpu.dma_semaphore, #tpu.memory_space<semaphore_mem>>, %arg8: memref<3x!tpu.dma_semaphore, #tpu.memory_space<semaphore_mem>>) attributes {dimension_semantics = [#tpu.dimension_semantics<core_parallel>, #tpu.dimension_semantics<subcore_parallel>], iteration_bounds = array<i64: 2, 16>, scalar_prefetch = 0 : i64, scratch_operands = 4 : i64, tpu.core_type = #tpu.core_type<sc_vector_subcore>, window_params = [{transform_indices = #map}, {transform_indices = #map1}, {transform_indices = #map}]} {
    %mul3A = arith.constant 2 : i32
    %mul3A_0 = arith.muli %arg1, %mul3A : i32
    %add3A = arith.addi %mul3A_0, %arg0 : i32
    %mul3A_1 = arith.constant 10000 : i32
    %mul3A_2 = arith.muli %add3A, %mul3A_1 : i32
    "tpu.region"() ({
      %run_scoped3A_287 = tpu.sem_alloc : memref<!tpu.dma_semaphore, #tpu.memory_space<semaphore_mem>>
      %dma_start3A_288 = tpu.memref_slice %arg3[%mul3A_2] : memref<320000xi32, #tpu.memory_space<hbm>> -> memref<10000xi32, #tpu.memory_space<hbm>>
      %dma_start3A_289 = tpu.memref_slice %arg3[%mul3A_2] : memref<320000xi32, #tpu.memory_space<hbm>> -> memref<10000xi32, #tpu.memory_space<hbm>>
      tpu.enqueue_dma source(%dma_start3A_289 : memref<10000xi32, #tpu.memory_space<hbm>>) target(%arg5 : memref<10000xi32, #tpu.memory_space<vmem>>) target_semaphore(%run_scoped3A_287 : memref<!tpu.dma_semaphore, #tpu.memory_space<semaphore_mem>>)
      %dma_wait3A_290 = tpu.memref_slice %arg3[%mul3A_2] : memref<320000xi32, #tpu.memory_space<hbm>> -> memref<10000xi32, #tpu.memory_space<hbm>>
      %dma_wait3A_291 = tpu.memref_slice %arg3[%mul3A_2] : memref<320000xi32, #tpu.memory_space<hbm>> -> memref<10000xi32, #tpu.memory_space<hbm>>
      tpu.wait_dma2 semaphore(%run_scoped3A_287 : memref<!tpu.dma_semaphore, #tpu.memory_space<semaphore_mem>>) src(%dma_wait3A_291 : memref<10000xi32, #tpu.memory_space<hbm>>) dst(%arg5 : memref<10000xi32, #tpu.memory_space<vmem>>)
      tpu.yield
    }) : () -> ()
    %dma_start3A = arith.constant 0 : i32
    %dma_start3A_3 = arith.constant 0 : i32
    %dma_start3A_4 = arith.constant 0 : i32
    %dma_start3A_5 = arith.constant 0 : i32
    %dma_start3A_6 = tpu.memref_slice %arg6[%dma_start3A, %dma_start3A_4, %dma_start3A_5] : memref<3x128x64xi32, #tpu.memory_space<vmem>> -> memref<1x128x64xi32, #tpu.memory_space<vmem>>
    %dma_start3A_7 = tpu.memref_squeeze %dma_start3A_6 : memref<1x128x64xi32, #tpu.memory_space<vmem>> -> memref<128x64xi32, #tpu.memory_space<vmem>>
    %dma_start3A_8 = arith.constant 0 : i32
    %dma_start3A_9 = tpu.memref_slice %arg5[%dma_start3A_8] : memref<10000xi32, #tpu.memory_space<vmem>> -> memref<128xi32, #tpu.memory_space<vmem>>
    %dma_start3A_10 = arith.constant 0 : i32
    %dma_start3A_11 = arith.constant 0 : i32
    %dma_start3A_12 = tpu.memref_slice %arg2[%dma_start3A_10, %dma_start3A_11] : memref<10000x64xi32, #tpu.memory_space<hbm>> -> memref<10000x64xi32, #tpu.memory_space<hbm>>
    %dma_start3A_13 = tpu.memref_slice %arg7[%dma_start3A_3] : memref<3x!tpu.dma_semaphore, #tpu.memory_space<semaphore_mem>> -> memref<1x!tpu.dma_semaphore, #tpu.memory_space<semaphore_mem>>
    %dma_start3A_14 = tpu.memref_squeeze %dma_start3A_13 : memref<1x!tpu.dma_semaphore, #tpu.memory_space<semaphore_mem>> -> memref<!tpu.dma_semaphore, #tpu.memory_space<semaphore_mem>>
    tpu.enqueue_indirect_dma source(%dma_start3A_12 : memref<10000x64xi32, #tpu.memory_space<hbm>>) target(%dma_start3A_7 : memref<128x64xi32, #tpu.memory_space<vmem>>) offsets(%dma_start3A_9 : memref<128xi32, #tpu.memory_space<vmem>>) semaphore(%dma_start3A_14 : memref<!tpu.dma_semaphore, #tpu.memory_space<semaphore_mem>>)
    %dma_start3A_15 = arith.constant 1 : i32
    %dma_start3A_16 = arith.constant 1 : i32
    %dma_start3A_17 = arith.constant 0 : i32
    %dma_start3A_18 = arith.constant 0 : i32
    %dma_start3A_19 = tpu.memref_slice %arg6[%dma_start3A_15, %dma_start3A_17, %dma_start3A_18] : memref<3x128x64xi32, #tpu.memory_space<vmem>> -> memref<1x128x64xi32, #tpu.memory_space<vmem>>
    %dma_start3A_20 = tpu.memref_squeeze %dma_start3A_19 : memref<1x128x64xi32, #tpu.memory_space<vmem>> -> memref<128x64xi32, #tpu.memory_space<vmem>>
    %dma_start3A_21 = arith.constant 128 : i32
    %dma_start3A_22 = tpu.memref_slice %arg5[%dma_start3A_21] : memref<10000xi32, #tpu.memory_space<vmem>> -> memref<128xi32, #tpu.memory_space<vmem>>
    %dma_start3A_23 = arith.constant 0 : i32
    %dma_start3A_24 = arith.constant 0 : i32
    %dma_start3A_25 = tpu.memref_slice %arg2[%dma_start3A_23, %dma_start3A_24] : memref<10000x64xi32, #tpu.memory_space<hbm>> -> memref<10000x64xi32, #tpu.memory_space<hbm>>
    %dma_start3A_26 = tpu.memref_slice %arg7[%dma_start3A_16] : memref<3x!tpu.dma_semaphore, #tpu.memory_space<semaphore_mem>> -> memref<1x!tpu.dma_semaphore, #tpu.memory_space<semaphore_mem>>
    %dma_start3A_27 = tpu.memref_squeeze %dma_start3A_26 : memref<1x!tpu.dma_semaphore, #tpu.memory_space<semaphore_mem>> -> memref<!tpu.dma_semaphore, #tpu.memory_space<semaphore_mem>>
    tpu.enqueue_indirect_dma source(%dma_start3A_25 : memref<10000x64xi32, #tpu.memory_space<hbm>>) target(%dma_start3A_20 : memref<128x64xi32, #tpu.memory_space<vmem>>) offsets(%dma_start3A_22 : memref<128xi32, #tpu.memory_space<vmem>>) semaphore(%dma_start3A_27 : memref<!tpu.dma_semaphore, #tpu.memory_space<semaphore_mem>>)
    %dma_wait3A = arith.constant 0 : i32
    %dma_wait3A_28 = arith.constant 0 : i32
    %dma_wait3A_29 = arith.constant 0 : i32
    %dma_wait3A_30 = arith.constant 0 : i32
    %dma_wait3A_31 = tpu.memref_slice %arg6[%dma_wait3A, %dma_wait3A_29, %dma_wait3A_30] : memref<3x128x64xi32, #tpu.memory_space<vmem>> -> memref<1x128x64xi32, #tpu.memory_space<vmem>>
    %dma_wait3A_32 = tpu.memref_squeeze %dma_wait3A_31 : memref<1x128x64xi32, #tpu.memory_space<vmem>> -> memref<128x64xi32, #tpu.memory_space<vmem>>
    %dma_wait3A_33 = arith.constant 0 : i32
    %dma_wait3A_34 = tpu.memref_slice %arg5[%dma_wait3A_33] : memref<10000xi32, #tpu.memory_space<vmem>> -> memref<128xi32, #tpu.memory_space<vmem>>
    %dma_wait3A_35 = arith.constant 0 : i32
    %dma_wait3A_36 = arith.constant 0 : i32
    %dma_wait3A_37 = tpu.memref_slice %arg2[%dma_wait3A_35, %dma_wait3A_36] : memref<10000x64xi32, #tpu.memory_space<hbm>> -> memref<10000x64xi32, #tpu.memory_space<hbm>>
    %dma_wait3A_38 = tpu.memref_slice %arg7[%dma_wait3A_28] : memref<3x!tpu.dma_semaphore, #tpu.memory_space<semaphore_mem>> -> memref<1x!tpu.dma_semaphore, #tpu.memory_space<semaphore_mem>>
    %dma_wait3A_39 = tpu.memref_squeeze %dma_wait3A_38 : memref<1x!tpu.dma_semaphore, #tpu.memory_space<semaphore_mem>> -> memref<!tpu.dma_semaphore, #tpu.memory_space<semaphore_mem>>
    tpu.wait_indirect_dma semaphore(%dma_wait3A_39 : memref<!tpu.dma_semaphore, #tpu.memory_space<semaphore_mem>>) src(%dma_wait3A_37 : memref<10000x64xi32, #tpu.memory_space<hbm>>) dst(%dma_wait3A_32 : memref<128x64xi32, #tpu.memory_space<vmem>>)
    %add3A_40 = arith.constant 0 : i32
    %add3A_41 = arith.addi %mul3A_2, %add3A_40 : i32
    %dma_start3A_42 = arith.constant 0 : i32
    %dma_start3A_43 = arith.constant 0 : i32
    %dma_start3A_44 = arith.constant 0 : i32
    %dma_start3A_45 = arith.constant 0 : i32
    %dma_start3A_46 = tpu.memref_slice %arg6[%dma_start3A_42, %dma_start3A_44, %dma_start3A_45] : memref<3x128x64xi32, #tpu.memory_space<vmem>> -> memref<1x128x64xi32, #tpu.memory_space<vmem>>
    %dma_start3A_47 = tpu.memref_squeeze %dma_start3A_46 : memref<1x128x64xi32, #tpu.memory_space<vmem>> -> memref<128x64xi32, #tpu.memory_space<vmem>>
    %dma_start3A_48 = arith.constant 0 : i32
    %dma_start3A_49 = tpu.memref_slice %arg4[%add3A_41, %dma_start3A_48] : memref<320000x64xi32, #tpu.memory_space<hbm>> -> memref<128x64xi32, #tpu.memory_space<hbm>>
    %dma_start3A_50 = tpu.memref_slice %arg8[%dma_start3A_43] : memref<3x!tpu.dma_semaphore, #tpu.memory_space<semaphore_mem>> -> memref<1x!tpu.dma_semaphore, #tpu.memory_space<semaphore_mem>>
    %dma_start3A_51 = tpu.memref_squeeze %dma_start3A_50 : memref<1x!tpu.dma_semaphore, #tpu.memory_space<semaphore_mem>> -> memref<!tpu.dma_semaphore, #tpu.memory_space<semaphore_mem>>
    %dma_start3A_52 = arith.constant 0 : i32
    %dma_start3A_53 = tpu.memref_slice %arg4[%add3A_41, %dma_start3A_52] : memref<320000x64xi32, #tpu.memory_space<hbm>> -> memref<128x64xi32, #tpu.memory_space<hbm>>
    %dma_start3A_54 = arith.constant 0 : i32
    %dma_start3A_55 = arith.constant 0 : i32
    %dma_start3A_56 = tpu.memref_slice %arg6[%dma_start3A_42, %dma_start3A_54, %dma_start3A_55] : memref<3x128x64xi32, #tpu.memory_space<vmem>> -> memref<1x128x64xi32, #tpu.memory_space<vmem>>
    %dma_start3A_57 = tpu.memref_squeeze %dma_start3A_56 : memref<1x128x64xi32, #tpu.memory_space<vmem>> -> memref<128x64xi32, #tpu.memory_space<vmem>>
    tpu.enqueue_dma source(%dma_start3A_57 : memref<128x64xi32, #tpu.memory_space<vmem>>) target(%dma_start3A_53 : memref<128x64xi32, #tpu.memory_space<hbm>>) target_semaphore(%dma_start3A_51 : memref<!tpu.dma_semaphore, #tpu.memory_space<semaphore_mem>>)
    %dma_start3A_58 = arith.constant 2 : i32
    %dma_start3A_59 = arith.constant 2 : i32
    %dma_start3A_60 = arith.constant 0 : i32
    %dma_start3A_61 = arith.constant 0 : i32
    %dma_start3A_62 = tpu.memref_slice %arg6[%dma_start3A_58, %dma_start3A_60, %dma_start3A_61] : memref<3x128x64xi32, #tpu.memory_space<vmem>> -> memref<1x128x64xi32, #tpu.memory_space<vmem>>
    %dma_start3A_63 = tpu.memref_squeeze %dma_start3A_62 : memref<1x128x64xi32, #tpu.memory_space<vmem>> -> memref<128x64xi32, #tpu.memory_space<vmem>>
    %dma_start3A_64 = arith.constant 256 : i32
    %dma_start3A_65 = tpu.memref_slice %arg5[%dma_start3A_64] : memref<10000xi32, #tpu.memory_space<vmem>> -> memref<128xi32, #tpu.memory_space<vmem>>
    %dma_start3A_66 = arith.constant 0 : i32
    %dma_start3A_67 = arith.constant 0 : i32
    %dma_start3A_68 = tpu.memref_slice %arg2[%dma_start3A_66, %dma_start3A_67] : memref<10000x64xi32, #tpu.memory_space<hbm>> -> memref<10000x64xi32, #tpu.memory_space<hbm>>
    %dma_start3A_69 = tpu.memref_slice %arg7[%dma_start3A_59] : memref<3x!tpu.dma_semaphore, #tpu.memory_space<semaphore_mem>> -> memref<1x!tpu.dma_semaphore, #tpu.memory_space<semaphore_mem>>
    %dma_start3A_70 = tpu.memref_squeeze %dma_start3A_69 : memref<1x!tpu.dma_semaphore, #tpu.memory_space<semaphore_mem>> -> memref<!tpu.dma_semaphore, #tpu.memory_space<semaphore_mem>>
    tpu.enqueue_indirect_dma source(%dma_start3A_68 : memref<10000x64xi32, #tpu.memory_space<hbm>>) target(%dma_start3A_63 : memref<128x64xi32, #tpu.memory_space<vmem>>) offsets(%dma_start3A_65 : memref<128xi32, #tpu.memory_space<vmem>>) semaphore(%dma_start3A_70 : memref<!tpu.dma_semaphore, #tpu.memory_space<semaphore_mem>>)
    %dma_wait3A_71 = arith.constant 1 : i32
    %dma_wait3A_72 = arith.constant 1 : i32
    %dma_wait3A_73 = arith.constant 0 : i32
    %dma_wait3A_74 = arith.constant 0 : i32
    %dma_wait3A_75 = tpu.memref_slice %arg6[%dma_wait3A_71, %dma_wait3A_73, %dma_wait3A_74] : memref<3x128x64xi32, #tpu.memory_space<vmem>> -> memref<1x128x64xi32, #tpu.memory_space<vmem>>
    %dma_wait3A_76 = tpu.memref_squeeze %dma_wait3A_75 : memref<1x128x64xi32, #tpu.memory_space<vmem>> -> memref<128x64xi32, #tpu.memory_space<vmem>>
    %dma_wait3A_77 = arith.constant 128 : i32
    %dma_wait3A_78 = tpu.memref_slice %arg5[%dma_wait3A_77] : memref<10000xi32, #tpu.memory_space<vmem>> -> memref<128xi32, #tpu.memory_space<vmem>>
    %dma_wait3A_79 = arith.constant 0 : i32
    %dma_wait3A_80 = arith.constant 0 : i32
    %dma_wait3A_81 = tpu.memref_slice %arg2[%dma_wait3A_79, %dma_wait3A_80] : memref<10000x64xi32, #tpu.memory_space<hbm>> -> memref<10000x64xi32, #tpu.memory_space<hbm>>
    %dma_wait3A_82 = tpu.memref_slice %arg7[%dma_wait3A_72] : memref<3x!tpu.dma_semaphore, #tpu.memory_space<semaphore_mem>> -> memref<1x!tpu.dma_semaphore, #tpu.memory_space<semaphore_mem>>
    %dma_wait3A_83 = tpu.memref_squeeze %dma_wait3A_82 : memref<1x!tpu.dma_semaphore, #tpu.memory_space<semaphore_mem>> -> memref<!tpu.dma_semaphore, #tpu.memory_space<semaphore_mem>>
    tpu.wait_indirect_dma semaphore(%dma_wait3A_83 : memref<!tpu.dma_semaphore, #tpu.memory_space<semaphore_mem>>) src(%dma_wait3A_81 : memref<10000x64xi32, #tpu.memory_space<hbm>>) dst(%dma_wait3A_76 : memref<128x64xi32, #tpu.memory_space<vmem>>)
    %add3A_84 = arith.constant 128 : i32
    %add3A_85 = arith.addi %mul3A_2, %add3A_84 : i32
    %dma_start3A_86 = arith.constant 1 : i32
    %dma_start3A_87 = arith.constant 1 : i32
    %dma_start3A_88 = arith.constant 0 : i32
    %dma_start3A_89 = arith.constant 0 : i32
    %dma_start3A_90 = tpu.memref_slice %arg6[%dma_start3A_86, %dma_start3A_88, %dma_start3A_89] : memref<3x128x64xi32, #tpu.memory_space<vmem>> -> memref<1x128x64xi32, #tpu.memory_space<vmem>>
    %dma_start3A_91 = tpu.memref_squeeze %dma_start3A_90 : memref<1x128x64xi32, #tpu.memory_space<vmem>> -> memref<128x64xi32, #tpu.memory_space<vmem>>
    %dma_start3A_92 = arith.constant 0 : i32
    %dma_start3A_93 = tpu.memref_slice %arg4[%add3A_85, %dma_start3A_92] : memref<320000x64xi32, #tpu.memory_space<hbm>> -> memref<128x64xi32, #tpu.memory_space<hbm>>
    %dma_start3A_94 = tpu.memref_slice %arg8[%dma_start3A_87] : memref<3x!tpu.dma_semaphore, #tpu.memory_space<semaphore_mem>> -> memref<1x!tpu.dma_semaphore, #tpu.memory_space<semaphore_mem>>
    %dma_start3A_95 = tpu.memref_squeeze %dma_start3A_94 : memref<1x!tpu.dma_semaphore, #tpu.memory_space<semaphore_mem>> -> memref<!tpu.dma_semaphore, #tpu.memory_space<semaphore_mem>>
    %dma_start3A_96 = arith.constant 0 : i32
    %dma_start3A_97 = tpu.memref_slice %arg4[%add3A_85, %dma_start3A_96] : memref<320000x64xi32, #tpu.memory_space<hbm>> -> memref<128x64xi32, #tpu.memory_space<hbm>>
    %dma_start3A_98 = arith.constant 0 : i32
    %dma_start3A_99 = arith.constant 0 : i32
    %dma_start3A_100 = tpu.memref_slice %arg6[%dma_start3A_86, %dma_start3A_98, %dma_start3A_99] : memref<3x128x64xi32, #tpu.memory_space<vmem>> -> memref<1x128x64xi32, #tpu.memory_space<vmem>>
    %dma_start3A_101 = tpu.memref_squeeze %dma_start3A_100 : memref<1x128x64xi32, #tpu.memory_space<vmem>> -> memref<128x64xi32, #tpu.memory_space<vmem>>
    tpu.enqueue_dma source(%dma_start3A_101 : memref<128x64xi32, #tpu.memory_space<vmem>>) target(%dma_start3A_97 : memref<128x64xi32, #tpu.memory_space<hbm>>) target_semaphore(%dma_start3A_95 : memref<!tpu.dma_semaphore, #tpu.memory_space<semaphore_mem>>)
    %add3A_102 = arith.constant 0 : i32
    %add3A_103 = arith.addi %mul3A_2, %add3A_102 : i32
    %dma_wait3A_104 = arith.constant 0 : i32
    %dma_wait3A_105 = arith.constant 0 : i32
    %dma_wait3A_106 = arith.constant 0 : i32
    %dma_wait3A_107 = arith.constant 0 : i32
    %dma_wait3A_108 = tpu.memref_slice %arg6[%dma_wait3A_104, %dma_wait3A_106, %dma_wait3A_107] : memref<3x128x64xi32, #tpu.memory_space<vmem>> -> memref<1x128x64xi32, #tpu.memory_space<vmem>>
    %dma_wait3A_109 = tpu.memref_squeeze %dma_wait3A_108 : memref<1x128x64xi32, #tpu.memory_space<vmem>> -> memref<128x64xi32, #tpu.memory_space<vmem>>
    %dma_wait3A_110 = arith.constant 0 : i32
    %dma_wait3A_111 = tpu.memref_slice %arg4[%add3A_103, %dma_wait3A_110] : memref<320000x64xi32, #tpu.memory_space<hbm>> -> memref<128x64xi32, #tpu.memory_space<hbm>>
    %dma_wait3A_112 = tpu.memref_slice %arg8[%dma_wait3A_105] : memref<3x!tpu.dma_semaphore, #tpu.memory_space<semaphore_mem>> -> memref<1x!tpu.dma_semaphore, #tpu.memory_space<semaphore_mem>>
    %dma_wait3A_113 = tpu.memref_squeeze %dma_wait3A_112 : memref<1x!tpu.dma_semaphore, #tpu.memory_space<semaphore_mem>> -> memref<!tpu.dma_semaphore, #tpu.memory_space<semaphore_mem>>
    %dma_wait3A_114 = arith.constant 0 : i32
    %dma_wait3A_115 = tpu.memref_slice %arg4[%add3A_103, %dma_wait3A_114] : memref<320000x64xi32, #tpu.memory_space<hbm>> -> memref<128x64xi32, #tpu.memory_space<hbm>>
    %dma_wait3A_116 = arith.constant 0 : i32
    %dma_wait3A_117 = arith.constant 0 : i32
    %dma_wait3A_118 = tpu.memref_slice %arg6[%dma_wait3A_104, %dma_wait3A_116, %dma_wait3A_117] : memref<3x128x64xi32, #tpu.memory_space<vmem>> -> memref<1x128x64xi32, #tpu.memory_space<vmem>>
    %dma_wait3A_119 = tpu.memref_squeeze %dma_wait3A_118 : memref<1x128x64xi32, #tpu.memory_space<vmem>> -> memref<128x64xi32, #tpu.memory_space<vmem>>
    tpu.wait_dma2 semaphore(%dma_wait3A_113 : memref<!tpu.dma_semaphore, #tpu.memory_space<semaphore_mem>>) src(%dma_wait3A_119 : memref<128x64xi32, #tpu.memory_space<vmem>>) dst(%dma_wait3A_115 : memref<128x64xi32, #tpu.memory_space<hbm>>)
    %dma_start3A_120 = arith.constant 0 : i32
    %dma_start3A_121 = arith.constant 0 : i32
    %dma_start3A_122 = arith.constant 0 : i32
    %dma_start3A_123 = arith.constant 0 : i32
    %dma_start3A_124 = tpu.memref_slice %arg6[%dma_start3A_120, %dma_start3A_122, %dma_start3A_123] : memref<3x128x64xi32, #tpu.memory_space<vmem>> -> memref<1x128x64xi32, #tpu.memory_space<vmem>>
    %dma_start3A_125 = tpu.memref_squeeze %dma_start3A_124 : memref<1x128x64xi32, #tpu.memory_space<vmem>> -> memref<128x64xi32, #tpu.memory_space<vmem>>
    %dma_start3A_126 = arith.constant 384 : i32
    %dma_start3A_127 = tpu.memref_slice %arg5[%dma_start3A_126] : memref<10000xi32, #tpu.memory_space<vmem>> -> memref<128xi32, #tpu.memory_space<vmem>>
    %dma_start3A_128 = arith.constant 0 : i32
    %dma_start3A_129 = arith.constant 0 : i32
    %dma_start3A_130 = tpu.memref_slice %arg2[%dma_start3A_128, %dma_start3A_129] : memref<10000x64xi32, #tpu.memory_space<hbm>> -> memref<10000x64xi32, #tpu.memory_space<hbm>>
    %dma_start3A_131 = tpu.memref_slice %arg7[%dma_start3A_121] : memref<3x!tpu.dma_semaphore, #tpu.memory_space<semaphore_mem>> -> memref<1x!tpu.dma_semaphore, #tpu.memory_space<semaphore_mem>>
    %dma_start3A_132 = tpu.memref_squeeze %dma_start3A_131 : memref<1x!tpu.dma_semaphore, #tpu.memory_space<semaphore_mem>> -> memref<!tpu.dma_semaphore, #tpu.memory_space<semaphore_mem>>
    tpu.enqueue_indirect_dma source(%dma_start3A_130 : memref<10000x64xi32, #tpu.memory_space<hbm>>) target(%dma_start3A_125 : memref<128x64xi32, #tpu.memory_space<vmem>>) offsets(%dma_start3A_127 : memref<128xi32, #tpu.memory_space<vmem>>) semaphore(%dma_start3A_132 : memref<!tpu.dma_semaphore, #tpu.memory_space<semaphore_mem>>)
    %dma_wait3A_133 = arith.constant 2 : i32
    %dma_wait3A_134 = arith.constant 2 : i32
    %dma_wait3A_135 = arith.constant 0 : i32
    %dma_wait3A_136 = arith.constant 0 : i32
    %dma_wait3A_137 = tpu.memref_slice %arg6[%dma_wait3A_133, %dma_wait3A_135, %dma_wait3A_136] : memref<3x128x64xi32, #tpu.memory_space<vmem>> -> memref<1x128x64xi32, #tpu.memory_space<vmem>>
    %dma_wait3A_138 = tpu.memref_squeeze %dma_wait3A_137 : memref<1x128x64xi32, #tpu.memory_space<vmem>> -> memref<128x64xi32, #tpu.memory_space<vmem>>
    %dma_wait3A_139 = arith.constant 256 : i32
    %dma_wait3A_140 = tpu.memref_slice %arg5[%dma_wait3A_139] : memref<10000xi32, #tpu.memory_space<vmem>> -> memref<128xi32, #tpu.memory_space<vmem>>
    %dma_wait3A_141 = arith.constant 0 : i32
    %dma_wait3A_142 = arith.constant 0 : i32
    %dma_wait3A_143 = tpu.memref_slice %arg2[%dma_wait3A_141, %dma_wait3A_142] : memref<10000x64xi32, #tpu.memory_space<hbm>> -> memref<10000x64xi32, #tpu.memory_space<hbm>>
    %dma_wait3A_144 = tpu.memref_slice %arg7[%dma_wait3A_134] : memref<3x!tpu.dma_semaphore, #tpu.memory_space<semaphore_mem>> -> memref<1x!tpu.dma_semaphore, #tpu.memory_space<semaphore_mem>>
    %dma_wait3A_145 = tpu.memref_squeeze %dma_wait3A_144 : memref<1x!tpu.dma_semaphore, #tpu.memory_space<semaphore_mem>> -> memref<!tpu.dma_semaphore, #tpu.memory_space<semaphore_mem>>
    tpu.wait_indirect_dma semaphore(%dma_wait3A_145 : memref<!tpu.dma_semaphore, #tpu.memory_space<semaphore_mem>>) src(%dma_wait3A_143 : memref<10000x64xi32, #tpu.memory_space<hbm>>) dst(%dma_wait3A_138 : memref<128x64xi32, #tpu.memory_space<vmem>>)
    %add3A_146 = arith.constant 256 : i32
    %add3A_147 = arith.addi %mul3A_2, %add3A_146 : i32
    %dma_start3A_148 = arith.constant 2 : i32
    %dma_start3A_149 = arith.constant 2 : i32
    %dma_start3A_150 = arith.constant 0 : i32
    %dma_start3A_151 = arith.constant 0 : i32
    %dma_start3A_152 = tpu.memref_slice %arg6[%dma_start3A_148, %dma_start3A_150, %dma_start3A_151] : memref<3x128x64xi32, #tpu.memory_space<vmem>> -> memref<1x128x64xi32, #tpu.memory_space<vmem>>
    %dma_start3A_153 = tpu.memref_squeeze %dma_start3A_152 : memref<1x128x64xi32, #tpu.memory_space<vmem>> -> memref<128x64xi32, #tpu.memory_space<vmem>>
    %dma_start3A_154 = arith.constant 0 : i32
    %dma_start3A_155 = tpu.memref_slice %arg4[%add3A_147, %dma_start3A_154] : memref<320000x64xi32, #tpu.memory_space<hbm>> -> memref<128x64xi32, #tpu.memory_space<hbm>>
    %dma_start3A_156 = tpu.memref_slice %arg8[%dma_start3A_149] : memref<3x!tpu.dma_semaphore, #tpu.memory_space<semaphore_mem>> -> memref<1x!tpu.dma_semaphore, #tpu.memory_space<semaphore_mem>>
    %dma_start3A_157 = tpu.memref_squeeze %dma_start3A_156 : memref<1x!tpu.dma_semaphore, #tpu.memory_space<semaphore_mem>> -> memref<!tpu.dma_semaphore, #tpu.memory_space<semaphore_mem>>
    %dma_start3A_158 = arith.constant 0 : i32
    %dma_start3A_159 = tpu.memref_slice %arg4[%add3A_147, %dma_start3A_158] : memref<320000x64xi32, #tpu.memory_space<hbm>> -> memref<128x64xi32, #tpu.memory_space<hbm>>
    %dma_start3A_160 = arith.constant 0 : i32
    %dma_start3A_161 = arith.constant 0 : i32
    %dma_start3A_162 = tpu.memref_slice %arg6[%dma_start3A_148, %dma_start3A_160, %dma_start3A_161] : memref<3x128x64xi32, #tpu.memory_space<vmem>> -> memref<1x128x64xi32, #tpu.memory_space<vmem>>
    %dma_start3A_163 = tpu.memref_squeeze %dma_start3A_162 : memref<1x128x64xi32, #tpu.memory_space<vmem>> -> memref<128x64xi32, #tpu.memory_space<vmem>>
    tpu.enqueue_dma source(%dma_start3A_163 : memref<128x64xi32, #tpu.memory_space<vmem>>) target(%dma_start3A_159 : memref<128x64xi32, #tpu.memory_space<hbm>>) target_semaphore(%dma_start3A_157 : memref<!tpu.dma_semaphore, #tpu.memory_space<semaphore_mem>>)
    %add3A_164 = arith.constant 128 : i32
    %add3A_165 = arith.addi %mul3A_2, %add3A_164 : i32
    %dma_wait3A_166 = arith.constant 1 : i32
    %dma_wait3A_167 = arith.constant 1 : i32
    %dma_wait3A_168 = arith.constant 0 : i32
    %dma_wait3A_169 = arith.constant 0 : i32
    %dma_wait3A_170 = tpu.memref_slice %arg6[%dma_wait3A_166, %dma_wait3A_168, %dma_wait3A_169] : memref<3x128x64xi32, #tpu.memory_space<vmem>> -> memref<1x128x64xi32, #tpu.memory_space<vmem>>
    %dma_wait3A_171 = tpu.memref_squeeze %dma_wait3A_170 : memref<1x128x64xi32, #tpu.memory_space<vmem>> -> memref<128x64xi32, #tpu.memory_space<vmem>>
    %dma_wait3A_172 = arith.constant 0 : i32
    %dma_wait3A_173 = tpu.memref_slice %arg4[%add3A_165, %dma_wait3A_172] : memref<320000x64xi32, #tpu.memory_space<hbm>> -> memref<128x64xi32, #tpu.memory_space<hbm>>
    %dma_wait3A_174 = tpu.memref_slice %arg8[%dma_wait3A_167] : memref<3x!tpu.dma_semaphore, #tpu.memory_space<semaphore_mem>> -> memref<1x!tpu.dma_semaphore, #tpu.memory_space<semaphore_mem>>
    %dma_wait3A_175 = tpu.memref_squeeze %dma_wait3A_174 : memref<1x!tpu.dma_semaphore, #tpu.memory_space<semaphore_mem>> -> memref<!tpu.dma_semaphore, #tpu.memory_space<semaphore_mem>>
    %dma_wait3A_176 = arith.constant 0 : i32
    %dma_wait3A_177 = tpu.memref_slice %arg4[%add3A_165, %dma_wait3A_176] : memref<320000x64xi32, #tpu.memory_space<hbm>> -> memref<128x64xi32, #tpu.memory_space<hbm>>
    %dma_wait3A_178 = arith.constant 0 : i32
    %dma_wait3A_179 = arith.constant 0 : i32
    %dma_wait3A_180 = tpu.memref_slice %arg6[%dma_wait3A_166, %dma_wait3A_178, %dma_wait3A_179] : memref<3x128x64xi32, #tpu.memory_space<vmem>> -> memref<1x128x64xi32, #tpu.memory_space<vmem>>
    %dma_wait3A_181 = tpu.memref_squeeze %dma_wait3A_180 : memref<1x128x64xi32, #tpu.memory_space<vmem>> -> memref<128x64xi32, #tpu.memory_space<vmem>>
    tpu.wait_dma2 semaphore(%dma_wait3A_175 : memref<!tpu.dma_semaphore, #tpu.memory_space<semaphore_mem>>) src(%dma_wait3A_181 : memref<128x64xi32, #tpu.memory_space<vmem>>) dst(%dma_wait3A_177 : memref<128x64xi32, #tpu.memory_space<hbm>>)
    %dma_start3A_182 = arith.constant 1 : i32
    %dma_start3A_183 = arith.constant 1 : i32
    %dma_start3A_184 = arith.constant 0 : i32
    %dma_start3A_185 = arith.constant 0 : i32
    %dma_start3A_186 = tpu.memref_slice %arg6[%dma_start3A_182, %dma_start3A_184, %dma_start3A_185] : memref<3x128x64xi32, #tpu.memory_space<vmem>> -> memref<1x128x64xi32, #tpu.memory_space<vmem>>
    %dma_start3A_187 = tpu.memref_squeeze %dma_start3A_186 : memref<1x128x64xi32, #tpu.memory_space<vmem>> -> memref<128x64xi32, #tpu.memory_space<vmem>>
    %dma_start3A_188 = arith.constant 512 : i32
    %dma_start3A_189 = tpu.memref_slice %arg5[%dma_start3A_188] : memref<10000xi32, #tpu.memory_space<vmem>> -> memref<128xi32, #tpu.memory_space<vmem>>
    %dma_start3A_190 = arith.constant 0 : i32
    %dma_start3A_191 = arith.constant 0 : i32
    %dma_start3A_192 = tpu.memref_slice %arg2[%dma_start3A_190, %dma_start3A_191] : memref<10000x64xi32, #tpu.memory_space<hbm>> -> memref<10000x64xi32, #tpu.memory_space<hbm>>
    %dma_start3A_193 = tpu.memref_slice %arg7[%dma_start3A_183] : memref<3x!tpu.dma_semaphore, #tpu.memory_space<semaphore_mem>> -> memref<1x!tpu.dma_semaphore, #tpu.memory_space<semaphore_mem>>
    %dma_start3A_194 = tpu.memref_squeeze %dma_start3A_193 : memref<1x!tpu.dma_semaphore, #tpu.memory_space<semaphore_mem>> -> memref<!tpu.dma_semaphore, #tpu.memory_space<semaphore_mem>>
    tpu.enqueue_indirect_dma source(%dma_start3A_192 : memref<10000x64xi32, #tpu.memory_space<hbm>>) target(%dma_start3A_187 : memref<128x64xi32, #tpu.memory_space<vmem>>) offsets(%dma_start3A_189 : memref<128xi32, #tpu.memory_space<vmem>>) semaphore(%dma_start3A_194 : memref<!tpu.dma_semaphore, #tpu.memory_space<semaphore_mem>>)
    %scan3A = arith.constant 0 : i32
    %scan3A_195 = arith.constant 25 : i32
    %scan3A_196 = arith.addi %scan3A, %scan3A_195 : i32
    %scan3A_197 = arith.constant 1 : i32
    scf.for %scan3A_287 = %scan3A to %scan3A_196 step %scan3A_197  : i32 {
      %mul3A_288 = arith.constant 1 : i32
      %mul3A_289 = arith.muli %scan3A_287, %mul3A_288 : i32
      %add3A_290 = arith.constant 1 : i32
      %add3A_291 = arith.addi %add3A_290, %mul3A_289 : i32
      %mul3A_292 = arith.constant 3 : i32
      %mul3A_293 = arith.muli %add3A_291, %mul3A_292 : i32
      %mul3A_294 = arith.constant 128 : i32
      %mul3A_295 = arith.muli %mul3A_293, %mul3A_294 : i32
      %dma_wait3A_296 = arith.constant 0 : i32
      %dma_wait3A_297 = arith.constant 0 : i32
      %dma_wait3A_298 = arith.constant 0 : i32
      %dma_wait3A_299 = arith.constant 0 : i32
      %dma_wait3A_300 = tpu.memref_slice %arg6[%dma_wait3A_296, %dma_wait3A_298, %dma_wait3A_299] : memref<3x128x64xi32, #tpu.memory_space<vmem>> -> memref<1x128x64xi32, #tpu.memory_space<vmem>>
      %dma_wait3A_301 = tpu.memref_squeeze %dma_wait3A_300 : memref<1x128x64xi32, #tpu.memory_space<vmem>> -> memref<128x64xi32, #tpu.memory_space<vmem>>
      %dma_wait3A_302 = tpu.memref_slice %arg5[%mul3A_295] : memref<10000xi32, #tpu.memory_space<vmem>> -> memref<128xi32, #tpu.memory_space<vmem>>
      %dma_wait3A_303 = arith.constant 0 : i32
      %dma_wait3A_304 = arith.constant 0 : i32
      %dma_wait3A_305 = tpu.memref_slice %arg2[%dma_wait3A_303, %dma_wait3A_304] : memref<10000x64xi32, #tpu.memory_space<hbm>> -> memref<10000x64xi32, #tpu.memory_space<hbm>>
      %dma_wait3A_306 = tpu.memref_slice %arg7[%dma_wait3A_297] : memref<3x!tpu.dma_semaphore, #tpu.memory_space<semaphore_mem>> -> memref<1x!tpu.dma_semaphore, #tpu.memory_space<semaphore_mem>>
      %dma_wait3A_307 = tpu.memref_squeeze %dma_wait3A_306 : memref<1x!tpu.dma_semaphore, #tpu.memory_space<semaphore_mem>> -> memref<!tpu.dma_semaphore, #tpu.memory_space<semaphore_mem>>
      tpu.wait_indirect_dma semaphore(%dma_wait3A_307 : memref<!tpu.dma_semaphore, #tpu.memory_space<semaphore_mem>>) src(%dma_wait3A_305 : memref<10000x64xi32, #tpu.memory_space<hbm>>) dst(%dma_wait3A_301 : memref<128x64xi32, #tpu.memory_space<vmem>>)
      %mul3A_308 = arith.constant 128 : i32
      %mul3A_309 = arith.muli %mul3A_293, %mul3A_308 : i32
      %add3A_310 = arith.addi %mul3A_2, %mul3A_309 : i32
      %dma_start3A_311 = arith.constant 0 : i32
      %dma_start3A_312 = arith.constant 0 : i32
      %dma_start3A_313 = arith.constant 0 : i32
      %dma_start3A_314 = arith.constant 0 : i32
      %dma_start3A_315 = tpu.memref_slice %arg6[%dma_start3A_311, %dma_start3A_313, %dma_start3A_314] : memref<3x128x64xi32, #tpu.memory_space<vmem>> -> memref<1x128x64xi32, #tpu.memory_space<vmem>>
      %dma_start3A_316 = tpu.memref_squeeze %dma_start3A_315 : memref<1x128x64xi32, #tpu.memory_space<vmem>> -> memref<128x64xi32, #tpu.memory_space<vmem>>
      %dma_start3A_317 = arith.constant 0 : i32
      %dma_start3A_318 = tpu.memref_slice %arg4[%add3A_310, %dma_start3A_317] : memref<320000x64xi32, #tpu.memory_space<hbm>> -> memref<128x64xi32, #tpu.memory_space<hbm>>
      %dma_start3A_319 = tpu.memref_slice %arg8[%dma_start3A_312] : memref<3x!tpu.dma_semaphore, #tpu.memory_space<semaphore_mem>> -> memref<1x!tpu.dma_semaphore, #tpu.memory_space<semaphore_mem>>
      %dma_start3A_320 = tpu.memref_squeeze %dma_start3A_319 : memref<1x!tpu.dma_semaphore, #tpu.memory_space<semaphore_mem>> -> memref<!tpu.dma_semaphore, #tpu.memory_space<semaphore_mem>>
      %dma_start3A_321 = arith.constant 0 : i32
      %dma_start3A_322 = tpu.memref_slice %arg4[%add3A_310, %dma_start3A_321] : memref<320000x64xi32, #tpu.memory_space<hbm>> -> memref<128x64xi32, #tpu.memory_space<hbm>>
      %dma_start3A_323 = arith.constant 0 : i32
      %dma_start3A_324 = arith.constant 0 : i32
      %dma_start3A_325 = tpu.memref_slice %arg6[%dma_start3A_311, %dma_start3A_323, %dma_start3A_324] : memref<3x128x64xi32, #tpu.memory_space<vmem>> -> memref<1x128x64xi32, #tpu.memory_space<vmem>>
      %dma_start3A_326 = tpu.memref_squeeze %dma_start3A_325 : memref<1x128x64xi32, #tpu.memory_space<vmem>> -> memref<128x64xi32, #tpu.memory_space<vmem>>
      tpu.enqueue_dma source(%dma_start3A_326 : memref<128x64xi32, #tpu.memory_space<vmem>>) target(%dma_start3A_322 : memref<128x64xi32, #tpu.memory_space<hbm>>) target_semaphore(%dma_start3A_320 : memref<!tpu.dma_semaphore, #tpu.memory_space<semaphore_mem>>)
      %add3A_327 = arith.constant 2 : i32
      %add3A_328 = arith.addi %mul3A_293, %add3A_327 : i32
      %lt3A = arith.constant 78 : i32
      %lt3A_329 = arith.cmpi slt, %add3A_328, %lt3A : i32
      %convert_element_type3A = arith.extui %lt3A_329 : i1 to i32
      %cond3A = arith.constant 0 : i32
      %cond3A_330 = arith.cmpi ne, %convert_element_type3A, %cond3A : i32
      scf.if %cond3A_330 {
        %sub3A = arith.constant 3 : i32
        %sub3A_415 = arith.subi %add3A_328, %sub3A : i32
        %mul3A_416 = arith.constant 128 : i32
        %mul3A_417 = arith.muli %sub3A_415, %mul3A_416 : i32
        %add3A_418 = arith.addi %mul3A_2, %mul3A_417 : i32
        %dma_wait3A_419 = arith.constant 2 : i32
        %dma_wait3A_420 = arith.constant 2 : i32
        %dma_wait3A_421 = arith.constant 0 : i32
        %dma_wait3A_422 = arith.constant 0 : i32
        %dma_wait3A_423 = tpu.memref_slice %arg6[%dma_wait3A_419, %dma_wait3A_421, %dma_wait3A_422] : memref<3x128x64xi32, #tpu.memory_space<vmem>> -> memref<1x128x64xi32, #tpu.memory_space<vmem>>
        %dma_wait3A_424 = tpu.memref_squeeze %dma_wait3A_423 : memref<1x128x64xi32, #tpu.memory_space<vmem>> -> memref<128x64xi32, #tpu.memory_space<vmem>>
        %dma_wait3A_425 = arith.constant 0 : i32
        %dma_wait3A_426 = tpu.memref_slice %arg4[%add3A_418, %dma_wait3A_425] : memref<320000x64xi32, #tpu.memory_space<hbm>> -> memref<128x64xi32, #tpu.memory_space<hbm>>
        %dma_wait3A_427 = tpu.memref_slice %arg8[%dma_wait3A_420] : memref<3x!tpu.dma_semaphore, #tpu.memory_space<semaphore_mem>> -> memref<1x!tpu.dma_semaphore, #tpu.memory_space<semaphore_mem>>
        %dma_wait3A_428 = tpu.memref_squeeze %dma_wait3A_427 : memref<1x!tpu.dma_semaphore, #tpu.memory_space<semaphore_mem>> -> memref<!tpu.dma_semaphore, #tpu.memory_space<semaphore_mem>>
        %dma_wait3A_429 = arith.constant 0 : i32
        %dma_wait3A_430 = tpu.memref_slice %arg4[%add3A_418, %dma_wait3A_429] : memref<320000x64xi32, #tpu.memory_space<hbm>> -> memref<128x64xi32, #tpu.memory_space<hbm>>
        %dma_wait3A_431 = arith.constant 0 : i32
        %dma_wait3A_432 = arith.constant 0 : i32
        %dma_wait3A_433 = tpu.memref_slice %arg6[%dma_wait3A_419, %dma_wait3A_431, %dma_wait3A_432] : memref<3x128x64xi32, #tpu.memory_space<vmem>> -> memref<1x128x64xi32, #tpu.memory_space<vmem>>
        %dma_wait3A_434 = tpu.memref_squeeze %dma_wait3A_433 : memref<1x128x64xi32, #tpu.memory_space<vmem>> -> memref<128x64xi32, #tpu.memory_space<vmem>>
        tpu.wait_dma2 semaphore(%dma_wait3A_428 : memref<!tpu.dma_semaphore, #tpu.memory_space<semaphore_mem>>) src(%dma_wait3A_434 : memref<128x64xi32, #tpu.memory_space<vmem>>) dst(%dma_wait3A_430 : memref<128x64xi32, #tpu.memory_space<hbm>>)
        %mul3A_435 = arith.constant 128 : i32
        %mul3A_436 = arith.muli %add3A_328, %mul3A_435 : i32
        %dma_start3A_437 = arith.constant 2 : i32
        %dma_start3A_438 = arith.constant 2 : i32
        %dma_start3A_439 = arith.constant 0 : i32
        %dma_start3A_440 = arith.constant 0 : i32
        %dma_start3A_441 = tpu.memref_slice %arg6[%dma_start3A_437, %dma_start3A_439, %dma_start3A_440] : memref<3x128x64xi32, #tpu.memory_space<vmem>> -> memref<1x128x64xi32, #tpu.memory_space<vmem>>
        %dma_start3A_442 = tpu.memref_squeeze %dma_start3A_441 : memref<1x128x64xi32, #tpu.memory_space<vmem>> -> memref<128x64xi32, #tpu.memory_space<vmem>>
        %dma_start3A_443 = tpu.memref_slice %arg5[%mul3A_436] : memref<10000xi32, #tpu.memory_space<vmem>> -> memref<128xi32, #tpu.memory_space<vmem>>
        %dma_start3A_444 = arith.constant 0 : i32
        %dma_start3A_445 = arith.constant 0 : i32
        %dma_start3A_446 = tpu.memref_slice %arg2[%dma_start3A_444, %dma_start3A_445] : memref<10000x64xi32, #tpu.memory_space<hbm>> -> memref<10000x64xi32, #tpu.memory_space<hbm>>
        %dma_start3A_447 = tpu.memref_slice %arg7[%dma_start3A_438] : memref<3x!tpu.dma_semaphore, #tpu.memory_space<semaphore_mem>> -> memref<1x!tpu.dma_semaphore, #tpu.memory_space<semaphore_mem>>
        %dma_start3A_448 = tpu.memref_squeeze %dma_start3A_447 : memref<1x!tpu.dma_semaphore, #tpu.memory_space<semaphore_mem>> -> memref<!tpu.dma_semaphore, #tpu.memory_space<semaphore_mem>>
        tpu.enqueue_indirect_dma source(%dma_start3A_446 : memref<10000x64xi32, #tpu.memory_space<hbm>>) target(%dma_start3A_442 : memref<128x64xi32, #tpu.memory_space<vmem>>) offsets(%dma_start3A_443 : memref<128xi32, #tpu.memory_space<vmem>>) semaphore(%dma_start3A_448 : memref<!tpu.dma_semaphore, #tpu.memory_space<semaphore_mem>>)
      } else {
      }
      %add3A_331 = arith.constant 1 : i32
      %add3A_332 = arith.addi %mul3A_293, %add3A_331 : i32
      %mul3A_333 = arith.constant 128 : i32
      %mul3A_334 = arith.muli %add3A_332, %mul3A_333 : i32
      %dma_wait3A_335 = arith.constant 1 : i32
      %dma_wait3A_336 = arith.constant 1 : i32
      %dma_wait3A_337 = arith.constant 0 : i32
      %dma_wait3A_338 = arith.constant 0 : i32
      %dma_wait3A_339 = tpu.memref_slice %arg6[%dma_wait3A_335, %dma_wait3A_337, %dma_wait3A_338] : memref<3x128x64xi32, #tpu.memory_space<vmem>> -> memref<1x128x64xi32, #tpu.memory_space<vmem>>
      %dma_wait3A_340 = tpu.memref_squeeze %dma_wait3A_339 : memref<1x128x64xi32, #tpu.memory_space<vmem>> -> memref<128x64xi32, #tpu.memory_space<vmem>>
      %dma_wait3A_341 = tpu.memref_slice %arg5[%mul3A_334] : memref<10000xi32, #tpu.memory_space<vmem>> -> memref<128xi32, #tpu.memory_space<vmem>>
      %dma_wait3A_342 = arith.constant 0 : i32
      %dma_wait3A_343 = arith.constant 0 : i32
      %dma_wait3A_344 = tpu.memref_slice %arg2[%dma_wait3A_342, %dma_wait3A_343] : memref<10000x64xi32, #tpu.memory_space<hbm>> -> memref<10000x64xi32, #tpu.memory_space<hbm>>
      %dma_wait3A_345 = tpu.memref_slice %arg7[%dma_wait3A_336] : memref<3x!tpu.dma_semaphore, #tpu.memory_space<semaphore_mem>> -> memref<1x!tpu.dma_semaphore, #tpu.memory_space<semaphore_mem>>
      %dma_wait3A_346 = tpu.memref_squeeze %dma_wait3A_345 : memref<1x!tpu.dma_semaphore, #tpu.memory_space<semaphore_mem>> -> memref<!tpu.dma_semaphore, #tpu.memory_space<semaphore_mem>>
      tpu.wait_indirect_dma semaphore(%dma_wait3A_346 : memref<!tpu.dma_semaphore, #tpu.memory_space<semaphore_mem>>) src(%dma_wait3A_344 : memref<10000x64xi32, #tpu.memory_space<hbm>>) dst(%dma_wait3A_340 : memref<128x64xi32, #tpu.memory_space<vmem>>)
      %mul3A_347 = arith.constant 128 : i32
      %mul3A_348 = arith.muli %add3A_332, %mul3A_347 : i32
      %add3A_349 = arith.addi %mul3A_2, %mul3A_348 : i32
      %dma_start3A_350 = arith.constant 1 : i32
      %dma_start3A_351 = arith.constant 1 : i32
      %dma_start3A_352 = arith.constant 0 : i32
      %dma_start3A_353 = arith.constant 0 : i32
      %dma_start3A_354 = tpu.memref_slice %arg6[%dma_start3A_350, %dma_start3A_352, %dma_start3A_353] : memref<3x128x64xi32, #tpu.memory_space<vmem>> -> memref<1x128x64xi32, #tpu.memory_space<vmem>>
      %dma_start3A_355 = tpu.memref_squeeze %dma_start3A_354 : memref<1x128x64xi32, #tpu.memory_space<vmem>> -> memref<128x64xi32, #tpu.memory_space<vmem>>
      %dma_start3A_356 = arith.constant 0 : i32
      %dma_start3A_357 = tpu.memref_slice %arg4[%add3A_349, %dma_start3A_356] : memref<320000x64xi32, #tpu.memory_space<hbm>> -> memref<128x64xi32, #tpu.memory_space<hbm>>
      %dma_start3A_358 = tpu.memref_slice %arg8[%dma_start3A_351] : memref<3x!tpu.dma_semaphore, #tpu.memory_space<semaphore_mem>> -> memref<1x!tpu.dma_semaphore, #tpu.memory_space<semaphore_mem>>
      %dma_start3A_359 = tpu.memref_squeeze %dma_start3A_358 : memref<1x!tpu.dma_semaphore, #tpu.memory_space<semaphore_mem>> -> memref<!tpu.dma_semaphore, #tpu.memory_space<semaphore_mem>>
      %dma_start3A_360 = arith.constant 0 : i32
      %dma_start3A_361 = tpu.memref_slice %arg4[%add3A_349, %dma_start3A_360] : memref<320000x64xi32, #tpu.memory_space<hbm>> -> memref<128x64xi32, #tpu.memory_space<hbm>>
      %dma_start3A_362 = arith.constant 0 : i32
      %dma_start3A_363 = arith.constant 0 : i32
      %dma_start3A_364 = tpu.memref_slice %arg6[%dma_start3A_350, %dma_start3A_362, %dma_start3A_363] : memref<3x128x64xi32, #tpu.memory_space<vmem>> -> memref<1x128x64xi32, #tpu.memory_space<vmem>>
      %dma_start3A_365 = tpu.memref_squeeze %dma_start3A_364 : memref<1x128x64xi32, #tpu.memory_space<vmem>> -> memref<128x64xi32, #tpu.memory_space<vmem>>
      tpu.enqueue_dma source(%dma_start3A_365 : memref<128x64xi32, #tpu.memory_space<vmem>>) target(%dma_start3A_361 : memref<128x64xi32, #tpu.memory_space<hbm>>) target_semaphore(%dma_start3A_359 : memref<!tpu.dma_semaphore, #tpu.memory_space<semaphore_mem>>)
      %add3A_366 = arith.constant 2 : i32
      %add3A_367 = arith.addi %add3A_332, %add3A_366 : i32
      %lt3A_368 = arith.constant 78 : i32
      %lt3A_369 = arith.cmpi slt, %add3A_367, %lt3A_368 : i32
      %convert_element_type3A_370 = arith.extui %lt3A_369 : i1 to i32
      %cond3A_371 = arith.constant 0 : i32
      %cond3A_372 = arith.cmpi ne, %convert_element_type3A_370, %cond3A_371 : i32
      scf.if %cond3A_372 {
        %sub3A = arith.constant 3 : i32
        %sub3A_415 = arith.subi %add3A_367, %sub3A : i32
        %mul3A_416 = arith.constant 128 : i32
        %mul3A_417 = arith.muli %sub3A_415, %mul3A_416 : i32
        %add3A_418 = arith.addi %mul3A_2, %mul3A_417 : i32
        %dma_wait3A_419 = arith.constant 0 : i32
        %dma_wait3A_420 = arith.constant 0 : i32
        %dma_wait3A_421 = arith.constant 0 : i32
        %dma_wait3A_422 = arith.constant 0 : i32
        %dma_wait3A_423 = tpu.memref_slice %arg6[%dma_wait3A_419, %dma_wait3A_421, %dma_wait3A_422] : memref<3x128x64xi32, #tpu.memory_space<vmem>> -> memref<1x128x64xi32, #tpu.memory_space<vmem>>
        %dma_wait3A_424 = tpu.memref_squeeze %dma_wait3A_423 : memref<1x128x64xi32, #tpu.memory_space<vmem>> -> memref<128x64xi32, #tpu.memory_space<vmem>>
        %dma_wait3A_425 = arith.constant 0 : i32
        %dma_wait3A_426 = tpu.memref_slice %arg4[%add3A_418, %dma_wait3A_425] : memref<320000x64xi32, #tpu.memory_space<hbm>> -> memref<128x64xi32, #tpu.memory_space<hbm>>
        %dma_wait3A_427 = tpu.memref_slice %arg8[%dma_wait3A_420] : memref<3x!tpu.dma_semaphore, #tpu.memory_space<semaphore_mem>> -> memref<1x!tpu.dma_semaphore, #tpu.memory_space<semaphore_mem>>
        %dma_wait3A_428 = tpu.memref_squeeze %dma_wait3A_427 : memref<1x!tpu.dma_semaphore, #tpu.memory_space<semaphore_mem>> -> memref<!tpu.dma_semaphore, #tpu.memory_space<semaphore_mem>>
        %dma_wait3A_429 = arith.constant 0 : i32
        %dma_wait3A_430 = tpu.memref_slice %arg4[%add3A_418, %dma_wait3A_429] : memref<320000x64xi32, #tpu.memory_space<hbm>> -> memref<128x64xi32, #tpu.memory_space<hbm>>
        %dma_wait3A_431 = arith.constant 0 : i32
        %dma_wait3A_432 = arith.constant 0 : i32
        %dma_wait3A_433 = tpu.memref_slice %arg6[%dma_wait3A_419, %dma_wait3A_431, %dma_wait3A_432] : memref<3x128x64xi32, #tpu.memory_space<vmem>> -> memref<1x128x64xi32, #tpu.memory_space<vmem>>
        %dma_wait3A_434 = tpu.memref_squeeze %dma_wait3A_433 : memref<1x128x64xi32, #tpu.memory_space<vmem>> -> memref<128x64xi32, #tpu.memory_space<vmem>>
        tpu.wait_dma2 semaphore(%dma_wait3A_428 : memref<!tpu.dma_semaphore, #tpu.memory_space<semaphore_mem>>) src(%dma_wait3A_434 : memref<128x64xi32, #tpu.memory_space<vmem>>) dst(%dma_wait3A_430 : memref<128x64xi32, #tpu.memory_space<hbm>>)
        %mul3A_435 = arith.constant 128 : i32
        %mul3A_436 = arith.muli %add3A_367, %mul3A_435 : i32
        %dma_start3A_437 = arith.constant 0 : i32
        %dma_start3A_438 = arith.constant 0 : i32
        %dma_start3A_439 = arith.constant 0 : i32
        %dma_start3A_440 = arith.constant 0 : i32
        %dma_start3A_441 = tpu.memref_slice %arg6[%dma_start3A_437, %dma_start3A_439, %dma_start3A_440] : memref<3x128x64xi32, #tpu.memory_space<vmem>> -> memref<1x128x64xi32, #tpu.memory_space<vmem>>
        %dma_start3A_442 = tpu.memref_squeeze %dma_start3A_441 : memref<1x128x64xi32, #tpu.memory_space<vmem>> -> memref<128x64xi32, #tpu.memory_space<vmem>>
        %dma_start3A_443 = tpu.memref_slice %arg5[%mul3A_436] : memref<10000xi32, #tpu.memory_space<vmem>> -> memref<128xi32, #tpu.memory_space<vmem>>
        %dma_start3A_444 = arith.constant 0 : i32
        %dma_start3A_445 = arith.constant 0 : i32
        %dma_start3A_446 = tpu.memref_slice %arg2[%dma_start3A_444, %dma_start3A_445] : memref<10000x64xi32, #tpu.memory_space<hbm>> -> memref<10000x64xi32, #tpu.memory_space<hbm>>
        %dma_start3A_447 = tpu.memref_slice %arg7[%dma_start3A_438] : memref<3x!tpu.dma_semaphore, #tpu.memory_space<semaphore_mem>> -> memref<1x!tpu.dma_semaphore, #tpu.memory_space<semaphore_mem>>
        %dma_start3A_448 = tpu.memref_squeeze %dma_start3A_447 : memref<1x!tpu.dma_semaphore, #tpu.memory_space<semaphore_mem>> -> memref<!tpu.dma_semaphore, #tpu.memory_space<semaphore_mem>>
        tpu.enqueue_indirect_dma source(%dma_start3A_446 : memref<10000x64xi32, #tpu.memory_space<hbm>>) target(%dma_start3A_442 : memref<128x64xi32, #tpu.memory_space<vmem>>) offsets(%dma_start3A_443 : memref<128xi32, #tpu.memory_space<vmem>>) semaphore(%dma_start3A_448 : memref<!tpu.dma_semaphore, #tpu.memory_space<semaphore_mem>>)
      } else {
      }
      %add3A_373 = arith.constant 2 : i32
      %add3A_374 = arith.addi %mul3A_293, %add3A_373 : i32
      %mul3A_375 = arith.constant 128 : i32
      %mul3A_376 = arith.muli %add3A_374, %mul3A_375 : i32
      %dma_wait3A_377 = arith.constant 2 : i32
      %dma_wait3A_378 = arith.constant 2 : i32
      %dma_wait3A_379 = arith.constant 0 : i32
      %dma_wait3A_380 = arith.constant 0 : i32
      %dma_wait3A_381 = tpu.memref_slice %arg6[%dma_wait3A_377, %dma_wait3A_379, %dma_wait3A_380] : memref<3x128x64xi32, #tpu.memory_space<vmem>> -> memref<1x128x64xi32, #tpu.memory_space<vmem>>
      %dma_wait3A_382 = tpu.memref_squeeze %dma_wait3A_381 : memref<1x128x64xi32, #tpu.memory_space<vmem>> -> memref<128x64xi32, #tpu.memory_space<vmem>>
      %dma_wait3A_383 = tpu.memref_slice %arg5[%mul3A_376] : memref<10000xi32, #tpu.memory_space<vmem>> -> memref<128xi32, #tpu.memory_space<vmem>>
      %dma_wait3A_384 = arith.constant 0 : i32
      %dma_wait3A_385 = arith.constant 0 : i32
      %dma_wait3A_386 = tpu.memref_slice %arg2[%dma_wait3A_384, %dma_wait3A_385] : memref<10000x64xi32, #tpu.memory_space<hbm>> -> memref<10000x64xi32, #tpu.memory_space<hbm>>
      %dma_wait3A_387 = tpu.memref_slice %arg7[%dma_wait3A_378] : memref<3x!tpu.dma_semaphore, #tpu.memory_space<semaphore_mem>> -> memref<1x!tpu.dma_semaphore, #tpu.memory_space<semaphore_mem>>
      %dma_wait3A_388 = tpu.memref_squeeze %dma_wait3A_387 : memref<1x!tpu.dma_semaphore, #tpu.memory_space<semaphore_mem>> -> memref<!tpu.dma_semaphore, #tpu.memory_space<semaphore_mem>>
      tpu.wait_indirect_dma semaphore(%dma_wait3A_388 : memref<!tpu.dma_semaphore, #tpu.memory_space<semaphore_mem>>) src(%dma_wait3A_386 : memref<10000x64xi32, #tpu.memory_space<hbm>>) dst(%dma_wait3A_382 : memref<128x64xi32, #tpu.memory_space<vmem>>)
      %mul3A_389 = arith.constant 128 : i32
      %mul3A_390 = arith.muli %add3A_374, %mul3A_389 : i32
      %add3A_391 = arith.addi %mul3A_2, %mul3A_390 : i32
      %dma_start3A_392 = arith.constant 2 : i32
      %dma_start3A_393 = arith.constant 2 : i32
      %dma_start3A_394 = arith.constant 0 : i32
      %dma_start3A_395 = arith.constant 0 : i32
      %dma_start3A_396 = tpu.memref_slice %arg6[%dma_start3A_392, %dma_start3A_394, %dma_start3A_395] : memref<3x128x64xi32, #tpu.memory_space<vmem>> -> memref<1x128x64xi32, #tpu.memory_space<vmem>>
      %dma_start3A_397 = tpu.memref_squeeze %dma_start3A_396 : memref<1x128x64xi32, #tpu.memory_space<vmem>> -> memref<128x64xi32, #tpu.memory_space<vmem>>
      %dma_start3A_398 = arith.constant 0 : i32
      %dma_start3A_399 = tpu.memref_slice %arg4[%add3A_391, %dma_start3A_398] : memref<320000x64xi32, #tpu.memory_space<hbm>> -> memref<128x64xi32, #tpu.memory_space<hbm>>
      %dma_start3A_400 = tpu.memref_slice %arg8[%dma_start3A_393] : memref<3x!tpu.dma_semaphore, #tpu.memory_space<semaphore_mem>> -> memref<1x!tpu.dma_semaphore, #tpu.memory_space<semaphore_mem>>
      %dma_start3A_401 = tpu.memref_squeeze %dma_start3A_400 : memref<1x!tpu.dma_semaphore, #tpu.memory_space<semaphore_mem>> -> memref<!tpu.dma_semaphore, #tpu.memory_space<semaphore_mem>>
      %dma_start3A_402 = arith.constant 0 : i32
      %dma_start3A_403 = tpu.memref_slice %arg4[%add3A_391, %dma_start3A_402] : memref<320000x64xi32, #tpu.memory_space<hbm>> -> memref<128x64xi32, #tpu.memory_space<hbm>>
      %dma_start3A_404 = arith.constant 0 : i32
      %dma_start3A_405 = arith.constant 0 : i32
      %dma_start3A_406 = tpu.memref_slice %arg6[%dma_start3A_392, %dma_start3A_404, %dma_start3A_405] : memref<3x128x64xi32, #tpu.memory_space<vmem>> -> memref<1x128x64xi32, #tpu.memory_space<vmem>>
      %dma_start3A_407 = tpu.memref_squeeze %dma_start3A_406 : memref<1x128x64xi32, #tpu.memory_space<vmem>> -> memref<128x64xi32, #tpu.memory_space<vmem>>
      tpu.enqueue_dma source(%dma_start3A_407 : memref<128x64xi32, #tpu.memory_space<vmem>>) target(%dma_start3A_403 : memref<128x64xi32, #tpu.memory_space<hbm>>) target_semaphore(%dma_start3A_401 : memref<!tpu.dma_semaphore, #tpu.memory_space<semaphore_mem>>)
      %add3A_408 = arith.constant 2 : i32
      %add3A_409 = arith.addi %add3A_374, %add3A_408 : i32
      %lt3A_410 = arith.constant 78 : i32
      %lt3A_411 = arith.cmpi slt, %add3A_409, %lt3A_410 : i32
      %convert_element_type3A_412 = arith.extui %lt3A_411 : i1 to i32
      %cond3A_413 = arith.constant 0 : i32
      %cond3A_414 = arith.cmpi ne, %convert_element_type3A_412, %cond3A_413 : i32
      scf.if %cond3A_414 {
        %sub3A = arith.constant 3 : i32
        %sub3A_415 = arith.subi %add3A_409, %sub3A : i32
        %mul3A_416 = arith.constant 128 : i32
        %mul3A_417 = arith.muli %sub3A_415, %mul3A_416 : i32
        %add3A_418 = arith.addi %mul3A_2, %mul3A_417 : i32
        %dma_wait3A_419 = arith.constant 1 : i32
        %dma_wait3A_420 = arith.constant 1 : i32
        %dma_wait3A_421 = arith.constant 0 : i32
        %dma_wait3A_422 = arith.constant 0 : i32
        %dma_wait3A_423 = tpu.memref_slice %arg6[%dma_wait3A_419, %dma_wait3A_421, %dma_wait3A_422] : memref<3x128x64xi32, #tpu.memory_space<vmem>> -> memref<1x128x64xi32, #tpu.memory_space<vmem>>
        %dma_wait3A_424 = tpu.memref_squeeze %dma_wait3A_423 : memref<1x128x64xi32, #tpu.memory_space<vmem>> -> memref<128x64xi32, #tpu.memory_space<vmem>>
        %dma_wait3A_425 = arith.constant 0 : i32
        %dma_wait3A_426 = tpu.memref_slice %arg4[%add3A_418, %dma_wait3A_425] : memref<320000x64xi32, #tpu.memory_space<hbm>> -> memref<128x64xi32, #tpu.memory_space<hbm>>
        %dma_wait3A_427 = tpu.memref_slice %arg8[%dma_wait3A_420] : memref<3x!tpu.dma_semaphore, #tpu.memory_space<semaphore_mem>> -> memref<1x!tpu.dma_semaphore, #tpu.memory_space<semaphore_mem>>
        %dma_wait3A_428 = tpu.memref_squeeze %dma_wait3A_427 : memref<1x!tpu.dma_semaphore, #tpu.memory_space<semaphore_mem>> -> memref<!tpu.dma_semaphore, #tpu.memory_space<semaphore_mem>>
        %dma_wait3A_429 = arith.constant 0 : i32
        %dma_wait3A_430 = tpu.memref_slice %arg4[%add3A_418, %dma_wait3A_429] : memref<320000x64xi32, #tpu.memory_space<hbm>> -> memref<128x64xi32, #tpu.memory_space<hbm>>
        %dma_wait3A_431 = arith.constant 0 : i32
        %dma_wait3A_432 = arith.constant 0 : i32
        %dma_wait3A_433 = tpu.memref_slice %arg6[%dma_wait3A_419, %dma_wait3A_431, %dma_wait3A_432] : memref<3x128x64xi32, #tpu.memory_space<vmem>> -> memref<1x128x64xi32, #tpu.memory_space<vmem>>
        %dma_wait3A_434 = tpu.memref_squeeze %dma_wait3A_433 : memref<1x128x64xi32, #tpu.memory_space<vmem>> -> memref<128x64xi32, #tpu.memory_space<vmem>>
        tpu.wait_dma2 semaphore(%dma_wait3A_428 : memref<!tpu.dma_semaphore, #tpu.memory_space<semaphore_mem>>) src(%dma_wait3A_434 : memref<128x64xi32, #tpu.memory_space<vmem>>) dst(%dma_wait3A_430 : memref<128x64xi32, #tpu.memory_space<hbm>>)
        %mul3A_435 = arith.constant 128 : i32
        %mul3A_436 = arith.muli %add3A_409, %mul3A_435 : i32
        %dma_start3A_437 = arith.constant 1 : i32
        %dma_start3A_438 = arith.constant 1 : i32
        %dma_start3A_439 = arith.constant 0 : i32
        %dma_start3A_440 = arith.constant 0 : i32
        %dma_start3A_441 = tpu.memref_slice %arg6[%dma_start3A_437, %dma_start3A_439, %dma_start3A_440] : memref<3x128x64xi32, #tpu.memory_space<vmem>> -> memref<1x128x64xi32, #tpu.memory_space<vmem>>
        %dma_start3A_442 = tpu.memref_squeeze %dma_start3A_441 : memref<1x128x64xi32, #tpu.memory_space<vmem>> -> memref<128x64xi32, #tpu.memory_space<vmem>>
        %dma_start3A_443 = tpu.memref_slice %arg5[%mul3A_436] : memref<10000xi32, #tpu.memory_space<vmem>> -> memref<128xi32, #tpu.memory_space<vmem>>
        %dma_start3A_444 = arith.constant 0 : i32
        %dma_start3A_445 = arith.constant 0 : i32
        %dma_start3A_446 = tpu.memref_slice %arg2[%dma_start3A_444, %dma_start3A_445] : memref<10000x64xi32, #tpu.memory_space<hbm>> -> memref<10000x64xi32, #tpu.memory_space<hbm>>
        %dma_start3A_447 = tpu.memref_slice %arg7[%dma_start3A_438] : memref<3x!tpu.dma_semaphore, #tpu.memory_space<semaphore_mem>> -> memref<1x!tpu.dma_semaphore, #tpu.memory_space<semaphore_mem>>
        %dma_start3A_448 = tpu.memref_squeeze %dma_start3A_447 : memref<1x!tpu.dma_semaphore, #tpu.memory_space<semaphore_mem>> -> memref<!tpu.dma_semaphore, #tpu.memory_space<semaphore_mem>>
        tpu.enqueue_indirect_dma source(%dma_start3A_446 : memref<10000x64xi32, #tpu.memory_space<hbm>>) target(%dma_start3A_442 : memref<128x64xi32, #tpu.memory_space<vmem>>) offsets(%dma_start3A_443 : memref<128xi32, #tpu.memory_space<vmem>>) semaphore(%dma_start3A_448 : memref<!tpu.dma_semaphore, #tpu.memory_space<semaphore_mem>>)
      } else {
      }
    }
    %scan3A_198 = arith.constant 25 : i32
    %add3A_199 = arith.constant 9600 : i32
    %add3A_200 = arith.addi %mul3A_2, %add3A_199 : i32
    %dma_wait3A_201 = arith.constant 0 : i32
    %dma_wait3A_202 = arith.constant 0 : i32
    %dma_wait3A_203 = arith.constant 0 : i32
    %dma_wait3A_204 = arith.constant 0 : i32
    %dma_wait3A_205 = tpu.memref_slice %arg6[%dma_wait3A_201, %dma_wait3A_203, %dma_wait3A_204] : memref<3x128x64xi32, #tpu.memory_space<vmem>> -> memref<1x128x64xi32, #tpu.memory_space<vmem>>
    %dma_wait3A_206 = tpu.memref_squeeze %dma_wait3A_205 : memref<1x128x64xi32, #tpu.memory_space<vmem>> -> memref<128x64xi32, #tpu.memory_space<vmem>>
    %dma_wait3A_207 = arith.constant 0 : i32
    %dma_wait3A_208 = tpu.memref_slice %arg4[%add3A_200, %dma_wait3A_207] : memref<320000x64xi32, #tpu.memory_space<hbm>> -> memref<128x64xi32, #tpu.memory_space<hbm>>
    %dma_wait3A_209 = tpu.memref_slice %arg8[%dma_wait3A_202] : memref<3x!tpu.dma_semaphore, #tpu.memory_space<semaphore_mem>> -> memref<1x!tpu.dma_semaphore, #tpu.memory_space<semaphore_mem>>
    %dma_wait3A_210 = tpu.memref_squeeze %dma_wait3A_209 : memref<1x!tpu.dma_semaphore, #tpu.memory_space<semaphore_mem>> -> memref<!tpu.dma_semaphore, #tpu.memory_space<semaphore_mem>>
    %dma_wait3A_211 = arith.constant 0 : i32
    %dma_wait3A_212 = tpu.memref_slice %arg4[%add3A_200, %dma_wait3A_211] : memref<320000x64xi32, #tpu.memory_space<hbm>> -> memref<128x64xi32, #tpu.memory_space<hbm>>
    %dma_wait3A_213 = arith.constant 0 : i32
    %dma_wait3A_214 = arith.constant 0 : i32
    %dma_wait3A_215 = tpu.memref_slice %arg6[%dma_wait3A_201, %dma_wait3A_213, %dma_wait3A_214] : memref<3x128x64xi32, #tpu.memory_space<vmem>> -> memref<1x128x64xi32, #tpu.memory_space<vmem>>
    %dma_wait3A_216 = tpu.memref_squeeze %dma_wait3A_215 : memref<1x128x64xi32, #tpu.memory_space<vmem>> -> memref<128x64xi32, #tpu.memory_space<vmem>>
    tpu.wait_dma2 semaphore(%dma_wait3A_210 : memref<!tpu.dma_semaphore, #tpu.memory_space<semaphore_mem>>) src(%dma_wait3A_216 : memref<128x64xi32, #tpu.memory_space<vmem>>) dst(%dma_wait3A_212 : memref<128x64xi32, #tpu.memory_space<hbm>>)
    %add3A_217 = arith.constant 9728 : i32
    %add3A_218 = arith.addi %mul3A_2, %add3A_217 : i32
    %dma_wait3A_219 = arith.constant 1 : i32
    %dma_wait3A_220 = arith.constant 1 : i32
    %dma_wait3A_221 = arith.constant 0 : i32
    %dma_wait3A_222 = arith.constant 0 : i32
    %dma_wait3A_223 = tpu.memref_slice %arg6[%dma_wait3A_219, %dma_wait3A_221, %dma_wait3A_222] : memref<3x128x64xi32, #tpu.memory_space<vmem>> -> memref<1x128x64xi32, #tpu.memory_space<vmem>>
    %dma_wait3A_224 = tpu.memref_squeeze %dma_wait3A_223 : memref<1x128x64xi32, #tpu.memory_space<vmem>> -> memref<128x64xi32, #tpu.memory_space<vmem>>
    %dma_wait3A_225 = arith.constant 0 : i32
    %dma_wait3A_226 = tpu.memref_slice %arg4[%add3A_218, %dma_wait3A_225] : memref<320000x64xi32, #tpu.memory_space<hbm>> -> memref<128x64xi32, #tpu.memory_space<hbm>>
    %dma_wait3A_227 = tpu.memref_slice %arg8[%dma_wait3A_220] : memref<3x!tpu.dma_semaphore, #tpu.memory_space<semaphore_mem>> -> memref<1x!tpu.dma_semaphore, #tpu.memory_space<semaphore_mem>>
    %dma_wait3A_228 = tpu.memref_squeeze %dma_wait3A_227 : memref<1x!tpu.dma_semaphore, #tpu.memory_space<semaphore_mem>> -> memref<!tpu.dma_semaphore, #tpu.memory_space<semaphore_mem>>
    %dma_wait3A_229 = arith.constant 0 : i32
    %dma_wait3A_230 = tpu.memref_slice %arg4[%add3A_218, %dma_wait3A_229] : memref<320000x64xi32, #tpu.memory_space<hbm>> -> memref<128x64xi32, #tpu.memory_space<hbm>>
    %dma_wait3A_231 = arith.constant 0 : i32
    %dma_wait3A_232 = arith.constant 0 : i32
    %dma_wait3A_233 = tpu.memref_slice %arg6[%dma_wait3A_219, %dma_wait3A_231, %dma_wait3A_232] : memref<3x128x64xi32, #tpu.memory_space<vmem>> -> memref<1x128x64xi32, #tpu.memory_space<vmem>>
    %dma_wait3A_234 = tpu.memref_squeeze %dma_wait3A_233 : memref<1x128x64xi32, #tpu.memory_space<vmem>> -> memref<128x64xi32, #tpu.memory_space<vmem>>
    tpu.wait_dma2 semaphore(%dma_wait3A_228 : memref<!tpu.dma_semaphore, #tpu.memory_space<semaphore_mem>>) src(%dma_wait3A_234 : memref<128x64xi32, #tpu.memory_space<vmem>>) dst(%dma_wait3A_230 : memref<128x64xi32, #tpu.memory_space<hbm>>)
    %add3A_235 = arith.constant 9856 : i32
    %add3A_236 = arith.addi %mul3A_2, %add3A_235 : i32
    %dma_wait3A_237 = arith.constant 2 : i32
    %dma_wait3A_238 = arith.constant 2 : i32
    %dma_wait3A_239 = arith.constant 0 : i32
    %dma_wait3A_240 = arith.constant 0 : i32
    %dma_wait3A_241 = tpu.memref_slice %arg6[%dma_wait3A_237, %dma_wait3A_239, %dma_wait3A_240] : memref<3x128x64xi32, #tpu.memory_space<vmem>> -> memref<1x128x64xi32, #tpu.memory_space<vmem>>
    %dma_wait3A_242 = tpu.memref_squeeze %dma_wait3A_241 : memref<1x128x64xi32, #tpu.memory_space<vmem>> -> memref<128x64xi32, #tpu.memory_space<vmem>>
    %dma_wait3A_243 = arith.constant 0 : i32
    %dma_wait3A_244 = tpu.memref_slice %arg4[%add3A_236, %dma_wait3A_243] : memref<320000x64xi32, #tpu.memory_space<hbm>> -> memref<128x64xi32, #tpu.memory_space<hbm>>
    %dma_wait3A_245 = tpu.memref_slice %arg8[%dma_wait3A_238] : memref<3x!tpu.dma_semaphore, #tpu.memory_space<semaphore_mem>> -> memref<1x!tpu.dma_semaphore, #tpu.memory_space<semaphore_mem>>
    %dma_wait3A_246 = tpu.memref_squeeze %dma_wait3A_245 : memref<1x!tpu.dma_semaphore, #tpu.memory_space<semaphore_mem>> -> memref<!tpu.dma_semaphore, #tpu.memory_space<semaphore_mem>>
    %dma_wait3A_247 = arith.constant 0 : i32
    %dma_wait3A_248 = tpu.memref_slice %arg4[%add3A_236, %dma_wait3A_247] : memref<320000x64xi32, #tpu.memory_space<hbm>> -> memref<128x64xi32, #tpu.memory_space<hbm>>
    %dma_wait3A_249 = arith.constant 0 : i32
    %dma_wait3A_250 = arith.constant 0 : i32
    %dma_wait3A_251 = tpu.memref_slice %arg6[%dma_wait3A_237, %dma_wait3A_249, %dma_wait3A_250] : memref<3x128x64xi32, #tpu.memory_space<vmem>> -> memref<1x128x64xi32, #tpu.memory_space<vmem>>
    %dma_wait3A_252 = tpu.memref_squeeze %dma_wait3A_251 : memref<1x128x64xi32, #tpu.memory_space<vmem>> -> memref<128x64xi32, #tpu.memory_space<vmem>>
    tpu.wait_dma2 semaphore(%dma_wait3A_246 : memref<!tpu.dma_semaphore, #tpu.memory_space<semaphore_mem>>) src(%dma_wait3A_252 : memref<128x64xi32, #tpu.memory_space<vmem>>) dst(%dma_wait3A_248 : memref<128x64xi32, #tpu.memory_space<hbm>>)
    %add3A_253 = arith.constant 9984 : i32
    %add3A_254 = arith.addi %mul3A_2, %add3A_253 : i32
    %dma_start3A_255 = arith.constant 0 : i32
    %dma_start3A_256 = arith.constant 0 : i32
    %dma_start3A_257 = arith.constant 0 : i32
    %dma_start3A_258 = arith.constant 0 : i32
    %dma_start3A_259 = tpu.memref_slice %arg6[%dma_start3A_255, %dma_start3A_257, %dma_start3A_258] : memref<3x128x64xi32, #tpu.memory_space<vmem>> -> memref<1x128x64xi32, #tpu.memory_space<vmem>>
    %dma_start3A_260 = tpu.memref_squeeze %dma_start3A_259 : memref<1x128x64xi32, #tpu.memory_space<vmem>> -> memref<128x64xi32, #tpu.memory_space<vmem>>
    %dma_start3A_261 = arith.constant 0 : i32
    %dma_start3A_262 = arith.constant 0 : i32
    %dma_start3A_263 = tpu.memref_slice %dma_start3A_260[%dma_start3A_261, %dma_start3A_262] : memref<128x64xi32, #tpu.memory_space<vmem>> -> memref<16x64xi32, #tpu.memory_space<vmem>>
    %dma_start3A_264 = arith.constant 9984 : i32
    %dma_start3A_265 = tpu.memref_slice %arg5[%dma_start3A_264] : memref<10000xi32, #tpu.memory_space<vmem>> -> memref<16xi32, #tpu.memory_space<vmem>>
    %dma_start3A_266 = arith.constant 0 : i32
    %dma_start3A_267 = arith.constant 0 : i32
    %dma_start3A_268 = tpu.memref_slice %arg2[%dma_start3A_266, %dma_start3A_267] : memref<10000x64xi32, #tpu.memory_space<hbm>> -> memref<10000x64xi32, #tpu.memory_space<hbm>>
    %dma_start3A_269 = tpu.memref_slice %arg7[%dma_start3A_256] : memref<3x!tpu.dma_semaphore, #tpu.memory_space<semaphore_mem>> -> memref<1x!tpu.dma_semaphore, #tpu.memory_space<semaphore_mem>>
    %dma_start3A_270 = tpu.memref_squeeze %dma_start3A_269 : memref<1x!tpu.dma_semaphore, #tpu.memory_space<semaphore_mem>> -> memref<!tpu.dma_semaphore, #tpu.memory_space<semaphore_mem>>
    tpu.enqueue_indirect_dma source(%dma_start3A_268 : memref<10000x64xi32, #tpu.memory_space<hbm>>) target(%dma_start3A_263 : memref<16x64xi32, #tpu.memory_space<vmem>>) offsets(%dma_start3A_265 : memref<16xi32, #tpu.memory_space<vmem>>) semaphore(%dma_start3A_270 : memref<!tpu.dma_semaphore, #tpu.memory_space<semaphore_mem>>)
    %dma_wait3A_271 = arith.constant 0 : i32
    %dma_wait3A_272 = arith.constant 0 : i32
    %dma_wait3A_273 = arith.constant 0 : i32
    %dma_wait3A_274 = arith.constant 0 : i32
    %dma_wait3A_275 = tpu.memref_slice %arg6[%dma_wait3A_271, %dma_wait3A_273, %dma_wait3A_274] : memref<3x128x64xi32, #tpu.memory_space<vmem>> -> memref<1x128x64xi32, #tpu.memory_space<vmem>>
    %dma_wait3A_276 = tpu.memref_squeeze %dma_wait3A_275 : memref<1x128x64xi32, #tpu.memory_space<vmem>> -> memref<128x64xi32, #tpu.memory_space<vmem>>
    %dma_wait3A_277 = arith.constant 0 : i32
    %dma_wait3A_278 = arith.constant 0 : i32
    %dma_wait3A_279 = tpu.memref_slice %dma_wait3A_276[%dma_wait3A_277, %dma_wait3A_278] : memref<128x64xi32, #tpu.memory_space<vmem>> -> memref<16x64xi32, #tpu.memory_space<vmem>>
    %dma_wait3A_280 = arith.constant 9984 : i32
    %dma_wait3A_281 = tpu.memref_slice %arg5[%dma_wait3A_280] : memref<10000xi32, #tpu.memory_space<vmem>> -> memref<16xi32, #tpu.memory_space<vmem>>
    %dma_wait3A_282 = arith.constant 0 : i32
    %dma_wait3A_283 = arith.constant 0 : i32
    %dma_wait3A_284 = tpu.memref_slice %arg2[%dma_wait3A_282, %dma_wait3A_283] : memref<10000x64xi32, #tpu.memory_space<hbm>> -> memref<10000x64xi32, #tpu.memory_space<hbm>>
    %dma_wait3A_285 = tpu.memref_slice %arg7[%dma_wait3A_272] : memref<3x!tpu.dma_semaphore, #tpu.memory_space<semaphore_mem>> -> memref<1x!tpu.dma_semaphore, #tpu.memory_space<semaphore_mem>>
    %dma_wait3A_286 = tpu.memref_squeeze %dma_wait3A_285 : memref<1x!tpu.dma_semaphore, #tpu.memory_space<semaphore_mem>> -> memref<!tpu.dma_semaphore, #tpu.memory_space<semaphore_mem>>
    tpu.wait_indirect_dma semaphore(%dma_wait3A_286 : memref<!tpu.dma_semaphore, #tpu.memory_space<semaphore_mem>>) src(%dma_wait3A_284 : memref<10000x64xi32, #tpu.memory_space<hbm>>) dst(%dma_wait3A_279 : memref<16x64xi32, #tpu.memory_space<vmem>>)
    %run_scoped3A = arith.constant 0 : i32
    "tpu.region"() ({
      %run_scoped3A_287 = tpu.sem_alloc : memref<!tpu.dma_semaphore, #tpu.memory_space<semaphore_mem>>
      %dma_start3A_288 = arith.constant 0 : i32
      %dma_start3A_289 = arith.constant 0 : i32
      %dma_start3A_290 = tpu.memref_slice %arg6[%run_scoped3A, %dma_start3A_288, %dma_start3A_289] : memref<3x128x64xi32, #tpu.memory_space<vmem>> -> memref<1x128x64xi32, #tpu.memory_space<vmem>>
      %dma_start3A_291 = tpu.memref_squeeze %dma_start3A_290 : memref<1x128x64xi32, #tpu.memory_space<vmem>> -> memref<128x64xi32, #tpu.memory_space<vmem>>
      %dma_start3A_292 = arith.constant 0 : i32
      %dma_start3A_293 = arith.constant 0 : i32
      %dma_start3A_294 = tpu.memref_slice %dma_start3A_291[%dma_start3A_292, %dma_start3A_293] : memref<128x64xi32, #tpu.memory_space<vmem>> -> memref<16x64xi32, #tpu.memory_space<vmem>>
      %dma_start3A_295 = arith.constant 0 : i32
      %dma_start3A_296 = tpu.memref_slice %arg4[%add3A_254, %dma_start3A_295] : memref<320000x64xi32, #tpu.memory_space<hbm>> -> memref<16x64xi32, #tpu.memory_space<hbm>>
      %dma_start3A_297 = arith.constant 0 : i32
      %dma_start3A_298 = tpu.memref_slice %arg4[%add3A_254, %dma_start3A_297] : memref<320000x64xi32, #tpu.memory_space<hbm>> -> memref<16x64xi32, #tpu.memory_space<hbm>>
      %dma_start3A_299 = arith.constant 0 : i32
      %dma_start3A_300 = arith.constant 0 : i32
      %dma_start3A_301 = tpu.memref_slice %arg6[%run_scoped3A, %dma_start3A_299, %dma_start3A_300] : memref<3x128x64xi32, #tpu.memory_space<vmem>> -> memref<1x128x64xi32, #tpu.memory_space<vmem>>
      %dma_start3A_302 = tpu.memref_squeeze %dma_start3A_301 : memref<1x128x64xi32, #tpu.memory_space<vmem>> -> memref<128x64xi32, #tpu.memory_space<vmem>>
      %dma_start3A_303 = arith.constant 0 : i32
      %dma_start3A_304 = arith.constant 0 : i32
      %dma_start3A_305 = tpu.memref_slice %dma_start3A_302[%dma_start3A_303, %dma_start3A_304] : memref<128x64xi32, #tpu.memory_space<vmem>> -> memref<16x64xi32, #tpu.memory_space<vmem>>
      tpu.enqueue_dma source(%dma_start3A_305 : memref<16x64xi32, #tpu.memory_space<vmem>>) target(%dma_start3A_298 : memref<16x64xi32, #tpu.memory_space<hbm>>) target_semaphore(%run_scoped3A_287 : memref<!tpu.dma_semaphore, #tpu.memory_space<semaphore_mem>>)
      %dma_wait3A_306 = arith.constant 0 : i32
      %dma_wait3A_307 = arith.constant 0 : i32
      %dma_wait3A_308 = tpu.memref_slice %arg6[%run_scoped3A, %dma_wait3A_306, %dma_wait3A_307] : memref<3x128x64xi32, #tpu.memory_space<vmem>> -> memref<1x128x64xi32, #tpu.memory_space<vmem>>
      %dma_wait3A_309 = tpu.memref_squeeze %dma_wait3A_308 : memref<1x128x64xi32, #tpu.memory_space<vmem>> -> memref<128x64xi32, #tpu.memory_space<vmem>>
      %dma_wait3A_310 = arith.constant 0 : i32
      %dma_wait3A_311 = arith.constant 0 : i32
      %dma_wait3A_312 = tpu.memref_slice %dma_wait3A_309[%dma_wait3A_310, %dma_wait3A_311] : memref<128x64xi32, #tpu.memory_space<vmem>> -> memref<16x64xi32, #tpu.memory_space<vmem>>
      %dma_wait3A_313 = arith.constant 0 : i32
      %dma_wait3A_314 = tpu.memref_slice %arg4[%add3A_254, %dma_wait3A_313] : memref<320000x64xi32, #tpu.memory_space<hbm>> -> memref<16x64xi32, #tpu.memory_space<hbm>>
      %dma_wait3A_315 = arith.constant 0 : i32
      %dma_wait3A_316 = tpu.memref_slice %arg4[%add3A_254, %dma_wait3A_315] : memref<320000x64xi32, #tpu.memory_space<hbm>> -> memref<16x64xi32, #tpu.memory_space<hbm>>
      %dma_wait3A_317 = arith.constant 0 : i32
      %dma_wait3A_318 = arith.constant 0 : i32
      %dma_wait3A_319 = tpu.memref_slice %arg6[%run_scoped3A, %dma_wait3A_317, %dma_wait3A_318] : memref<3x128x64xi32, #tpu.memory_space<vmem>> -> memref<1x128x64xi32, #tpu.memory_space<vmem>>
      %dma_wait3A_320 = tpu.memref_squeeze %dma_wait3A_319 : memref<1x128x64xi32, #tpu.memory_space<vmem>> -> memref<128x64xi32, #tpu.memory_space<vmem>>
      %dma_wait3A_321 = arith.constant 0 : i32
      %dma_wait3A_322 = arith.constant 0 : i32
      %dma_wait3A_323 = tpu.memref_slice %dma_wait3A_320[%dma_wait3A_321, %dma_wait3A_322] : memref<128x64xi32, #tpu.memory_space<vmem>> -> memref<16x64xi32, #tpu.memory_space<vmem>>
      tpu.wait_dma2 semaphore(%run_scoped3A_287 : memref<!tpu.dma_semaphore, #tpu.memory_space<semaphore_mem>>) src(%dma_wait3A_323 : memref<16x64xi32, #tpu.memory_space<vmem>>) dst(%dma_wait3A_316 : memref<16x64xi32, #tpu.memory_space<hbm>>)
      tpu.yield
    }) : () -> ()
    return
  }
}

#map = affine_map<(d0, d1) -> (0, 0)>
#map1 = affine_map<(d0, d1) -> (0)>
#map2 = affine_map<(d0, d1) -> (0, 0, 0)>
module attributes {stable_mosaic.version = 14 : i64} {
  func.func @k(%arg0: i32, %arg1: i32, %arg2: memref<320000x128xf32, #tpu.memory_space<hbm>>, %arg3: memref<320000xf32, #tpu.memory_space<hbm>>, %arg4: memref<320000xi32, #tpu.memory_space<hbm>>, %arg5: memref<10000x128xf32, #tpu.memory_space<hbm>>, %arg6: memref<2x10000x128xf32, #tpu.memory_space<hbm>>, %arg7: memref<32x10000xf32, #tpu.memory_space<hbm>>, %arg8: memref<3x80xi32, #tpu.memory_space<vmem>>, %arg9: memref<8xi32, #tpu.memory_space<vmem>>, %arg10: memref<3x80x128xf32, #tpu.memory_space<vmem>>, %arg11: memref<3x80xf32, #tpu.memory_space<vmem>>, %arg12: memref<10000xf32, #tpu.memory_space<vmem>>, %arg13: memref<10000x128xf32, #tpu.memory_space<vmem_shared>>, %arg14: memref<3x!tpu.dma_semaphore, #tpu.memory_space<semaphore_mem>>, %arg15: memref<3x!tpu.dma_semaphore, #tpu.memory_space<semaphore_mem>>, %arg16: memref<3x!tpu.dma_semaphore, #tpu.memory_space<semaphore_mem>>, %arg17: memref<3x!tpu.dma_semaphore, #tpu.memory_space<semaphore_mem>>) attributes {dimension_semantics = [#tpu.dimension_semantics<core_parallel>, #tpu.dimension_semantics<subcore_parallel>], iteration_bounds = array<i64: 2, 16>, scalar_prefetch = 0 : i64, scratch_operands = 10 : i64, tpu.core_type = #tpu.core_type<sc_vector_subcore>, window_params = [{transform_indices = #map}, {transform_indices = #map1}, {transform_indices = #map1}, {transform_indices = #map}, {transform_indices = #map2}, {transform_indices = #map}]} {
    %lt3A = arith.constant 15 : i32
    %lt3A_0 = arith.cmpi slt, %arg1, %lt3A : i32
    %convert_element_type3A = arith.extui %lt3A_0 : i1 to i32
    %cond3A = arith.constant 0 : i32
    %cond3A_1 = arith.cmpi ne, %convert_element_type3A, %cond3A : i32
    scf.if %cond3A_1 {
      %mul3A_840 = arith.constant 632 : i32
      %mul3A_841 = arith.muli %arg1, %mul3A_840 : i32
      %mul3A_842 = arith.constant 632 : i32
      %mul3A_843 = arith.muli %arg1, %mul3A_842 : i32
      "tpu.region"() ({
        %run_scoped3A = tpu.sem_alloc : memref<!tpu.dma_semaphore, #tpu.memory_space<semaphore_mem>>
        %dma_start3A_844 = arith.constant 0 : i32
        %dma_start3A_845 = tpu.memref_slice %arg13[%mul3A_843, %dma_start3A_844] : memref<10000x128xf32, #tpu.memory_space<vmem_shared>> -> memref<632x128xf32, #tpu.memory_space<vmem_shared>>
        %dma_start3A_846 = arith.constant 0 : i32
        %dma_start3A_847 = tpu.memref_slice %arg5[%mul3A_841, %dma_start3A_846] : memref<10000x128xf32, #tpu.memory_space<hbm>> -> memref<632x128xf32, #tpu.memory_space<hbm>>
        tpu.enqueue_dma source(%dma_start3A_847 : memref<632x128xf32, #tpu.memory_space<hbm>>) target(%dma_start3A_845 : memref<632x128xf32, #tpu.memory_space<vmem_shared>>) target_semaphore(%run_scoped3A : memref<!tpu.dma_semaphore, #tpu.memory_space<semaphore_mem>>)
        %dma_wait3A_848 = arith.constant 0 : i32
        %dma_wait3A_849 = tpu.memref_slice %arg13[%mul3A_843, %dma_wait3A_848] : memref<10000x128xf32, #tpu.memory_space<vmem_shared>> -> memref<632x128xf32, #tpu.memory_space<vmem_shared>>
        %dma_wait3A_850 = arith.constant 0 : i32
        %dma_wait3A_851 = tpu.memref_slice %arg5[%mul3A_841, %dma_wait3A_850] : memref<10000x128xf32, #tpu.memory_space<hbm>> -> memref<632x128xf32, #tpu.memory_space<hbm>>
        tpu.wait_dma2 semaphore(%run_scoped3A : memref<!tpu.dma_semaphore, #tpu.memory_space<semaphore_mem>>) src(%dma_wait3A_851 : memref<632x128xf32, #tpu.memory_space<hbm>>) dst(%dma_wait3A_849 : memref<632x128xf32, #tpu.memory_space<vmem_shared>>)
        tpu.yield
      }) : () -> ()
    } else {
    }
    %eq3A = arith.constant 15 : i32
    %eq3A_2 = arith.cmpi eq, %arg1, %eq3A : i32
    %convert_element_type3A_3 = arith.extui %eq3A_2 : i1 to i32
    %cond3A_4 = arith.constant 0 : i32
    %cond3A_5 = arith.cmpi ne, %convert_element_type3A_3, %cond3A_4 : i32
    scf.if %cond3A_5 {
      "tpu.region"() ({
        %run_scoped3A = tpu.sem_alloc : memref<!tpu.dma_semaphore, #tpu.memory_space<semaphore_mem>>
        %dma_start3A_840 = arith.constant 9480 : i32
        %dma_start3A_841 = arith.constant 0 : i32
        %dma_start3A_842 = tpu.memref_slice %arg13[%dma_start3A_840, %dma_start3A_841] : memref<10000x128xf32, #tpu.memory_space<vmem_shared>> -> memref<520x128xf32, #tpu.memory_space<vmem_shared>>
        %dma_start3A_843 = arith.constant 9480 : i32
        %dma_start3A_844 = arith.constant 0 : i32
        %dma_start3A_845 = tpu.memref_slice %arg5[%dma_start3A_843, %dma_start3A_844] : memref<10000x128xf32, #tpu.memory_space<hbm>> -> memref<520x128xf32, #tpu.memory_space<hbm>>
        tpu.enqueue_dma source(%dma_start3A_845 : memref<520x128xf32, #tpu.memory_space<hbm>>) target(%dma_start3A_842 : memref<520x128xf32, #tpu.memory_space<vmem_shared>>) target_semaphore(%run_scoped3A : memref<!tpu.dma_semaphore, #tpu.memory_space<semaphore_mem>>)
        %dma_wait3A_846 = arith.constant 9480 : i32
        %dma_wait3A_847 = arith.constant 0 : i32
        %dma_wait3A_848 = tpu.memref_slice %arg13[%dma_wait3A_846, %dma_wait3A_847] : memref<10000x128xf32, #tpu.memory_space<vmem_shared>> -> memref<520x128xf32, #tpu.memory_space<vmem_shared>>
        %dma_wait3A_849 = arith.constant 9480 : i32
        %dma_wait3A_850 = arith.constant 0 : i32
        %dma_wait3A_851 = tpu.memref_slice %arg5[%dma_wait3A_849, %dma_wait3A_850] : memref<10000x128xf32, #tpu.memory_space<hbm>> -> memref<520x128xf32, #tpu.memory_space<hbm>>
        tpu.wait_dma2 semaphore(%run_scoped3A : memref<!tpu.dma_semaphore, #tpu.memory_space<semaphore_mem>>) src(%dma_wait3A_851 : memref<520x128xf32, #tpu.memory_space<hbm>>) dst(%dma_wait3A_848 : memref<520x128xf32, #tpu.memory_space<vmem_shared>>)
        tpu.yield
      }) : () -> ()
    } else {
    }
    %broadcast_in_dim3A = arith.constant 0.000000e+00 : f32
    %broadcast_in_dim3A_6 = vector.broadcast %broadcast_in_dim3A : f32 to vector<16xf32>
    %scan3A = arith.constant 0 : i32
    %scan3A_7 = arith.constant 625 : i32
    %scan3A_8 = arith.addi %scan3A, %scan3A_7 : i32
    %scan3A_9 = arith.constant 1 : i32
    scf.for %scan3A_840 = %scan3A to %scan3A_8 step %scan3A_9  : i32 {
      %mul3A_841 = arith.constant 16 : i32
      %mul3A_842 = arith.muli %scan3A_840, %mul3A_841 : i32
      %add3A_843 = arith.constant 0 : i32
      %add3A_844 = arith.addi %add3A_843, %mul3A_842 : i32
      %swap3A = arith.index_cast %add3A_844 : i32 to index
      %swap3A_845 = tpu.vector_load %arg12[%swap3A] {strides = array<i32>} : memref<10000xf32, #tpu.memory_space<vmem>>, vector<16xf32>,
      tpu.vector_store %arg12[%swap3A], %broadcast_in_dim3A_6 {strides = array<i32>} : memref<10000xf32, #tpu.memory_space<vmem>>, vector<16xf32>,
    }
    %scan3A_10 = arith.constant 625 : i32
    %barrier3A = arith.constant 0 : index
    tpu.barrier barrier_id(%barrier3A)
    %mul3A = arith.constant 16 : i32
    %mul3A_11 = arith.muli %arg0, %mul3A : i32
    %add3A = arith.addi %mul3A_11, %arg1 : i32
    %mul3A_12 = arith.constant 10000 : i32
    %mul3A_13 = arith.muli %add3A, %mul3A_12 : i32
    %add3A_14 = arith.constant 0 : i32
    %add3A_15 = arith.addi %mul3A_13, %add3A_14 : i32
    %dma_start3A = arith.constant 0 : i32
    %dma_start3A_16 = arith.constant 0 : i32
    %dma_start3A_17 = arith.constant 0 : i32
    %dma_start3A_18 = tpu.memref_slice %arg8[%dma_start3A, %dma_start3A_17] : memref<3x80xi32, #tpu.memory_space<vmem>> -> memref<1x80xi32, #tpu.memory_space<vmem>>
    %dma_start3A_19 = tpu.memref_squeeze %dma_start3A_18 : memref<1x80xi32, #tpu.memory_space<vmem>> -> memref<80xi32, #tpu.memory_space<vmem>>
    %dma_start3A_20 = tpu.memref_slice %arg4[%add3A_15] : memref<320000xi32, #tpu.memory_space<hbm>> -> memref<80xi32, #tpu.memory_space<hbm>>
    %dma_start3A_21 = tpu.memref_slice %arg14[%dma_start3A_16] : memref<3x!tpu.dma_semaphore, #tpu.memory_space<semaphore_mem>> -> memref<1x!tpu.dma_semaphore, #tpu.memory_space<semaphore_mem>>
    %dma_start3A_22 = tpu.memref_squeeze %dma_start3A_21 : memref<1x!tpu.dma_semaphore, #tpu.memory_space<semaphore_mem>> -> memref<!tpu.dma_semaphore, #tpu.memory_space<semaphore_mem>>
    %dma_start3A_23 = arith.constant 0 : i32
    %dma_start3A_24 = tpu.memref_slice %arg8[%dma_start3A, %dma_start3A_23] : memref<3x80xi32, #tpu.memory_space<vmem>> -> memref<1x80xi32, #tpu.memory_space<vmem>>
    %dma_start3A_25 = tpu.memref_squeeze %dma_start3A_24 : memref<1x80xi32, #tpu.memory_space<vmem>> -> memref<80xi32, #tpu.memory_space<vmem>>
    %dma_start3A_26 = tpu.memref_slice %arg4[%add3A_15] : memref<320000xi32, #tpu.memory_space<hbm>> -> memref<80xi32, #tpu.memory_space<hbm>>
    tpu.enqueue_dma source(%dma_start3A_26 : memref<80xi32, #tpu.memory_space<hbm>>) target(%dma_start3A_25 : memref<80xi32, #tpu.memory_space<vmem>>) target_semaphore(%dma_start3A_22 : memref<!tpu.dma_semaphore, #tpu.memory_space<semaphore_mem>>)
    %add3A_27 = arith.constant 0 : i32
    %add3A_28 = arith.addi %mul3A_13, %add3A_27 : i32
    %dma_start3A_29 = arith.constant 0 : i32
    %dma_start3A_30 = arith.constant 0 : i32
    %dma_start3A_31 = arith.constant 0 : i32
    %dma_start3A_32 = arith.constant 0 : i32
    %dma_start3A_33 = tpu.memref_slice %arg10[%dma_start3A_29, %dma_start3A_31, %dma_start3A_32] : memref<3x80x128xf32, #tpu.memory_space<vmem>> -> memref<1x80x128xf32, #tpu.memory_space<vmem>>
    %dma_start3A_34 = tpu.memref_squeeze %dma_start3A_33 : memref<1x80x128xf32, #tpu.memory_space<vmem>> -> memref<80x128xf32, #tpu.memory_space<vmem>>
    %dma_start3A_35 = arith.constant 0 : i32
    %dma_start3A_36 = tpu.memref_slice %arg2[%add3A_28, %dma_start3A_35] : memref<320000x128xf32, #tpu.memory_space<hbm>> -> memref<80x128xf32, #tpu.memory_space<hbm>>
    %dma_start3A_37 = tpu.memref_slice %arg15[%dma_start3A_30] : memref<3x!tpu.dma_semaphore, #tpu.memory_space<semaphore_mem>> -> memref<1x!tpu.dma_semaphore, #tpu.memory_space<semaphore_mem>>
    %dma_start3A_38 = tpu.memref_squeeze %dma_start3A_37 : memref<1x!tpu.dma_semaphore, #tpu.memory_space<semaphore_mem>> -> memref<!tpu.dma_semaphore, #tpu.memory_space<semaphore_mem>>
    %dma_start3A_39 = arith.constant 0 : i32
    %dma_start3A_40 = arith.constant 0 : i32
    %dma_start3A_41 = tpu.memref_slice %arg10[%dma_start3A_29, %dma_start3A_39, %dma_start3A_40] : memref<3x80x128xf32, #tpu.memory_space<vmem>> -> memref<1x80x128xf32, #tpu.memory_space<vmem>>
    %dma_start3A_42 = tpu.memref_squeeze %dma_start3A_41 : memref<1x80x128xf32, #tpu.memory_space<vmem>> -> memref<80x128xf32, #tpu.memory_space<vmem>>
    %dma_start3A_43 = arith.constant 0 : i32
    %dma_start3A_44 = tpu.memref_slice %arg2[%add3A_28, %dma_start3A_43] : memref<320000x128xf32, #tpu.memory_space<hbm>> -> memref<80x128xf32, #tpu.memory_space<hbm>>
    tpu.enqueue_dma source(%dma_start3A_44 : memref<80x128xf32, #tpu.memory_space<hbm>>) target(%dma_start3A_42 : memref<80x128xf32, #tpu.memory_space<vmem>>) target_semaphore(%dma_start3A_38 : memref<!tpu.dma_semaphore, #tpu.memory_space<semaphore_mem>>)
    %add3A_45 = arith.constant 0 : i32
    %add3A_46 = arith.addi %mul3A_13, %add3A_45 : i32
    %dma_start3A_47 = arith.constant 0 : i32
    %dma_start3A_48 = arith.constant 0 : i32
    %dma_start3A_49 = arith.constant 0 : i32
    %dma_start3A_50 = tpu.memref_slice %arg11[%dma_start3A_47, %dma_start3A_49] : memref<3x80xf32, #tpu.memory_space<vmem>> -> memref<1x80xf32, #tpu.memory_space<vmem>>
    %dma_start3A_51 = tpu.memref_squeeze %dma_start3A_50 : memref<1x80xf32, #tpu.memory_space<vmem>> -> memref<80xf32, #tpu.memory_space<vmem>>
    %dma_start3A_52 = tpu.memref_slice %arg3[%add3A_46] : memref<320000xf32, #tpu.memory_space<hbm>> -> memref<80xf32, #tpu.memory_space<hbm>>
    %dma_start3A_53 = tpu.memref_slice %arg16[%dma_start3A_48] : memref<3x!tpu.dma_semaphore, #tpu.memory_space<semaphore_mem>> -> memref<1x!tpu.dma_semaphore, #tpu.memory_space<semaphore_mem>>
    %dma_start3A_54 = tpu.memref_squeeze %dma_start3A_53 : memref<1x!tpu.dma_semaphore, #tpu.memory_space<semaphore_mem>> -> memref<!tpu.dma_semaphore, #tpu.memory_space<semaphore_mem>>
    %dma_start3A_55 = arith.constant 0 : i32
    %dma_start3A_56 = tpu.memref_slice %arg11[%dma_start3A_47, %dma_start3A_55] : memref<3x80xf32, #tpu.memory_space<vmem>> -> memref<1x80xf32, #tpu.memory_space<vmem>>
    %dma_start3A_57 = tpu.memref_squeeze %dma_start3A_56 : memref<1x80xf32, #tpu.memory_space<vmem>> -> memref<80xf32, #tpu.memory_space<vmem>>
    %dma_start3A_58 = tpu.memref_slice %arg3[%add3A_46] : memref<320000xf32, #tpu.memory_space<hbm>> -> memref<80xf32, #tpu.memory_space<hbm>>
    tpu.enqueue_dma source(%dma_start3A_58 : memref<80xf32, #tpu.memory_space<hbm>>) target(%dma_start3A_57 : memref<80xf32, #tpu.memory_space<vmem>>) target_semaphore(%dma_start3A_54 : memref<!tpu.dma_semaphore, #tpu.memory_space<semaphore_mem>>)
    %add3A_59 = arith.constant 80 : i32
    %add3A_60 = arith.addi %mul3A_13, %add3A_59 : i32
    %dma_start3A_61 = arith.constant 1 : i32
    %dma_start3A_62 = arith.constant 1 : i32
    %dma_start3A_63 = arith.constant 0 : i32
    %dma_start3A_64 = tpu.memref_slice %arg8[%dma_start3A_61, %dma_start3A_63] : memref<3x80xi32, #tpu.memory_space<vmem>> -> memref<1x80xi32, #tpu.memory_space<vmem>>
    %dma_start3A_65 = tpu.memref_squeeze %dma_start3A_64 : memref<1x80xi32, #tpu.memory_space<vmem>> -> memref<80xi32, #tpu.memory_space<vmem>>
    %dma_start3A_66 = tpu.memref_slice %arg4[%add3A_60] : memref<320000xi32, #tpu.memory_space<hbm>> -> memref<80xi32, #tpu.memory_space<hbm>>
    %dma_start3A_67 = tpu.memref_slice %arg14[%dma_start3A_62] : memref<3x!tpu.dma_semaphore, #tpu.memory_space<semaphore_mem>> -> memref<1x!tpu.dma_semaphore, #tpu.memory_space<semaphore_mem>>
    %dma_start3A_68 = tpu.memref_squeeze %dma_start3A_67 : memref<1x!tpu.dma_semaphore, #tpu.memory_space<semaphore_mem>> -> memref<!tpu.dma_semaphore, #tpu.memory_space<semaphore_mem>>
    %dma_start3A_69 = arith.constant 0 : i32
    %dma_start3A_70 = tpu.memref_slice %arg8[%dma_start3A_61, %dma_start3A_69] : memref<3x80xi32, #tpu.memory_space<vmem>> -> memref<1x80xi32, #tpu.memory_space<vmem>>
    %dma_start3A_71 = tpu.memref_squeeze %dma_start3A_70 : memref<1x80xi32, #tpu.memory_space<vmem>> -> memref<80xi32, #tpu.memory_space<vmem>>
    %dma_start3A_72 = tpu.memref_slice %arg4[%add3A_60] : memref<320000xi32, #tpu.memory_space<hbm>> -> memref<80xi32, #tpu.memory_space<hbm>>
    tpu.enqueue_dma source(%dma_start3A_72 : memref<80xi32, #tpu.memory_space<hbm>>) target(%dma_start3A_71 : memref<80xi32, #tpu.memory_space<vmem>>) target_semaphore(%dma_start3A_68 : memref<!tpu.dma_semaphore, #tpu.memory_space<semaphore_mem>>)
    %add3A_73 = arith.constant 80 : i32
    %add3A_74 = arith.addi %mul3A_13, %add3A_73 : i32
    %dma_start3A_75 = arith.constant 1 : i32
    %dma_start3A_76 = arith.constant 1 : i32
    %dma_start3A_77 = arith.constant 0 : i32
    %dma_start3A_78 = arith.constant 0 : i32
    %dma_start3A_79 = tpu.memref_slice %arg10[%dma_start3A_75, %dma_start3A_77, %dma_start3A_78] : memref<3x80x128xf32, #tpu.memory_space<vmem>> -> memref<1x80x128xf32, #tpu.memory_space<vmem>>
    %dma_start3A_80 = tpu.memref_squeeze %dma_start3A_79 : memref<1x80x128xf32, #tpu.memory_space<vmem>> -> memref<80x128xf32, #tpu.memory_space<vmem>>
    %dma_start3A_81 = arith.constant 0 : i32
    %dma_start3A_82 = tpu.memref_slice %arg2[%add3A_74, %dma_start3A_81] : memref<320000x128xf32, #tpu.memory_space<hbm>> -> memref<80x128xf32, #tpu.memory_space<hbm>>
    %dma_start3A_83 = tpu.memref_slice %arg15[%dma_start3A_76] : memref<3x!tpu.dma_semaphore, #tpu.memory_space<semaphore_mem>> -> memref<1x!tpu.dma_semaphore, #tpu.memory_space<semaphore_mem>>
    %dma_start3A_84 = tpu.memref_squeeze %dma_start3A_83 : memref<1x!tpu.dma_semaphore, #tpu.memory_space<semaphore_mem>> -> memref<!tpu.dma_semaphore, #tpu.memory_space<semaphore_mem>>
    %dma_start3A_85 = arith.constant 0 : i32
    %dma_start3A_86 = arith.constant 0 : i32
    %dma_start3A_87 = tpu.memref_slice %arg10[%dma_start3A_75, %dma_start3A_85, %dma_start3A_86] : memref<3x80x128xf32, #tpu.memory_space<vmem>> -> memref<1x80x128xf32, #tpu.memory_space<vmem>>
    %dma_start3A_88 = tpu.memref_squeeze %dma_start3A_87 : memref<1x80x128xf32, #tpu.memory_space<vmem>> -> memref<80x128xf32, #tpu.memory_space<vmem>>
    %dma_start3A_89 = arith.constant 0 : i32
    %dma_start3A_90 = tpu.memref_slice %arg2[%add3A_74, %dma_start3A_89] : memref<320000x128xf32, #tpu.memory_space<hbm>> -> memref<80x128xf32, #tpu.memory_space<hbm>>
    tpu.enqueue_dma source(%dma_start3A_90 : memref<80x128xf32, #tpu.memory_space<hbm>>) target(%dma_start3A_88 : memref<80x128xf32, #tpu.memory_space<vmem>>) target_semaphore(%dma_start3A_84 : memref<!tpu.dma_semaphore, #tpu.memory_space<semaphore_mem>>)
    %add3A_91 = arith.constant 80 : i32
    %add3A_92 = arith.addi %mul3A_13, %add3A_91 : i32
    %dma_start3A_93 = arith.constant 1 : i32
    %dma_start3A_94 = arith.constant 1 : i32
    %dma_start3A_95 = arith.constant 0 : i32
    %dma_start3A_96 = tpu.memref_slice %arg11[%dma_start3A_93, %dma_start3A_95] : memref<3x80xf32, #tpu.memory_space<vmem>> -> memref<1x80xf32, #tpu.memory_space<vmem>>
    %dma_start3A_97 = tpu.memref_squeeze %dma_start3A_96 : memref<1x80xf32, #tpu.memory_space<vmem>> -> memref<80xf32, #tpu.memory_space<vmem>>
    %dma_start3A_98 = tpu.memref_slice %arg3[%add3A_92] : memref<320000xf32, #tpu.memory_space<hbm>> -> memref<80xf32, #tpu.memory_space<hbm>>
    %dma_start3A_99 = tpu.memref_slice %arg16[%dma_start3A_94] : memref<3x!tpu.dma_semaphore, #tpu.memory_space<semaphore_mem>> -> memref<1x!tpu.dma_semaphore, #tpu.memory_space<semaphore_mem>>
    %dma_start3A_100 = tpu.memref_squeeze %dma_start3A_99 : memref<1x!tpu.dma_semaphore, #tpu.memory_space<semaphore_mem>> -> memref<!tpu.dma_semaphore, #tpu.memory_space<semaphore_mem>>
    %dma_start3A_101 = arith.constant 0 : i32
    %dma_start3A_102 = tpu.memref_slice %arg11[%dma_start3A_93, %dma_start3A_101] : memref<3x80xf32, #tpu.memory_space<vmem>> -> memref<1x80xf32, #tpu.memory_space<vmem>>
    %dma_start3A_103 = tpu.memref_squeeze %dma_start3A_102 : memref<1x80xf32, #tpu.memory_space<vmem>> -> memref<80xf32, #tpu.memory_space<vmem>>
    %dma_start3A_104 = tpu.memref_slice %arg3[%add3A_92] : memref<320000xf32, #tpu.memory_space<hbm>> -> memref<80xf32, #tpu.memory_space<hbm>>
    tpu.enqueue_dma source(%dma_start3A_104 : memref<80xf32, #tpu.memory_space<hbm>>) target(%dma_start3A_103 : memref<80xf32, #tpu.memory_space<vmem>>) target_semaphore(%dma_start3A_100 : memref<!tpu.dma_semaphore, #tpu.memory_space<semaphore_mem>>)
    %add3A_105 = arith.constant 0 : i32
    %add3A_106 = arith.addi %mul3A_13, %add3A_105 : i32
    %dma_wait3A = arith.constant 0 : i32
    %dma_wait3A_107 = arith.constant 0 : i32
    %dma_wait3A_108 = arith.constant 0 : i32
    %dma_wait3A_109 = tpu.memref_slice %arg8[%dma_wait3A, %dma_wait3A_108] : memref<3x80xi32, #tpu.memory_space<vmem>> -> memref<1x80xi32, #tpu.memory_space<vmem>>
    %dma_wait3A_110 = tpu.memref_squeeze %dma_wait3A_109 : memref<1x80xi32, #tpu.memory_space<vmem>> -> memref<80xi32, #tpu.memory_space<vmem>>
    %dma_wait3A_111 = tpu.memref_slice %arg4[%add3A_106] : memref<320000xi32, #tpu.memory_space<hbm>> -> memref<80xi32, #tpu.memory_space<hbm>>
    %dma_wait3A_112 = tpu.memref_slice %arg14[%dma_wait3A_107] : memref<3x!tpu.dma_semaphore, #tpu.memory_space<semaphore_mem>> -> memref<1x!tpu.dma_semaphore, #tpu.memory_space<semaphore_mem>>
    %dma_wait3A_113 = tpu.memref_squeeze %dma_wait3A_112 : memref<1x!tpu.dma_semaphore, #tpu.memory_space<semaphore_mem>> -> memref<!tpu.dma_semaphore, #tpu.memory_space<semaphore_mem>>
    %dma_wait3A_114 = arith.constant 0 : i32
    %dma_wait3A_115 = tpu.memref_slice %arg8[%dma_wait3A, %dma_wait3A_114] : memref<3x80xi32, #tpu.memory_space<vmem>> -> memref<1x80xi32, #tpu.memory_space<vmem>>
    %dma_wait3A_116 = tpu.memref_squeeze %dma_wait3A_115 : memref<1x80xi32, #tpu.memory_space<vmem>> -> memref<80xi32, #tpu.memory_space<vmem>>
    %dma_wait3A_117 = tpu.memref_slice %arg4[%add3A_106] : memref<320000xi32, #tpu.memory_space<hbm>> -> memref<80xi32, #tpu.memory_space<hbm>>
    tpu.wait_dma2 semaphore(%dma_wait3A_113 : memref<!tpu.dma_semaphore, #tpu.memory_space<semaphore_mem>>) src(%dma_wait3A_117 : memref<80xi32, #tpu.memory_space<hbm>>) dst(%dma_wait3A_116 : memref<80xi32, #tpu.memory_space<vmem>>)
    %add3A_118 = arith.constant 0 : i32
    %add3A_119 = arith.addi %mul3A_13, %add3A_118 : i32
    %dma_wait3A_120 = arith.constant 0 : i32
    %dma_wait3A_121 = arith.constant 0 : i32
    %dma_wait3A_122 = arith.constant 0 : i32
    %dma_wait3A_123 = arith.constant 0 : i32
    %dma_wait3A_124 = tpu.memref_slice %arg10[%dma_wait3A_120, %dma_wait3A_122, %dma_wait3A_123] : memref<3x80x128xf32, #tpu.memory_space<vmem>> -> memref<1x80x128xf32, #tpu.memory_space<vmem>>
    %dma_wait3A_125 = tpu.memref_squeeze %dma_wait3A_124 : memref<1x80x128xf32, #tpu.memory_space<vmem>> -> memref<80x128xf32, #tpu.memory_space<vmem>>
    %dma_wait3A_126 = arith.constant 0 : i32
    %dma_wait3A_127 = tpu.memref_slice %arg2[%add3A_119, %dma_wait3A_126] : memref<320000x128xf32, #tpu.memory_space<hbm>> -> memref<80x128xf32, #tpu.memory_space<hbm>>
    %dma_wait3A_128 = tpu.memref_slice %arg15[%dma_wait3A_121] : memref<3x!tpu.dma_semaphore, #tpu.memory_space<semaphore_mem>> -> memref<1x!tpu.dma_semaphore, #tpu.memory_space<semaphore_mem>>
    %dma_wait3A_129 = tpu.memref_squeeze %dma_wait3A_128 : memref<1x!tpu.dma_semaphore, #tpu.memory_space<semaphore_mem>> -> memref<!tpu.dma_semaphore, #tpu.memory_space<semaphore_mem>>
    %dma_wait3A_130 = arith.constant 0 : i32
    %dma_wait3A_131 = arith.constant 0 : i32
    %dma_wait3A_132 = tpu.memref_slice %arg10[%dma_wait3A_120, %dma_wait3A_130, %dma_wait3A_131] : memref<3x80x128xf32, #tpu.memory_space<vmem>> -> memref<1x80x128xf32, #tpu.memory_space<vmem>>
    %dma_wait3A_133 = tpu.memref_squeeze %dma_wait3A_132 : memref<1x80x128xf32, #tpu.memory_space<vmem>> -> memref<80x128xf32, #tpu.memory_space<vmem>>
    %dma_wait3A_134 = arith.constant 0 : i32
    %dma_wait3A_135 = tpu.memref_slice %arg2[%add3A_119, %dma_wait3A_134] : memref<320000x128xf32, #tpu.memory_space<hbm>> -> memref<80x128xf32, #tpu.memory_space<hbm>>
    tpu.wait_dma2 semaphore(%dma_wait3A_129 : memref<!tpu.dma_semaphore, #tpu.memory_space<semaphore_mem>>) src(%dma_wait3A_135 : memref<80x128xf32, #tpu.memory_space<hbm>>) dst(%dma_wait3A_133 : memref<80x128xf32, #tpu.memory_space<vmem>>)
    %add3A_136 = arith.constant 0 : i32
    %add3A_137 = arith.addi %mul3A_13, %add3A_136 : i32
    %dma_wait3A_138 = arith.constant 0 : i32
    %dma_wait3A_139 = arith.constant 0 : i32
    %dma_wait3A_140 = arith.constant 0 : i32
    %dma_wait3A_141 = tpu.memref_slice %arg11[%dma_wait3A_138, %dma_wait3A_140] : memref<3x80xf32, #tpu.memory_space<vmem>> -> memref<1x80xf32, #tpu.memory_space<vmem>>
    %dma_wait3A_142 = tpu.memref_squeeze %dma_wait3A_141 : memref<1x80xf32, #tpu.memory_space<vmem>> -> memref<80xf32, #tpu.memory_space<vmem>>
    %dma_wait3A_143 = tpu.memref_slice %arg3[%add3A_137] : memref<320000xf32, #tpu.memory_space<hbm>> -> memref<80xf32, #tpu.memory_space<hbm>>
    %dma_wait3A_144 = tpu.memref_slice %arg16[%dma_wait3A_139] : memref<3x!tpu.dma_semaphore, #tpu.memory_space<semaphore_mem>> -> memref<1x!tpu.dma_semaphore, #tpu.memory_space<semaphore_mem>>
    %dma_wait3A_145 = tpu.memref_squeeze %dma_wait3A_144 : memref<1x!tpu.dma_semaphore, #tpu.memory_space<semaphore_mem>> -> memref<!tpu.dma_semaphore, #tpu.memory_space<semaphore_mem>>
    %dma_wait3A_146 = arith.constant 0 : i32
    %dma_wait3A_147 = tpu.memref_slice %arg11[%dma_wait3A_138, %dma_wait3A_146] : memref<3x80xf32, #tpu.memory_space<vmem>> -> memref<1x80xf32, #tpu.memory_space<vmem>>
    %dma_wait3A_148 = tpu.memref_squeeze %dma_wait3A_147 : memref<1x80xf32, #tpu.memory_space<vmem>> -> memref<80xf32, #tpu.memory_space<vmem>>
    %dma_wait3A_149 = tpu.memref_slice %arg3[%add3A_137] : memref<320000xf32, #tpu.memory_space<hbm>> -> memref<80xf32, #tpu.memory_space<hbm>>
    tpu.wait_dma2 semaphore(%dma_wait3A_145 : memref<!tpu.dma_semaphore, #tpu.memory_space<semaphore_mem>>) src(%dma_wait3A_149 : memref<80xf32, #tpu.memory_space<hbm>>) dst(%dma_wait3A_148 : memref<80xf32, #tpu.memory_space<vmem>>)
    %dma_start3A_150 = arith.constant 0 : i32
    %dma_start3A_151 = arith.constant 0 : i32
    %dma_start3A_152 = arith.constant 0 : i32
    %dma_start3A_153 = arith.constant 0 : i32
    %dma_start3A_154 = arith.constant 0 : i32
    %dma_start3A_155 = tpu.memref_slice %arg10[%dma_start3A_150, %dma_start3A_153, %dma_start3A_154] : memref<3x80x128xf32, #tpu.memory_space<vmem>> -> memref<1x80x128xf32, #tpu.memory_space<vmem>>
    %dma_start3A_156 = tpu.memref_squeeze %dma_start3A_155 : memref<1x80x128xf32, #tpu.memory_space<vmem>> -> memref<80x128xf32, #tpu.memory_space<vmem>>
    %dma_start3A_157 = arith.constant 0 : i32
    %dma_start3A_158 = tpu.memref_slice %arg8[%dma_start3A_151, %dma_start3A_157] : memref<3x80xi32, #tpu.memory_space<vmem>> -> memref<1x80xi32, #tpu.memory_space<vmem>>
    %dma_start3A_159 = tpu.memref_squeeze %dma_start3A_158 : memref<1x80xi32, #tpu.memory_space<vmem>> -> memref<80xi32, #tpu.memory_space<vmem>>
    %dma_start3A_160 = arith.constant 0 : i32
    %dma_start3A_161 = arith.constant 0 : i32
    %dma_start3A_162 = tpu.memref_slice %arg13[%dma_start3A_160, %dma_start3A_161] : memref<10000x128xf32, #tpu.memory_space<vmem_shared>> -> memref<10000x128xf32, #tpu.memory_space<vmem_shared>>
    %dma_start3A_163 = tpu.memref_slice %arg17[%dma_start3A_152] : memref<3x!tpu.dma_semaphore, #tpu.memory_space<semaphore_mem>> -> memref<1x!tpu.dma_semaphore, #tpu.memory_space<semaphore_mem>>
    %dma_start3A_164 = tpu.memref_squeeze %dma_start3A_163 : memref<1x!tpu.dma_semaphore, #tpu.memory_space<semaphore_mem>> -> memref<!tpu.dma_semaphore, #tpu.memory_space<semaphore_mem>>
    tpu.enqueue_indirect_dma source(%dma_start3A_156 : memref<80x128xf32, #tpu.memory_space<vmem>>) target(%dma_start3A_162 : memref<10000x128xf32, #tpu.memory_space<vmem_shared>>) offsets(%dma_start3A_159 : memref<80xi32, #tpu.memory_space<vmem>>) semaphore(%dma_start3A_164 : memref<!tpu.dma_semaphore, #tpu.memory_space<semaphore_mem>>) {add = true}
    %get3A = arith.constant 0 : i32
    %get3A_165 = arith.index_cast %get3A : i32 to index
    %get3A_166 = arith.constant 0 : index
    %get3A_167 = tpu.vector_load %arg8[%get3A_165, %get3A_166] {strides = array<i32>} : memref<3x80xi32, #tpu.memory_space<vmem>>, vector<16xi32>,
    %get3A_168 = arith.constant 0 : i32
    %get3A_169 = arith.index_cast %get3A_168 : i32 to index
    %get3A_170 = arith.constant 0 : index
    %get3A_171 = tpu.vector_load %arg11[%get3A_169, %get3A_170] {strides = array<i32>} : memref<3x80xf32, #tpu.memory_space<vmem>>, vector<16xf32>,
    tpu.vector_store_idx %arg12[%get3A_167], %get3A_171 {add = true} : memref<10000xf32, #tpu.memory_space<vmem>>[vector<16xi32>], vector<16xf32>,
    %get3A_172 = arith.constant 0 : i32
    %get3A_173 = arith.index_cast %get3A_172 : i32 to index
    %get3A_174 = arith.constant 16 : index
    %get3A_175 = tpu.vector_load %arg8[%get3A_173, %get3A_174] {strides = array<i32>} : memref<3x80xi32, #tpu.memory_space<vmem>>, vector<16xi32>,
    %get3A_176 = arith.constant 0 : i32
    %get3A_177 = arith.index_cast %get3A_176 : i32 to index
    %get3A_178 = arith.constant 16 : index
    %get3A_179 = tpu.vector_load %arg11[%get3A_177, %get3A_178] {strides = array<i32>} : memref<3x80xf32, #tpu.memory_space<vmem>>, vector<16xf32>,
    tpu.vector_store_idx %arg12[%get3A_175], %get3A_179 {add = true} : memref<10000xf32, #tpu.memory_space<vmem>>[vector<16xi32>], vector<16xf32>,
    %get3A_180 = arith.constant 0 : i32
    %get3A_181 = arith.index_cast %get3A_180 : i32 to index
    %get3A_182 = arith.constant 32 : index
    %get3A_183 = tpu.vector_load %arg8[%get3A_181, %get3A_182] {strides = array<i32>} : memref<3x80xi32, #tpu.memory_space<vmem>>, vector<16xi32>,
    %get3A_184 = arith.constant 0 : i32
    %get3A_185 = arith.index_cast %get3A_184 : i32 to index
    %get3A_186 = arith.constant 32 : index
    %get3A_187 = tpu.vector_load %arg11[%get3A_185, %get3A_186] {strides = array<i32>} : memref<3x80xf32, #tpu.memory_space<vmem>>, vector<16xf32>,
    tpu.vector_store_idx %arg12[%get3A_183], %get3A_187 {add = true} : memref<10000xf32, #tpu.memory_space<vmem>>[vector<16xi32>], vector<16xf32>,
    %get3A_188 = arith.constant 0 : i32
    %get3A_189 = arith.index_cast %get3A_188 : i32 to index
    %get3A_190 = arith.constant 48 : index
    %get3A_191 = tpu.vector_load %arg8[%get3A_189, %get3A_190] {strides = array<i32>} : memref<3x80xi32, #tpu.memory_space<vmem>>, vector<16xi32>,
    %get3A_192 = arith.constant 0 : i32
    %get3A_193 = arith.index_cast %get3A_192 : i32 to index
    %get3A_194 = arith.constant 48 : index
    %get3A_195 = tpu.vector_load %arg11[%get3A_193, %get3A_194] {strides = array<i32>} : memref<3x80xf32, #tpu.memory_space<vmem>>, vector<16xf32>,
    tpu.vector_store_idx %arg12[%get3A_191], %get3A_195 {add = true} : memref<10000xf32, #tpu.memory_space<vmem>>[vector<16xi32>], vector<16xf32>,
    %get3A_196 = arith.constant 0 : i32
    %get3A_197 = arith.index_cast %get3A_196 : i32 to index
    %get3A_198 = arith.constant 64 : index
    %get3A_199 = tpu.vector_load %arg8[%get3A_197, %get3A_198] {strides = array<i32>} : memref<3x80xi32, #tpu.memory_space<vmem>>, vector<16xi32>,
    %get3A_200 = arith.constant 0 : i32
    %get3A_201 = arith.index_cast %get3A_200 : i32 to index
    %get3A_202 = arith.constant 64 : index
    %get3A_203 = tpu.vector_load %arg11[%get3A_201, %get3A_202] {strides = array<i32>} : memref<3x80xf32, #tpu.memory_space<vmem>>, vector<16xf32>,
    tpu.vector_store_idx %arg12[%get3A_199], %get3A_203 {add = true} : memref<10000xf32, #tpu.memory_space<vmem>>[vector<16xi32>], vector<16xf32>,
    %add3A_204 = arith.constant 160 : i32
    %add3A_205 = arith.addi %mul3A_13, %add3A_204 : i32
    %dma_start3A_206 = arith.constant 2 : i32
    %dma_start3A_207 = arith.constant 2 : i32
    %dma_start3A_208 = arith.constant 0 : i32
    %dma_start3A_209 = tpu.memref_slice %arg8[%dma_start3A_206, %dma_start3A_208] : memref<3x80xi32, #tpu.memory_space<vmem>> -> memref<1x80xi32, #tpu.memory_space<vmem>>
    %dma_start3A_210 = tpu.memref_squeeze %dma_start3A_209 : memref<1x80xi32, #tpu.memory_space<vmem>> -> memref<80xi32, #tpu.memory_space<vmem>>
    %dma_start3A_211 = tpu.memref_slice %arg4[%add3A_205] : memref<320000xi32, #tpu.memory_space<hbm>> -> memref<80xi32, #tpu.memory_space<hbm>>
    %dma_start3A_212 = tpu.memref_slice %arg14[%dma_start3A_207] : memref<3x!tpu.dma_semaphore, #tpu.memory_space<semaphore_mem>> -> memref<1x!tpu.dma_semaphore, #tpu.memory_space<semaphore_mem>>
    %dma_start3A_213 = tpu.memref_squeeze %dma_start3A_212 : memref<1x!tpu.dma_semaphore, #tpu.memory_space<semaphore_mem>> -> memref<!tpu.dma_semaphore, #tpu.memory_space<semaphore_mem>>
    %dma_start3A_214 = arith.constant 0 : i32
    %dma_start3A_215 = tpu.memref_slice %arg8[%dma_start3A_206, %dma_start3A_214] : memref<3x80xi32, #tpu.memory_space<vmem>> -> memref<1x80xi32, #tpu.memory_space<vmem>>
    %dma_start3A_216 = tpu.memref_squeeze %dma_start3A_215 : memref<1x80xi32, #tpu.memory_space<vmem>> -> memref<80xi32, #tpu.memory_space<vmem>>
    %dma_start3A_217 = tpu.memref_slice %arg4[%add3A_205] : memref<320000xi32, #tpu.memory_space<hbm>> -> memref<80xi32, #tpu.memory_space<hbm>>
    tpu.enqueue_dma source(%dma_start3A_217 : memref<80xi32, #tpu.memory_space<hbm>>) target(%dma_start3A_216 : memref<80xi32, #tpu.memory_space<vmem>>) target_semaphore(%dma_start3A_213 : memref<!tpu.dma_semaphore, #tpu.memory_space<semaphore_mem>>)
    %add3A_218 = arith.constant 160 : i32
    %add3A_219 = arith.addi %mul3A_13, %add3A_218 : i32
    %dma_start3A_220 = arith.constant 2 : i32
    %dma_start3A_221 = arith.constant 2 : i32
    %dma_start3A_222 = arith.constant 0 : i32
    %dma_start3A_223 = arith.constant 0 : i32
    %dma_start3A_224 = tpu.memref_slice %arg10[%dma_start3A_220, %dma_start3A_222, %dma_start3A_223] : memref<3x80x128xf32, #tpu.memory_space<vmem>> -> memref<1x80x128xf32, #tpu.memory_space<vmem>>
    %dma_start3A_225 = tpu.memref_squeeze %dma_start3A_224 : memref<1x80x128xf32, #tpu.memory_space<vmem>> -> memref<80x128xf32, #tpu.memory_space<vmem>>
    %dma_start3A_226 = arith.constant 0 : i32
    %dma_start3A_227 = tpu.memref_slice %arg2[%add3A_219, %dma_start3A_226] : memref<320000x128xf32, #tpu.memory_space<hbm>> -> memref<80x128xf32, #tpu.memory_space<hbm>>
    %dma_start3A_228 = tpu.memref_slice %arg15[%dma_start3A_221] : memref<3x!tpu.dma_semaphore, #tpu.memory_space<semaphore_mem>> -> memref<1x!tpu.dma_semaphore, #tpu.memory_space<semaphore_mem>>
    %dma_start3A_229 = tpu.memref_squeeze %dma_start3A_228 : memref<1x!tpu.dma_semaphore, #tpu.memory_space<semaphore_mem>> -> memref<!tpu.dma_semaphore, #tpu.memory_space<semaphore_mem>>
    %dma_start3A_230 = arith.constant 0 : i32
    %dma_start3A_231 = arith.constant 0 : i32
    %dma_start3A_232 = tpu.memref_slice %arg10[%dma_start3A_220, %dma_start3A_230, %dma_start3A_231] : memref<3x80x128xf32, #tpu.memory_space<vmem>> -> memref<1x80x128xf32, #tpu.memory_space<vmem>>
    %dma_start3A_233 = tpu.memref_squeeze %dma_start3A_232 : memref<1x80x128xf32, #tpu.memory_space<vmem>> -> memref<80x128xf32, #tpu.memory_space<vmem>>
    %dma_start3A_234 = arith.constant 0 : i32
    %dma_start3A_235 = tpu.memref_slice %arg2[%add3A_219, %dma_start3A_234] : memref<320000x128xf32, #tpu.memory_space<hbm>> -> memref<80x128xf32, #tpu.memory_space<hbm>>
    tpu.enqueue_dma source(%dma_start3A_235 : memref<80x128xf32, #tpu.memory_space<hbm>>) target(%dma_start3A_233 : memref<80x128xf32, #tpu.memory_space<vmem>>) target_semaphore(%dma_start3A_229 : memref<!tpu.dma_semaphore, #tpu.memory_space<semaphore_mem>>)
    %add3A_236 = arith.constant 160 : i32
    %add3A_237 = arith.addi %mul3A_13, %add3A_236 : i32
    %dma_start3A_238 = arith.constant 2 : i32
    %dma_start3A_239 = arith.constant 2 : i32
    %dma_start3A_240 = arith.constant 0 : i32
    %dma_start3A_241 = tpu.memref_slice %arg11[%dma_start3A_238, %dma_start3A_240] : memref<3x80xf32, #tpu.memory_space<vmem>> -> memref<1x80xf32, #tpu.memory_space<vmem>>
    %dma_start3A_242 = tpu.memref_squeeze %dma_start3A_241 : memref<1x80xf32, #tpu.memory_space<vmem>> -> memref<80xf32, #tpu.memory_space<vmem>>
    %dma_start3A_243 = tpu.memref_slice %arg3[%add3A_237] : memref<320000xf32, #tpu.memory_space<hbm>> -> memref<80xf32, #tpu.memory_space<hbm>>
    %dma_start3A_244 = tpu.memref_slice %arg16[%dma_start3A_239] : memref<3x!tpu.dma_semaphore, #tpu.memory_space<semaphore_mem>> -> memref<1x!tpu.dma_semaphore, #tpu.memory_space<semaphore_mem>>
    %dma_start3A_245 = tpu.memref_squeeze %dma_start3A_244 : memref<1x!tpu.dma_semaphore, #tpu.memory_space<semaphore_mem>> -> memref<!tpu.dma_semaphore, #tpu.memory_space<semaphore_mem>>
    %dma_start3A_246 = arith.constant 0 : i32
    %dma_start3A_247 = tpu.memref_slice %arg11[%dma_start3A_238, %dma_start3A_246] : memref<3x80xf32, #tpu.memory_space<vmem>> -> memref<1x80xf32, #tpu.memory_space<vmem>>
    %dma_start3A_248 = tpu.memref_squeeze %dma_start3A_247 : memref<1x80xf32, #tpu.memory_space<vmem>> -> memref<80xf32, #tpu.memory_space<vmem>>
    %dma_start3A_249 = tpu.memref_slice %arg3[%add3A_237] : memref<320000xf32, #tpu.memory_space<hbm>> -> memref<80xf32, #tpu.memory_space<hbm>>
    tpu.enqueue_dma source(%dma_start3A_249 : memref<80xf32, #tpu.memory_space<hbm>>) target(%dma_start3A_248 : memref<80xf32, #tpu.memory_space<vmem>>) target_semaphore(%dma_start3A_245 : memref<!tpu.dma_semaphore, #tpu.memory_space<semaphore_mem>>)
    %add3A_250 = arith.constant 80 : i32
    %add3A_251 = arith.addi %mul3A_13, %add3A_250 : i32
    %dma_wait3A_252 = arith.constant 1 : i32
    %dma_wait3A_253 = arith.constant 1 : i32
    %dma_wait3A_254 = arith.constant 0 : i32
    %dma_wait3A_255 = tpu.memref_slice %arg8[%dma_wait3A_252, %dma_wait3A_254] : memref<3x80xi32, #tpu.memory_space<vmem>> -> memref<1x80xi32, #tpu.memory_space<vmem>>
    %dma_wait3A_256 = tpu.memref_squeeze %dma_wait3A_255 : memref<1x80xi32, #tpu.memory_space<vmem>> -> memref<80xi32, #tpu.memory_space<vmem>>
    %dma_wait3A_257 = tpu.memref_slice %arg4[%add3A_251] : memref<320000xi32, #tpu.memory_space<hbm>> -> memref<80xi32, #tpu.memory_space<hbm>>
    %dma_wait3A_258 = tpu.memref_slice %arg14[%dma_wait3A_253] : memref<3x!tpu.dma_semaphore, #tpu.memory_space<semaphore_mem>> -> memref<1x!tpu.dma_semaphore, #tpu.memory_space<semaphore_mem>>
    %dma_wait3A_259 = tpu.memref_squeeze %dma_wait3A_258 : memref<1x!tpu.dma_semaphore, #tpu.memory_space<semaphore_mem>> -> memref<!tpu.dma_semaphore, #tpu.memory_space<semaphore_mem>>
    %dma_wait3A_260 = arith.constant 0 : i32
    %dma_wait3A_261 = tpu.memref_slice %arg8[%dma_wait3A_252, %dma_wait3A_260] : memref<3x80xi32, #tpu.memory_space<vmem>> -> memref<1x80xi32, #tpu.memory_space<vmem>>
    %dma_wait3A_262 = tpu.memref_squeeze %dma_wait3A_261 : memref<1x80xi32, #tpu.memory_space<vmem>> -> memref<80xi32, #tpu.memory_space<vmem>>
    %dma_wait3A_263 = tpu.memref_slice %arg4[%add3A_251] : memref<320000xi32, #tpu.memory_space<hbm>> -> memref<80xi32, #tpu.memory_space<hbm>>
    tpu.wait_dma2 semaphore(%dma_wait3A_259 : memref<!tpu.dma_semaphore, #tpu.memory_space<semaphore_mem>>) src(%dma_wait3A_263 : memref<80xi32, #tpu.memory_space<hbm>>) dst(%dma_wait3A_262 : memref<80xi32, #tpu.memory_space<vmem>>)
    %add3A_264 = arith.constant 80 : i32
    %add3A_265 = arith.addi %mul3A_13, %add3A_264 : i32
    %dma_wait3A_266 = arith.constant 1 : i32
    %dma_wait3A_267 = arith.constant 1 : i32
    %dma_wait3A_268 = arith.constant 0 : i32
    %dma_wait3A_269 = arith.constant 0 : i32
    %dma_wait3A_270 = tpu.memref_slice %arg10[%dma_wait3A_266, %dma_wait3A_268, %dma_wait3A_269] : memref<3x80x128xf32, #tpu.memory_space<vmem>> -> memref<1x80x128xf32, #tpu.memory_space<vmem>>
    %dma_wait3A_271 = tpu.memref_squeeze %dma_wait3A_270 : memref<1x80x128xf32, #tpu.memory_space<vmem>> -> memref<80x128xf32, #tpu.memory_space<vmem>>
    %dma_wait3A_272 = arith.constant 0 : i32
    %dma_wait3A_273 = tpu.memref_slice %arg2[%add3A_265, %dma_wait3A_272] : memref<320000x128xf32, #tpu.memory_space<hbm>> -> memref<80x128xf32, #tpu.memory_space<hbm>>
    %dma_wait3A_274 = tpu.memref_slice %arg15[%dma_wait3A_267] : memref<3x!tpu.dma_semaphore, #tpu.memory_space<semaphore_mem>> -> memref<1x!tpu.dma_semaphore, #tpu.memory_space<semaphore_mem>>
    %dma_wait3A_275 = tpu.memref_squeeze %dma_wait3A_274 : memref<1x!tpu.dma_semaphore, #tpu.memory_space<semaphore_mem>> -> memref<!tpu.dma_semaphore, #tpu.memory_space<semaphore_mem>>
    %dma_wait3A_276 = arith.constant 0 : i32
    %dma_wait3A_277 = arith.constant 0 : i32
    %dma_wait3A_278 = tpu.memref_slice %arg10[%dma_wait3A_266, %dma_wait3A_276, %dma_wait3A_277] : memref<3x80x128xf32, #tpu.memory_space<vmem>> -> memref<1x80x128xf32, #tpu.memory_space<vmem>>
    %dma_wait3A_279 = tpu.memref_squeeze %dma_wait3A_278 : memref<1x80x128xf32, #tpu.memory_space<vmem>> -> memref<80x128xf32, #tpu.memory_space<vmem>>
    %dma_wait3A_280 = arith.constant 0 : i32
    %dma_wait3A_281 = tpu.memref_slice %arg2[%add3A_265, %dma_wait3A_280] : memref<320000x128xf32, #tpu.memory_space<hbm>> -> memref<80x128xf32, #tpu.memory_space<hbm>>
    tpu.wait_dma2 semaphore(%dma_wait3A_275 : memref<!tpu.dma_semaphore, #tpu.memory_space<semaphore_mem>>) src(%dma_wait3A_281 : memref<80x128xf32, #tpu.memory_space<hbm>>) dst(%dma_wait3A_279 : memref<80x128xf32, #tpu.memory_space<vmem>>)
    %add3A_282 = arith.constant 80 : i32
    %add3A_283 = arith.addi %mul3A_13, %add3A_282 : i32
    %dma_wait3A_284 = arith.constant 1 : i32
    %dma_wait3A_285 = arith.constant 1 : i32
    %dma_wait3A_286 = arith.constant 0 : i32
    %dma_wait3A_287 = tpu.memref_slice %arg11[%dma_wait3A_284, %dma_wait3A_286] : memref<3x80xf32, #tpu.memory_space<vmem>> -> memref<1x80xf32, #tpu.memory_space<vmem>>
    %dma_wait3A_288 = tpu.memref_squeeze %dma_wait3A_287 : memref<1x80xf32, #tpu.memory_space<vmem>> -> memref<80xf32, #tpu.memory_space<vmem>>
    %dma_wait3A_289 = tpu.memref_slice %arg3[%add3A_283] : memref<320000xf32, #tpu.memory_space<hbm>> -> memref<80xf32, #tpu.memory_space<hbm>>
    %dma_wait3A_290 = tpu.memref_slice %arg16[%dma_wait3A_285] : memref<3x!tpu.dma_semaphore, #tpu.memory_space<semaphore_mem>> -> memref<1x!tpu.dma_semaphore, #tpu.memory_space<semaphore_mem>>
    %dma_wait3A_291 = tpu.memref_squeeze %dma_wait3A_290 : memref<1x!tpu.dma_semaphore, #tpu.memory_space<semaphore_mem>> -> memref<!tpu.dma_semaphore, #tpu.memory_space<semaphore_mem>>
    %dma_wait3A_292 = arith.constant 0 : i32
    %dma_wait3A_293 = tpu.memref_slice %arg11[%dma_wait3A_284, %dma_wait3A_292] : memref<3x80xf32, #tpu.memory_space<vmem>> -> memref<1x80xf32, #tpu.memory_space<vmem>>
    %dma_wait3A_294 = tpu.memref_squeeze %dma_wait3A_293 : memref<1x80xf32, #tpu.memory_space<vmem>> -> memref<80xf32, #tpu.memory_space<vmem>>
    %dma_wait3A_295 = tpu.memref_slice %arg3[%add3A_283] : memref<320000xf32, #tpu.memory_space<hbm>> -> memref<80xf32, #tpu.memory_space<hbm>>
    tpu.wait_dma2 semaphore(%dma_wait3A_291 : memref<!tpu.dma_semaphore, #tpu.memory_space<semaphore_mem>>) src(%dma_wait3A_295 : memref<80xf32, #tpu.memory_space<hbm>>) dst(%dma_wait3A_294 : memref<80xf32, #tpu.memory_space<vmem>>)
    %dma_start3A_296 = arith.constant 1 : i32
    %dma_start3A_297 = arith.constant 1 : i32
    %dma_start3A_298 = arith.constant 1 : i32
    %dma_start3A_299 = arith.constant 0 : i32
    %dma_start3A_300 = arith.constant 0 : i32
    %dma_start3A_301 = tpu.memref_slice %arg10[%dma_start3A_296, %dma_start3A_299, %dma_start3A_300] : memref<3x80x128xf32, #tpu.memory_space<vmem>> -> memref<1x80x128xf32, #tpu.memory_space<vmem>>
    %dma_start3A_302 = tpu.memref_squeeze %dma_start3A_301 : memref<1x80x128xf32, #tpu.memory_space<vmem>> -> memref<80x128xf32, #tpu.memory_space<vmem>>
    %dma_start3A_303 = arith.constant 0 : i32
    %dma_start3A_304 = tpu.memref_slice %arg8[%dma_start3A_297, %dma_start3A_303] : memref<3x80xi32, #tpu.memory_space<vmem>> -> memref<1x80xi32, #tpu.memory_space<vmem>>
    %dma_start3A_305 = tpu.memref_squeeze %dma_start3A_304 : memref<1x80xi32, #tpu.memory_space<vmem>> -> memref<80xi32, #tpu.memory_space<vmem>>
    %dma_start3A_306 = arith.constant 0 : i32
    %dma_start3A_307 = arith.constant 0 : i32
    %dma_start3A_308 = tpu.memref_slice %arg13[%dma_start3A_306, %dma_start3A_307] : memref<10000x128xf32, #tpu.memory_space<vmem_shared>> -> memref<10000x128xf32, #tpu.memory_space<vmem_shared>>
    %dma_start3A_309 = tpu.memref_slice %arg17[%dma_start3A_298] : memref<3x!tpu.dma_semaphore, #tpu.memory_space<semaphore_mem>> -> memref<1x!tpu.dma_semaphore, #tpu.memory_space<semaphore_mem>>
    %dma_start3A_310 = tpu.memref_squeeze %dma_start3A_309 : memref<1x!tpu.dma_semaphore, #tpu.memory_space<semaphore_mem>> -> memref<!tpu.dma_semaphore, #tpu.memory_space<semaphore_mem>>
    tpu.enqueue_indirect_dma source(%dma_start3A_302 : memref<80x128xf32, #tpu.memory_space<vmem>>) target(%dma_start3A_308 : memref<10000x128xf32, #tpu.memory_space<vmem_shared>>) offsets(%dma_start3A_305 : memref<80xi32, #tpu.memory_space<vmem>>) semaphore(%dma_start3A_310 : memref<!tpu.dma_semaphore, #tpu.memory_space<semaphore_mem>>) {add = true}
    %get3A_311 = arith.constant 1 : i32
    %get3A_312 = arith.index_cast %get3A_311 : i32 to index
    %get3A_313 = arith.constant 0 : index
    %get3A_314 = tpu.vector_load %arg8[%get3A_312, %get3A_313] {strides = array<i32>} : memref<3x80xi32, #tpu.memory_space<vmem>>, vector<16xi32>,
    %get3A_315 = arith.constant 1 : i32
    %get3A_316 = arith.index_cast %get3A_315 : i32 to index
    %get3A_317 = arith.constant 0 : index
    %get3A_318 = tpu.vector_load %arg11[%get3A_316, %get3A_317] {strides = array<i32>} : memref<3x80xf32, #tpu.memory_space<vmem>>, vector<16xf32>,
    tpu.vector_store_idx %arg12[%get3A_314], %get3A_318 {add = true} : memref<10000xf32, #tpu.memory_space<vmem>>[vector<16xi32>], vector<16xf32>,
    %get3A_319 = arith.constant 1 : i32
    %get3A_320 = arith.index_cast %get3A_319 : i32 to index
    %get3A_321 = arith.constant 16 : index
    %get3A_322 = tpu.vector_load %arg8[%get3A_320, %get3A_321] {strides = array<i32>} : memref<3x80xi32, #tpu.memory_space<vmem>>, vector<16xi32>,
    %get3A_323 = arith.constant 1 : i32
    %get3A_324 = arith.index_cast %get3A_323 : i32 to index
    %get3A_325 = arith.constant 16 : index
    %get3A_326 = tpu.vector_load %arg11[%get3A_324, %get3A_325] {strides = array<i32>} : memref<3x80xf32, #tpu.memory_space<vmem>>, vector<16xf32>,
    tpu.vector_store_idx %arg12[%get3A_322], %get3A_326 {add = true} : memref<10000xf32, #tpu.memory_space<vmem>>[vector<16xi32>], vector<16xf32>,
    %get3A_327 = arith.constant 1 : i32
    %get3A_328 = arith.index_cast %get3A_327 : i32 to index
    %get3A_329 = arith.constant 32 : index
    %get3A_330 = tpu.vector_load %arg8[%get3A_328, %get3A_329] {strides = array<i32>} : memref<3x80xi32, #tpu.memory_space<vmem>>, vector<16xi32>,
    %get3A_331 = arith.constant 1 : i32
    %get3A_332 = arith.index_cast %get3A_331 : i32 to index
    %get3A_333 = arith.constant 32 : index
    %get3A_334 = tpu.vector_load %arg11[%get3A_332, %get3A_333] {strides = array<i32>} : memref<3x80xf32, #tpu.memory_space<vmem>>, vector<16xf32>,
    tpu.vector_store_idx %arg12[%get3A_330], %get3A_334 {add = true} : memref<10000xf32, #tpu.memory_space<vmem>>[vector<16xi32>], vector<16xf32>,
    %get3A_335 = arith.constant 1 : i32
    %get3A_336 = arith.index_cast %get3A_335 : i32 to index
    %get3A_337 = arith.constant 48 : index
    %get3A_338 = tpu.vector_load %arg8[%get3A_336, %get3A_337] {strides = array<i32>} : memref<3x80xi32, #tpu.memory_space<vmem>>, vector<16xi32>,
    %get3A_339 = arith.constant 1 : i32
    %get3A_340 = arith.index_cast %get3A_339 : i32 to index
    %get3A_341 = arith.constant 48 : index
    %get3A_342 = tpu.vector_load %arg11[%get3A_340, %get3A_341] {strides = array<i32>} : memref<3x80xf32, #tpu.memory_space<vmem>>, vector<16xf32>,
    tpu.vector_store_idx %arg12[%get3A_338], %get3A_342 {add = true} : memref<10000xf32, #tpu.memory_space<vmem>>[vector<16xi32>], vector<16xf32>,
    %get3A_343 = arith.constant 1 : i32
    %get3A_344 = arith.index_cast %get3A_343 : i32 to index
    %get3A_345 = arith.constant 64 : index
    %get3A_346 = tpu.vector_load %arg8[%get3A_344, %get3A_345] {strides = array<i32>} : memref<3x80xi32, #tpu.memory_space<vmem>>, vector<16xi32>,
    %get3A_347 = arith.constant 1 : i32
    %get3A_348 = arith.index_cast %get3A_347 : i32 to index
    %get3A_349 = arith.constant 64 : index
    %get3A_350 = tpu.vector_load %arg11[%get3A_348, %get3A_349] {strides = array<i32>} : memref<3x80xf32, #tpu.memory_space<vmem>>, vector<16xf32>,
    tpu.vector_store_idx %arg12[%get3A_346], %get3A_350 {add = true} : memref<10000xf32, #tpu.memory_space<vmem>>[vector<16xi32>], vector<16xf32>,
    %scan3A_351 = arith.constant 0 : i32
    %scan3A_352 = arith.constant 40 : i32
    %scan3A_353 = arith.addi %scan3A_351, %scan3A_352 : i32
    %scan3A_354 = arith.constant 1 : i32
    scf.for %scan3A_840 = %scan3A_351 to %scan3A_353 step %scan3A_354  : i32 {
      %mul3A_841 = arith.constant 1 : i32
      %mul3A_842 = arith.muli %scan3A_840, %mul3A_841 : i32
      %add3A_843 = arith.constant 1 : i32
      %add3A_844 = arith.addi %add3A_843, %mul3A_842 : i32
      %mul3A_845 = arith.constant 3 : i32
      %mul3A_846 = arith.muli %add3A_844, %mul3A_845 : i32
      %dma_wait3A_847 = arith.constant 0 : i32
      %dma_wait3A_848 = arith.constant 0 : i32
      %dma_wait3A_849 = arith.constant 0 : i32
      %dma_wait3A_850 = arith.constant 0 : i32
      %dma_wait3A_851 = arith.constant 0 : i32
      %dma_wait3A_852 = tpu.memref_slice %arg10[%dma_wait3A_847, %dma_wait3A_850, %dma_wait3A_851] : memref<3x80x128xf32, #tpu.memory_space<vmem>> -> memref<1x80x128xf32, #tpu.memory_space<vmem>>
      %dma_wait3A_853 = tpu.memref_squeeze %dma_wait3A_852 : memref<1x80x128xf32, #tpu.memory_space<vmem>> -> memref<80x128xf32, #tpu.memory_space<vmem>>
      %dma_wait3A_854 = arith.constant 0 : i32
      %dma_wait3A_855 = tpu.memref_slice %arg8[%dma_wait3A_848, %dma_wait3A_854] : memref<3x80xi32, #tpu.memory_space<vmem>> -> memref<1x80xi32, #tpu.memory_space<vmem>>
      %dma_wait3A_856 = tpu.memref_squeeze %dma_wait3A_855 : memref<1x80xi32, #tpu.memory_space<vmem>> -> memref<80xi32, #tpu.memory_space<vmem>>
      %dma_wait3A_857 = arith.constant 0 : i32
      %dma_wait3A_858 = arith.constant 0 : i32
      %dma_wait3A_859 = tpu.memref_slice %arg13[%dma_wait3A_857, %dma_wait3A_858] : memref<10000x128xf32, #tpu.memory_space<vmem_shared>> -> memref<10000x128xf32, #tpu.memory_space<vmem_shared>>
      %dma_wait3A_860 = tpu.memref_slice %arg17[%dma_wait3A_849] : memref<3x!tpu.dma_semaphore, #tpu.memory_space<semaphore_mem>> -> memref<1x!tpu.dma_semaphore, #tpu.memory_space<semaphore_mem>>
      %dma_wait3A_861 = tpu.memref_squeeze %dma_wait3A_860 : memref<1x!tpu.dma_semaphore, #tpu.memory_space<semaphore_mem>> -> memref<!tpu.dma_semaphore, #tpu.memory_space<semaphore_mem>>
      tpu.wait_indirect_dma semaphore(%dma_wait3A_861 : memref<!tpu.dma_semaphore, #tpu.memory_space<semaphore_mem>>) src(%dma_wait3A_853 : memref<80x128xf32, #tpu.memory_space<vmem>>) dst(%dma_wait3A_859 : memref<10000x128xf32, #tpu.memory_space<vmem_shared>>)
      %mul3A_862 = arith.constant 80 : i32
      %mul3A_863 = arith.muli %mul3A_846, %mul3A_862 : i32
      %add3A_864 = arith.addi %mul3A_13, %mul3A_863 : i32
      %dma_start3A_865 = arith.constant 0 : i32
      %dma_start3A_866 = arith.constant 0 : i32
      %dma_start3A_867 = arith.constant 0 : i32
      %dma_start3A_868 = tpu.memref_slice %arg8[%dma_start3A_865, %dma_start3A_867] : memref<3x80xi32, #tpu.memory_space<vmem>> -> memref<1x80xi32, #tpu.memory_space<vmem>>
      %dma_start3A_869 = tpu.memref_squeeze %dma_start3A_868 : memref<1x80xi32, #tpu.memory_space<vmem>> -> memref<80xi32, #tpu.memory_space<vmem>>
      %dma_start3A_870 = tpu.memref_slice %arg4[%add3A_864] : memref<320000xi32, #tpu.memory_space<hbm>> -> memref<80xi32, #tpu.memory_space<hbm>>
      %dma_start3A_871 = tpu.memref_slice %arg14[%dma_start3A_866] : memref<3x!tpu.dma_semaphore, #tpu.memory_space<semaphore_mem>> -> memref<1x!tpu.dma_semaphore, #tpu.memory_space<semaphore_mem>>
      %dma_start3A_872 = tpu.memref_squeeze %dma_start3A_871 : memref<1x!tpu.dma_semaphore, #tpu.memory_space<semaphore_mem>> -> memref<!tpu.dma_semaphore, #tpu.memory_space<semaphore_mem>>
      %dma_start3A_873 = arith.constant 0 : i32
      %dma_start3A_874 = tpu.memref_slice %arg8[%dma_start3A_865, %dma_start3A_873] : memref<3x80xi32, #tpu.memory_space<vmem>> -> memref<1x80xi32, #tpu.memory_space<vmem>>
      %dma_start3A_875 = tpu.memref_squeeze %dma_start3A_874 : memref<1x80xi32, #tpu.memory_space<vmem>> -> memref<80xi32, #tpu.memory_space<vmem>>
      %dma_start3A_876 = tpu.memref_slice %arg4[%add3A_864] : memref<320000xi32, #tpu.memory_space<hbm>> -> memref<80xi32, #tpu.memory_space<hbm>>
      tpu.enqueue_dma source(%dma_start3A_876 : memref<80xi32, #tpu.memory_space<hbm>>) target(%dma_start3A_875 : memref<80xi32, #tpu.memory_space<vmem>>) target_semaphore(%dma_start3A_872 : memref<!tpu.dma_semaphore, #tpu.memory_space<semaphore_mem>>)
      %mul3A_877 = arith.constant 80 : i32
      %mul3A_878 = arith.muli %mul3A_846, %mul3A_877 : i32
      %add3A_879 = arith.addi %mul3A_13, %mul3A_878 : i32
      %dma_start3A_880 = arith.constant 0 : i32
      %dma_start3A_881 = arith.constant 0 : i32
      %dma_start3A_882 = arith.constant 0 : i32
      %dma_start3A_883 = arith.constant 0 : i32
      %dma_start3A_884 = tpu.memref_slice %arg10[%dma_start3A_880, %dma_start3A_882, %dma_start3A_883] : memref<3x80x128xf32, #tpu.memory_space<vmem>> -> memref<1x80x128xf32, #tpu.memory_space<vmem>>
      %dma_start3A_885 = tpu.memref_squeeze %dma_start3A_884 : memref<1x80x128xf32, #tpu.memory_space<vmem>> -> memref<80x128xf32, #tpu.memory_space<vmem>>
      %dma_start3A_886 = arith.constant 0 : i32
      %dma_start3A_887 = tpu.memref_slice %arg2[%add3A_879, %dma_start3A_886] : memref<320000x128xf32, #tpu.memory_space<hbm>> -> memref<80x128xf32, #tpu.memory_space<hbm>>
      %dma_start3A_888 = tpu.memref_slice %arg15[%dma_start3A_881] : memref<3x!tpu.dma_semaphore, #tpu.memory_space<semaphore_mem>> -> memref<1x!tpu.dma_semaphore, #tpu.memory_space<semaphore_mem>>
      %dma_start3A_889 = tpu.memref_squeeze %dma_start3A_888 : memref<1x!tpu.dma_semaphore, #tpu.memory_space<semaphore_mem>> -> memref<!tpu.dma_semaphore, #tpu.memory_space<semaphore_mem>>
      %dma_start3A_890 = arith.constant 0 : i32
      %dma_start3A_891 = arith.constant 0 : i32
      %dma_start3A_892 = tpu.memref_slice %arg10[%dma_start3A_880, %dma_start3A_890, %dma_start3A_891] : memref<3x80x128xf32, #tpu.memory_space<vmem>> -> memref<1x80x128xf32, #tpu.memory_space<vmem>>
      %dma_start3A_893 = tpu.memref_squeeze %dma_start3A_892 : memref<1x80x128xf32, #tpu.memory_space<vmem>> -> memref<80x128xf32, #tpu.memory_space<vmem>>
      %dma_start3A_894 = arith.constant 0 : i32
      %dma_start3A_895 = tpu.memref_slice %arg2[%add3A_879, %dma_start3A_894] : memref<320000x128xf32, #tpu.memory_space<hbm>> -> memref<80x128xf32, #tpu.memory_space<hbm>>
      tpu.enqueue_dma source(%dma_start3A_895 : memref<80x128xf32, #tpu.memory_space<hbm>>) target(%dma_start3A_893 : memref<80x128xf32, #tpu.memory_space<vmem>>) target_semaphore(%dma_start3A_889 : memref<!tpu.dma_semaphore, #tpu.memory_space<semaphore_mem>>)
      %mul3A_896 = arith.constant 80 : i32
      %mul3A_897 = arith.muli %mul3A_846, %mul3A_896 : i32
      %add3A_898 = arith.addi %mul3A_13, %mul3A_897 : i32
      %dma_start3A_899 = arith.constant 0 : i32
      %dma_start3A_900 = arith.constant 0 : i32
      %dma_start3A_901 = arith.constant 0 : i32
      %dma_start3A_902 = tpu.memref_slice %arg11[%dma_start3A_899, %dma_start3A_901] : memref<3x80xf32, #tpu.memory_space<vmem>> -> memref<1x80xf32, #tpu.memory_space<vmem>>
      %dma_start3A_903 = tpu.memref_squeeze %dma_start3A_902 : memref<1x80xf32, #tpu.memory_space<vmem>> -> memref<80xf32, #tpu.memory_space<vmem>>
      %dma_start3A_904 = tpu.memref_slice %arg3[%add3A_898] : memref<320000xf32, #tpu.memory_space<hbm>> -> memref<80xf32, #tpu.memory_space<hbm>>
      %dma_start3A_905 = tpu.memref_slice %arg16[%dma_start3A_900] : memref<3x!tpu.dma_semaphore, #tpu.memory_space<semaphore_mem>> -> memref<1x!tpu.dma_semaphore, #tpu.memory_space<semaphore_mem>>
      %dma_start3A_906 = tpu.memref_squeeze %dma_start3A_905 : memref<1x!tpu.dma_semaphore, #tpu.memory_space<semaphore_mem>> -> memref<!tpu.dma_semaphore, #tpu.memory_space<semaphore_mem>>
      %dma_start3A_907 = arith.constant 0 : i32
      %dma_start3A_908 = tpu.memref_slice %arg11[%dma_start3A_899, %dma_start3A_907] : memref<3x80xf32, #tpu.memory_space<vmem>> -> memref<1x80xf32, #tpu.memory_space<vmem>>
      %dma_start3A_909 = tpu.memref_squeeze %dma_start3A_908 : memref<1x80xf32, #tpu.memory_space<vmem>> -> memref<80xf32, #tpu.memory_space<vmem>>
      %dma_start3A_910 = tpu.memref_slice %arg3[%add3A_898] : memref<320000xf32, #tpu.memory_space<hbm>> -> memref<80xf32, #tpu.memory_space<hbm>>
      tpu.enqueue_dma source(%dma_start3A_910 : memref<80xf32, #tpu.memory_space<hbm>>) target(%dma_start3A_909 : memref<80xf32, #tpu.memory_space<vmem>>) target_semaphore(%dma_start3A_906 : memref<!tpu.dma_semaphore, #tpu.memory_space<semaphore_mem>>)
      %sub3A = arith.constant 1 : i32
      %sub3A_911 = arith.subi %mul3A_846, %sub3A : i32
      %mul3A_912 = arith.constant 80 : i32
      %mul3A_913 = arith.muli %sub3A_911, %mul3A_912 : i32
      %add3A_914 = arith.addi %mul3A_13, %mul3A_913 : i32
      %dma_wait3A_915 = arith.constant 2 : i32
      %dma_wait3A_916 = arith.constant 2 : i32
      %dma_wait3A_917 = arith.constant 0 : i32
      %dma_wait3A_918 = tpu.memref_slice %arg8[%dma_wait3A_915, %dma_wait3A_917] : memref<3x80xi32, #tpu.memory_space<vmem>> -> memref<1x80xi32, #tpu.memory_space<vmem>>
      %dma_wait3A_919 = tpu.memref_squeeze %dma_wait3A_918 : memref<1x80xi32, #tpu.memory_space<vmem>> -> memref<80xi32, #tpu.memory_space<vmem>>
      %dma_wait3A_920 = tpu.memref_slice %arg4[%add3A_914] : memref<320000xi32, #tpu.memory_space<hbm>> -> memref<80xi32, #tpu.memory_space<hbm>>
      %dma_wait3A_921 = tpu.memref_slice %arg14[%dma_wait3A_916] : memref<3x!tpu.dma_semaphore, #tpu.memory_space<semaphore_mem>> -> memref<1x!tpu.dma_semaphore, #tpu.memory_space<semaphore_mem>>
      %dma_wait3A_922 = tpu.memref_squeeze %dma_wait3A_921 : memref<1x!tpu.dma_semaphore, #tpu.memory_space<semaphore_mem>> -> memref<!tpu.dma_semaphore, #tpu.memory_space<semaphore_mem>>
      %dma_wait3A_923 = arith.constant 0 : i32
      %dma_wait3A_924 = tpu.memref_slice %arg8[%dma_wait3A_915, %dma_wait3A_923] : memref<3x80xi32, #tpu.memory_space<vmem>> -> memref<1x80xi32, #tpu.memory_space<vmem>>
      %dma_wait3A_925 = tpu.memref_squeeze %dma_wait3A_924 : memref<1x80xi32, #tpu.memory_space<vmem>> -> memref<80xi32, #tpu.memory_space<vmem>>
      %dma_wait3A_926 = tpu.memref_slice %arg4[%add3A_914] : memref<320000xi32, #tpu.memory_space<hbm>> -> memref<80xi32, #tpu.memory_space<hbm>>
      tpu.wait_dma2 semaphore(%dma_wait3A_922 : memref<!tpu.dma_semaphore, #tpu.memory_space<semaphore_mem>>) src(%dma_wait3A_926 : memref<80xi32, #tpu.memory_space<hbm>>) dst(%dma_wait3A_925 : memref<80xi32, #tpu.memory_space<vmem>>)
      %sub3A_927 = arith.constant 1 : i32
      %sub3A_928 = arith.subi %mul3A_846, %sub3A_927 : i32
      %mul3A_929 = arith.constant 80 : i32
      %mul3A_930 = arith.muli %sub3A_928, %mul3A_929 : i32
      %add3A_931 = arith.addi %mul3A_13, %mul3A_930 : i32
      %dma_wait3A_932 = arith.constant 2 : i32
      %dma_wait3A_933 = arith.constant 2 : i32
      %dma_wait3A_934 = arith.constant 0 : i32
      %dma_wait3A_935 = arith.constant 0 : i32
      %dma_wait3A_936 = tpu.memref_slice %arg10[%dma_wait3A_932, %dma_wait3A_934, %dma_wait3A_935] : memref<3x80x128xf32, #tpu.memory_space<vmem>> -> memref<1x80x128xf32, #tpu.memory_space<vmem>>
      %dma_wait3A_937 = tpu.memref_squeeze %dma_wait3A_936 : memref<1x80x128xf32, #tpu.memory_space<vmem>> -> memref<80x128xf32, #tpu.memory_space<vmem>>
      %dma_wait3A_938 = arith.constant 0 : i32
      %dma_wait3A_939 = tpu.memref_slice %arg2[%add3A_931, %dma_wait3A_938] : memref<320000x128xf32, #tpu.memory_space<hbm>> -> memref<80x128xf32, #tpu.memory_space<hbm>>
      %dma_wait3A_940 = tpu.memref_slice %arg15[%dma_wait3A_933] : memref<3x!tpu.dma_semaphore, #tpu.memory_space<semaphore_mem>> -> memref<1x!tpu.dma_semaphore, #tpu.memory_space<semaphore_mem>>
      %dma_wait3A_941 = tpu.memref_squeeze %dma_wait3A_940 : memref<1x!tpu.dma_semaphore, #tpu.memory_space<semaphore_mem>> -> memref<!tpu.dma_semaphore, #tpu.memory_space<semaphore_mem>>
      %dma_wait3A_942 = arith.constant 0 : i32
      %dma_wait3A_943 = arith.constant 0 : i32
      %dma_wait3A_944 = tpu.memref_slice %arg10[%dma_wait3A_932, %dma_wait3A_942, %dma_wait3A_943] : memref<3x80x128xf32, #tpu.memory_space<vmem>> -> memref<1x80x128xf32, #tpu.memory_space<vmem>>
      %dma_wait3A_945 = tpu.memref_squeeze %dma_wait3A_944 : memref<1x80x128xf32, #tpu.memory_space<vmem>> -> memref<80x128xf32, #tpu.memory_space<vmem>>
      %dma_wait3A_946 = arith.constant 0 : i32
      %dma_wait3A_947 = tpu.memref_slice %arg2[%add3A_931, %dma_wait3A_946] : memref<320000x128xf32, #tpu.memory_space<hbm>> -> memref<80x128xf32, #tpu.memory_space<hbm>>
      tpu.wait_dma2 semaphore(%dma_wait3A_941 : memref<!tpu.dma_semaphore, #tpu.memory_space<semaphore_mem>>) src(%dma_wait3A_947 : memref<80x128xf32, #tpu.memory_space<hbm>>) dst(%dma_wait3A_945 : memref<80x128xf32, #tpu.memory_space<vmem>>)
      %sub3A_948 = arith.constant 1 : i32
      %sub3A_949 = arith.subi %mul3A_846, %sub3A_948 : i32
      %mul3A_950 = arith.constant 80 : i32
      %mul3A_951 = arith.muli %sub3A_949, %mul3A_950 : i32
      %add3A_952 = arith.addi %mul3A_13, %mul3A_951 : i32
      %dma_wait3A_953 = arith.constant 2 : i32
      %dma_wait3A_954 = arith.constant 2 : i32
      %dma_wait3A_955 = arith.constant 0 : i32
      %dma_wait3A_956 = tpu.memref_slice %arg11[%dma_wait3A_953, %dma_wait3A_955] : memref<3x80xf32, #tpu.memory_space<vmem>> -> memref<1x80xf32, #tpu.memory_space<vmem>>
      %dma_wait3A_957 = tpu.memref_squeeze %dma_wait3A_956 : memref<1x80xf32, #tpu.memory_space<vmem>> -> memref<80xf32, #tpu.memory_space<vmem>>
      %dma_wait3A_958 = tpu.memref_slice %arg3[%add3A_952] : memref<320000xf32, #tpu.memory_space<hbm>> -> memref<80xf32, #tpu.memory_space<hbm>>
      %dma_wait3A_959 = tpu.memref_slice %arg16[%dma_wait3A_954] : memref<3x!tpu.dma_semaphore, #tpu.memory_space<semaphore_mem>> -> memref<1x!tpu.dma_semaphore, #tpu.memory_space<semaphore_mem>>
      %dma_wait3A_960 = tpu.memref_squeeze %dma_wait3A_959 : memref<1x!tpu.dma_semaphore, #tpu.memory_space<semaphore_mem>> -> memref<!tpu.dma_semaphore, #tpu.memory_space<semaphore_mem>>
      %dma_wait3A_961 = arith.constant 0 : i32
      %dma_wait3A_962 = tpu.memref_slice %arg11[%dma_wait3A_953, %dma_wait3A_961] : memref<3x80xf32, #tpu.memory_space<vmem>> -> memref<1x80xf32, #tpu.memory_space<vmem>>
      %dma_wait3A_963 = tpu.memref_squeeze %dma_wait3A_962 : memref<1x80xf32, #tpu.memory_space<vmem>> -> memref<80xf32, #tpu.memory_space<vmem>>
      %dma_wait3A_964 = tpu.memref_slice %arg3[%add3A_952] : memref<320000xf32, #tpu.memory_space<hbm>> -> memref<80xf32, #tpu.memory_space<hbm>>
      tpu.wait_dma2 semaphore(%dma_wait3A_960 : memref<!tpu.dma_semaphore, #tpu.memory_space<semaphore_mem>>) src(%dma_wait3A_964 : memref<80xf32, #tpu.memory_space<hbm>>) dst(%dma_wait3A_963 : memref<80xf32, #tpu.memory_space<vmem>>)
      %dma_start3A_965 = arith.constant 2 : i32
      %dma_start3A_966 = arith.constant 2 : i32
      %dma_start3A_967 = arith.constant 2 : i32
      %dma_start3A_968 = arith.constant 0 : i32
      %dma_start3A_969 = arith.constant 0 : i32
      %dma_start3A_970 = tpu.memref_slice %arg10[%dma_start3A_965, %dma_start3A_968, %dma_start3A_969] : memref<3x80x128xf32, #tpu.memory_space<vmem>> -> memref<1x80x128xf32, #tpu.memory_space<vmem>>
      %dma_start3A_971 = tpu.memref_squeeze %dma_start3A_970 : memref<1x80x128xf32, #tpu.memory_space<vmem>> -> memref<80x128xf32, #tpu.memory_space<vmem>>
      %dma_start3A_972 = arith.constant 0 : i32
      %dma_start3A_973 = tpu.memref_slice %arg8[%dma_start3A_966, %dma_start3A_972] : memref<3x80xi32, #tpu.memory_space<vmem>> -> memref<1x80xi32, #tpu.memory_space<vmem>>
      %dma_start3A_974 = tpu.memref_squeeze %dma_start3A_973 : memref<1x80xi32, #tpu.memory_space<vmem>> -> memref<80xi32, #tpu.memory_space<vmem>>
      %dma_start3A_975 = arith.constant 0 : i32
      %dma_start3A_976 = arith.constant 0 : i32
      %dma_start3A_977 = tpu.memref_slice %arg13[%dma_start3A_975, %dma_start3A_976] : memref<10000x128xf32, #tpu.memory_space<vmem_shared>> -> memref<10000x128xf32, #tpu.memory_space<vmem_shared>>
      %dma_start3A_978 = tpu.memref_slice %arg17[%dma_start3A_967] : memref<3x!tpu.dma_semaphore, #tpu.memory_space<semaphore_mem>> -> memref<1x!tpu.dma_semaphore, #tpu.memory_space<semaphore_mem>>
      %dma_start3A_979 = tpu.memref_squeeze %dma_start3A_978 : memref<1x!tpu.dma_semaphore, #tpu.memory_space<semaphore_mem>> -> memref<!tpu.dma_semaphore, #tpu.memory_space<semaphore_mem>>
      tpu.enqueue_indirect_dma source(%dma_start3A_971 : memref<80x128xf32, #tpu.memory_space<vmem>>) target(%dma_start3A_977 : memref<10000x128xf32, #tpu.memory_space<vmem_shared>>) offsets(%dma_start3A_974 : memref<80xi32, #tpu.memory_space<vmem>>) semaphore(%dma_start3A_979 : memref<!tpu.dma_semaphore, #tpu.memory_space<semaphore_mem>>) {add = true}
      %get3A_980 = arith.constant 2 : i32
      %get3A_981 = arith.index_cast %get3A_980 : i32 to index
      %get3A_982 = arith.constant 0 : index
      %get3A_983 = tpu.vector_load %arg8[%get3A_981, %get3A_982] {strides = array<i32>} : memref<3x80xi32, #tpu.memory_space<vmem>>, vector<16xi32>,
      %get3A_984 = arith.constant 2 : i32
      %get3A_985 = arith.index_cast %get3A_984 : i32 to index
      %get3A_986 = arith.constant 0 : index
      %get3A_987 = tpu.vector_load %arg11[%get3A_985, %get3A_986] {strides = array<i32>} : memref<3x80xf32, #tpu.memory_space<vmem>>, vector<16xf32>,
      tpu.vector_store_idx %arg12[%get3A_983], %get3A_987 {add = true} : memref<10000xf32, #tpu.memory_space<vmem>>[vector<16xi32>], vector<16xf32>,
      %get3A_988 = arith.constant 2 : i32
      %get3A_989 = arith.index_cast %get3A_988 : i32 to index
      %get3A_990 = arith.constant 16 : index
      %get3A_991 = tpu.vector_load %arg8[%get3A_989, %get3A_990] {strides = array<i32>} : memref<3x80xi32, #tpu.memory_space<vmem>>, vector<16xi32>,
      %get3A_992 = arith.constant 2 : i32
      %get3A_993 = arith.index_cast %get3A_992 : i32 to index
      %get3A_994 = arith.constant 16 : index
      %get3A_995 = tpu.vector_load %arg11[%get3A_993, %get3A_994] {strides = array<i32>} : memref<3x80xf32, #tpu.memory_space<vmem>>, vector<16xf32>,
      tpu.vector_store_idx %arg12[%get3A_991], %get3A_995 {add = true} : memref<10000xf32, #tpu.memory_space<vmem>>[vector<16xi32>], vector<16xf32>,
      %get3A_996 = arith.constant 2 : i32
      %get3A_997 = arith.index_cast %get3A_996 : i32 to index
      %get3A_998 = arith.constant 32 : index
      %get3A_999 = tpu.vector_load %arg8[%get3A_997, %get3A_998] {strides = array<i32>} : memref<3x80xi32, #tpu.memory_space<vmem>>, vector<16xi32>,
      %get3A_1000 = arith.constant 2 : i32
      %get3A_1001 = arith.index_cast %get3A_1000 : i32 to index
      %get3A_1002 = arith.constant 32 : index
      %get3A_1003 = tpu.vector_load %arg11[%get3A_1001, %get3A_1002] {strides = array<i32>} : memref<3x80xf32, #tpu.memory_space<vmem>>, vector<16xf32>,
      tpu.vector_store_idx %arg12[%get3A_999], %get3A_1003 {add = true} : memref<10000xf32, #tpu.memory_space<vmem>>[vector<16xi32>], vector<16xf32>,
      %get3A_1004 = arith.constant 2 : i32
      %get3A_1005 = arith.index_cast %get3A_1004 : i32 to index
      %get3A_1006 = arith.constant 48 : index
      %get3A_1007 = tpu.vector_load %arg8[%get3A_1005, %get3A_1006] {strides = array<i32>} : memref<3x80xi32, #tpu.memory_space<vmem>>, vector<16xi32>,
      %get3A_1008 = arith.constant 2 : i32
      %get3A_1009 = arith.index_cast %get3A_1008 : i32 to index
      %get3A_1010 = arith.constant 48 : index
      %get3A_1011 = tpu.vector_load %arg11[%get3A_1009, %get3A_1010] {strides = array<i32>} : memref<3x80xf32, #tpu.memory_space<vmem>>, vector<16xf32>,
      tpu.vector_store_idx %arg12[%get3A_1007], %get3A_1011 {add = true} : memref<10000xf32, #tpu.memory_space<vmem>>[vector<16xi32>], vector<16xf32>,
      %get3A_1012 = arith.constant 2 : i32
      %get3A_1013 = arith.index_cast %get3A_1012 : i32 to index
      %get3A_1014 = arith.constant 64 : index
      %get3A_1015 = tpu.vector_load %arg8[%get3A_1013, %get3A_1014] {strides = array<i32>} : memref<3x80xi32, #tpu.memory_space<vmem>>, vector<16xi32>,
      %get3A_1016 = arith.constant 2 : i32
      %get3A_1017 = arith.index_cast %get3A_1016 : i32 to index
      %get3A_1018 = arith.constant 64 : index
      %get3A_1019 = tpu.vector_load %arg11[%get3A_1017, %get3A_1018] {strides = array<i32>} : memref<3x80xf32, #tpu.memory_space<vmem>>, vector<16xf32>,
      tpu.vector_store_idx %arg12[%get3A_1015], %get3A_1019 {add = true} : memref<10000xf32, #tpu.memory_space<vmem>>[vector<16xi32>], vector<16xf32>,
      %add3A_1020 = arith.constant 1 : i32
      %add3A_1021 = arith.addi %mul3A_846, %add3A_1020 : i32
      %dma_wait3A_1022 = arith.constant 1 : i32
      %dma_wait3A_1023 = arith.constant 1 : i32
      %dma_wait3A_1024 = arith.constant 1 : i32
      %dma_wait3A_1025 = arith.constant 0 : i32
      %dma_wait3A_1026 = arith.constant 0 : i32
      %dma_wait3A_1027 = tpu.memref_slice %arg10[%dma_wait3A_1022, %dma_wait3A_1025, %dma_wait3A_1026] : memref<3x80x128xf32, #tpu.memory_space<vmem>> -> memref<1x80x128xf32, #tpu.memory_space<vmem>>
      %dma_wait3A_1028 = tpu.memref_squeeze %dma_wait3A_1027 : memref<1x80x128xf32, #tpu.memory_space<vmem>> -> memref<80x128xf32, #tpu.memory_space<vmem>>
      %dma_wait3A_1029 = arith.constant 0 : i32
      %dma_wait3A_1030 = tpu.memref_slice %arg8[%dma_wait3A_1023, %dma_wait3A_1029] : memref<3x80xi32, #tpu.memory_space<vmem>> -> memref<1x80xi32, #tpu.memory_space<vmem>>
      %dma_wait3A_1031 = tpu.memref_squeeze %dma_wait3A_1030 : memref<1x80xi32, #tpu.memory_space<vmem>> -> memref<80xi32, #tpu.memory_space<vmem>>
      %dma_wait3A_1032 = arith.constant 0 : i32
      %dma_wait3A_1033 = arith.constant 0 : i32
      %dma_wait3A_1034 = tpu.memref_slice %arg13[%dma_wait3A_1032, %dma_wait3A_1033] : memref<10000x128xf32, #tpu.memory_space<vmem_shared>> -> memref<10000x128xf32, #tpu.memory_space<vmem_shared>>
      %dma_wait3A_1035 = tpu.memref_slice %arg17[%dma_wait3A_1024] : memref<3x!tpu.dma_semaphore, #tpu.memory_space<semaphore_mem>> -> memref<1x!tpu.dma_semaphore, #tpu.memory_space<semaphore_mem>>
      %dma_wait3A_1036 = tpu.memref_squeeze %dma_wait3A_1035 : memref<1x!tpu.dma_semaphore, #tpu.memory_space<semaphore_mem>> -> memref<!tpu.dma_semaphore, #tpu.memory_space<semaphore_mem>>
      tpu.wait_indirect_dma semaphore(%dma_wait3A_1036 : memref<!tpu.dma_semaphore, #tpu.memory_space<semaphore_mem>>) src(%dma_wait3A_1028 : memref<80x128xf32, #tpu.memory_space<vmem>>) dst(%dma_wait3A_1034 : memref<10000x128xf32, #tpu.memory_space<vmem_shared>>)
      %mul3A_1037 = arith.constant 80 : i32
      %mul3A_1038 = arith.muli %add3A_1021, %mul3A_1037 : i32
      %add3A_1039 = arith.addi %mul3A_13, %mul3A_1038 : i32
      %dma_start3A_1040 = arith.constant 1 : i32
      %dma_start3A_1041 = arith.constant 1 : i32
      %dma_start3A_1042 = arith.constant 0 : i32
      %dma_start3A_1043 = tpu.memref_slice %arg8[%dma_start3A_1040, %dma_start3A_1042] : memref<3x80xi32, #tpu.memory_space<vmem>> -> memref<1x80xi32, #tpu.memory_space<vmem>>
      %dma_start3A_1044 = tpu.memref_squeeze %dma_start3A_1043 : memref<1x80xi32, #tpu.memory_space<vmem>> -> memref<80xi32, #tpu.memory_space<vmem>>
      %dma_start3A_1045 = tpu.memref_slice %arg4[%add3A_1039] : memref<320000xi32, #tpu.memory_space<hbm>> -> memref<80xi32, #tpu.memory_space<hbm>>
      %dma_start3A_1046 = tpu.memref_slice %arg14[%dma_start3A_1041] : memref<3x!tpu.dma_semaphore, #tpu.memory_space<semaphore_mem>> -> memref<1x!tpu.dma_semaphore, #tpu.memory_space<semaphore_mem>>
      %dma_start3A_1047 = tpu.memref_squeeze %dma_start3A_1046 : memref<1x!tpu.dma_semaphore, #tpu.memory_space<semaphore_mem>> -> memref<!tpu.dma_semaphore, #tpu.memory_space<semaphore_mem>>
      %dma_start3A_1048 = arith.constant 0 : i32
      %dma_start3A_1049 = tpu.memref_slice %arg8[%dma_start3A_1040, %dma_start3A_1048] : memref<3x80xi32, #tpu.memory_space<vmem>> -> memref<1x80xi32, #tpu.memory_space<vmem>>
      %dma_start3A_1050 = tpu.memref_squeeze %dma_start3A_1049 : memref<1x80xi32, #tpu.memory_space<vmem>> -> memref<80xi32, #tpu.memory_space<vmem>>
      %dma_start3A_1051 = tpu.memref_slice %arg4[%add3A_1039] : memref<320000xi32, #tpu.memory_space<hbm>> -> memref<80xi32, #tpu.memory_space<hbm>>
      tpu.enqueue_dma source(%dma_start3A_1051 : memref<80xi32, #tpu.memory_space<hbm>>) target(%dma_start3A_1050 : memref<80xi32, #tpu.memory_space<vmem>>) target_semaphore(%dma_start3A_1047 : memref<!tpu.dma_semaphore, #tpu.memory_space<semaphore_mem>>)
      %mul3A_1052 = arith.constant 80 : i32
      %mul3A_1053 = arith.muli %add3A_1021, %mul3A_1052 : i32
      %add3A_1054 = arith.addi %mul3A_13, %mul3A_1053 : i32
      %dma_start3A_1055 = arith.constant 1 : i32
      %dma_start3A_1056 = arith.constant 1 : i32
      %dma_start3A_1057 = arith.constant 0 : i32
      %dma_start3A_1058 = arith.constant 0 : i32
      %dma_start3A_1059 = tpu.memref_slice %arg10[%dma_start3A_1055, %dma_start3A_1057, %dma_start3A_1058] : memref<3x80x128xf32, #tpu.memory_space<vmem>> -> memref<1x80x128xf32, #tpu.memory_space<vmem>>
      %dma_start3A_1060 = tpu.memref_squeeze %dma_start3A_1059 : memref<1x80x128xf32, #tpu.memory_space<vmem>> -> memref<80x128xf32, #tpu.memory_space<vmem>>
      %dma_start3A_1061 = arith.constant 0 : i32
      %dma_start3A_1062 = tpu.memref_slice %arg2[%add3A_1054, %dma_start3A_1061] : memref<320000x128xf32, #tpu.memory_space<hbm>> -> memref<80x128xf32, #tpu.memory_space<hbm>>
      %dma_start3A_1063 = tpu.memref_slice %arg15[%dma_start3A_1056] : memref<3x!tpu.dma_semaphore, #tpu.memory_space<semaphore_mem>> -> memref<1x!tpu.dma_semaphore, #tpu.memory_space<semaphore_mem>>
      %dma_start3A_1064 = tpu.memref_squeeze %dma_start3A_1063 : memref<1x!tpu.dma_semaphore, #tpu.memory_space<semaphore_mem>> -> memref<!tpu.dma_semaphore, #tpu.memory_space<semaphore_mem>>
      %dma_start3A_1065 = arith.constant 0 : i32
      %dma_start3A_1066 = arith.constant 0 : i32
      %dma_start3A_1067 = tpu.memref_slice %arg10[%dma_start3A_1055, %dma_start3A_1065, %dma_start3A_1066] : memref<3x80x128xf32, #tpu.memory_space<vmem>> -> memref<1x80x128xf32, #tpu.memory_space<vmem>>
      %dma_start3A_1068 = tpu.memref_squeeze %dma_start3A_1067 : memref<1x80x128xf32, #tpu.memory_space<vmem>> -> memref<80x128xf32, #tpu.memory_space<vmem>>
      %dma_start3A_1069 = arith.constant 0 : i32
      %dma_start3A_1070 = tpu.memref_slice %arg2[%add3A_1054, %dma_start3A_1069] : memref<320000x128xf32, #tpu.memory_space<hbm>> -> memref<80x128xf32, #tpu.memory_space<hbm>>
      tpu.enqueue_dma source(%dma_start3A_1070 : memref<80x128xf32, #tpu.memory_space<hbm>>) target(%dma_start3A_1068 : memref<80x128xf32, #tpu.memory_space<vmem>>) target_semaphore(%dma_start3A_1064 : memref<!tpu.dma_semaphore, #tpu.memory_space<semaphore_mem>>)
      %mul3A_1071 = arith.constant 80 : i32
      %mul3A_1072 = arith.muli %add3A_1021, %mul3A_1071 : i32
      %add3A_1073 = arith.addi %mul3A_13, %mul3A_1072 : i32
      %dma_start3A_1074 = arith.constant 1 : i32
      %dma_start3A_1075 = arith.constant 1 : i32
      %dma_start3A_1076 = arith.constant 0 : i32
      %dma_start3A_1077 = tpu.memref_slice %arg11[%dma_start3A_1074, %dma_start3A_1076] : memref<3x80xf32, #tpu.memory_space<vmem>> -> memref<1x80xf32, #tpu.memory_space<vmem>>
      %dma_start3A_1078 = tpu.memref_squeeze %dma_start3A_1077 : memref<1x80xf32, #tpu.memory_space<vmem>> -> memref<80xf32, #tpu.memory_space<vmem>>
      %dma_start3A_1079 = tpu.memref_slice %arg3[%add3A_1073] : memref<320000xf32, #tpu.memory_space<hbm>> -> memref<80xf32, #tpu.memory_space<hbm>>
      %dma_start3A_1080 = tpu.memref_slice %arg16[%dma_start3A_1075] : memref<3x!tpu.dma_semaphore, #tpu.memory_space<semaphore_mem>> -> memref<1x!tpu.dma_semaphore, #tpu.memory_space<semaphore_mem>>
      %dma_start3A_1081 = tpu.memref_squeeze %dma_start3A_1080 : memref<1x!tpu.dma_semaphore, #tpu.memory_space<semaphore_mem>> -> memref<!tpu.dma_semaphore, #tpu.memory_space<semaphore_mem>>
      %dma_start3A_1082 = arith.constant 0 : i32
      %dma_start3A_1083 = tpu.memref_slice %arg11[%dma_start3A_1074, %dma_start3A_1082] : memref<3x80xf32, #tpu.memory_space<vmem>> -> memref<1x80xf32, #tpu.memory_space<vmem>>
      %dma_start3A_1084 = tpu.memref_squeeze %dma_start3A_1083 : memref<1x80xf32, #tpu.memory_space<vmem>> -> memref<80xf32, #tpu.memory_space<vmem>>
      %dma_start3A_1085 = tpu.memref_slice %arg3[%add3A_1073] : memref<320000xf32, #tpu.memory_space<hbm>> -> memref<80xf32, #tpu.memory_space<hbm>>
      tpu.enqueue_dma source(%dma_start3A_1085 : memref<80xf32, #tpu.memory_space<hbm>>) target(%dma_start3A_1084 : memref<80xf32, #tpu.memory_space<vmem>>) target_semaphore(%dma_start3A_1081 : memref<!tpu.dma_semaphore, #tpu.memory_space<semaphore_mem>>)
      %sub3A_1086 = arith.constant 1 : i32
      %sub3A_1087 = arith.subi %add3A_1021, %sub3A_1086 : i32
      %mul3A_1088 = arith.constant 80 : i32
      %mul3A_1089 = arith.muli %sub3A_1087, %mul3A_1088 : i32
      %add3A_1090 = arith.addi %mul3A_13, %mul3A_1089 : i32
      %dma_wait3A_1091 = arith.constant 0 : i32
      %dma_wait3A_1092 = arith.constant 0 : i32
      %dma_wait3A_1093 = arith.constant 0 : i32
      %dma_wait3A_1094 = tpu.memref_slice %arg8[%dma_wait3A_1091, %dma_wait3A_1093] : memref<3x80xi32, #tpu.memory_space<vmem>> -> memref<1x80xi32, #tpu.memory_space<vmem>>
      %dma_wait3A_1095 = tpu.memref_squeeze %dma_wait3A_1094 : memref<1x80xi32, #tpu.memory_space<vmem>> -> memref<80xi32, #tpu.memory_space<vmem>>
      %dma_wait3A_1096 = tpu.memref_slice %arg4[%add3A_1090] : memref<320000xi32, #tpu.memory_space<hbm>> -> memref<80xi32, #tpu.memory_space<hbm>>
      %dma_wait3A_1097 = tpu.memref_slice %arg14[%dma_wait3A_1092] : memref<3x!tpu.dma_semaphore, #tpu.memory_space<semaphore_mem>> -> memref<1x!tpu.dma_semaphore, #tpu.memory_space<semaphore_mem>>
      %dma_wait3A_1098 = tpu.memref_squeeze %dma_wait3A_1097 : memref<1x!tpu.dma_semaphore, #tpu.memory_space<semaphore_mem>> -> memref<!tpu.dma_semaphore, #tpu.memory_space<semaphore_mem>>
      %dma_wait3A_1099 = arith.constant 0 : i32
      %dma_wait3A_1100 = tpu.memref_slice %arg8[%dma_wait3A_1091, %dma_wait3A_1099] : memref<3x80xi32, #tpu.memory_space<vmem>> -> memref<1x80xi32, #tpu.memory_space<vmem>>
      %dma_wait3A_1101 = tpu.memref_squeeze %dma_wait3A_1100 : memref<1x80xi32, #tpu.memory_space<vmem>> -> memref<80xi32, #tpu.memory_space<vmem>>
      %dma_wait3A_1102 = tpu.memref_slice %arg4[%add3A_1090] : memref<320000xi32, #tpu.memory_space<hbm>> -> memref<80xi32, #tpu.memory_space<hbm>>
      tpu.wait_dma2 semaphore(%dma_wait3A_1098 : memref<!tpu.dma_semaphore, #tpu.memory_space<semaphore_mem>>) src(%dma_wait3A_1102 : memref<80xi32, #tpu.memory_space<hbm>>) dst(%dma_wait3A_1101 : memref<80xi32, #tpu.memory_space<vmem>>)
      %sub3A_1103 = arith.constant 1 : i32
      %sub3A_1104 = arith.subi %add3A_1021, %sub3A_1103 : i32
      %mul3A_1105 = arith.constant 80 : i32
      %mul3A_1106 = arith.muli %sub3A_1104, %mul3A_1105 : i32
      %add3A_1107 = arith.addi %mul3A_13, %mul3A_1106 : i32
      %dma_wait3A_1108 = arith.constant 0 : i32
      %dma_wait3A_1109 = arith.constant 0 : i32
      %dma_wait3A_1110 = arith.constant 0 : i32
      %dma_wait3A_1111 = arith.constant 0 : i32
      %dma_wait3A_1112 = tpu.memref_slice %arg10[%dma_wait3A_1108, %dma_wait3A_1110, %dma_wait3A_1111] : memref<3x80x128xf32, #tpu.memory_space<vmem>> -> memref<1x80x128xf32, #tpu.memory_space<vmem>>
      %dma_wait3A_1113 = tpu.memref_squeeze %dma_wait3A_1112 : memref<1x80x128xf32, #tpu.memory_space<vmem>> -> memref<80x128xf32, #tpu.memory_space<vmem>>
      %dma_wait3A_1114 = arith.constant 0 : i32
      %dma_wait3A_1115 = tpu.memref_slice %arg2[%add3A_1107, %dma_wait3A_1114] : memref<320000x128xf32, #tpu.memory_space<hbm>> -> memref<80x128xf32, #tpu.memory_space<hbm>>
      %dma_wait3A_1116 = tpu.memref_slice %arg15[%dma_wait3A_1109] : memref<3x!tpu.dma_semaphore, #tpu.memory_space<semaphore_mem>> -> memref<1x!tpu.dma_semaphore, #tpu.memory_space<semaphore_mem>>
      %dma_wait3A_1117 = tpu.memref_squeeze %dma_wait3A_1116 : memref<1x!tpu.dma_semaphore, #tpu.memory_space<semaphore_mem>> -> memref<!tpu.dma_semaphore, #tpu.memory_space<semaphore_mem>>
      %dma_wait3A_1118 = arith.constant 0 : i32
      %dma_wait3A_1119 = arith.constant 0 : i32
      %dma_wait3A_1120 = tpu.memref_slice %arg10[%dma_wait3A_1108, %dma_wait3A_1118, %dma_wait3A_1119] : memref<3x80x128xf32, #tpu.memory_space<vmem>> -> memref<1x80x128xf32, #tpu.memory_space<vmem>>
      %dma_wait3A_1121 = tpu.memref_squeeze %dma_wait3A_1120 : memref<1x80x128xf32, #tpu.memory_space<vmem>> -> memref<80x128xf32, #tpu.memory_space<vmem>>
      %dma_wait3A_1122 = arith.constant 0 : i32
      %dma_wait3A_1123 = tpu.memref_slice %arg2[%add3A_1107, %dma_wait3A_1122] : memref<320000x128xf32, #tpu.memory_space<hbm>> -> memref<80x128xf32, #tpu.memory_space<hbm>>
      tpu.wait_dma2 semaphore(%dma_wait3A_1117 : memref<!tpu.dma_semaphore, #tpu.memory_space<semaphore_mem>>) src(%dma_wait3A_1123 : memref<80x128xf32, #tpu.memory_space<hbm>>) dst(%dma_wait3A_1121 : memref<80x128xf32, #tpu.memory_space<vmem>>)
      %sub3A_1124 = arith.constant 1 : i32
      %sub3A_1125 = arith.subi %add3A_1021, %sub3A_1124 : i32
      %mul3A_1126 = arith.constant 80 : i32
      %mul3A_1127 = arith.muli %sub3A_1125, %mul3A_1126 : i32
      %add3A_1128 = arith.addi %mul3A_13, %mul3A_1127 : i32
      %dma_wait3A_1129 = arith.constant 0 : i32
      %dma_wait3A_1130 = arith.constant 0 : i32
      %dma_wait3A_1131 = arith.constant 0 : i32
      %dma_wait3A_1132 = tpu.memref_slice %arg11[%dma_wait3A_1129, %dma_wait3A_1131] : memref<3x80xf32, #tpu.memory_space<vmem>> -> memref<1x80xf32, #tpu.memory_space<vmem>>
      %dma_wait3A_1133 = tpu.memref_squeeze %dma_wait3A_1132 : memref<1x80xf32, #tpu.memory_space<vmem>> -> memref<80xf32, #tpu.memory_space<vmem>>
      %dma_wait3A_1134 = tpu.memref_slice %arg3[%add3A_1128] : memref<320000xf32, #tpu.memory_space<hbm>> -> memref<80xf32, #tpu.memory_space<hbm>>
      %dma_wait3A_1135 = tpu.memref_slice %arg16[%dma_wait3A_1130] : memref<3x!tpu.dma_semaphore, #tpu.memory_space<semaphore_mem>> -> memref<1x!tpu.dma_semaphore, #tpu.memory_space<semaphore_mem>>
      %dma_wait3A_1136 = tpu.memref_squeeze %dma_wait3A_1135 : memref<1x!tpu.dma_semaphore, #tpu.memory_space<semaphore_mem>> -> memref<!tpu.dma_semaphore, #tpu.memory_space<semaphore_mem>>
      %dma_wait3A_1137 = arith.constant 0 : i32
      %dma_wait3A_1138 = tpu.memref_slice %arg11[%dma_wait3A_1129, %dma_wait3A_1137] : memref<3x80xf32, #tpu.memory_space<vmem>> -> memref<1x80xf32, #tpu.memory_space<vmem>>
      %dma_wait3A_1139 = tpu.memref_squeeze %dma_wait3A_1138 : memref<1x80xf32, #tpu.memory_space<vmem>> -> memref<80xf32, #tpu.memory_space<vmem>>
      %dma_wait3A_1140 = tpu.memref_slice %arg3[%add3A_1128] : memref<320000xf32, #tpu.memory_space<hbm>> -> memref<80xf32, #tpu.memory_space<hbm>>
      tpu.wait_dma2 semaphore(%dma_wait3A_1136 : memref<!tpu.dma_semaphore, #tpu.memory_space<semaphore_mem>>) src(%dma_wait3A_1140 : memref<80xf32, #tpu.memory_space<hbm>>) dst(%dma_wait3A_1139 : memref<80xf32, #tpu.memory_space<vmem>>)
      %dma_start3A_1141 = arith.constant 0 : i32
      %dma_start3A_1142 = arith.constant 0 : i32
      %dma_start3A_1143 = arith.constant 0 : i32
      %dma_start3A_1144 = arith.constant 0 : i32
      %dma_start3A_1145 = arith.constant 0 : i32
      %dma_start3A_1146 = tpu.memref_slice %arg10[%dma_start3A_1141, %dma_start3A_1144, %dma_start3A_1145] : memref<3x80x128xf32, #tpu.memory_space<vmem>> -> memref<1x80x128xf32, #tpu.memory_space<vmem>>
      %dma_start3A_1147 = tpu.memref_squeeze %dma_start3A_1146 : memref<1x80x128xf32, #tpu.memory_space<vmem>> -> memref<80x128xf32, #tpu.memory_space<vmem>>
      %dma_start3A_1148 = arith.constant 0 : i32
      %dma_start3A_1149 = tpu.memref_slice %arg8[%dma_start3A_1142, %dma_start3A_1148] : memref<3x80xi32, #tpu.memory_space<vmem>> -> memref<1x80xi32, #tpu.memory_space<vmem>>
      %dma_start3A_1150 = tpu.memref_squeeze %dma_start3A_1149 : memref<1x80xi32, #tpu.memory_space<vmem>> -> memref<80xi32, #tpu.memory_space<vmem>>
      %dma_start3A_1151 = arith.constant 0 : i32
      %dma_start3A_1152 = arith.constant 0 : i32
      %dma_start3A_1153 = tpu.memref_slice %arg13[%dma_start3A_1151, %dma_start3A_1152] : memref<10000x128xf32, #tpu.memory_space<vmem_shared>> -> memref<10000x128xf32, #tpu.memory_space<vmem_shared>>
      %dma_start3A_1154 = tpu.memref_slice %arg17[%dma_start3A_1143] : memref<3x!tpu.dma_semaphore, #tpu.memory_space<semaphore_mem>> -> memref<1x!tpu.dma_semaphore, #tpu.memory_space<semaphore_mem>>
      %dma_start3A_1155 = tpu.memref_squeeze %dma_start3A_1154 : memref<1x!tpu.dma_semaphore, #tpu.memory_space<semaphore_mem>> -> memref<!tpu.dma_semaphore, #tpu.memory_space<semaphore_mem>>
      tpu.enqueue_indirect_dma source(%dma_start3A_1147 : memref<80x128xf32, #tpu.memory_space<vmem>>) target(%dma_start3A_1153 : memref<10000x128xf32, #tpu.memory_space<vmem_shared>>) offsets(%dma_start3A_1150 : memref<80xi32, #tpu.memory_space<vmem>>) semaphore(%dma_start3A_1155 : memref<!tpu.dma_semaphore, #tpu.memory_space<semaphore_mem>>) {add = true}
      %get3A_1156 = arith.constant 0 : i32
      %get3A_1157 = arith.index_cast %get3A_1156 : i32 to index
      %get3A_1158 = arith.constant 0 : index
      %get3A_1159 = tpu.vector_load %arg8[%get3A_1157, %get3A_1158] {strides = array<i32>} : memref<3x80xi32, #tpu.memory_space<vmem>>, vector<16xi32>,
      %get3A_1160 = arith.constant 0 : i32
      %get3A_1161 = arith.index_cast %get3A_1160 : i32 to index
      %get3A_1162 = arith.constant 0 : index
      %get3A_1163 = tpu.vector_load %arg11[%get3A_1161, %get3A_1162] {strides = array<i32>} : memref<3x80xf32, #tpu.memory_space<vmem>>, vector<16xf32>,
      tpu.vector_store_idx %arg12[%get3A_1159], %get3A_1163 {add = true} : memref<10000xf32, #tpu.memory_space<vmem>>[vector<16xi32>], vector<16xf32>,
      %get3A_1164 = arith.constant 0 : i32
      %get3A_1165 = arith.index_cast %get3A_1164 : i32 to index
      %get3A_1166 = arith.constant 16 : index
      %get3A_1167 = tpu.vector_load %arg8[%get3A_1165, %get3A_1166] {strides = array<i32>} : memref<3x80xi32, #tpu.memory_space<vmem>>, vector<16xi32>,
      %get3A_1168 = arith.constant 0 : i32
      %get3A_1169 = arith.index_cast %get3A_1168 : i32 to index
      %get3A_1170 = arith.constant 16 : index
      %get3A_1171 = tpu.vector_load %arg11[%get3A_1169, %get3A_1170] {strides = array<i32>} : memref<3x80xf32, #tpu.memory_space<vmem>>, vector<16xf32>,
      tpu.vector_store_idx %arg12[%get3A_1167], %get3A_1171 {add = true} : memref<10000xf32, #tpu.memory_space<vmem>>[vector<16xi32>], vector<16xf32>,
      %get3A_1172 = arith.constant 0 : i32
      %get3A_1173 = arith.index_cast %get3A_1172 : i32 to index
      %get3A_1174 = arith.constant 32 : index
      %get3A_1175 = tpu.vector_load %arg8[%get3A_1173, %get3A_1174] {strides = array<i32>} : memref<3x80xi32, #tpu.memory_space<vmem>>, vector<16xi32>,
      %get3A_1176 = arith.constant 0 : i32
      %get3A_1177 = arith.index_cast %get3A_1176 : i32 to index
      %get3A_1178 = arith.constant 32 : index
      %get3A_1179 = tpu.vector_load %arg11[%get3A_1177, %get3A_1178] {strides = array<i32>} : memref<3x80xf32, #tpu.memory_space<vmem>>, vector<16xf32>,
      tpu.vector_store_idx %arg12[%get3A_1175], %get3A_1179 {add = true} : memref<10000xf32, #tpu.memory_space<vmem>>[vector<16xi32>], vector<16xf32>,
      %get3A_1180 = arith.constant 0 : i32
      %get3A_1181 = arith.index_cast %get3A_1180 : i32 to index
      %get3A_1182 = arith.constant 48 : index
      %get3A_1183 = tpu.vector_load %arg8[%get3A_1181, %get3A_1182] {strides = array<i32>} : memref<3x80xi32, #tpu.memory_space<vmem>>, vector<16xi32>,
      %get3A_1184 = arith.constant 0 : i32
      %get3A_1185 = arith.index_cast %get3A_1184 : i32 to index
      %get3A_1186 = arith.constant 48 : index
      %get3A_1187 = tpu.vector_load %arg11[%get3A_1185, %get3A_1186] {strides = array<i32>} : memref<3x80xf32, #tpu.memory_space<vmem>>, vector<16xf32>,
      tpu.vector_store_idx %arg12[%get3A_1183], %get3A_1187 {add = true} : memref<10000xf32, #tpu.memory_space<vmem>>[vector<16xi32>], vector<16xf32>,
      %get3A_1188 = arith.constant 0 : i32
      %get3A_1189 = arith.index_cast %get3A_1188 : i32 to index
      %get3A_1190 = arith.constant 64 : index
      %get3A_1191 = tpu.vector_load %arg8[%get3A_1189, %get3A_1190] {strides = array<i32>} : memref<3x80xi32, #tpu.memory_space<vmem>>, vector<16xi32>,
      %get3A_1192 = arith.constant 0 : i32
      %get3A_1193 = arith.index_cast %get3A_1192 : i32 to index
      %get3A_1194 = arith.constant 64 : index
      %get3A_1195 = tpu.vector_load %arg11[%get3A_1193, %get3A_1194] {strides = array<i32>} : memref<3x80xf32, #tpu.memory_space<vmem>>, vector<16xf32>,
      tpu.vector_store_idx %arg12[%get3A_1191], %get3A_1195 {add = true} : memref<10000xf32, #tpu.memory_space<vmem>>[vector<16xi32>], vector<16xf32>,
      %add3A_1196 = arith.constant 2 : i32
      %add3A_1197 = arith.addi %mul3A_846, %add3A_1196 : i32
      %dma_wait3A_1198 = arith.constant 2 : i32
      %dma_wait3A_1199 = arith.constant 2 : i32
      %dma_wait3A_1200 = arith.constant 2 : i32
      %dma_wait3A_1201 = arith.constant 0 : i32
      %dma_wait3A_1202 = arith.constant 0 : i32
      %dma_wait3A_1203 = tpu.memref_slice %arg10[%dma_wait3A_1198, %dma_wait3A_1201, %dma_wait3A_1202] : memref<3x80x128xf32, #tpu.memory_space<vmem>> -> memref<1x80x128xf32, #tpu.memory_space<vmem>>
      %dma_wait3A_1204 = tpu.memref_squeeze %dma_wait3A_1203 : memref<1x80x128xf32, #tpu.memory_space<vmem>> -> memref<80x128xf32, #tpu.memory_space<vmem>>
      %dma_wait3A_1205 = arith.constant 0 : i32
      %dma_wait3A_1206 = tpu.memref_slice %arg8[%dma_wait3A_1199, %dma_wait3A_1205] : memref<3x80xi32, #tpu.memory_space<vmem>> -> memref<1x80xi32, #tpu.memory_space<vmem>>
      %dma_wait3A_1207 = tpu.memref_squeeze %dma_wait3A_1206 : memref<1x80xi32, #tpu.memory_space<vmem>> -> memref<80xi32, #tpu.memory_space<vmem>>
      %dma_wait3A_1208 = arith.constant 0 : i32
      %dma_wait3A_1209 = arith.constant 0 : i32
      %dma_wait3A_1210 = tpu.memref_slice %arg13[%dma_wait3A_1208, %dma_wait3A_1209] : memref<10000x128xf32, #tpu.memory_space<vmem_shared>> -> memref<10000x128xf32, #tpu.memory_space<vmem_shared>>
      %dma_wait3A_1211 = tpu.memref_slice %arg17[%dma_wait3A_1200] : memref<3x!tpu.dma_semaphore, #tpu.memory_space<semaphore_mem>> -> memref<1x!tpu.dma_semaphore, #tpu.memory_space<semaphore_mem>>
      %dma_wait3A_1212 = tpu.memref_squeeze %dma_wait3A_1211 : memref<1x!tpu.dma_semaphore, #tpu.memory_space<semaphore_mem>> -> memref<!tpu.dma_semaphore, #tpu.memory_space<semaphore_mem>>
      tpu.wait_indirect_dma semaphore(%dma_wait3A_1212 : memref<!tpu.dma_semaphore, #tpu.memory_space<semaphore_mem>>) src(%dma_wait3A_1204 : memref<80x128xf32, #tpu.memory_space<vmem>>) dst(%dma_wait3A_1210 : memref<10000x128xf32, #tpu.memory_space<vmem_shared>>)
      %mul3A_1213 = arith.constant 80 : i32
      %mul3A_1214 = arith.muli %add3A_1197, %mul3A_1213 : i32
      %add3A_1215 = arith.addi %mul3A_13, %mul3A_1214 : i32
      %dma_start3A_1216 = arith.constant 2 : i32
      %dma_start3A_1217 = arith.constant 2 : i32
      %dma_start3A_1218 = arith.constant 0 : i32
      %dma_start3A_1219 = tpu.memref_slice %arg8[%dma_start3A_1216, %dma_start3A_1218] : memref<3x80xi32, #tpu.memory_space<vmem>> -> memref<1x80xi32, #tpu.memory_space<vmem>>
      %dma_start3A_1220 = tpu.memref_squeeze %dma_start3A_1219 : memref<1x80xi32, #tpu.memory_space<vmem>> -> memref<80xi32, #tpu.memory_space<vmem>>
      %dma_start3A_1221 = tpu.memref_slice %arg4[%add3A_1215] : memref<320000xi32, #tpu.memory_space<hbm>> -> memref<80xi32, #tpu.memory_space<hbm>>
      %dma_start3A_1222 = tpu.memref_slice %arg14[%dma_start3A_1217] : memref<3x!tpu.dma_semaphore, #tpu.memory_space<semaphore_mem>> -> memref<1x!tpu.dma_semaphore, #tpu.memory_space<semaphore_mem>>
      %dma_start3A_1223 = tpu.memref_squeeze %dma_start3A_1222 : memref<1x!tpu.dma_semaphore, #tpu.memory_space<semaphore_mem>> -> memref<!tpu.dma_semaphore, #tpu.memory_space<semaphore_mem>>
      %dma_start3A_1224 = arith.constant 0 : i32
      %dma_start3A_1225 = tpu.memref_slice %arg8[%dma_start3A_1216, %dma_start3A_1224] : memref<3x80xi32, #tpu.memory_space<vmem>> -> memref<1x80xi32, #tpu.memory_space<vmem>>
      %dma_start3A_1226 = tpu.memref_squeeze %dma_start3A_1225 : memref<1x80xi32, #tpu.memory_space<vmem>> -> memref<80xi32, #tpu.memory_space<vmem>>
      %dma_start3A_1227 = tpu.memref_slice %arg4[%add3A_1215] : memref<320000xi32, #tpu.memory_space<hbm>> -> memref<80xi32, #tpu.memory_space<hbm>>
      tpu.enqueue_dma source(%dma_start3A_1227 : memref<80xi32, #tpu.memory_space<hbm>>) target(%dma_start3A_1226 : memref<80xi32, #tpu.memory_space<vmem>>) target_semaphore(%dma_start3A_1223 : memref<!tpu.dma_semaphore, #tpu.memory_space<semaphore_mem>>)
      %mul3A_1228 = arith.constant 80 : i32
      %mul3A_1229 = arith.muli %add3A_1197, %mul3A_1228 : i32
      %add3A_1230 = arith.addi %mul3A_13, %mul3A_1229 : i32
      %dma_start3A_1231 = arith.constant 2 : i32
      %dma_start3A_1232 = arith.constant 2 : i32
      %dma_start3A_1233 = arith.constant 0 : i32
      %dma_start3A_1234 = arith.constant 0 : i32
      %dma_start3A_1235 = tpu.memref_slice %arg10[%dma_start3A_1231, %dma_start3A_1233, %dma_start3A_1234] : memref<3x80x128xf32, #tpu.memory_space<vmem>> -> memref<1x80x128xf32, #tpu.memory_space<vmem>>
      %dma_start3A_1236 = tpu.memref_squeeze %dma_start3A_1235 : memref<1x80x128xf32, #tpu.memory_space<vmem>> -> memref<80x128xf32, #tpu.memory_space<vmem>>
      %dma_start3A_1237 = arith.constant 0 : i32
      %dma_start3A_1238 = tpu.memref_slice %arg2[%add3A_1230, %dma_start3A_1237] : memref<320000x128xf32, #tpu.memory_space<hbm>> -> memref<80x128xf32, #tpu.memory_space<hbm>>
      %dma_start3A_1239 = tpu.memref_slice %arg15[%dma_start3A_1232] : memref<3x!tpu.dma_semaphore, #tpu.memory_space<semaphore_mem>> -> memref<1x!tpu.dma_semaphore, #tpu.memory_space<semaphore_mem>>
      %dma_start3A_1240 = tpu.memref_squeeze %dma_start3A_1239 : memref<1x!tpu.dma_semaphore, #tpu.memory_space<semaphore_mem>> -> memref<!tpu.dma_semaphore, #tpu.memory_space<semaphore_mem>>
      %dma_start3A_1241 = arith.constant 0 : i32
      %dma_start3A_1242 = arith.constant 0 : i32
      %dma_start3A_1243 = tpu.memref_slice %arg10[%dma_start3A_1231, %dma_start3A_1241, %dma_start3A_1242] : memref<3x80x128xf32, #tpu.memory_space<vmem>> -> memref<1x80x128xf32, #tpu.memory_space<vmem>>
      %dma_start3A_1244 = tpu.memref_squeeze %dma_start3A_1243 : memref<1x80x128xf32, #tpu.memory_space<vmem>> -> memref<80x128xf32, #tpu.memory_space<vmem>>
      %dma_start3A_1245 = arith.constant 0 : i32
      %dma_start3A_1246 = tpu.memref_slice %arg2[%add3A_1230, %dma_start3A_1245] : memref<320000x128xf32, #tpu.memory_space<hbm>> -> memref<80x128xf32, #tpu.memory_space<hbm>>
      tpu.enqueue_dma source(%dma_start3A_1246 : memref<80x128xf32, #tpu.memory_space<hbm>>) target(%dma_start3A_1244 : memref<80x128xf32, #tpu.memory_space<vmem>>) target_semaphore(%dma_start3A_1240 : memref<!tpu.dma_semaphore, #tpu.memory_space<semaphore_mem>>)
      %mul3A_1247 = arith.constant 80 : i32
      %mul3A_1248 = arith.muli %add3A_1197, %mul3A_1247 : i32
      %add3A_1249 = arith.addi %mul3A_13, %mul3A_1248 : i32
      %dma_start3A_1250 = arith.constant 2 : i32
      %dma_start3A_1251 = arith.constant 2 : i32
      %dma_start3A_1252 = arith.constant 0 : i32
      %dma_start3A_1253 = tpu.memref_slice %arg11[%dma_start3A_1250, %dma_start3A_1252] : memref<3x80xf32, #tpu.memory_space<vmem>> -> memref<1x80xf32, #tpu.memory_space<vmem>>
      %dma_start3A_1254 = tpu.memref_squeeze %dma_start3A_1253 : memref<1x80xf32, #tpu.memory_space<vmem>> -> memref<80xf32, #tpu.memory_space<vmem>>
      %dma_start3A_1255 = tpu.memref_slice %arg3[%add3A_1249] : memref<320000xf32, #tpu.memory_space<hbm>> -> memref<80xf32, #tpu.memory_space<hbm>>
      %dma_start3A_1256 = tpu.memref_slice %arg16[%dma_start3A_1251] : memref<3x!tpu.dma_semaphore, #tpu.memory_space<semaphore_mem>> -> memref<1x!tpu.dma_semaphore, #tpu.memory_space<semaphore_mem>>
      %dma_start3A_1257 = tpu.memref_squeeze %dma_start3A_1256 : memref<1x!tpu.dma_semaphore, #tpu.memory_space<semaphore_mem>> -> memref<!tpu.dma_semaphore, #tpu.memory_space<semaphore_mem>>
      %dma_start3A_1258 = arith.constant 0 : i32
      %dma_start3A_1259 = tpu.memref_slice %arg11[%dma_start3A_1250, %dma_start3A_1258] : memref<3x80xf32, #tpu.memory_space<vmem>> -> memref<1x80xf32, #tpu.memory_space<vmem>>
      %dma_start3A_1260 = tpu.memref_squeeze %dma_start3A_1259 : memref<1x80xf32, #tpu.memory_space<vmem>> -> memref<80xf32, #tpu.memory_space<vmem>>
      %dma_start3A_1261 = tpu.memref_slice %arg3[%add3A_1249] : memref<320000xf32, #tpu.memory_space<hbm>> -> memref<80xf32, #tpu.memory_space<hbm>>
      tpu.enqueue_dma source(%dma_start3A_1261 : memref<80xf32, #tpu.memory_space<hbm>>) target(%dma_start3A_1260 : memref<80xf32, #tpu.memory_space<vmem>>) target_semaphore(%dma_start3A_1257 : memref<!tpu.dma_semaphore, #tpu.memory_space<semaphore_mem>>)
      %sub3A_1262 = arith.constant 1 : i32
      %sub3A_1263 = arith.subi %add3A_1197, %sub3A_1262 : i32
      %mul3A_1264 = arith.constant 80 : i32
      %mul3A_1265 = arith.muli %sub3A_1263, %mul3A_1264 : i32
      %add3A_1266 = arith.addi %mul3A_13, %mul3A_1265 : i32
      %dma_wait3A_1267 = arith.constant 1 : i32
      %dma_wait3A_1268 = arith.constant 1 : i32
      %dma_wait3A_1269 = arith.constant 0 : i32
      %dma_wait3A_1270 = tpu.memref_slice %arg8[%dma_wait3A_1267, %dma_wait3A_1269] : memref<3x80xi32, #tpu.memory_space<vmem>> -> memref<1x80xi32, #tpu.memory_space<vmem>>
      %dma_wait3A_1271 = tpu.memref_squeeze %dma_wait3A_1270 : memref<1x80xi32, #tpu.memory_space<vmem>> -> memref<80xi32, #tpu.memory_space<vmem>>
      %dma_wait3A_1272 = tpu.memref_slice %arg4[%add3A_1266] : memref<320000xi32, #tpu.memory_space<hbm>> -> memref<80xi32, #tpu.memory_space<hbm>>
      %dma_wait3A_1273 = tpu.memref_slice %arg14[%dma_wait3A_1268] : memref<3x!tpu.dma_semaphore, #tpu.memory_space<semaphore_mem>> -> memref<1x!tpu.dma_semaphore, #tpu.memory_space<semaphore_mem>>
      %dma_wait3A_1274 = tpu.memref_squeeze %dma_wait3A_1273 : memref<1x!tpu.dma_semaphore, #tpu.memory_space<semaphore_mem>> -> memref<!tpu.dma_semaphore, #tpu.memory_space<semaphore_mem>>
      %dma_wait3A_1275 = arith.constant 0 : i32
      %dma_wait3A_1276 = tpu.memref_slice %arg8[%dma_wait3A_1267, %dma_wait3A_1275] : memref<3x80xi32, #tpu.memory_space<vmem>> -> memref<1x80xi32, #tpu.memory_space<vmem>>
      %dma_wait3A_1277 = tpu.memref_squeeze %dma_wait3A_1276 : memref<1x80xi32, #tpu.memory_space<vmem>> -> memref<80xi32, #tpu.memory_space<vmem>>
      %dma_wait3A_1278 = tpu.memref_slice %arg4[%add3A_1266] : memref<320000xi32, #tpu.memory_space<hbm>> -> memref<80xi32, #tpu.memory_space<hbm>>
      tpu.wait_dma2 semaphore(%dma_wait3A_1274 : memref<!tpu.dma_semaphore, #tpu.memory_space<semaphore_mem>>) src(%dma_wait3A_1278 : memref<80xi32, #tpu.memory_space<hbm>>) dst(%dma_wait3A_1277 : memref<80xi32, #tpu.memory_space<vmem>>)
      %sub3A_1279 = arith.constant 1 : i32
      %sub3A_1280 = arith.subi %add3A_1197, %sub3A_1279 : i32
      %mul3A_1281 = arith.constant 80 : i32
      %mul3A_1282 = arith.muli %sub3A_1280, %mul3A_1281 : i32
      %add3A_1283 = arith.addi %mul3A_13, %mul3A_1282 : i32
      %dma_wait3A_1284 = arith.constant 1 : i32
      %dma_wait3A_1285 = arith.constant 1 : i32
      %dma_wait3A_1286 = arith.constant 0 : i32
      %dma_wait3A_1287 = arith.constant 0 : i32
      %dma_wait3A_1288 = tpu.memref_slice %arg10[%dma_wait3A_1284, %dma_wait3A_1286, %dma_wait3A_1287] : memref<3x80x128xf32, #tpu.memory_space<vmem>> -> memref<1x80x128xf32, #tpu.memory_space<vmem>>
      %dma_wait3A_1289 = tpu.memref_squeeze %dma_wait3A_1288 : memref<1x80x128xf32, #tpu.memory_space<vmem>> -> memref<80x128xf32, #tpu.memory_space<vmem>>
      %dma_wait3A_1290 = arith.constant 0 : i32
      %dma_wait3A_1291 = tpu.memref_slice %arg2[%add3A_1283, %dma_wait3A_1290] : memref<320000x128xf32, #tpu.memory_space<hbm>> -> memref<80x128xf32, #tpu.memory_space<hbm>>
      %dma_wait3A_1292 = tpu.memref_slice %arg15[%dma_wait3A_1285] : memref<3x!tpu.dma_semaphore, #tpu.memory_space<semaphore_mem>> -> memref<1x!tpu.dma_semaphore, #tpu.memory_space<semaphore_mem>>
      %dma_wait3A_1293 = tpu.memref_squeeze %dma_wait3A_1292 : memref<1x!tpu.dma_semaphore, #tpu.memory_space<semaphore_mem>> -> memref<!tpu.dma_semaphore, #tpu.memory_space<semaphore_mem>>
      %dma_wait3A_1294 = arith.constant 0 : i32
      %dma_wait3A_1295 = arith.constant 0 : i32
      %dma_wait3A_1296 = tpu.memref_slice %arg10[%dma_wait3A_1284, %dma_wait3A_1294, %dma_wait3A_1295] : memref<3x80x128xf32, #tpu.memory_space<vmem>> -> memref<1x80x128xf32, #tpu.memory_space<vmem>>
      %dma_wait3A_1297 = tpu.memref_squeeze %dma_wait3A_1296 : memref<1x80x128xf32, #tpu.memory_space<vmem>> -> memref<80x128xf32, #tpu.memory_space<vmem>>
      %dma_wait3A_1298 = arith.constant 0 : i32
      %dma_wait3A_1299 = tpu.memref_slice %arg2[%add3A_1283, %dma_wait3A_1298] : memref<320000x128xf32, #tpu.memory_space<hbm>> -> memref<80x128xf32, #tpu.memory_space<hbm>>
      tpu.wait_dma2 semaphore(%dma_wait3A_1293 : memref<!tpu.dma_semaphore, #tpu.memory_space<semaphore_mem>>) src(%dma_wait3A_1299 : memref<80x128xf32, #tpu.memory_space<hbm>>) dst(%dma_wait3A_1297 : memref<80x128xf32, #tpu.memory_space<vmem>>)
      %sub3A_1300 = arith.constant 1 : i32
      %sub3A_1301 = arith.subi %add3A_1197, %sub3A_1300 : i32
      %mul3A_1302 = arith.constant 80 : i32
      %mul3A_1303 = arith.muli %sub3A_1301, %mul3A_1302 : i32
      %add3A_1304 = arith.addi %mul3A_13, %mul3A_1303 : i32
      %dma_wait3A_1305 = arith.constant 1 : i32
      %dma_wait3A_1306 = arith.constant 1 : i32
      %dma_wait3A_1307 = arith.constant 0 : i32
      %dma_wait3A_1308 = tpu.memref_slice %arg11[%dma_wait3A_1305, %dma_wait3A_1307] : memref<3x80xf32, #tpu.memory_space<vmem>> -> memref<1x80xf32, #tpu.memory_space<vmem>>
      %dma_wait3A_1309 = tpu.memref_squeeze %dma_wait3A_1308 : memref<1x80xf32, #tpu.memory_space<vmem>> -> memref<80xf32, #tpu.memory_space<vmem>>
      %dma_wait3A_1310 = tpu.memref_slice %arg3[%add3A_1304] : memref<320000xf32, #tpu.memory_space<hbm>> -> memref<80xf32, #tpu.memory_space<hbm>>
      %dma_wait3A_1311 = tpu.memref_slice %arg16[%dma_wait3A_1306] : memref<3x!tpu.dma_semaphore, #tpu.memory_space<semaphore_mem>> -> memref<1x!tpu.dma_semaphore, #tpu.memory_space<semaphore_mem>>
      %dma_wait3A_1312 = tpu.memref_squeeze %dma_wait3A_1311 : memref<1x!tpu.dma_semaphore, #tpu.memory_space<semaphore_mem>> -> memref<!tpu.dma_semaphore, #tpu.memory_space<semaphore_mem>>
      %dma_wait3A_1313 = arith.constant 0 : i32
      %dma_wait3A_1314 = tpu.memref_slice %arg11[%dma_wait3A_1305, %dma_wait3A_1313] : memref<3x80xf32, #tpu.memory_space<vmem>> -> memref<1x80xf32, #tpu.memory_space<vmem>>
      %dma_wait3A_1315 = tpu.memref_squeeze %dma_wait3A_1314 : memref<1x80xf32, #tpu.memory_space<vmem>> -> memref<80xf32, #tpu.memory_space<vmem>>
      %dma_wait3A_1316 = tpu.memref_slice %arg3[%add3A_1304] : memref<320000xf32, #tpu.memory_space<hbm>> -> memref<80xf32, #tpu.memory_space<hbm>>
      tpu.wait_dma2 semaphore(%dma_wait3A_1312 : memref<!tpu.dma_semaphore, #tpu.memory_space<semaphore_mem>>) src(%dma_wait3A_1316 : memref<80xf32, #tpu.memory_space<hbm>>) dst(%dma_wait3A_1315 : memref<80xf32, #tpu.memory_space<vmem>>)
      %dma_start3A_1317 = arith.constant 1 : i32
      %dma_start3A_1318 = arith.constant 1 : i32
      %dma_start3A_1319 = arith.constant 1 : i32
      %dma_start3A_1320 = arith.constant 0 : i32
      %dma_start3A_1321 = arith.constant 0 : i32
      %dma_start3A_1322 = tpu.memref_slice %arg10[%dma_start3A_1317, %dma_start3A_1320, %dma_start3A_1321] : memref<3x80x128xf32, #tpu.memory_space<vmem>> -> memref<1x80x128xf32, #tpu.memory_space<vmem>>
      %dma_start3A_1323 = tpu.memref_squeeze %dma_start3A_1322 : memref<1x80x128xf32, #tpu.memory_space<vmem>> -> memref<80x128xf32, #tpu.memory_space<vmem>>
      %dma_start3A_1324 = arith.constant 0 : i32
      %dma_start3A_1325 = tpu.memref_slice %arg8[%dma_start3A_1318, %dma_start3A_1324] : memref<3x80xi32, #tpu.memory_space<vmem>> -> memref<1x80xi32, #tpu.memory_space<vmem>>
      %dma_start3A_1326 = tpu.memref_squeeze %dma_start3A_1325 : memref<1x80xi32, #tpu.memory_space<vmem>> -> memref<80xi32, #tpu.memory_space<vmem>>
      %dma_start3A_1327 = arith.constant 0 : i32
      %dma_start3A_1328 = arith.constant 0 : i32
      %dma_start3A_1329 = tpu.memref_slice %arg13[%dma_start3A_1327, %dma_start3A_1328] : memref<10000x128xf32, #tpu.memory_space<vmem_shared>> -> memref<10000x128xf32, #tpu.memory_space<vmem_shared>>
      %dma_start3A_1330 = tpu.memref_slice %arg17[%dma_start3A_1319] : memref<3x!tpu.dma_semaphore, #tpu.memory_space<semaphore_mem>> -> memref<1x!tpu.dma_semaphore, #tpu.memory_space<semaphore_mem>>
      %dma_start3A_1331 = tpu.memref_squeeze %dma_start3A_1330 : memref<1x!tpu.dma_semaphore, #tpu.memory_space<semaphore_mem>> -> memref<!tpu.dma_semaphore, #tpu.memory_space<semaphore_mem>>
      tpu.enqueue_indirect_dma source(%dma_start3A_1323 : memref<80x128xf32, #tpu.memory_space<vmem>>) target(%dma_start3A_1329 : memref<10000x128xf32, #tpu.memory_space<vmem_shared>>) offsets(%dma_start3A_1326 : memref<80xi32, #tpu.memory_space<vmem>>) semaphore(%dma_start3A_1331 : memref<!tpu.dma_semaphore, #tpu.memory_space<semaphore_mem>>) {add = true}
      %get3A_1332 = arith.constant 1 : i32
      %get3A_1333 = arith.index_cast %get3A_1332 : i32 to index
      %get3A_1334 = arith.constant 0 : index
      %get3A_1335 = tpu.vector_load %arg8[%get3A_1333, %get3A_1334] {strides = array<i32>} : memref<3x80xi32, #tpu.memory_space<vmem>>, vector<16xi32>,
      %get3A_1336 = arith.constant 1 : i32
      %get3A_1337 = arith.index_cast %get3A_1336 : i32 to index
      %get3A_1338 = arith.constant 0 : index
      %get3A_1339 = tpu.vector_load %arg11[%get3A_1337, %get3A_1338] {strides = array<i32>} : memref<3x80xf32, #tpu.memory_space<vmem>>, vector<16xf32>,
      tpu.vector_store_idx %arg12[%get3A_1335], %get3A_1339 {add = true} : memref<10000xf32, #tpu.memory_space<vmem>>[vector<16xi32>], vector<16xf32>,
      %get3A_1340 = arith.constant 1 : i32
      %get3A_1341 = arith.index_cast %get3A_1340 : i32 to index
      %get3A_1342 = arith.constant 16 : index
      %get3A_1343 = tpu.vector_load %arg8[%get3A_1341, %get3A_1342] {strides = array<i32>} : memref<3x80xi32, #tpu.memory_space<vmem>>, vector<16xi32>,
      %get3A_1344 = arith.constant 1 : i32
      %get3A_1345 = arith.index_cast %get3A_1344 : i32 to index
      %get3A_1346 = arith.constant 16 : index
      %get3A_1347 = tpu.vector_load %arg11[%get3A_1345, %get3A_1346] {strides = array<i32>} : memref<3x80xf32, #tpu.memory_space<vmem>>, vector<16xf32>,
      tpu.vector_store_idx %arg12[%get3A_1343], %get3A_1347 {add = true} : memref<10000xf32, #tpu.memory_space<vmem>>[vector<16xi32>], vector<16xf32>,
      %get3A_1348 = arith.constant 1 : i32
      %get3A_1349 = arith.index_cast %get3A_1348 : i32 to index
      %get3A_1350 = arith.constant 32 : index
      %get3A_1351 = tpu.vector_load %arg8[%get3A_1349, %get3A_1350] {strides = array<i32>} : memref<3x80xi32, #tpu.memory_space<vmem>>, vector<16xi32>,
      %get3A_1352 = arith.constant 1 : i32
      %get3A_1353 = arith.index_cast %get3A_1352 : i32 to index
      %get3A_1354 = arith.constant 32 : index
      %get3A_1355 = tpu.vector_load %arg11[%get3A_1353, %get3A_1354] {strides = array<i32>} : memref<3x80xf32, #tpu.memory_space<vmem>>, vector<16xf32>,
      tpu.vector_store_idx %arg12[%get3A_1351], %get3A_1355 {add = true} : memref<10000xf32, #tpu.memory_space<vmem>>[vector<16xi32>], vector<16xf32>,
      %get3A_1356 = arith.constant 1 : i32
      %get3A_1357 = arith.index_cast %get3A_1356 : i32 to index
      %get3A_1358 = arith.constant 48 : index
      %get3A_1359 = tpu.vector_load %arg8[%get3A_1357, %get3A_1358] {strides = array<i32>} : memref<3x80xi32, #tpu.memory_space<vmem>>, vector<16xi32>,
      %get3A_1360 = arith.constant 1 : i32
      %get3A_1361 = arith.index_cast %get3A_1360 : i32 to index
      %get3A_1362 = arith.constant 48 : index
      %get3A_1363 = tpu.vector_load %arg11[%get3A_1361, %get3A_1362] {strides = array<i32>} : memref<3x80xf32, #tpu.memory_space<vmem>>, vector<16xf32>,
      tpu.vector_store_idx %arg12[%get3A_1359], %get3A_1363 {add = true} : memref<10000xf32, #tpu.memory_space<vmem>>[vector<16xi32>], vector<16xf32>,
      %get3A_1364 = arith.constant 1 : i32
      %get3A_1365 = arith.index_cast %get3A_1364 : i32 to index
      %get3A_1366 = arith.constant 64 : index
      %get3A_1367 = tpu.vector_load %arg8[%get3A_1365, %get3A_1366] {strides = array<i32>} : memref<3x80xi32, #tpu.memory_space<vmem>>, vector<16xi32>,
      %get3A_1368 = arith.constant 1 : i32
      %get3A_1369 = arith.index_cast %get3A_1368 : i32 to index
      %get3A_1370 = arith.constant 64 : index
      %get3A_1371 = tpu.vector_load %arg11[%get3A_1369, %get3A_1370] {strides = array<i32>} : memref<3x80xf32, #tpu.memory_space<vmem>>, vector<16xf32>,
      tpu.vector_store_idx %arg12[%get3A_1367], %get3A_1371 {add = true} : memref<10000xf32, #tpu.memory_space<vmem>>[vector<16xi32>], vector<16xf32>,
    }
    %scan3A_355 = arith.constant 40 : i32
    %dma_wait3A_356 = arith.constant 0 : i32
    %dma_wait3A_357 = arith.constant 0 : i32
    %dma_wait3A_358 = arith.constant 0 : i32
    %dma_wait3A_359 = arith.constant 0 : i32
    %dma_wait3A_360 = arith.constant 0 : i32
    %dma_wait3A_361 = tpu.memref_slice %arg10[%dma_wait3A_356, %dma_wait3A_359, %dma_wait3A_360] : memref<3x80x128xf32, #tpu.memory_space<vmem>> -> memref<1x80x128xf32, #tpu.memory_space<vmem>>
    %dma_wait3A_362 = tpu.memref_squeeze %dma_wait3A_361 : memref<1x80x128xf32, #tpu.memory_space<vmem>> -> memref<80x128xf32, #tpu.memory_space<vmem>>
    %dma_wait3A_363 = arith.constant 0 : i32
    %dma_wait3A_364 = tpu.memref_slice %arg8[%dma_wait3A_357, %dma_wait3A_363] : memref<3x80xi32, #tpu.memory_space<vmem>> -> memref<1x80xi32, #tpu.memory_space<vmem>>
    %dma_wait3A_365 = tpu.memref_squeeze %dma_wait3A_364 : memref<1x80xi32, #tpu.memory_space<vmem>> -> memref<80xi32, #tpu.memory_space<vmem>>
    %dma_wait3A_366 = arith.constant 0 : i32
    %dma_wait3A_367 = arith.constant 0 : i32
    %dma_wait3A_368 = tpu.memref_slice %arg13[%dma_wait3A_366, %dma_wait3A_367] : memref<10000x128xf32, #tpu.memory_space<vmem_shared>> -> memref<10000x128xf32, #tpu.memory_space<vmem_shared>>
    %dma_wait3A_369 = tpu.memref_slice %arg17[%dma_wait3A_358] : memref<3x!tpu.dma_semaphore, #tpu.memory_space<semaphore_mem>> -> memref<1x!tpu.dma_semaphore, #tpu.memory_space<semaphore_mem>>
    %dma_wait3A_370 = tpu.memref_squeeze %dma_wait3A_369 : memref<1x!tpu.dma_semaphore, #tpu.memory_space<semaphore_mem>> -> memref<!tpu.dma_semaphore, #tpu.memory_space<semaphore_mem>>
    tpu.wait_indirect_dma semaphore(%dma_wait3A_370 : memref<!tpu.dma_semaphore, #tpu.memory_space<semaphore_mem>>) src(%dma_wait3A_362 : memref<80x128xf32, #tpu.memory_space<vmem>>) dst(%dma_wait3A_368 : memref<10000x128xf32, #tpu.memory_space<vmem_shared>>)
    %add3A_371 = arith.constant 9840 : i32
    %add3A_372 = arith.addi %mul3A_13, %add3A_371 : i32
    %dma_start3A_373 = arith.constant 0 : i32
    %dma_start3A_374 = arith.constant 0 : i32
    %dma_start3A_375 = arith.constant 0 : i32
    %dma_start3A_376 = tpu.memref_slice %arg8[%dma_start3A_373, %dma_start3A_375] : memref<3x80xi32, #tpu.memory_space<vmem>> -> memref<1x80xi32, #tpu.memory_space<vmem>>
    %dma_start3A_377 = tpu.memref_squeeze %dma_start3A_376 : memref<1x80xi32, #tpu.memory_space<vmem>> -> memref<80xi32, #tpu.memory_space<vmem>>
    %dma_start3A_378 = tpu.memref_slice %arg4[%add3A_372] : memref<320000xi32, #tpu.memory_space<hbm>> -> memref<80xi32, #tpu.memory_space<hbm>>
    %dma_start3A_379 = tpu.memref_slice %arg14[%dma_start3A_374] : memref<3x!tpu.dma_semaphore, #tpu.memory_space<semaphore_mem>> -> memref<1x!tpu.dma_semaphore, #tpu.memory_space<semaphore_mem>>
    %dma_start3A_380 = tpu.memref_squeeze %dma_start3A_379 : memref<1x!tpu.dma_semaphore, #tpu.memory_space<semaphore_mem>> -> memref<!tpu.dma_semaphore, #tpu.memory_space<semaphore_mem>>
    %dma_start3A_381 = arith.constant 0 : i32
    %dma_start3A_382 = tpu.memref_slice %arg8[%dma_start3A_373, %dma_start3A_381] : memref<3x80xi32, #tpu.memory_space<vmem>> -> memref<1x80xi32, #tpu.memory_space<vmem>>
    %dma_start3A_383 = tpu.memref_squeeze %dma_start3A_382 : memref<1x80xi32, #tpu.memory_space<vmem>> -> memref<80xi32, #tpu.memory_space<vmem>>
    %dma_start3A_384 = tpu.memref_slice %arg4[%add3A_372] : memref<320000xi32, #tpu.memory_space<hbm>> -> memref<80xi32, #tpu.memory_space<hbm>>
    tpu.enqueue_dma source(%dma_start3A_384 : memref<80xi32, #tpu.memory_space<hbm>>) target(%dma_start3A_383 : memref<80xi32, #tpu.memory_space<vmem>>) target_semaphore(%dma_start3A_380 : memref<!tpu.dma_semaphore, #tpu.memory_space<semaphore_mem>>)
    %add3A_385 = arith.constant 9840 : i32
    %add3A_386 = arith.addi %mul3A_13, %add3A_385 : i32
    %dma_start3A_387 = arith.constant 0 : i32
    %dma_start3A_388 = arith.constant 0 : i32
    %dma_start3A_389 = arith.constant 0 : i32
    %dma_start3A_390 = arith.constant 0 : i32
    %dma_start3A_391 = tpu.memref_slice %arg10[%dma_start3A_387, %dma_start3A_389, %dma_start3A_390] : memref<3x80x128xf32, #tpu.memory_space<vmem>> -> memref<1x80x128xf32, #tpu.memory_space<vmem>>
    %dma_start3A_392 = tpu.memref_squeeze %dma_start3A_391 : memref<1x80x128xf32, #tpu.memory_space<vmem>> -> memref<80x128xf32, #tpu.memory_space<vmem>>
    %dma_start3A_393 = arith.constant 0 : i32
    %dma_start3A_394 = tpu.memref_slice %arg2[%add3A_386, %dma_start3A_393] : memref<320000x128xf32, #tpu.memory_space<hbm>> -> memref<80x128xf32, #tpu.memory_space<hbm>>
    %dma_start3A_395 = tpu.memref_slice %arg15[%dma_start3A_388] : memref<3x!tpu.dma_semaphore, #tpu.memory_space<semaphore_mem>> -> memref<1x!tpu.dma_semaphore, #tpu.memory_space<semaphore_mem>>
    %dma_start3A_396 = tpu.memref_squeeze %dma_start3A_395 : memref<1x!tpu.dma_semaphore, #tpu.memory_space<semaphore_mem>> -> memref<!tpu.dma_semaphore, #tpu.memory_space<semaphore_mem>>
    %dma_start3A_397 = arith.constant 0 : i32
    %dma_start3A_398 = arith.constant 0 : i32
    %dma_start3A_399 = tpu.memref_slice %arg10[%dma_start3A_387, %dma_start3A_397, %dma_start3A_398] : memref<3x80x128xf32, #tpu.memory_space<vmem>> -> memref<1x80x128xf32, #tpu.memory_space<vmem>>
    %dma_start3A_400 = tpu.memref_squeeze %dma_start3A_399 : memref<1x80x128xf32, #tpu.memory_space<vmem>> -> memref<80x128xf32, #tpu.memory_space<vmem>>
    %dma_start3A_401 = arith.constant 0 : i32
    %dma_start3A_402 = tpu.memref_slice %arg2[%add3A_386, %dma_start3A_401] : memref<320000x128xf32, #tpu.memory_space<hbm>> -> memref<80x128xf32, #tpu.memory_space<hbm>>
    tpu.enqueue_dma source(%dma_start3A_402 : memref<80x128xf32, #tpu.memory_space<hbm>>) target(%dma_start3A_400 : memref<80x128xf32, #tpu.memory_space<vmem>>) target_semaphore(%dma_start3A_396 : memref<!tpu.dma_semaphore, #tpu.memory_space<semaphore_mem>>)
    %add3A_403 = arith.constant 9840 : i32
    %add3A_404 = arith.addi %mul3A_13, %add3A_403 : i32
    %dma_start3A_405 = arith.constant 0 : i32
    %dma_start3A_406 = arith.constant 0 : i32
    %dma_start3A_407 = arith.constant 0 : i32
    %dma_start3A_408 = tpu.memref_slice %arg11[%dma_start3A_405, %dma_start3A_407] : memref<3x80xf32, #tpu.memory_space<vmem>> -> memref<1x80xf32, #tpu.memory_space<vmem>>
    %dma_start3A_409 = tpu.memref_squeeze %dma_start3A_408 : memref<1x80xf32, #tpu.memory_space<vmem>> -> memref<80xf32, #tpu.memory_space<vmem>>
    %dma_start3A_410 = tpu.memref_slice %arg3[%add3A_404] : memref<320000xf32, #tpu.memory_space<hbm>> -> memref<80xf32, #tpu.memory_space<hbm>>
    %dma_start3A_411 = tpu.memref_slice %arg16[%dma_start3A_406] : memref<3x!tpu.dma_semaphore, #tpu.memory_space<semaphore_mem>> -> memref<1x!tpu.dma_semaphore, #tpu.memory_space<semaphore_mem>>
    %dma_start3A_412 = tpu.memref_squeeze %dma_start3A_411 : memref<1x!tpu.dma_semaphore, #tpu.memory_space<semaphore_mem>> -> memref<!tpu.dma_semaphore, #tpu.memory_space<semaphore_mem>>
    %dma_start3A_413 = arith.constant 0 : i32
    %dma_start3A_414 = tpu.memref_slice %arg11[%dma_start3A_405, %dma_start3A_413] : memref<3x80xf32, #tpu.memory_space<vmem>> -> memref<1x80xf32, #tpu.memory_space<vmem>>
    %dma_start3A_415 = tpu.memref_squeeze %dma_start3A_414 : memref<1x80xf32, #tpu.memory_space<vmem>> -> memref<80xf32, #tpu.memory_space<vmem>>
    %dma_start3A_416 = tpu.memref_slice %arg3[%add3A_404] : memref<320000xf32, #tpu.memory_space<hbm>> -> memref<80xf32, #tpu.memory_space<hbm>>
    tpu.enqueue_dma source(%dma_start3A_416 : memref<80xf32, #tpu.memory_space<hbm>>) target(%dma_start3A_415 : memref<80xf32, #tpu.memory_space<vmem>>) target_semaphore(%dma_start3A_412 : memref<!tpu.dma_semaphore, #tpu.memory_space<semaphore_mem>>)
    %add3A_417 = arith.constant 9760 : i32
    %add3A_418 = arith.addi %mul3A_13, %add3A_417 : i32
    %dma_wait3A_419 = arith.constant 2 : i32
    %dma_wait3A_420 = arith.constant 2 : i32
    %dma_wait3A_421 = arith.constant 0 : i32
    %dma_wait3A_422 = tpu.memref_slice %arg8[%dma_wait3A_419, %dma_wait3A_421] : memref<3x80xi32, #tpu.memory_space<vmem>> -> memref<1x80xi32, #tpu.memory_space<vmem>>
    %dma_wait3A_423 = tpu.memref_squeeze %dma_wait3A_422 : memref<1x80xi32, #tpu.memory_space<vmem>> -> memref<80xi32, #tpu.memory_space<vmem>>
    %dma_wait3A_424 = tpu.memref_slice %arg4[%add3A_418] : memref<320000xi32, #tpu.memory_space<hbm>> -> memref<80xi32, #tpu.memory_space<hbm>>
    %dma_wait3A_425 = tpu.memref_slice %arg14[%dma_wait3A_420] : memref<3x!tpu.dma_semaphore, #tpu.memory_space<semaphore_mem>> -> memref<1x!tpu.dma_semaphore, #tpu.memory_space<semaphore_mem>>
    %dma_wait3A_426 = tpu.memref_squeeze %dma_wait3A_425 : memref<1x!tpu.dma_semaphore, #tpu.memory_space<semaphore_mem>> -> memref<!tpu.dma_semaphore, #tpu.memory_space<semaphore_mem>>
    %dma_wait3A_427 = arith.constant 0 : i32
    %dma_wait3A_428 = tpu.memref_slice %arg8[%dma_wait3A_419, %dma_wait3A_427] : memref<3x80xi32, #tpu.memory_space<vmem>> -> memref<1x80xi32, #tpu.memory_space<vmem>>
    %dma_wait3A_429 = tpu.memref_squeeze %dma_wait3A_428 : memref<1x80xi32, #tpu.memory_space<vmem>> -> memref<80xi32, #tpu.memory_space<vmem>>
    %dma_wait3A_430 = tpu.memref_slice %arg4[%add3A_418] : memref<320000xi32, #tpu.memory_space<hbm>> -> memref<80xi32, #tpu.memory_space<hbm>>
    tpu.wait_dma2 semaphore(%dma_wait3A_426 : memref<!tpu.dma_semaphore, #tpu.memory_space<semaphore_mem>>) src(%dma_wait3A_430 : memref<80xi32, #tpu.memory_space<hbm>>) dst(%dma_wait3A_429 : memref<80xi32, #tpu.memory_space<vmem>>)
    %add3A_431 = arith.constant 9760 : i32
    %add3A_432 = arith.addi %mul3A_13, %add3A_431 : i32
    %dma_wait3A_433 = arith.constant 2 : i32
    %dma_wait3A_434 = arith.constant 2 : i32
    %dma_wait3A_435 = arith.constant 0 : i32
    %dma_wait3A_436 = arith.constant 0 : i32
    %dma_wait3A_437 = tpu.memref_slice %arg10[%dma_wait3A_433, %dma_wait3A_435, %dma_wait3A_436] : memref<3x80x128xf32, #tpu.memory_space<vmem>> -> memref<1x80x128xf32, #tpu.memory_space<vmem>>
    %dma_wait3A_438 = tpu.memref_squeeze %dma_wait3A_437 : memref<1x80x128xf32, #tpu.memory_space<vmem>> -> memref<80x128xf32, #tpu.memory_space<vmem>>
    %dma_wait3A_439 = arith.constant 0 : i32
    %dma_wait3A_440 = tpu.memref_slice %arg2[%add3A_432, %dma_wait3A_439] : memref<320000x128xf32, #tpu.memory_space<hbm>> -> memref<80x128xf32, #tpu.memory_space<hbm>>
    %dma_wait3A_441 = tpu.memref_slice %arg15[%dma_wait3A_434] : memref<3x!tpu.dma_semaphore, #tpu.memory_space<semaphore_mem>> -> memref<1x!tpu.dma_semaphore, #tpu.memory_space<semaphore_mem>>
    %dma_wait3A_442 = tpu.memref_squeeze %dma_wait3A_441 : memref<1x!tpu.dma_semaphore, #tpu.memory_space<semaphore_mem>> -> memref<!tpu.dma_semaphore, #tpu.memory_space<semaphore_mem>>
    %dma_wait3A_443 = arith.constant 0 : i32
    %dma_wait3A_444 = arith.constant 0 : i32
    %dma_wait3A_445 = tpu.memref_slice %arg10[%dma_wait3A_433, %dma_wait3A_443, %dma_wait3A_444] : memref<3x80x128xf32, #tpu.memory_space<vmem>> -> memref<1x80x128xf32, #tpu.memory_space<vmem>>
    %dma_wait3A_446 = tpu.memref_squeeze %dma_wait3A_445 : memref<1x80x128xf32, #tpu.memory_space<vmem>> -> memref<80x128xf32, #tpu.memory_space<vmem>>
    %dma_wait3A_447 = arith.constant 0 : i32
    %dma_wait3A_448 = tpu.memref_slice %arg2[%add3A_432, %dma_wait3A_447] : memref<320000x128xf32, #tpu.memory_space<hbm>> -> memref<80x128xf32, #tpu.memory_space<hbm>>
    tpu.wait_dma2 semaphore(%dma_wait3A_442 : memref<!tpu.dma_semaphore, #tpu.memory_space<semaphore_mem>>) src(%dma_wait3A_448 : memref<80x128xf32, #tpu.memory_space<hbm>>) dst(%dma_wait3A_446 : memref<80x128xf32, #tpu.memory_space<vmem>>)
    %add3A_449 = arith.constant 9760 : i32
    %add3A_450 = arith.addi %mul3A_13, %add3A_449 : i32
    %dma_wait3A_451 = arith.constant 2 : i32
    %dma_wait3A_452 = arith.constant 2 : i32
    %dma_wait3A_453 = arith.constant 0 : i32
    %dma_wait3A_454 = tpu.memref_slice %arg11[%dma_wait3A_451, %dma_wait3A_453] : memref<3x80xf32, #tpu.memory_space<vmem>> -> memref<1x80xf32, #tpu.memory_space<vmem>>
    %dma_wait3A_455 = tpu.memref_squeeze %dma_wait3A_454 : memref<1x80xf32, #tpu.memory_space<vmem>> -> memref<80xf32, #tpu.memory_space<vmem>>
    %dma_wait3A_456 = tpu.memref_slice %arg3[%add3A_450] : memref<320000xf32, #tpu.memory_space<hbm>> -> memref<80xf32, #tpu.memory_space<hbm>>
    %dma_wait3A_457 = tpu.memref_slice %arg16[%dma_wait3A_452] : memref<3x!tpu.dma_semaphore, #tpu.memory_space<semaphore_mem>> -> memref<1x!tpu.dma_semaphore, #tpu.memory_space<semaphore_mem>>
    %dma_wait3A_458 = tpu.memref_squeeze %dma_wait3A_457 : memref<1x!tpu.dma_semaphore, #tpu.memory_space<semaphore_mem>> -> memref<!tpu.dma_semaphore, #tpu.memory_space<semaphore_mem>>
    %dma_wait3A_459 = arith.constant 0 : i32
    %dma_wait3A_460 = tpu.memref_slice %arg11[%dma_wait3A_451, %dma_wait3A_459] : memref<3x80xf32, #tpu.memory_space<vmem>> -> memref<1x80xf32, #tpu.memory_space<vmem>>
    %dma_wait3A_461 = tpu.memref_squeeze %dma_wait3A_460 : memref<1x80xf32, #tpu.memory_space<vmem>> -> memref<80xf32, #tpu.memory_space<vmem>>
    %dma_wait3A_462 = tpu.memref_slice %arg3[%add3A_450] : memref<320000xf32, #tpu.memory_space<hbm>> -> memref<80xf32, #tpu.memory_space<hbm>>
    tpu.wait_dma2 semaphore(%dma_wait3A_458 : memref<!tpu.dma_semaphore, #tpu.memory_space<semaphore_mem>>) src(%dma_wait3A_462 : memref<80xf32, #tpu.memory_space<hbm>>) dst(%dma_wait3A_461 : memref<80xf32, #tpu.memory_space<vmem>>)
    %dma_start3A_463 = arith.constant 2 : i32
    %dma_start3A_464 = arith.constant 2 : i32
    %dma_start3A_465 = arith.constant 2 : i32
    %dma_start3A_466 = arith.constant 0 : i32
    %dma_start3A_467 = arith.constant 0 : i32
    %dma_start3A_468 = tpu.memref_slice %arg10[%dma_start3A_463, %dma_start3A_466, %dma_start3A_467] : memref<3x80x128xf32, #tpu.memory_space<vmem>> -> memref<1x80x128xf32, #tpu.memory_space<vmem>>
    %dma_start3A_469 = tpu.memref_squeeze %dma_start3A_468 : memref<1x80x128xf32, #tpu.memory_space<vmem>> -> memref<80x128xf32, #tpu.memory_space<vmem>>
    %dma_start3A_470 = arith.constant 0 : i32
    %dma_start3A_471 = tpu.memref_slice %arg8[%dma_start3A_464, %dma_start3A_470] : memref<3x80xi32, #tpu.memory_space<vmem>> -> memref<1x80xi32, #tpu.memory_space<vmem>>
    %dma_start3A_472 = tpu.memref_squeeze %dma_start3A_471 : memref<1x80xi32, #tpu.memory_space<vmem>> -> memref<80xi32, #tpu.memory_space<vmem>>
    %dma_start3A_473 = arith.constant 0 : i32
    %dma_start3A_474 = arith.constant 0 : i32
    %dma_start3A_475 = tpu.memref_slice %arg13[%dma_start3A_473, %dma_start3A_474] : memref<10000x128xf32, #tpu.memory_space<vmem_shared>> -> memref<10000x128xf32, #tpu.memory_space<vmem_shared>>
    %dma_start3A_476 = tpu.memref_slice %arg17[%dma_start3A_465] : memref<3x!tpu.dma_semaphore, #tpu.memory_space<semaphore_mem>> -> memref<1x!tpu.dma_semaphore, #tpu.memory_space<semaphore_mem>>
    %dma_start3A_477 = tpu.memref_squeeze %dma_start3A_476 : memref<1x!tpu.dma_semaphore, #tpu.memory_space<semaphore_mem>> -> memref<!tpu.dma_semaphore, #tpu.memory_space<semaphore_mem>>
    tpu.enqueue_indirect_dma source(%dma_start3A_469 : memref<80x128xf32, #tpu.memory_space<vmem>>) target(%dma_start3A_475 : memref<10000x128xf32, #tpu.memory_space<vmem_shared>>) offsets(%dma_start3A_472 : memref<80xi32, #tpu.memory_space<vmem>>) semaphore(%dma_start3A_477 : memref<!tpu.dma_semaphore, #tpu.memory_space<semaphore_mem>>) {add = true}
    %get3A_478 = arith.constant 2 : i32
    %get3A_479 = arith.index_cast %get3A_478 : i32 to index
    %get3A_480 = arith.constant 0 : index
    %get3A_481 = tpu.vector_load %arg8[%get3A_479, %get3A_480] {strides = array<i32>} : memref<3x80xi32, #tpu.memory_space<vmem>>, vector<16xi32>,
    %get3A_482 = arith.constant 2 : i32
    %get3A_483 = arith.index_cast %get3A_482 : i32 to index
    %get3A_484 = arith.constant 0 : index
    %get3A_485 = tpu.vector_load %arg11[%get3A_483, %get3A_484] {strides = array<i32>} : memref<3x80xf32, #tpu.memory_space<vmem>>, vector<16xf32>,
    tpu.vector_store_idx %arg12[%get3A_481], %get3A_485 {add = true} : memref<10000xf32, #tpu.memory_space<vmem>>[vector<16xi32>], vector<16xf32>,
    %get3A_486 = arith.constant 2 : i32
    %get3A_487 = arith.index_cast %get3A_486 : i32 to index
    %get3A_488 = arith.constant 16 : index
    %get3A_489 = tpu.vector_load %arg8[%get3A_487, %get3A_488] {strides = array<i32>} : memref<3x80xi32, #tpu.memory_space<vmem>>, vector<16xi32>,
    %get3A_490 = arith.constant 2 : i32
    %get3A_491 = arith.index_cast %get3A_490 : i32 to index
    %get3A_492 = arith.constant 16 : index
    %get3A_493 = tpu.vector_load %arg11[%get3A_491, %get3A_492] {strides = array<i32>} : memref<3x80xf32, #tpu.memory_space<vmem>>, vector<16xf32>,
    tpu.vector_store_idx %arg12[%get3A_489], %get3A_493 {add = true} : memref<10000xf32, #tpu.memory_space<vmem>>[vector<16xi32>], vector<16xf32>,
    %get3A_494 = arith.constant 2 : i32
    %get3A_495 = arith.index_cast %get3A_494 : i32 to index
    %get3A_496 = arith.constant 32 : index
    %get3A_497 = tpu.vector_load %arg8[%get3A_495, %get3A_496] {strides = array<i32>} : memref<3x80xi32, #tpu.memory_space<vmem>>, vector<16xi32>,
    %get3A_498 = arith.constant 2 : i32
    %get3A_499 = arith.index_cast %get3A_498 : i32 to index
    %get3A_500 = arith.constant 32 : index
    %get3A_501 = tpu.vector_load %arg11[%get3A_499, %get3A_500] {strides = array<i32>} : memref<3x80xf32, #tpu.memory_space<vmem>>, vector<16xf32>,
    tpu.vector_store_idx %arg12[%get3A_497], %get3A_501 {add = true} : memref<10000xf32, #tpu.memory_space<vmem>>[vector<16xi32>], vector<16xf32>,
    %get3A_502 = arith.constant 2 : i32
    %get3A_503 = arith.index_cast %get3A_502 : i32 to index
    %get3A_504 = arith.constant 48 : index
    %get3A_505 = tpu.vector_load %arg8[%get3A_503, %get3A_504] {strides = array<i32>} : memref<3x80xi32, #tpu.memory_space<vmem>>, vector<16xi32>,
    %get3A_506 = arith.constant 2 : i32
    %get3A_507 = arith.index_cast %get3A_506 : i32 to index
    %get3A_508 = arith.constant 48 : index
    %get3A_509 = tpu.vector_load %arg11[%get3A_507, %get3A_508] {strides = array<i32>} : memref<3x80xf32, #tpu.memory_space<vmem>>, vector<16xf32>,
    tpu.vector_store_idx %arg12[%get3A_505], %get3A_509 {add = true} : memref<10000xf32, #tpu.memory_space<vmem>>[vector<16xi32>], vector<16xf32>,
    %get3A_510 = arith.constant 2 : i32
    %get3A_511 = arith.index_cast %get3A_510 : i32 to index
    %get3A_512 = arith.constant 64 : index
    %get3A_513 = tpu.vector_load %arg8[%get3A_511, %get3A_512] {strides = array<i32>} : memref<3x80xi32, #tpu.memory_space<vmem>>, vector<16xi32>,
    %get3A_514 = arith.constant 2 : i32
    %get3A_515 = arith.index_cast %get3A_514 : i32 to index
    %get3A_516 = arith.constant 64 : index
    %get3A_517 = tpu.vector_load %arg11[%get3A_515, %get3A_516] {strides = array<i32>} : memref<3x80xf32, #tpu.memory_space<vmem>>, vector<16xf32>,
    tpu.vector_store_idx %arg12[%get3A_513], %get3A_517 {add = true} : memref<10000xf32, #tpu.memory_space<vmem>>[vector<16xi32>], vector<16xf32>,
    %dma_wait3A_518 = arith.constant 1 : i32
    %dma_wait3A_519 = arith.constant 1 : i32
    %dma_wait3A_520 = arith.constant 1 : i32
    %dma_wait3A_521 = arith.constant 0 : i32
    %dma_wait3A_522 = arith.constant 0 : i32
    %dma_wait3A_523 = tpu.memref_slice %arg10[%dma_wait3A_518, %dma_wait3A_521, %dma_wait3A_522] : memref<3x80x128xf32, #tpu.memory_space<vmem>> -> memref<1x80x128xf32, #tpu.memory_space<vmem>>
    %dma_wait3A_524 = tpu.memref_squeeze %dma_wait3A_523 : memref<1x80x128xf32, #tpu.memory_space<vmem>> -> memref<80x128xf32, #tpu.memory_space<vmem>>
    %dma_wait3A_525 = arith.constant 0 : i32
    %dma_wait3A_526 = tpu.memref_slice %arg8[%dma_wait3A_519, %dma_wait3A_525] : memref<3x80xi32, #tpu.memory_space<vmem>> -> memref<1x80xi32, #tpu.memory_space<vmem>>
    %dma_wait3A_527 = tpu.memref_squeeze %dma_wait3A_526 : memref<1x80xi32, #tpu.memory_space<vmem>> -> memref<80xi32, #tpu.memory_space<vmem>>
    %dma_wait3A_528 = arith.constant 0 : i32
    %dma_wait3A_529 = arith.constant 0 : i32
    %dma_wait3A_530 = tpu.memref_slice %arg13[%dma_wait3A_528, %dma_wait3A_529] : memref<10000x128xf32, #tpu.memory_space<vmem_shared>> -> memref<10000x128xf32, #tpu.memory_space<vmem_shared>>
    %dma_wait3A_531 = tpu.memref_slice %arg17[%dma_wait3A_520] : memref<3x!tpu.dma_semaphore, #tpu.memory_space<semaphore_mem>> -> memref<1x!tpu.dma_semaphore, #tpu.memory_space<semaphore_mem>>
    %dma_wait3A_532 = tpu.memref_squeeze %dma_wait3A_531 : memref<1x!tpu.dma_semaphore, #tpu.memory_space<semaphore_mem>> -> memref<!tpu.dma_semaphore, #tpu.memory_space<semaphore_mem>>
    tpu.wait_indirect_dma semaphore(%dma_wait3A_532 : memref<!tpu.dma_semaphore, #tpu.memory_space<semaphore_mem>>) src(%dma_wait3A_524 : memref<80x128xf32, #tpu.memory_space<vmem>>) dst(%dma_wait3A_530 : memref<10000x128xf32, #tpu.memory_space<vmem_shared>>)
    %add3A_533 = arith.constant 9920 : i32
    %add3A_534 = arith.addi %mul3A_13, %add3A_533 : i32
    %dma_start3A_535 = arith.constant 1 : i32
    %dma_start3A_536 = arith.constant 1 : i32
    %dma_start3A_537 = arith.constant 0 : i32
    %dma_start3A_538 = tpu.memref_slice %arg8[%dma_start3A_535, %dma_start3A_537] : memref<3x80xi32, #tpu.memory_space<vmem>> -> memref<1x80xi32, #tpu.memory_space<vmem>>
    %dma_start3A_539 = tpu.memref_squeeze %dma_start3A_538 : memref<1x80xi32, #tpu.memory_space<vmem>> -> memref<80xi32, #tpu.memory_space<vmem>>
    %dma_start3A_540 = tpu.memref_slice %arg4[%add3A_534] : memref<320000xi32, #tpu.memory_space<hbm>> -> memref<80xi32, #tpu.memory_space<hbm>>
    %dma_start3A_541 = tpu.memref_slice %arg14[%dma_start3A_536] : memref<3x!tpu.dma_semaphore, #tpu.memory_space<semaphore_mem>> -> memref<1x!tpu.dma_semaphore, #tpu.memory_space<semaphore_mem>>
    %dma_start3A_542 = tpu.memref_squeeze %dma_start3A_541 : memref<1x!tpu.dma_semaphore, #tpu.memory_space<semaphore_mem>> -> memref<!tpu.dma_semaphore, #tpu.memory_space<semaphore_mem>>
    %dma_start3A_543 = arith.constant 0 : i32
    %dma_start3A_544 = tpu.memref_slice %arg8[%dma_start3A_535, %dma_start3A_543] : memref<3x80xi32, #tpu.memory_space<vmem>> -> memref<1x80xi32, #tpu.memory_space<vmem>>
    %dma_start3A_545 = tpu.memref_squeeze %dma_start3A_544 : memref<1x80xi32, #tpu.memory_space<vmem>> -> memref<80xi32, #tpu.memory_space<vmem>>
    %dma_start3A_546 = tpu.memref_slice %arg4[%add3A_534] : memref<320000xi32, #tpu.memory_space<hbm>> -> memref<80xi32, #tpu.memory_space<hbm>>
    tpu.enqueue_dma source(%dma_start3A_546 : memref<80xi32, #tpu.memory_space<hbm>>) target(%dma_start3A_545 : memref<80xi32, #tpu.memory_space<vmem>>) target_semaphore(%dma_start3A_542 : memref<!tpu.dma_semaphore, #tpu.memory_space<semaphore_mem>>)
    %add3A_547 = arith.constant 9920 : i32
    %add3A_548 = arith.addi %mul3A_13, %add3A_547 : i32
    %dma_start3A_549 = arith.constant 1 : i32
    %dma_start3A_550 = arith.constant 1 : i32
    %dma_start3A_551 = arith.constant 0 : i32
    %dma_start3A_552 = arith.constant 0 : i32
    %dma_start3A_553 = tpu.memref_slice %arg10[%dma_start3A_549, %dma_start3A_551, %dma_start3A_552] : memref<3x80x128xf32, #tpu.memory_space<vmem>> -> memref<1x80x128xf32, #tpu.memory_space<vmem>>
    %dma_start3A_554 = tpu.memref_squeeze %dma_start3A_553 : memref<1x80x128xf32, #tpu.memory_space<vmem>> -> memref<80x128xf32, #tpu.memory_space<vmem>>
    %dma_start3A_555 = arith.constant 0 : i32
    %dma_start3A_556 = tpu.memref_slice %arg2[%add3A_548, %dma_start3A_555] : memref<320000x128xf32, #tpu.memory_space<hbm>> -> memref<80x128xf32, #tpu.memory_space<hbm>>
    %dma_start3A_557 = tpu.memref_slice %arg15[%dma_start3A_550] : memref<3x!tpu.dma_semaphore, #tpu.memory_space<semaphore_mem>> -> memref<1x!tpu.dma_semaphore, #tpu.memory_space<semaphore_mem>>
    %dma_start3A_558 = tpu.memref_squeeze %dma_start3A_557 : memref<1x!tpu.dma_semaphore, #tpu.memory_space<semaphore_mem>> -> memref<!tpu.dma_semaphore, #tpu.memory_space<semaphore_mem>>
    %dma_start3A_559 = arith.constant 0 : i32
    %dma_start3A_560 = arith.constant 0 : i32
    %dma_start3A_561 = tpu.memref_slice %arg10[%dma_start3A_549, %dma_start3A_559, %dma_start3A_560] : memref<3x80x128xf32, #tpu.memory_space<vmem>> -> memref<1x80x128xf32, #tpu.memory_space<vmem>>
    %dma_start3A_562 = tpu.memref_squeeze %dma_start3A_561 : memref<1x80x128xf32, #tpu.memory_space<vmem>> -> memref<80x128xf32, #tpu.memory_space<vmem>>
    %dma_start3A_563 = arith.constant 0 : i32
    %dma_start3A_564 = tpu.memref_slice %arg2[%add3A_548, %dma_start3A_563] : memref<320000x128xf32, #tpu.memory_space<hbm>> -> memref<80x128xf32, #tpu.memory_space<hbm>>
    tpu.enqueue_dma source(%dma_start3A_564 : memref<80x128xf32, #tpu.memory_space<hbm>>) target(%dma_start3A_562 : memref<80x128xf32, #tpu.memory_space<vmem>>) target_semaphore(%dma_start3A_558 : memref<!tpu.dma_semaphore, #tpu.memory_space<semaphore_mem>>)
    %add3A_565 = arith.constant 9920 : i32
    %add3A_566 = arith.addi %mul3A_13, %add3A_565 : i32
    %dma_start3A_567 = arith.constant 1 : i32
    %dma_start3A_568 = arith.constant 1 : i32
    %dma_start3A_569 = arith.constant 0 : i32
    %dma_start3A_570 = tpu.memref_slice %arg11[%dma_start3A_567, %dma_start3A_569] : memref<3x80xf32, #tpu.memory_space<vmem>> -> memref<1x80xf32, #tpu.memory_space<vmem>>
    %dma_start3A_571 = tpu.memref_squeeze %dma_start3A_570 : memref<1x80xf32, #tpu.memory_space<vmem>> -> memref<80xf32, #tpu.memory_space<vmem>>
    %dma_start3A_572 = tpu.memref_slice %arg3[%add3A_566] : memref<320000xf32, #tpu.memory_space<hbm>> -> memref<80xf32, #tpu.memory_space<hbm>>
    %dma_start3A_573 = tpu.memref_slice %arg16[%dma_start3A_568] : memref<3x!tpu.dma_semaphore, #tpu.memory_space<semaphore_mem>> -> memref<1x!tpu.dma_semaphore, #tpu.memory_space<semaphore_mem>>
    %dma_start3A_574 = tpu.memref_squeeze %dma_start3A_573 : memref<1x!tpu.dma_semaphore, #tpu.memory_space<semaphore_mem>> -> memref<!tpu.dma_semaphore, #tpu.memory_space<semaphore_mem>>
    %dma_start3A_575 = arith.constant 0 : i32
    %dma_start3A_576 = tpu.memref_slice %arg11[%dma_start3A_567, %dma_start3A_575] : memref<3x80xf32, #tpu.memory_space<vmem>> -> memref<1x80xf32, #tpu.memory_space<vmem>>
    %dma_start3A_577 = tpu.memref_squeeze %dma_start3A_576 : memref<1x80xf32, #tpu.memory_space<vmem>> -> memref<80xf32, #tpu.memory_space<vmem>>
    %dma_start3A_578 = tpu.memref_slice %arg3[%add3A_566] : memref<320000xf32, #tpu.memory_space<hbm>> -> memref<80xf32, #tpu.memory_space<hbm>>
    tpu.enqueue_dma source(%dma_start3A_578 : memref<80xf32, #tpu.memory_space<hbm>>) target(%dma_start3A_577 : memref<80xf32, #tpu.memory_space<vmem>>) target_semaphore(%dma_start3A_574 : memref<!tpu.dma_semaphore, #tpu.memory_space<semaphore_mem>>)
    %add3A_579 = arith.constant 9840 : i32
    %add3A_580 = arith.addi %mul3A_13, %add3A_579 : i32
    %dma_wait3A_581 = arith.constant 0 : i32
    %dma_wait3A_582 = arith.constant 0 : i32
    %dma_wait3A_583 = arith.constant 0 : i32
    %dma_wait3A_584 = tpu.memref_slice %arg8[%dma_wait3A_581, %dma_wait3A_583] : memref<3x80xi32, #tpu.memory_space<vmem>> -> memref<1x80xi32, #tpu.memory_space<vmem>>
    %dma_wait3A_585 = tpu.memref_squeeze %dma_wait3A_584 : memref<1x80xi32, #tpu.memory_space<vmem>> -> memref<80xi32, #tpu.memory_space<vmem>>
    %dma_wait3A_586 = tpu.memref_slice %arg4[%add3A_580] : memref<320000xi32, #tpu.memory_space<hbm>> -> memref<80xi32, #tpu.memory_space<hbm>>
    %dma_wait3A_587 = tpu.memref_slice %arg14[%dma_wait3A_582] : memref<3x!tpu.dma_semaphore, #tpu.memory_space<semaphore_mem>> -> memref<1x!tpu.dma_semaphore, #tpu.memory_space<semaphore_mem>>
    %dma_wait3A_588 = tpu.memref_squeeze %dma_wait3A_587 : memref<1x!tpu.dma_semaphore, #tpu.memory_space<semaphore_mem>> -> memref<!tpu.dma_semaphore, #tpu.memory_space<semaphore_mem>>
    %dma_wait3A_589 = arith.constant 0 : i32
    %dma_wait3A_590 = tpu.memref_slice %arg8[%dma_wait3A_581, %dma_wait3A_589] : memref<3x80xi32, #tpu.memory_space<vmem>> -> memref<1x80xi32, #tpu.memory_space<vmem>>
    %dma_wait3A_591 = tpu.memref_squeeze %dma_wait3A_590 : memref<1x80xi32, #tpu.memory_space<vmem>> -> memref<80xi32, #tpu.memory_space<vmem>>
    %dma_wait3A_592 = tpu.memref_slice %arg4[%add3A_580] : memref<320000xi32, #tpu.memory_space<hbm>> -> memref<80xi32, #tpu.memory_space<hbm>>
    tpu.wait_dma2 semaphore(%dma_wait3A_588 : memref<!tpu.dma_semaphore, #tpu.memory_space<semaphore_mem>>) src(%dma_wait3A_592 : memref<80xi32, #tpu.memory_space<hbm>>) dst(%dma_wait3A_591 : memref<80xi32, #tpu.memory_space<vmem>>)
    %add3A_593 = arith.constant 9840 : i32
    %add3A_594 = arith.addi %mul3A_13, %add3A_593 : i32
    %dma_wait3A_595 = arith.constant 0 : i32
    %dma_wait3A_596 = arith.constant 0 : i32
    %dma_wait3A_597 = arith.constant 0 : i32
    %dma_wait3A_598 = arith.constant 0 : i32
    %dma_wait3A_599 = tpu.memref_slice %arg10[%dma_wait3A_595, %dma_wait3A_597, %dma_wait3A_598] : memref<3x80x128xf32, #tpu.memory_space<vmem>> -> memref<1x80x128xf32, #tpu.memory_space<vmem>>
    %dma_wait3A_600 = tpu.memref_squeeze %dma_wait3A_599 : memref<1x80x128xf32, #tpu.memory_space<vmem>> -> memref<80x128xf32, #tpu.memory_space<vmem>>
    %dma_wait3A_601 = arith.constant 0 : i32
    %dma_wait3A_602 = tpu.memref_slice %arg2[%add3A_594, %dma_wait3A_601] : memref<320000x128xf32, #tpu.memory_space<hbm>> -> memref<80x128xf32, #tpu.memory_space<hbm>>
    %dma_wait3A_603 = tpu.memref_slice %arg15[%dma_wait3A_596] : memref<3x!tpu.dma_semaphore, #tpu.memory_space<semaphore_mem>> -> memref<1x!tpu.dma_semaphore, #tpu.memory_space<semaphore_mem>>
    %dma_wait3A_604 = tpu.memref_squeeze %dma_wait3A_603 : memref<1x!tpu.dma_semaphore, #tpu.memory_space<semaphore_mem>> -> memref<!tpu.dma_semaphore, #tpu.memory_space<semaphore_mem>>
    %dma_wait3A_605 = arith.constant 0 : i32
    %dma_wait3A_606 = arith.constant 0 : i32
    %dma_wait3A_607 = tpu.memref_slice %arg10[%dma_wait3A_595, %dma_wait3A_605, %dma_wait3A_606] : memref<3x80x128xf32, #tpu.memory_space<vmem>> -> memref<1x80x128xf32, #tpu.memory_space<vmem>>
    %dma_wait3A_608 = tpu.memref_squeeze %dma_wait3A_607 : memref<1x80x128xf32, #tpu.memory_space<vmem>> -> memref<80x128xf32, #tpu.memory_space<vmem>>
    %dma_wait3A_609 = arith.constant 0 : i32
    %dma_wait3A_610 = tpu.memref_slice %arg2[%add3A_594, %dma_wait3A_609] : memref<320000x128xf32, #tpu.memory_space<hbm>> -> memref<80x128xf32, #tpu.memory_space<hbm>>
    tpu.wait_dma2 semaphore(%dma_wait3A_604 : memref<!tpu.dma_semaphore, #tpu.memory_space<semaphore_mem>>) src(%dma_wait3A_610 : memref<80x128xf32, #tpu.memory_space<hbm>>) dst(%dma_wait3A_608 : memref<80x128xf32, #tpu.memory_space<vmem>>)
    %add3A_611 = arith.constant 9840 : i32
    %add3A_612 = arith.addi %mul3A_13, %add3A_611 : i32
    %dma_wait3A_613 = arith.constant 0 : i32
    %dma_wait3A_614 = arith.constant 0 : i32
    %dma_wait3A_615 = arith.constant 0 : i32
    %dma_wait3A_616 = tpu.memref_slice %arg11[%dma_wait3A_613, %dma_wait3A_615] : memref<3x80xf32, #tpu.memory_space<vmem>> -> memref<1x80xf32, #tpu.memory_space<vmem>>
    %dma_wait3A_617 = tpu.memref_squeeze %dma_wait3A_616 : memref<1x80xf32, #tpu.memory_space<vmem>> -> memref<80xf32, #tpu.memory_space<vmem>>
    %dma_wait3A_618 = tpu.memref_slice %arg3[%add3A_612] : memref<320000xf32, #tpu.memory_space<hbm>> -> memref<80xf32, #tpu.memory_space<hbm>>
    %dma_wait3A_619 = tpu.memref_slice %arg16[%dma_wait3A_614] : memref<3x!tpu.dma_semaphore, #tpu.memory_space<semaphore_mem>> -> memref<1x!tpu.dma_semaphore, #tpu.memory_space<semaphore_mem>>
    %dma_wait3A_620 = tpu.memref_squeeze %dma_wait3A_619 : memref<1x!tpu.dma_semaphore, #tpu.memory_space<semaphore_mem>> -> memref<!tpu.dma_semaphore, #tpu.memory_space<semaphore_mem>>
    %dma_wait3A_621 = arith.constant 0 : i32
    %dma_wait3A_622 = tpu.memref_slice %arg11[%dma_wait3A_613, %dma_wait3A_621] : memref<3x80xf32, #tpu.memory_space<vmem>> -> memref<1x80xf32, #tpu.memory_space<vmem>>
    %dma_wait3A_623 = tpu.memref_squeeze %dma_wait3A_622 : memref<1x80xf32, #tpu.memory_space<vmem>> -> memref<80xf32, #tpu.memory_space<vmem>>
    %dma_wait3A_624 = tpu.memref_slice %arg3[%add3A_612] : memref<320000xf32, #tpu.memory_space<hbm>> -> memref<80xf32, #tpu.memory_space<hbm>>
    tpu.wait_dma2 semaphore(%dma_wait3A_620 : memref<!tpu.dma_semaphore, #tpu.memory_space<semaphore_mem>>) src(%dma_wait3A_624 : memref<80xf32, #tpu.memory_space<hbm>>) dst(%dma_wait3A_623 : memref<80xf32, #tpu.memory_space<vmem>>)
    %dma_start3A_625 = arith.constant 0 : i32
    %dma_start3A_626 = arith.constant 0 : i32
    %dma_start3A_627 = arith.constant 0 : i32
    %dma_start3A_628 = arith.constant 0 : i32
    %dma_start3A_629 = arith.constant 0 : i32
    %dma_start3A_630 = tpu.memref_slice %arg10[%dma_start3A_625, %dma_start3A_628, %dma_start3A_629] : memref<3x80x128xf32, #tpu.memory_space<vmem>> -> memref<1x80x128xf32, #tpu.memory_space<vmem>>
    %dma_start3A_631 = tpu.memref_squeeze %dma_start3A_630 : memref<1x80x128xf32, #tpu.memory_space<vmem>> -> memref<80x128xf32, #tpu.memory_space<vmem>>
    %dma_start3A_632 = arith.constant 0 : i32
    %dma_start3A_633 = tpu.memref_slice %arg8[%dma_start3A_626, %dma_start3A_632] : memref<3x80xi32, #tpu.memory_space<vmem>> -> memref<1x80xi32, #tpu.memory_space<vmem>>
    %dma_start3A_634 = tpu.memref_squeeze %dma_start3A_633 : memref<1x80xi32, #tpu.memory_space<vmem>> -> memref<80xi32, #tpu.memory_space<vmem>>
    %dma_start3A_635 = arith.constant 0 : i32
    %dma_start3A_636 = arith.constant 0 : i32
    %dma_start3A_637 = tpu.memref_slice %arg13[%dma_start3A_635, %dma_start3A_636] : memref<10000x128xf32, #tpu.memory_space<vmem_shared>> -> memref<10000x128xf32, #tpu.memory_space<vmem_shared>>
    %dma_start3A_638 = tpu.memref_slice %arg17[%dma_start3A_627] : memref<3x!tpu.dma_semaphore, #tpu.memory_space<semaphore_mem>> -> memref<1x!tpu.dma_semaphore, #tpu.memory_space<semaphore_mem>>
    %dma_start3A_639 = tpu.memref_squeeze %dma_start3A_638 : memref<1x!tpu.dma_semaphore, #tpu.memory_space<semaphore_mem>> -> memref<!tpu.dma_semaphore, #tpu.memory_space<semaphore_mem>>
    tpu.enqueue_indirect_dma source(%dma_start3A_631 : memref<80x128xf32, #tpu.memory_space<vmem>>) target(%dma_start3A_637 : memref<10000x128xf32, #tpu.memory_space<vmem_shared>>) offsets(%dma_start3A_634 : memref<80xi32, #tpu.memory_space<vmem>>) semaphore(%dma_start3A_639 : memref<!tpu.dma_semaphore, #tpu.memory_space<semaphore_mem>>) {add = true}
    %get3A_640 = arith.constant 0 : i32
    %get3A_641 = arith.index_cast %get3A_640 : i32 to index
    %get3A_642 = arith.constant 0 : index
    %get3A_643 = tpu.vector_load %arg8[%get3A_641, %get3A_642] {strides = array<i32>} : memref<3x80xi32, #tpu.memory_space<vmem>>, vector<16xi32>,
    %get3A_644 = arith.constant 0 : i32
    %get3A_645 = arith.index_cast %get3A_644 : i32 to index
    %get3A_646 = arith.constant 0 : index
    %get3A_647 = tpu.vector_load %arg11[%get3A_645, %get3A_646] {strides = array<i32>} : memref<3x80xf32, #tpu.memory_space<vmem>>, vector<16xf32>,
    tpu.vector_store_idx %arg12[%get3A_643], %get3A_647 {add = true} : memref<10000xf32, #tpu.memory_space<vmem>>[vector<16xi32>], vector<16xf32>,
    %get3A_648 = arith.constant 0 : i32
    %get3A_649 = arith.index_cast %get3A_648 : i32 to index
    %get3A_650 = arith.constant 16 : index
    %get3A_651 = tpu.vector_load %arg8[%get3A_649, %get3A_650] {strides = array<i32>} : memref<3x80xi32, #tpu.memory_space<vmem>>, vector<16xi32>,
    %get3A_652 = arith.constant 0 : i32
    %get3A_653 = arith.index_cast %get3A_652 : i32 to index
    %get3A_654 = arith.constant 16 : index
    %get3A_655 = tpu.vector_load %arg11[%get3A_653, %get3A_654] {strides = array<i32>} : memref<3x80xf32, #tpu.memory_space<vmem>>, vector<16xf32>,
    tpu.vector_store_idx %arg12[%get3A_651], %get3A_655 {add = true} : memref<10000xf32, #tpu.memory_space<vmem>>[vector<16xi32>], vector<16xf32>,
    %get3A_656 = arith.constant 0 : i32
    %get3A_657 = arith.index_cast %get3A_656 : i32 to index
    %get3A_658 = arith.constant 32 : index
    %get3A_659 = tpu.vector_load %arg8[%get3A_657, %get3A_658] {strides = array<i32>} : memref<3x80xi32, #tpu.memory_space<vmem>>, vector<16xi32>,
    %get3A_660 = arith.constant 0 : i32
    %get3A_661 = arith.index_cast %get3A_660 : i32 to index
    %get3A_662 = arith.constant 32 : index
    %get3A_663 = tpu.vector_load %arg11[%get3A_661, %get3A_662] {strides = array<i32>} : memref<3x80xf32, #tpu.memory_space<vmem>>, vector<16xf32>,
    tpu.vector_store_idx %arg12[%get3A_659], %get3A_663 {add = true} : memref<10000xf32, #tpu.memory_space<vmem>>[vector<16xi32>], vector<16xf32>,
    %get3A_664 = arith.constant 0 : i32
    %get3A_665 = arith.index_cast %get3A_664 : i32 to index
    %get3A_666 = arith.constant 48 : index
    %get3A_667 = tpu.vector_load %arg8[%get3A_665, %get3A_666] {strides = array<i32>} : memref<3x80xi32, #tpu.memory_space<vmem>>, vector<16xi32>,
    %get3A_668 = arith.constant 0 : i32
    %get3A_669 = arith.index_cast %get3A_668 : i32 to index
    %get3A_670 = arith.constant 48 : index
    %get3A_671 = tpu.vector_load %arg11[%get3A_669, %get3A_670] {strides = array<i32>} : memref<3x80xf32, #tpu.memory_space<vmem>>, vector<16xf32>,
    tpu.vector_store_idx %arg12[%get3A_667], %get3A_671 {add = true} : memref<10000xf32, #tpu.memory_space<vmem>>[vector<16xi32>], vector<16xf32>,
    %get3A_672 = arith.constant 0 : i32
    %get3A_673 = arith.index_cast %get3A_672 : i32 to index
    %get3A_674 = arith.constant 64 : index
    %get3A_675 = tpu.vector_load %arg8[%get3A_673, %get3A_674] {strides = array<i32>} : memref<3x80xi32, #tpu.memory_space<vmem>>, vector<16xi32>,
    %get3A_676 = arith.constant 0 : i32
    %get3A_677 = arith.index_cast %get3A_676 : i32 to index
    %get3A_678 = arith.constant 64 : index
    %get3A_679 = tpu.vector_load %arg11[%get3A_677, %get3A_678] {strides = array<i32>} : memref<3x80xf32, #tpu.memory_space<vmem>>, vector<16xf32>,
    tpu.vector_store_idx %arg12[%get3A_675], %get3A_679 {add = true} : memref<10000xf32, #tpu.memory_space<vmem>>[vector<16xi32>], vector<16xf32>,
    %add3A_680 = arith.constant 9920 : i32
    %add3A_681 = arith.addi %mul3A_13, %add3A_680 : i32
    %dma_wait3A_682 = arith.constant 1 : i32
    %dma_wait3A_683 = arith.constant 1 : i32
    %dma_wait3A_684 = arith.constant 0 : i32
    %dma_wait3A_685 = tpu.memref_slice %arg8[%dma_wait3A_682, %dma_wait3A_684] : memref<3x80xi32, #tpu.memory_space<vmem>> -> memref<1x80xi32, #tpu.memory_space<vmem>>
    %dma_wait3A_686 = tpu.memref_squeeze %dma_wait3A_685 : memref<1x80xi32, #tpu.memory_space<vmem>> -> memref<80xi32, #tpu.memory_space<vmem>>
    %dma_wait3A_687 = tpu.memref_slice %arg4[%add3A_681] : memref<320000xi32, #tpu.memory_space<hbm>> -> memref<80xi32, #tpu.memory_space<hbm>>
    %dma_wait3A_688 = tpu.memref_slice %arg14[%dma_wait3A_683] : memref<3x!tpu.dma_semaphore, #tpu.memory_space<semaphore_mem>> -> memref<1x!tpu.dma_semaphore, #tpu.memory_space<semaphore_mem>>
    %dma_wait3A_689 = tpu.memref_squeeze %dma_wait3A_688 : memref<1x!tpu.dma_semaphore, #tpu.memory_space<semaphore_mem>> -> memref<!tpu.dma_semaphore, #tpu.memory_space<semaphore_mem>>
    %dma_wait3A_690 = arith.constant 0 : i32
    %dma_wait3A_691 = tpu.memref_slice %arg8[%dma_wait3A_682, %dma_wait3A_690] : memref<3x80xi32, #tpu.memory_space<vmem>> -> memref<1x80xi32, #tpu.memory_space<vmem>>
    %dma_wait3A_692 = tpu.memref_squeeze %dma_wait3A_691 : memref<1x80xi32, #tpu.memory_space<vmem>> -> memref<80xi32, #tpu.memory_space<vmem>>
    %dma_wait3A_693 = tpu.memref_slice %arg4[%add3A_681] : memref<320000xi32, #tpu.memory_space<hbm>> -> memref<80xi32, #tpu.memory_space<hbm>>
    tpu.wait_dma2 semaphore(%dma_wait3A_689 : memref<!tpu.dma_semaphore, #tpu.memory_space<semaphore_mem>>) src(%dma_wait3A_693 : memref<80xi32, #tpu.memory_space<hbm>>) dst(%dma_wait3A_692 : memref<80xi32, #tpu.memory_space<vmem>>)
    %add3A_694 = arith.constant 9920 : i32
    %add3A_695 = arith.addi %mul3A_13, %add3A_694 : i32
    %dma_wait3A_696 = arith.constant 1 : i32
    %dma_wait3A_697 = arith.constant 1 : i32
    %dma_wait3A_698 = arith.constant 0 : i32
    %dma_wait3A_699 = arith.constant 0 : i32
    %dma_wait3A_700 = tpu.memref_slice %arg10[%dma_wait3A_696, %dma_wait3A_698, %dma_wait3A_699] : memref<3x80x128xf32, #tpu.memory_space<vmem>> -> memref<1x80x128xf32, #tpu.memory_space<vmem>>
    %dma_wait3A_701 = tpu.memref_squeeze %dma_wait3A_700 : memref<1x80x128xf32, #tpu.memory_space<vmem>> -> memref<80x128xf32, #tpu.memory_space<vmem>>
    %dma_wait3A_702 = arith.constant 0 : i32
    %dma_wait3A_703 = tpu.memref_slice %arg2[%add3A_695, %dma_wait3A_702] : memref<320000x128xf32, #tpu.memory_space<hbm>> -> memref<80x128xf32, #tpu.memory_space<hbm>>
    %dma_wait3A_704 = tpu.memref_slice %arg15[%dma_wait3A_697] : memref<3x!tpu.dma_semaphore, #tpu.memory_space<semaphore_mem>> -> memref<1x!tpu.dma_semaphore, #tpu.memory_space<semaphore_mem>>
    %dma_wait3A_705 = tpu.memref_squeeze %dma_wait3A_704 : memref<1x!tpu.dma_semaphore, #tpu.memory_space<semaphore_mem>> -> memref<!tpu.dma_semaphore, #tpu.memory_space<semaphore_mem>>
    %dma_wait3A_706 = arith.constant 0 : i32
    %dma_wait3A_707 = arith.constant 0 : i32
    %dma_wait3A_708 = tpu.memref_slice %arg10[%dma_wait3A_696, %dma_wait3A_706, %dma_wait3A_707] : memref<3x80x128xf32, #tpu.memory_space<vmem>> -> memref<1x80x128xf32, #tpu.memory_space<vmem>>
    %dma_wait3A_709 = tpu.memref_squeeze %dma_wait3A_708 : memref<1x80x128xf32, #tpu.memory_space<vmem>> -> memref<80x128xf32, #tpu.memory_space<vmem>>
    %dma_wait3A_710 = arith.constant 0 : i32
    %dma_wait3A_711 = tpu.memref_slice %arg2[%add3A_695, %dma_wait3A_710] : memref<320000x128xf32, #tpu.memory_space<hbm>> -> memref<80x128xf32, #tpu.memory_space<hbm>>
    tpu.wait_dma2 semaphore(%dma_wait3A_705 : memref<!tpu.dma_semaphore, #tpu.memory_space<semaphore_mem>>) src(%dma_wait3A_711 : memref<80x128xf32, #tpu.memory_space<hbm>>) dst(%dma_wait3A_709 : memref<80x128xf32, #tpu.memory_space<vmem>>)
    %add3A_712 = arith.constant 9920 : i32
    %add3A_713 = arith.addi %mul3A_13, %add3A_712 : i32
    %dma_wait3A_714 = arith.constant 1 : i32
    %dma_wait3A_715 = arith.constant 1 : i32
    %dma_wait3A_716 = arith.constant 0 : i32
    %dma_wait3A_717 = tpu.memref_slice %arg11[%dma_wait3A_714, %dma_wait3A_716] : memref<3x80xf32, #tpu.memory_space<vmem>> -> memref<1x80xf32, #tpu.memory_space<vmem>>
    %dma_wait3A_718 = tpu.memref_squeeze %dma_wait3A_717 : memref<1x80xf32, #tpu.memory_space<vmem>> -> memref<80xf32, #tpu.memory_space<vmem>>
    %dma_wait3A_719 = tpu.memref_slice %arg3[%add3A_713] : memref<320000xf32, #tpu.memory_space<hbm>> -> memref<80xf32, #tpu.memory_space<hbm>>
    %dma_wait3A_720 = tpu.memref_slice %arg16[%dma_wait3A_715] : memref<3x!tpu.dma_semaphore, #tpu.memory_space<semaphore_mem>> -> memref<1x!tpu.dma_semaphore, #tpu.memory_space<semaphore_mem>>
    %dma_wait3A_721 = tpu.memref_squeeze %dma_wait3A_720 : memref<1x!tpu.dma_semaphore, #tpu.memory_space<semaphore_mem>> -> memref<!tpu.dma_semaphore, #tpu.memory_space<semaphore_mem>>
    %dma_wait3A_722 = arith.constant 0 : i32
    %dma_wait3A_723 = tpu.memref_slice %arg11[%dma_wait3A_714, %dma_wait3A_722] : memref<3x80xf32, #tpu.memory_space<vmem>> -> memref<1x80xf32, #tpu.memory_space<vmem>>
    %dma_wait3A_724 = tpu.memref_squeeze %dma_wait3A_723 : memref<1x80xf32, #tpu.memory_space<vmem>> -> memref<80xf32, #tpu.memory_space<vmem>>
    %dma_wait3A_725 = tpu.memref_slice %arg3[%add3A_713] : memref<320000xf32, #tpu.memory_space<hbm>> -> memref<80xf32, #tpu.memory_space<hbm>>
    tpu.wait_dma2 semaphore(%dma_wait3A_721 : memref<!tpu.dma_semaphore, #tpu.memory_space<semaphore_mem>>) src(%dma_wait3A_725 : memref<80xf32, #tpu.memory_space<hbm>>) dst(%dma_wait3A_724 : memref<80xf32, #tpu.memory_space<vmem>>)
    %dma_start3A_726 = arith.constant 1 : i32
    %dma_start3A_727 = arith.constant 1 : i32
    %dma_start3A_728 = arith.constant 1 : i32
    %dma_start3A_729 = arith.constant 0 : i32
    %dma_start3A_730 = arith.constant 0 : i32
    %dma_start3A_731 = tpu.memref_slice %arg10[%dma_start3A_726, %dma_start3A_729, %dma_start3A_730] : memref<3x80x128xf32, #tpu.memory_space<vmem>> -> memref<1x80x128xf32, #tpu.memory_space<vmem>>
    %dma_start3A_732 = tpu.memref_squeeze %dma_start3A_731 : memref<1x80x128xf32, #tpu.memory_space<vmem>> -> memref<80x128xf32, #tpu.memory_space<vmem>>
    %dma_start3A_733 = arith.constant 0 : i32
    %dma_start3A_734 = tpu.memref_slice %arg8[%dma_start3A_727, %dma_start3A_733] : memref<3x80xi32, #tpu.memory_space<vmem>> -> memref<1x80xi32, #tpu.memory_space<vmem>>
    %dma_start3A_735 = tpu.memref_squeeze %dma_start3A_734 : memref<1x80xi32, #tpu.memory_space<vmem>> -> memref<80xi32, #tpu.memory_space<vmem>>
    %dma_start3A_736 = arith.constant 0 : i32
    %dma_start3A_737 = arith.constant 0 : i32
    %dma_start3A_738 = tpu.memref_slice %arg13[%dma_start3A_736, %dma_start3A_737] : memref<10000x128xf32, #tpu.memory_space<vmem_shared>> -> memref<10000x128xf32, #tpu.memory_space<vmem_shared>>
    %dma_start3A_739 = tpu.memref_slice %arg17[%dma_start3A_728] : memref<3x!tpu.dma_semaphore, #tpu.memory_space<semaphore_mem>> -> memref<1x!tpu.dma_semaphore, #tpu.memory_space<semaphore_mem>>
    %dma_start3A_740 = tpu.memref_squeeze %dma_start3A_739 : memref<1x!tpu.dma_semaphore, #tpu.memory_space<semaphore_mem>> -> memref<!tpu.dma_semaphore, #tpu.memory_space<semaphore_mem>>
    tpu.enqueue_indirect_dma source(%dma_start3A_732 : memref<80x128xf32, #tpu.memory_space<vmem>>) target(%dma_start3A_738 : memref<10000x128xf32, #tpu.memory_space<vmem_shared>>) offsets(%dma_start3A_735 : memref<80xi32, #tpu.memory_space<vmem>>) semaphore(%dma_start3A_740 : memref<!tpu.dma_semaphore, #tpu.memory_space<semaphore_mem>>) {add = true}
    %get3A_741 = arith.constant 1 : i32
    %get3A_742 = arith.index_cast %get3A_741 : i32 to index
    %get3A_743 = arith.constant 0 : index
    %get3A_744 = tpu.vector_load %arg8[%get3A_742, %get3A_743] {strides = array<i32>} : memref<3x80xi32, #tpu.memory_space<vmem>>, vector<16xi32>,
    %get3A_745 = arith.constant 1 : i32
    %get3A_746 = arith.index_cast %get3A_745 : i32 to index
    %get3A_747 = arith.constant 0 : index
    %get3A_748 = tpu.vector_load %arg11[%get3A_746, %get3A_747] {strides = array<i32>} : memref<3x80xf32, #tpu.memory_space<vmem>>, vector<16xf32>,
    tpu.vector_store_idx %arg12[%get3A_744], %get3A_748 {add = true} : memref<10000xf32, #tpu.memory_space<vmem>>[vector<16xi32>], vector<16xf32>,
    %get3A_749 = arith.constant 1 : i32
    %get3A_750 = arith.index_cast %get3A_749 : i32 to index
    %get3A_751 = arith.constant 16 : index
    %get3A_752 = tpu.vector_load %arg8[%get3A_750, %get3A_751] {strides = array<i32>} : memref<3x80xi32, #tpu.memory_space<vmem>>, vector<16xi32>,
    %get3A_753 = arith.constant 1 : i32
    %get3A_754 = arith.index_cast %get3A_753 : i32 to index
    %get3A_755 = arith.constant 16 : index
    %get3A_756 = tpu.vector_load %arg11[%get3A_754, %get3A_755] {strides = array<i32>} : memref<3x80xf32, #tpu.memory_space<vmem>>, vector<16xf32>,
    tpu.vector_store_idx %arg12[%get3A_752], %get3A_756 {add = true} : memref<10000xf32, #tpu.memory_space<vmem>>[vector<16xi32>], vector<16xf32>,
    %get3A_757 = arith.constant 1 : i32
    %get3A_758 = arith.index_cast %get3A_757 : i32 to index
    %get3A_759 = arith.constant 32 : index
    %get3A_760 = tpu.vector_load %arg8[%get3A_758, %get3A_759] {strides = array<i32>} : memref<3x80xi32, #tpu.memory_space<vmem>>, vector<16xi32>,
    %get3A_761 = arith.constant 1 : i32
    %get3A_762 = arith.index_cast %get3A_761 : i32 to index
    %get3A_763 = arith.constant 32 : index
    %get3A_764 = tpu.vector_load %arg11[%get3A_762, %get3A_763] {strides = array<i32>} : memref<3x80xf32, #tpu.memory_space<vmem>>, vector<16xf32>,
    tpu.vector_store_idx %arg12[%get3A_760], %get3A_764 {add = true} : memref<10000xf32, #tpu.memory_space<vmem>>[vector<16xi32>], vector<16xf32>,
    %get3A_765 = arith.constant 1 : i32
    %get3A_766 = arith.index_cast %get3A_765 : i32 to index
    %get3A_767 = arith.constant 48 : index
    %get3A_768 = tpu.vector_load %arg8[%get3A_766, %get3A_767] {strides = array<i32>} : memref<3x80xi32, #tpu.memory_space<vmem>>, vector<16xi32>,
    %get3A_769 = arith.constant 1 : i32
    %get3A_770 = arith.index_cast %get3A_769 : i32 to index
    %get3A_771 = arith.constant 48 : index
    %get3A_772 = tpu.vector_load %arg11[%get3A_770, %get3A_771] {strides = array<i32>} : memref<3x80xf32, #tpu.memory_space<vmem>>, vector<16xf32>,
    tpu.vector_store_idx %arg12[%get3A_768], %get3A_772 {add = true} : memref<10000xf32, #tpu.memory_space<vmem>>[vector<16xi32>], vector<16xf32>,
    %get3A_773 = arith.constant 1 : i32
    %get3A_774 = arith.index_cast %get3A_773 : i32 to index
    %get3A_775 = arith.constant 64 : index
    %get3A_776 = tpu.vector_load %arg8[%get3A_774, %get3A_775] {strides = array<i32>} : memref<3x80xi32, #tpu.memory_space<vmem>>, vector<16xi32>,
    %get3A_777 = arith.constant 1 : i32
    %get3A_778 = arith.index_cast %get3A_777 : i32 to index
    %get3A_779 = arith.constant 64 : index
    %get3A_780 = tpu.vector_load %arg11[%get3A_778, %get3A_779] {strides = array<i32>} : memref<3x80xf32, #tpu.memory_space<vmem>>, vector<16xf32>,
    tpu.vector_store_idx %arg12[%get3A_776], %get3A_780 {add = true} : memref<10000xf32, #tpu.memory_space<vmem>>[vector<16xi32>], vector<16xf32>,
    %dma_wait3A_781 = arith.constant 0 : i32
    %dma_wait3A_782 = arith.constant 0 : i32
    %dma_wait3A_783 = arith.constant 0 : i32
    %dma_wait3A_784 = arith.constant 0 : i32
    %dma_wait3A_785 = arith.constant 0 : i32
    %dma_wait3A_786 = tpu.memref_slice %arg10[%dma_wait3A_781, %dma_wait3A_784, %dma_wait3A_785] : memref<3x80x128xf32, #tpu.memory_space<vmem>> -> memref<1x80x128xf32, #tpu.memory_space<vmem>>
    %dma_wait3A_787 = tpu.memref_squeeze %dma_wait3A_786 : memref<1x80x128xf32, #tpu.memory_space<vmem>> -> memref<80x128xf32, #tpu.memory_space<vmem>>
    %dma_wait3A_788 = arith.constant 0 : i32
    %dma_wait3A_789 = tpu.memref_slice %arg8[%dma_wait3A_782, %dma_wait3A_788] : memref<3x80xi32, #tpu.memory_space<vmem>> -> memref<1x80xi32, #tpu.memory_space<vmem>>
    %dma_wait3A_790 = tpu.memref_squeeze %dma_wait3A_789 : memref<1x80xi32, #tpu.memory_space<vmem>> -> memref<80xi32, #tpu.memory_space<vmem>>
    %dma_wait3A_791 = arith.constant 0 : i32
    %dma_wait3A_792 = arith.constant 0 : i32
    %dma_wait3A_793 = tpu.memref_slice %arg13[%dma_wait3A_791, %dma_wait3A_792] : memref<10000x128xf32, #tpu.memory_space<vmem_shared>> -> memref<10000x128xf32, #tpu.memory_space<vmem_shared>>
    %dma_wait3A_794 = tpu.memref_slice %arg17[%dma_wait3A_783] : memref<3x!tpu.dma_semaphore, #tpu.memory_space<semaphore_mem>> -> memref<1x!tpu.dma_semaphore, #tpu.memory_space<semaphore_mem>>
    %dma_wait3A_795 = tpu.memref_squeeze %dma_wait3A_794 : memref<1x!tpu.dma_semaphore, #tpu.memory_space<semaphore_mem>> -> memref<!tpu.dma_semaphore, #tpu.memory_space<semaphore_mem>>
    tpu.wait_indirect_dma semaphore(%dma_wait3A_795 : memref<!tpu.dma_semaphore, #tpu.memory_space<semaphore_mem>>) src(%dma_wait3A_787 : memref<80x128xf32, #tpu.memory_space<vmem>>) dst(%dma_wait3A_793 : memref<10000x128xf32, #tpu.memory_space<vmem_shared>>)
    %dma_wait3A_796 = arith.constant 1 : i32
    %dma_wait3A_797 = arith.constant 1 : i32
    %dma_wait3A_798 = arith.constant 1 : i32
    %dma_wait3A_799 = arith.constant 0 : i32
    %dma_wait3A_800 = arith.constant 0 : i32
    %dma_wait3A_801 = tpu.memref_slice %arg10[%dma_wait3A_796, %dma_wait3A_799, %dma_wait3A_800] : memref<3x80x128xf32, #tpu.memory_space<vmem>> -> memref<1x80x128xf32, #tpu.memory_space<vmem>>
    %dma_wait3A_802 = tpu.memref_squeeze %dma_wait3A_801 : memref<1x80x128xf32, #tpu.memory_space<vmem>> -> memref<80x128xf32, #tpu.memory_space<vmem>>
    %dma_wait3A_803 = arith.constant 0 : i32
    %dma_wait3A_804 = tpu.memref_slice %arg8[%dma_wait3A_797, %dma_wait3A_803] : memref<3x80xi32, #tpu.memory_space<vmem>> -> memref<1x80xi32, #tpu.memory_space<vmem>>
    %dma_wait3A_805 = tpu.memref_squeeze %dma_wait3A_804 : memref<1x80xi32, #tpu.memory_space<vmem>> -> memref<80xi32, #tpu.memory_space<vmem>>
    %dma_wait3A_806 = arith.constant 0 : i32
    %dma_wait3A_807 = arith.constant 0 : i32
    %dma_wait3A_808 = tpu.memref_slice %arg13[%dma_wait3A_806, %dma_wait3A_807] : memref<10000x128xf32, #tpu.memory_space<vmem_shared>> -> memref<10000x128xf32, #tpu.memory_space<vmem_shared>>
    %dma_wait3A_809 = tpu.memref_slice %arg17[%dma_wait3A_798] : memref<3x!tpu.dma_semaphore, #tpu.memory_space<semaphore_mem>> -> memref<1x!tpu.dma_semaphore, #tpu.memory_space<semaphore_mem>>
    %dma_wait3A_810 = tpu.memref_squeeze %dma_wait3A_809 : memref<1x!tpu.dma_semaphore, #tpu.memory_space<semaphore_mem>> -> memref<!tpu.dma_semaphore, #tpu.memory_space<semaphore_mem>>
    tpu.wait_indirect_dma semaphore(%dma_wait3A_810 : memref<!tpu.dma_semaphore, #tpu.memory_space<semaphore_mem>>) src(%dma_wait3A_802 : memref<80x128xf32, #tpu.memory_space<vmem>>) dst(%dma_wait3A_808 : memref<10000x128xf32, #tpu.memory_space<vmem_shared>>)
    %dma_wait3A_811 = arith.constant 2 : i32
    %dma_wait3A_812 = arith.constant 2 : i32
    %dma_wait3A_813 = arith.constant 2 : i32
    %dma_wait3A_814 = arith.constant 0 : i32
    %dma_wait3A_815 = arith.constant 0 : i32
    %dma_wait3A_816 = tpu.memref_slice %arg10[%dma_wait3A_811, %dma_wait3A_814, %dma_wait3A_815] : memref<3x80x128xf32, #tpu.memory_space<vmem>> -> memref<1x80x128xf32, #tpu.memory_space<vmem>>
    %dma_wait3A_817 = tpu.memref_squeeze %dma_wait3A_816 : memref<1x80x128xf32, #tpu.memory_space<vmem>> -> memref<80x128xf32, #tpu.memory_space<vmem>>
    %dma_wait3A_818 = arith.constant 0 : i32
    %dma_wait3A_819 = tpu.memref_slice %arg8[%dma_wait3A_812, %dma_wait3A_818] : memref<3x80xi32, #tpu.memory_space<vmem>> -> memref<1x80xi32, #tpu.memory_space<vmem>>
    %dma_wait3A_820 = tpu.memref_squeeze %dma_wait3A_819 : memref<1x80xi32, #tpu.memory_space<vmem>> -> memref<80xi32, #tpu.memory_space<vmem>>
    %dma_wait3A_821 = arith.constant 0 : i32
    %dma_wait3A_822 = arith.constant 0 : i32
    %dma_wait3A_823 = tpu.memref_slice %arg13[%dma_wait3A_821, %dma_wait3A_822] : memref<10000x128xf32, #tpu.memory_space<vmem_shared>> -> memref<10000x128xf32, #tpu.memory_space<vmem_shared>>
    %dma_wait3A_824 = tpu.memref_slice %arg17[%dma_wait3A_813] : memref<3x!tpu.dma_semaphore, #tpu.memory_space<semaphore_mem>> -> memref<1x!tpu.dma_semaphore, #tpu.memory_space<semaphore_mem>>
    %dma_wait3A_825 = tpu.memref_squeeze %dma_wait3A_824 : memref<1x!tpu.dma_semaphore, #tpu.memory_space<semaphore_mem>> -> memref<!tpu.dma_semaphore, #tpu.memory_space<semaphore_mem>>
    tpu.wait_indirect_dma semaphore(%dma_wait3A_825 : memref<!tpu.dma_semaphore, #tpu.memory_space<semaphore_mem>>) src(%dma_wait3A_817 : memref<80x128xf32, #tpu.memory_space<vmem>>) dst(%dma_wait3A_823 : memref<10000x128xf32, #tpu.memory_space<vmem_shared>>)
    %barrier3A_826 = arith.constant 0 : index
    tpu.barrier barrier_id(%barrier3A_826)
    %lt3A_827 = arith.constant 15 : i32
    %lt3A_828 = arith.cmpi slt, %arg1, %lt3A_827 : i32
    %convert_element_type3A_829 = arith.extui %lt3A_828 : i1 to i32
    %cond3A_830 = arith.constant 0 : i32
    %cond3A_831 = arith.cmpi ne, %convert_element_type3A_829, %cond3A_830 : i32
    scf.if %cond3A_831 {
      %mul3A_840 = arith.constant 632 : i32
      %mul3A_841 = arith.muli %arg1, %mul3A_840 : i32
      %mul3A_842 = arith.constant 632 : i32
      %mul3A_843 = arith.muli %arg1, %mul3A_842 : i32
      "tpu.region"() ({
        %run_scoped3A = tpu.sem_alloc : memref<!tpu.dma_semaphore, #tpu.memory_space<semaphore_mem>>
        %dma_start3A_844 = arith.constant 0 : i32
        %dma_start3A_845 = arith.constant 0 : i32
        %dma_start3A_846 = tpu.memref_slice %arg6[%arg0, %dma_start3A_844, %dma_start3A_845] : memref<2x10000x128xf32, #tpu.memory_space<hbm>> -> memref<1x10000x128xf32, #tpu.memory_space<hbm>>
        %dma_start3A_847 = tpu.memref_squeeze %dma_start3A_846 : memref<1x10000x128xf32, #tpu.memory_space<hbm>> -> memref<10000x128xf32, #tpu.memory_space<hbm>>
        %dma_start3A_848 = arith.constant 0 : i32
        %dma_start3A_849 = tpu.memref_slice %dma_start3A_847[%mul3A_843, %dma_start3A_848] : memref<10000x128xf32, #tpu.memory_space<hbm>> -> memref<632x128xf32, #tpu.memory_space<hbm>>
        %dma_start3A_850 = arith.constant 0 : i32
        %dma_start3A_851 = tpu.memref_slice %arg13[%mul3A_841, %dma_start3A_850] : memref<10000x128xf32, #tpu.memory_space<vmem_shared>> -> memref<632x128xf32, #tpu.memory_space<vmem_shared>>
        tpu.enqueue_dma source(%dma_start3A_851 : memref<632x128xf32, #tpu.memory_space<vmem_shared>>) target(%dma_start3A_849 : memref<632x128xf32, #tpu.memory_space<hbm>>) target_semaphore(%run_scoped3A : memref<!tpu.dma_semaphore, #tpu.memory_space<semaphore_mem>>)
        %dma_wait3A_852 = arith.constant 0 : i32
        %dma_wait3A_853 = arith.constant 0 : i32
        %dma_wait3A_854 = tpu.memref_slice %arg6[%arg0, %dma_wait3A_852, %dma_wait3A_853] : memref<2x10000x128xf32, #tpu.memory_space<hbm>> -> memref<1x10000x128xf32, #tpu.memory_space<hbm>>
        %dma_wait3A_855 = tpu.memref_squeeze %dma_wait3A_854 : memref<1x10000x128xf32, #tpu.memory_space<hbm>> -> memref<10000x128xf32, #tpu.memory_space<hbm>>
        %dma_wait3A_856 = arith.constant 0 : i32
        %dma_wait3A_857 = tpu.memref_slice %dma_wait3A_855[%mul3A_843, %dma_wait3A_856] : memref<10000x128xf32, #tpu.memory_space<hbm>> -> memref<632x128xf32, #tpu.memory_space<hbm>>
        %dma_wait3A_858 = arith.constant 0 : i32
        %dma_wait3A_859 = tpu.memref_slice %arg13[%mul3A_841, %dma_wait3A_858] : memref<10000x128xf32, #tpu.memory_space<vmem_shared>> -> memref<632x128xf32, #tpu.memory_space<vmem_shared>>
        tpu.wait_dma2 semaphore(%run_scoped3A : memref<!tpu.dma_semaphore, #tpu.memory_space<semaphore_mem>>) src(%dma_wait3A_859 : memref<632x128xf32, #tpu.memory_space<vmem_shared>>) dst(%dma_wait3A_857 : memref<632x128xf32, #tpu.memory_space<hbm>>)
        tpu.yield
      }) : () -> ()
    } else {
    }
    %eq3A_832 = arith.constant 15 : i32
    %eq3A_833 = arith.cmpi eq, %arg1, %eq3A_832 : i32
    %convert_element_type3A_834 = arith.extui %eq3A_833 : i1 to i32
    %cond3A_835 = arith.constant 0 : i32
    %cond3A_836 = arith.cmpi ne, %convert_element_type3A_834, %cond3A_835 : i32
    scf.if %cond3A_836 {
      "tpu.region"() ({
        %run_scoped3A = tpu.sem_alloc : memref<!tpu.dma_semaphore, #tpu.memory_space<semaphore_mem>>
        %dma_start3A_840 = arith.constant 0 : i32
        %dma_start3A_841 = arith.constant 0 : i32
        %dma_start3A_842 = tpu.memref_slice %arg6[%arg0, %dma_start3A_840, %dma_start3A_841] : memref<2x10000x128xf32, #tpu.memory_space<hbm>> -> memref<1x10000x128xf32, #tpu.memory_space<hbm>>
        %dma_start3A_843 = tpu.memref_squeeze %dma_start3A_842 : memref<1x10000x128xf32, #tpu.memory_space<hbm>> -> memref<10000x128xf32, #tpu.memory_space<hbm>>
        %dma_start3A_844 = arith.constant 9480 : i32
        %dma_start3A_845 = arith.constant 0 : i32
        %dma_start3A_846 = tpu.memref_slice %dma_start3A_843[%dma_start3A_844, %dma_start3A_845] : memref<10000x128xf32, #tpu.memory_space<hbm>> -> memref<520x128xf32, #tpu.memory_space<hbm>>
        %dma_start3A_847 = arith.constant 9480 : i32
        %dma_start3A_848 = arith.constant 0 : i32
        %dma_start3A_849 = tpu.memref_slice %arg13[%dma_start3A_847, %dma_start3A_848] : memref<10000x128xf32, #tpu.memory_space<vmem_shared>> -> memref<520x128xf32, #tpu.memory_space<vmem_shared>>
        tpu.enqueue_dma source(%dma_start3A_849 : memref<520x128xf32, #tpu.memory_space<vmem_shared>>) target(%dma_start3A_846 : memref<520x128xf32, #tpu.memory_space<hbm>>) target_semaphore(%run_scoped3A : memref<!tpu.dma_semaphore, #tpu.memory_space<semaphore_mem>>)
        %dma_wait3A_850 = arith.constant 0 : i32
        %dma_wait3A_851 = arith.constant 0 : i32
        %dma_wait3A_852 = tpu.memref_slice %arg6[%arg0, %dma_wait3A_850, %dma_wait3A_851] : memref<2x10000x128xf32, #tpu.memory_space<hbm>> -> memref<1x10000x128xf32, #tpu.memory_space<hbm>>
        %dma_wait3A_853 = tpu.memref_squeeze %dma_wait3A_852 : memref<1x10000x128xf32, #tpu.memory_space<hbm>> -> memref<10000x128xf32, #tpu.memory_space<hbm>>
        %dma_wait3A_854 = arith.constant 9480 : i32
        %dma_wait3A_855 = arith.constant 0 : i32
        %dma_wait3A_856 = tpu.memref_slice %dma_wait3A_853[%dma_wait3A_854, %dma_wait3A_855] : memref<10000x128xf32, #tpu.memory_space<hbm>> -> memref<520x128xf32, #tpu.memory_space<hbm>>
        %dma_wait3A_857 = arith.constant 9480 : i32
        %dma_wait3A_858 = arith.constant 0 : i32
        %dma_wait3A_859 = tpu.memref_slice %arg13[%dma_wait3A_857, %dma_wait3A_858] : memref<10000x128xf32, #tpu.memory_space<vmem_shared>> -> memref<520x128xf32, #tpu.memory_space<vmem_shared>>
        tpu.wait_dma2 semaphore(%run_scoped3A : memref<!tpu.dma_semaphore, #tpu.memory_space<semaphore_mem>>) src(%dma_wait3A_859 : memref<520x128xf32, #tpu.memory_space<vmem_shared>>) dst(%dma_wait3A_856 : memref<520x128xf32, #tpu.memory_space<hbm>>)
        tpu.yield
      }) : () -> ()
    } else {
    }
    %mul3A_837 = arith.constant 16 : i32
    %mul3A_838 = arith.muli %arg0, %mul3A_837 : i32
    %add3A_839 = arith.addi %mul3A_838, %arg1 : i32
    "tpu.region"() ({
      %run_scoped3A = tpu.sem_alloc : memref<!tpu.dma_semaphore, #tpu.memory_space<semaphore_mem>>
      %dma_start3A_840 = arith.constant 0 : i32
      %dma_start3A_841 = tpu.memref_slice %arg7[%add3A_839, %dma_start3A_840] : memref<32x10000xf32, #tpu.memory_space<hbm>> -> memref<1x10000xf32, #tpu.memory_space<hbm>>
      %dma_start3A_842 = tpu.memref_squeeze %dma_start3A_841 : memref<1x10000xf32, #tpu.memory_space<hbm>> -> memref<10000xf32, #tpu.memory_space<hbm>>
      %dma_start3A_843 = arith.constant 0 : i32
      %dma_start3A_844 = tpu.memref_slice %arg7[%add3A_839, %dma_start3A_843] : memref<32x10000xf32, #tpu.memory_space<hbm>> -> memref<1x10000xf32, #tpu.memory_space<hbm>>
      %dma_start3A_845 = tpu.memref_squeeze %dma_start3A_844 : memref<1x10000xf32, #tpu.memory_space<hbm>> -> memref<10000xf32, #tpu.memory_space<hbm>>
      tpu.enqueue_dma source(%arg12 : memref<10000xf32, #tpu.memory_space<vmem>>) target(%dma_start3A_845 : memref<10000xf32, #tpu.memory_space<hbm>>) target_semaphore(%run_scoped3A : memref<!tpu.dma_semaphore, #tpu.memory_space<semaphore_mem>>)
      %dma_wait3A_846 = arith.constant 0 : i32
      %dma_wait3A_847 = tpu.memref_slice %arg7[%add3A_839, %dma_wait3A_846] : memref<32x10000xf32, #tpu.memory_space<hbm>> -> memref<1x10000xf32, #tpu.memory_space<hbm>>
      %dma_wait3A_848 = tpu.memref_squeeze %dma_wait3A_847 : memref<1x10000xf32, #tpu.memory_space<hbm>> -> memref<10000xf32, #tpu.memory_space<hbm>>
      %dma_wait3A_849 = arith.constant 0 : i32
      %dma_wait3A_850 = tpu.memref_slice %arg7[%add3A_839, %dma_wait3A_849] : memref<32x10000xf32, #tpu.memory_space<hbm>> -> memref<1x10000xf32, #tpu.memory_space<hbm>>
      %dma_wait3A_851 = tpu.memref_squeeze %dma_wait3A_850 : memref<1x10000xf32, #tpu.memory_space<hbm>> -> memref<10000xf32, #tpu.memory_space<hbm>>
      tpu.wait_dma2 semaphore(%run_scoped3A : memref<!tpu.dma_semaphore, #tpu.memory_space<semaphore_mem>>) src(%arg12 : memref<10000xf32, #tpu.memory_space<vmem>>) dst(%dma_wait3A_851 : memref<10000xf32, #tpu.memory_space<hbm>>)
      tpu.yield
    }) : () -> ()
    return
  }
}

#map = affine_map<(d0, d1) -> (0, 0)>
#map1 = affine_map<(d0, d1) -> (0)>
module attributes {stable_mosaic.version = 14 : i64} {
  func.func @k(%arg0: i32, %arg1: i32, %arg2: memref<10000x64xi32, #tpu.memory_space<hbm>>, %arg3: memref<320000xi32, #tpu.memory_space<hbm>>, %arg4: memref<320000x64xi32, #tpu.memory_space<hbm>>, %arg5: memref<10000xi32, #tpu.memory_space<vmem>>, %arg6: memref<3x128x64xi32, #tpu.memory_space<vmem>>, %arg7: memref<3x!tpu.dma_semaphore, #tpu.memory_space<semaphore_mem>>, %arg8: memref<3x!tpu.dma_semaphore, #tpu.memory_space<semaphore_mem>>) attributes {dimension_semantics = [#tpu.dimension_semantics<core_parallel>, #tpu.dimension_semantics<subcore_parallel>], iteration_bounds = array<i64: 2, 16>, scalar_prefetch = 0 : i64, scratch_operands = 4 : i64, tpu.core_type = #tpu.core_type<sc_vector_subcore>, window_params = [{transform_indices = #map}, {transform_indices = #map1}, {transform_indices = #map}]} {
    %mul3A = arith.constant 2 : i32
    %mul3A_0 = arith.muli %arg1, %mul3A : i32
    %add3A = arith.addi %mul3A_0, %arg0 : i32
    %mul3A_1 = arith.constant 10000 : i32
    %mul3A_2 = arith.muli %add3A, %mul3A_1 : i32
    "tpu.region"() ({
      %run_scoped3A_287 = tpu.sem_alloc : memref<!tpu.dma_semaphore, #tpu.memory_space<semaphore_mem>>
      %dma_start3A_288 = tpu.memref_slice %arg3[%mul3A_2] : memref<320000xi32, #tpu.memory_space<hbm>> -> memref<10000xi32, #tpu.memory_space<hbm>>
      %dma_start3A_289 = tpu.memref_slice %arg3[%mul3A_2] : memref<320000xi32, #tpu.memory_space<hbm>> -> memref<10000xi32, #tpu.memory_space<hbm>>
      tpu.enqueue_dma source(%dma_start3A_289 : memref<10000xi32, #tpu.memory_space<hbm>>) target(%arg5 : memref<10000xi32, #tpu.memory_space<vmem>>) target_semaphore(%run_scoped3A_287 : memref<!tpu.dma_semaphore, #tpu.memory_space<semaphore_mem>>)
      %dma_wait3A_290 = tpu.memref_slice %arg3[%mul3A_2] : memref<320000xi32, #tpu.memory_space<hbm>> -> memref<10000xi32, #tpu.memory_space<hbm>>
      %dma_wait3A_291 = tpu.memref_slice %arg3[%mul3A_2] : memref<320000xi32, #tpu.memory_space<hbm>> -> memref<10000xi32, #tpu.memory_space<hbm>>
      tpu.wait_dma2 semaphore(%run_scoped3A_287 : memref<!tpu.dma_semaphore, #tpu.memory_space<semaphore_mem>>) src(%dma_wait3A_291 : memref<10000xi32, #tpu.memory_space<hbm>>) dst(%arg5 : memref<10000xi32, #tpu.memory_space<vmem>>)
      tpu.yield
    }) : () -> ()
    %dma_start3A = arith.constant 0 : i32
    %dma_start3A_3 = arith.constant 0 : i32
    %dma_start3A_4 = arith.constant 0 : i32
    %dma_start3A_5 = arith.constant 0 : i32
    %dma_start3A_6 = tpu.memref_slice %arg6[%dma_start3A, %dma_start3A_4, %dma_start3A_5] : memref<3x128x64xi32, #tpu.memory_space<vmem>> -> memref<1x128x64xi32, #tpu.memory_space<vmem>>
    %dma_start3A_7 = tpu.memref_squeeze %dma_start3A_6 : memref<1x128x64xi32, #tpu.memory_space<vmem>> -> memref<128x64xi32, #tpu.memory_space<vmem>>
    %dma_start3A_8 = arith.constant 0 : i32
    %dma_start3A_9 = tpu.memref_slice %arg5[%dma_start3A_8] : memref<10000xi32, #tpu.memory_space<vmem>> -> memref<128xi32, #tpu.memory_space<vmem>>
    %dma_start3A_10 = arith.constant 0 : i32
    %dma_start3A_11 = arith.constant 0 : i32
    %dma_start3A_12 = tpu.memref_slice %arg2[%dma_start3A_10, %dma_start3A_11] : memref<10000x64xi32, #tpu.memory_space<hbm>> -> memref<10000x64xi32, #tpu.memory_space<hbm>>
    %dma_start3A_13 = tpu.memref_slice %arg7[%dma_start3A_3] : memref<3x!tpu.dma_semaphore, #tpu.memory_space<semaphore_mem>> -> memref<1x!tpu.dma_semaphore, #tpu.memory_space<semaphore_mem>>
    %dma_start3A_14 = tpu.memref_squeeze %dma_start3A_13 : memref<1x!tpu.dma_semaphore, #tpu.memory_space<semaphore_mem>> -> memref<!tpu.dma_semaphore, #tpu.memory_space<semaphore_mem>>
    tpu.enqueue_indirect_dma source(%dma_start3A_12 : memref<10000x64xi32, #tpu.memory_space<hbm>>) target(%dma_start3A_7 : memref<128x64xi32, #tpu.memory_space<vmem>>) offsets(%dma_start3A_9 : memref<128xi32, #tpu.memory_space<vmem>>) semaphore(%dma_start3A_14 : memref<!tpu.dma_semaphore, #tpu.memory_space<semaphore_mem>>)
    %dma_start3A_15 = arith.constant 1 : i32
    %dma_start3A_16 = arith.constant 1 : i32
    %dma_start3A_17 = arith.constant 0 : i32
    %dma_start3A_18 = arith.constant 0 : i32
    %dma_start3A_19 = tpu.memref_slice %arg6[%dma_start3A_15, %dma_start3A_17, %dma_start3A_18] : memref<3x128x64xi32, #tpu.memory_space<vmem>> -> memref<1x128x64xi32, #tpu.memory_space<vmem>>
    %dma_start3A_20 = tpu.memref_squeeze %dma_start3A_19 : memref<1x128x64xi32, #tpu.memory_space<vmem>> -> memref<128x64xi32, #tpu.memory_space<vmem>>
    %dma_start3A_21 = arith.constant 128 : i32
    %dma_start3A_22 = tpu.memref_slice %arg5[%dma_start3A_21] : memref<10000xi32, #tpu.memory_space<vmem>> -> memref<128xi32, #tpu.memory_space<vmem>>
    %dma_start3A_23 = arith.constant 0 : i32
    %dma_start3A_24 = arith.constant 0 : i32
    %dma_start3A_25 = tpu.memref_slice %arg2[%dma_start3A_23, %dma_start3A_24] : memref<10000x64xi32, #tpu.memory_space<hbm>> -> memref<10000x64xi32, #tpu.memory_space<hbm>>
    %dma_start3A_26 = tpu.memref_slice %arg7[%dma_start3A_16] : memref<3x!tpu.dma_semaphore, #tpu.memory_space<semaphore_mem>> -> memref<1x!tpu.dma_semaphore, #tpu.memory_space<semaphore_mem>>
    %dma_start3A_27 = tpu.memref_squeeze %dma_start3A_26 : memref<1x!tpu.dma_semaphore, #tpu.memory_space<semaphore_mem>> -> memref<!tpu.dma_semaphore, #tpu.memory_space<semaphore_mem>>
    tpu.enqueue_indirect_dma source(%dma_start3A_25 : memref<10000x64xi32, #tpu.memory_space<hbm>>) target(%dma_start3A_20 : memref<128x64xi32, #tpu.memory_space<vmem>>) offsets(%dma_start3A_22 : memref<128xi32, #tpu.memory_space<vmem>>) semaphore(%dma_start3A_27 : memref<!tpu.dma_semaphore, #tpu.memory_space<semaphore_mem>>)
    %dma_wait3A = arith.constant 0 : i32
    %dma_wait3A_28 = arith.constant 0 : i32
    %dma_wait3A_29 = arith.constant 0 : i32
    %dma_wait3A_30 = arith.constant 0 : i32
    %dma_wait3A_31 = tpu.memref_slice %arg6[%dma_wait3A, %dma_wait3A_29, %dma_wait3A_30] : memref<3x128x64xi32, #tpu.memory_space<vmem>> -> memref<1x128x64xi32, #tpu.memory_space<vmem>>
    %dma_wait3A_32 = tpu.memref_squeeze %dma_wait3A_31 : memref<1x128x64xi32, #tpu.memory_space<vmem>> -> memref<128x64xi32, #tpu.memory_space<vmem>>
    %dma_wait3A_33 = arith.constant 0 : i32
    %dma_wait3A_34 = tpu.memref_slice %arg5[%dma_wait3A_33] : memref<10000xi32, #tpu.memory_space<vmem>> -> memref<128xi32, #tpu.memory_space<vmem>>
    %dma_wait3A_35 = arith.constant 0 : i32
    %dma_wait3A_36 = arith.constant 0 : i32
    %dma_wait3A_37 = tpu.memref_slice %arg2[%dma_wait3A_35, %dma_wait3A_36] : memref<10000x64xi32, #tpu.memory_space<hbm>> -> memref<10000x64xi32, #tpu.memory_space<hbm>>
    %dma_wait3A_38 = tpu.memref_slice %arg7[%dma_wait3A_28] : memref<3x!tpu.dma_semaphore, #tpu.memory_space<semaphore_mem>> -> memref<1x!tpu.dma_semaphore, #tpu.memory_space<semaphore_mem>>
    %dma_wait3A_39 = tpu.memref_squeeze %dma_wait3A_38 : memref<1x!tpu.dma_semaphore, #tpu.memory_space<semaphore_mem>> -> memref<!tpu.dma_semaphore, #tpu.memory_space<semaphore_mem>>
    tpu.wait_indirect_dma semaphore(%dma_wait3A_39 : memref<!tpu.dma_semaphore, #tpu.memory_space<semaphore_mem>>) src(%dma_wait3A_37 : memref<10000x64xi32, #tpu.memory_space<hbm>>) dst(%dma_wait3A_32 : memref<128x64xi32, #tpu.memory_space<vmem>>)
    %add3A_40 = arith.constant 0 : i32
    %add3A_41 = arith.addi %mul3A_2, %add3A_40 : i32
    %dma_start3A_42 = arith.constant 0 : i32
    %dma_start3A_43 = arith.constant 0 : i32
    %dma_start3A_44 = arith.constant 0 : i32
    %dma_start3A_45 = arith.constant 0 : i32
    %dma_start3A_46 = tpu.memref_slice %arg6[%dma_start3A_42, %dma_start3A_44, %dma_start3A_45] : memref<3x128x64xi32, #tpu.memory_space<vmem>> -> memref<1x128x64xi32, #tpu.memory_space<vmem>>
    %dma_start3A_47 = tpu.memref_squeeze %dma_start3A_46 : memref<1x128x64xi32, #tpu.memory_space<vmem>> -> memref<128x64xi32, #tpu.memory_space<vmem>>
    %dma_start3A_48 = arith.constant 0 : i32
    %dma_start3A_49 = tpu.memref_slice %arg4[%add3A_41, %dma_start3A_48] : memref<320000x64xi32, #tpu.memory_space<hbm>> -> memref<128x64xi32, #tpu.memory_space<hbm>>
    %dma_start3A_50 = tpu.memref_slice %arg8[%dma_start3A_43] : memref<3x!tpu.dma_semaphore, #tpu.memory_space<semaphore_mem>> -> memref<1x!tpu.dma_semaphore, #tpu.memory_space<semaphore_mem>>
    %dma_start3A_51 = tpu.memref_squeeze %dma_start3A_50 : memref<1x!tpu.dma_semaphore, #tpu.memory_space<semaphore_mem>> -> memref<!tpu.dma_semaphore, #tpu.memory_space<semaphore_mem>>
    %dma_start3A_52 = arith.constant 0 : i32
    %dma_start3A_53 = tpu.memref_slice %arg4[%add3A_41, %dma_start3A_52] : memref<320000x64xi32, #tpu.memory_space<hbm>> -> memref<128x64xi32, #tpu.memory_space<hbm>>
    %dma_start3A_54 = arith.constant 0 : i32
    %dma_start3A_55 = arith.constant 0 : i32
    %dma_start3A_56 = tpu.memref_slice %arg6[%dma_start3A_42, %dma_start3A_54, %dma_start3A_55] : memref<3x128x64xi32, #tpu.memory_space<vmem>> -> memref<1x128x64xi32, #tpu.memory_space<vmem>>
    %dma_start3A_57 = tpu.memref_squeeze %dma_start3A_56 : memref<1x128x64xi32, #tpu.memory_space<vmem>> -> memref<128x64xi32, #tpu.memory_space<vmem>>
    tpu.enqueue_dma source(%dma_start3A_57 : memref<128x64xi32, #tpu.memory_space<vmem>>) target(%dma_start3A_53 : memref<128x64xi32, #tpu.memory_space<hbm>>) target_semaphore(%dma_start3A_51 : memref<!tpu.dma_semaphore, #tpu.memory_space<semaphore_mem>>)
    %dma_start3A_58 = arith.constant 2 : i32
    %dma_start3A_59 = arith.constant 2 : i32
    %dma_start3A_60 = arith.constant 0 : i32
    %dma_start3A_61 = arith.constant 0 : i32
    %dma_start3A_62 = tpu.memref_slice %arg6[%dma_start3A_58, %dma_start3A_60, %dma_start3A_61] : memref<3x128x64xi32, #tpu.memory_space<vmem>> -> memref<1x128x64xi32, #tpu.memory_space<vmem>>
    %dma_start3A_63 = tpu.memref_squeeze %dma_start3A_62 : memref<1x128x64xi32, #tpu.memory_space<vmem>> -> memref<128x64xi32, #tpu.memory_space<vmem>>
    %dma_start3A_64 = arith.constant 256 : i32
    %dma_start3A_65 = tpu.memref_slice %arg5[%dma_start3A_64] : memref<10000xi32, #tpu.memory_space<vmem>> -> memref<128xi32, #tpu.memory_space<vmem>>
    %dma_start3A_66 = arith.constant 0 : i32
    %dma_start3A_67 = arith.constant 0 : i32
    %dma_start3A_68 = tpu.memref_slice %arg2[%dma_start3A_66, %dma_start3A_67] : memref<10000x64xi32, #tpu.memory_space<hbm>> -> memref<10000x64xi32, #tpu.memory_space<hbm>>
    %dma_start3A_69 = tpu.memref_slice %arg7[%dma_start3A_59] : memref<3x!tpu.dma_semaphore, #tpu.memory_space<semaphore_mem>> -> memref<1x!tpu.dma_semaphore, #tpu.memory_space<semaphore_mem>>
    %dma_start3A_70 = tpu.memref_squeeze %dma_start3A_69 : memref<1x!tpu.dma_semaphore, #tpu.memory_space<semaphore_mem>> -> memref<!tpu.dma_semaphore, #tpu.memory_space<semaphore_mem>>
    tpu.enqueue_indirect_dma source(%dma_start3A_68 : memref<10000x64xi32, #tpu.memory_space<hbm>>) target(%dma_start3A_63 : memref<128x64xi32, #tpu.memory_space<vmem>>) offsets(%dma_start3A_65 : memref<128xi32, #tpu.memory_space<vmem>>) semaphore(%dma_start3A_70 : memref<!tpu.dma_semaphore, #tpu.memory_space<semaphore_mem>>)
    %dma_wait3A_71 = arith.constant 1 : i32
    %dma_wait3A_72 = arith.constant 1 : i32
    %dma_wait3A_73 = arith.constant 0 : i32
    %dma_wait3A_74 = arith.constant 0 : i32
    %dma_wait3A_75 = tpu.memref_slice %arg6[%dma_wait3A_71, %dma_wait3A_73, %dma_wait3A_74] : memref<3x128x64xi32, #tpu.memory_space<vmem>> -> memref<1x128x64xi32, #tpu.memory_space<vmem>>
    %dma_wait3A_76 = tpu.memref_squeeze %dma_wait3A_75 : memref<1x128x64xi32, #tpu.memory_space<vmem>> -> memref<128x64xi32, #tpu.memory_space<vmem>>
    %dma_wait3A_77 = arith.constant 128 : i32
    %dma_wait3A_78 = tpu.memref_slice %arg5[%dma_wait3A_77] : memref<10000xi32, #tpu.memory_space<vmem>> -> memref<128xi32, #tpu.memory_space<vmem>>
    %dma_wait3A_79 = arith.constant 0 : i32
    %dma_wait3A_80 = arith.constant 0 : i32
    %dma_wait3A_81 = tpu.memref_slice %arg2[%dma_wait3A_79, %dma_wait3A_80] : memref<10000x64xi32, #tpu.memory_space<hbm>> -> memref<10000x64xi32, #tpu.memory_space<hbm>>
    %dma_wait3A_82 = tpu.memref_slice %arg7[%dma_wait3A_72] : memref<3x!tpu.dma_semaphore, #tpu.memory_space<semaphore_mem>> -> memref<1x!tpu.dma_semaphore, #tpu.memory_space<semaphore_mem>>
    %dma_wait3A_83 = tpu.memref_squeeze %dma_wait3A_82 : memref<1x!tpu.dma_semaphore, #tpu.memory_space<semaphore_mem>> -> memref<!tpu.dma_semaphore, #tpu.memory_space<semaphore_mem>>
    tpu.wait_indirect_dma semaphore(%dma_wait3A_83 : memref<!tpu.dma_semaphore, #tpu.memory_space<semaphore_mem>>) src(%dma_wait3A_81 : memref<10000x64xi32, #tpu.memory_space<hbm>>) dst(%dma_wait3A_76 : memref<128x64xi32, #tpu.memory_space<vmem>>)
    %add3A_84 = arith.constant 128 : i32
    %add3A_85 = arith.addi %mul3A_2, %add3A_84 : i32
    %dma_start3A_86 = arith.constant 1 : i32
    %dma_start3A_87 = arith.constant 1 : i32
    %dma_start3A_88 = arith.constant 0 : i32
    %dma_start3A_89 = arith.constant 0 : i32
    %dma_start3A_90 = tpu.memref_slice %arg6[%dma_start3A_86, %dma_start3A_88, %dma_start3A_89] : memref<3x128x64xi32, #tpu.memory_space<vmem>> -> memref<1x128x64xi32, #tpu.memory_space<vmem>>
    %dma_start3A_91 = tpu.memref_squeeze %dma_start3A_90 : memref<1x128x64xi32, #tpu.memory_space<vmem>> -> memref<128x64xi32, #tpu.memory_space<vmem>>
    %dma_start3A_92 = arith.constant 0 : i32
    %dma_start3A_93 = tpu.memref_slice %arg4[%add3A_85, %dma_start3A_92] : memref<320000x64xi32, #tpu.memory_space<hbm>> -> memref<128x64xi32, #tpu.memory_space<hbm>>
    %dma_start3A_94 = tpu.memref_slice %arg8[%dma_start3A_87] : memref<3x!tpu.dma_semaphore, #tpu.memory_space<semaphore_mem>> -> memref<1x!tpu.dma_semaphore, #tpu.memory_space<semaphore_mem>>
    %dma_start3A_95 = tpu.memref_squeeze %dma_start3A_94 : memref<1x!tpu.dma_semaphore, #tpu.memory_space<semaphore_mem>> -> memref<!tpu.dma_semaphore, #tpu.memory_space<semaphore_mem>>
    %dma_start3A_96 = arith.constant 0 : i32
    %dma_start3A_97 = tpu.memref_slice %arg4[%add3A_85, %dma_start3A_96] : memref<320000x64xi32, #tpu.memory_space<hbm>> -> memref<128x64xi32, #tpu.memory_space<hbm>>
    %dma_start3A_98 = arith.constant 0 : i32
    %dma_start3A_99 = arith.constant 0 : i32
    %dma_start3A_100 = tpu.memref_slice %arg6[%dma_start3A_86, %dma_start3A_98, %dma_start3A_99] : memref<3x128x64xi32, #tpu.memory_space<vmem>> -> memref<1x128x64xi32, #tpu.memory_space<vmem>>
    %dma_start3A_101 = tpu.memref_squeeze %dma_start3A_100 : memref<1x128x64xi32, #tpu.memory_space<vmem>> -> memref<128x64xi32, #tpu.memory_space<vmem>>
    tpu.enqueue_dma source(%dma_start3A_101 : memref<128x64xi32, #tpu.memory_space<vmem>>) target(%dma_start3A_97 : memref<128x64xi32, #tpu.memory_space<hbm>>) target_semaphore(%dma_start3A_95 : memref<!tpu.dma_semaphore, #tpu.memory_space<semaphore_mem>>)
    %add3A_102 = arith.constant 0 : i32
    %add3A_103 = arith.addi %mul3A_2, %add3A_102 : i32
    %dma_wait3A_104 = arith.constant 0 : i32
    %dma_wait3A_105 = arith.constant 0 : i32
    %dma_wait3A_106 = arith.constant 0 : i32
    %dma_wait3A_107 = arith.constant 0 : i32
    %dma_wait3A_108 = tpu.memref_slice %arg6[%dma_wait3A_104, %dma_wait3A_106, %dma_wait3A_107] : memref<3x128x64xi32, #tpu.memory_space<vmem>> -> memref<1x128x64xi32, #tpu.memory_space<vmem>>
    %dma_wait3A_109 = tpu.memref_squeeze %dma_wait3A_108 : memref<1x128x64xi32, #tpu.memory_space<vmem>> -> memref<128x64xi32, #tpu.memory_space<vmem>>
    %dma_wait3A_110 = arith.constant 0 : i32
    %dma_wait3A_111 = tpu.memref_slice %arg4[%add3A_103, %dma_wait3A_110] : memref<320000x64xi32, #tpu.memory_space<hbm>> -> memref<128x64xi32, #tpu.memory_space<hbm>>
    %dma_wait3A_112 = tpu.memref_slice %arg8[%dma_wait3A_105] : memref<3x!tpu.dma_semaphore, #tpu.memory_space<semaphore_mem>> -> memref<1x!tpu.dma_semaphore, #tpu.memory_space<semaphore_mem>>
    %dma_wait3A_113 = tpu.memref_squeeze %dma_wait3A_112 : memref<1x!tpu.dma_semaphore, #tpu.memory_space<semaphore_mem>> -> memref<!tpu.dma_semaphore, #tpu.memory_space<semaphore_mem>>
    %dma_wait3A_114 = arith.constant 0 : i32
    %dma_wait3A_115 = tpu.memref_slice %arg4[%add3A_103, %dma_wait3A_114] : memref<320000x64xi32, #tpu.memory_space<hbm>> -> memref<128x64xi32, #tpu.memory_space<hbm>>
    %dma_wait3A_116 = arith.constant 0 : i32
    %dma_wait3A_117 = arith.constant 0 : i32
    %dma_wait3A_118 = tpu.memref_slice %arg6[%dma_wait3A_104, %dma_wait3A_116, %dma_wait3A_117] : memref<3x128x64xi32, #tpu.memory_space<vmem>> -> memref<1x128x64xi32, #tpu.memory_space<vmem>>
    %dma_wait3A_119 = tpu.memref_squeeze %dma_wait3A_118 : memref<1x128x64xi32, #tpu.memory_space<vmem>> -> memref<128x64xi32, #tpu.memory_space<vmem>>
    tpu.wait_dma2 semaphore(%dma_wait3A_113 : memref<!tpu.dma_semaphore, #tpu.memory_space<semaphore_mem>>) src(%dma_wait3A_119 : memref<128x64xi32, #tpu.memory_space<vmem>>) dst(%dma_wait3A_115 : memref<128x64xi32, #tpu.memory_space<hbm>>)
    %dma_start3A_120 = arith.constant 0 : i32
    %dma_start3A_121 = arith.constant 0 : i32
    %dma_start3A_122 = arith.constant 0 : i32
    %dma_start3A_123 = arith.constant 0 : i32
    %dma_start3A_124 = tpu.memref_slice %arg6[%dma_start3A_120, %dma_start3A_122, %dma_start3A_123] : memref<3x128x64xi32, #tpu.memory_space<vmem>> -> memref<1x128x64xi32, #tpu.memory_space<vmem>>
    %dma_start3A_125 = tpu.memref_squeeze %dma_start3A_124 : memref<1x128x64xi32, #tpu.memory_space<vmem>> -> memref<128x64xi32, #tpu.memory_space<vmem>>
    %dma_start3A_126 = arith.constant 384 : i32
    %dma_start3A_127 = tpu.memref_slice %arg5[%dma_start3A_126] : memref<10000xi32, #tpu.memory_space<vmem>> -> memref<128xi32, #tpu.memory_space<vmem>>
    %dma_start3A_128 = arith.constant 0 : i32
    %dma_start3A_129 = arith.constant 0 : i32
    %dma_start3A_130 = tpu.memref_slice %arg2[%dma_start3A_128, %dma_start3A_129] : memref<10000x64xi32, #tpu.memory_space<hbm>> -> memref<10000x64xi32, #tpu.memory_space<hbm>>
    %dma_start3A_131 = tpu.memref_slice %arg7[%dma_start3A_121] : memref<3x!tpu.dma_semaphore, #tpu.memory_space<semaphore_mem>> -> memref<1x!tpu.dma_semaphore, #tpu.memory_space<semaphore_mem>>
    %dma_start3A_132 = tpu.memref_squeeze %dma_start3A_131 : memref<1x!tpu.dma_semaphore, #tpu.memory_space<semaphore_mem>> -> memref<!tpu.dma_semaphore, #tpu.memory_space<semaphore_mem>>
    tpu.enqueue_indirect_dma source(%dma_start3A_130 : memref<10000x64xi32, #tpu.memory_space<hbm>>) target(%dma_start3A_125 : memref<128x64xi32, #tpu.memory_space<vmem>>) offsets(%dma_start3A_127 : memref<128xi32, #tpu.memory_space<vmem>>) semaphore(%dma_start3A_132 : memref<!tpu.dma_semaphore, #tpu.memory_space<semaphore_mem>>)
    %dma_wait3A_133 = arith.constant 2 : i32
    %dma_wait3A_134 = arith.constant 2 : i32
    %dma_wait3A_135 = arith.constant 0 : i32
    %dma_wait3A_136 = arith.constant 0 : i32
    %dma_wait3A_137 = tpu.memref_slice %arg6[%dma_wait3A_133, %dma_wait3A_135, %dma_wait3A_136] : memref<3x128x64xi32, #tpu.memory_space<vmem>> -> memref<1x128x64xi32, #tpu.memory_space<vmem>>
    %dma_wait3A_138 = tpu.memref_squeeze %dma_wait3A_137 : memref<1x128x64xi32, #tpu.memory_space<vmem>> -> memref<128x64xi32, #tpu.memory_space<vmem>>
    %dma_wait3A_139 = arith.constant 256 : i32
    %dma_wait3A_140 = tpu.memref_slice %arg5[%dma_wait3A_139] : memref<10000xi32, #tpu.memory_space<vmem>> -> memref<128xi32, #tpu.memory_space<vmem>>
    %dma_wait3A_141 = arith.constant 0 : i32
    %dma_wait3A_142 = arith.constant 0 : i32
    %dma_wait3A_143 = tpu.memref_slice %arg2[%dma_wait3A_141, %dma_wait3A_142] : memref<10000x64xi32, #tpu.memory_space<hbm>> -> memref<10000x64xi32, #tpu.memory_space<hbm>>
    %dma_wait3A_144 = tpu.memref_slice %arg7[%dma_wait3A_134] : memref<3x!tpu.dma_semaphore, #tpu.memory_space<semaphore_mem>> -> memref<1x!tpu.dma_semaphore, #tpu.memory_space<semaphore_mem>>
    %dma_wait3A_145 = tpu.memref_squeeze %dma_wait3A_144 : memref<1x!tpu.dma_semaphore, #tpu.memory_space<semaphore_mem>> -> memref<!tpu.dma_semaphore, #tpu.memory_space<semaphore_mem>>
    tpu.wait_indirect_dma semaphore(%dma_wait3A_145 : memref<!tpu.dma_semaphore, #tpu.memory_space<semaphore_mem>>) src(%dma_wait3A_143 : memref<10000x64xi32, #tpu.memory_space<hbm>>) dst(%dma_wait3A_138 : memref<128x64xi32, #tpu.memory_space<vmem>>)
    %add3A_146 = arith.constant 256 : i32
    %add3A_147 = arith.addi %mul3A_2, %add3A_146 : i32
    %dma_start3A_148 = arith.constant 2 : i32
    %dma_start3A_149 = arith.constant 2 : i32
    %dma_start3A_150 = arith.constant 0 : i32
    %dma_start3A_151 = arith.constant 0 : i32
    %dma_start3A_152 = tpu.memref_slice %arg6[%dma_start3A_148, %dma_start3A_150, %dma_start3A_151] : memref<3x128x64xi32, #tpu.memory_space<vmem>> -> memref<1x128x64xi32, #tpu.memory_space<vmem>>
    %dma_start3A_153 = tpu.memref_squeeze %dma_start3A_152 : memref<1x128x64xi32, #tpu.memory_space<vmem>> -> memref<128x64xi32, #tpu.memory_space<vmem>>
    %dma_start3A_154 = arith.constant 0 : i32
    %dma_start3A_155 = tpu.memref_slice %arg4[%add3A_147, %dma_start3A_154] : memref<320000x64xi32, #tpu.memory_space<hbm>> -> memref<128x64xi32, #tpu.memory_space<hbm>>
    %dma_start3A_156 = tpu.memref_slice %arg8[%dma_start3A_149] : memref<3x!tpu.dma_semaphore, #tpu.memory_space<semaphore_mem>> -> memref<1x!tpu.dma_semaphore, #tpu.memory_space<semaphore_mem>>
    %dma_start3A_157 = tpu.memref_squeeze %dma_start3A_156 : memref<1x!tpu.dma_semaphore, #tpu.memory_space<semaphore_mem>> -> memref<!tpu.dma_semaphore, #tpu.memory_space<semaphore_mem>>
    %dma_start3A_158 = arith.constant 0 : i32
    %dma_start3A_159 = tpu.memref_slice %arg4[%add3A_147, %dma_start3A_158] : memref<320000x64xi32, #tpu.memory_space<hbm>> -> memref<128x64xi32, #tpu.memory_space<hbm>>
    %dma_start3A_160 = arith.constant 0 : i32
    %dma_start3A_161 = arith.constant 0 : i32
    %dma_start3A_162 = tpu.memref_slice %arg6[%dma_start3A_148, %dma_start3A_160, %dma_start3A_161] : memref<3x128x64xi32, #tpu.memory_space<vmem>> -> memref<1x128x64xi32, #tpu.memory_space<vmem>>
    %dma_start3A_163 = tpu.memref_squeeze %dma_start3A_162 : memref<1x128x64xi32, #tpu.memory_space<vmem>> -> memref<128x64xi32, #tpu.memory_space<vmem>>
    tpu.enqueue_dma source(%dma_start3A_163 : memref<128x64xi32, #tpu.memory_space<vmem>>) target(%dma_start3A_159 : memref<128x64xi32, #tpu.memory_space<hbm>>) target_semaphore(%dma_start3A_157 : memref<!tpu.dma_semaphore, #tpu.memory_space<semaphore_mem>>)
    %add3A_164 = arith.constant 128 : i32
    %add3A_165 = arith.addi %mul3A_2, %add3A_164 : i32
    %dma_wait3A_166 = arith.constant 1 : i32
    %dma_wait3A_167 = arith.constant 1 : i32
    %dma_wait3A_168 = arith.constant 0 : i32
    %dma_wait3A_169 = arith.constant 0 : i32
    %dma_wait3A_170 = tpu.memref_slice %arg6[%dma_wait3A_166, %dma_wait3A_168, %dma_wait3A_169] : memref<3x128x64xi32, #tpu.memory_space<vmem>> -> memref<1x128x64xi32, #tpu.memory_space<vmem>>
    %dma_wait3A_171 = tpu.memref_squeeze %dma_wait3A_170 : memref<1x128x64xi32, #tpu.memory_space<vmem>> -> memref<128x64xi32, #tpu.memory_space<vmem>>
    %dma_wait3A_172 = arith.constant 0 : i32
    %dma_wait3A_173 = tpu.memref_slice %arg4[%add3A_165, %dma_wait3A_172] : memref<320000x64xi32, #tpu.memory_space<hbm>> -> memref<128x64xi32, #tpu.memory_space<hbm>>
    %dma_wait3A_174 = tpu.memref_slice %arg8[%dma_wait3A_167] : memref<3x!tpu.dma_semaphore, #tpu.memory_space<semaphore_mem>> -> memref<1x!tpu.dma_semaphore, #tpu.memory_space<semaphore_mem>>
    %dma_wait3A_175 = tpu.memref_squeeze %dma_wait3A_174 : memref<1x!tpu.dma_semaphore, #tpu.memory_space<semaphore_mem>> -> memref<!tpu.dma_semaphore, #tpu.memory_space<semaphore_mem>>
    %dma_wait3A_176 = arith.constant 0 : i32
    %dma_wait3A_177 = tpu.memref_slice %arg4[%add3A_165, %dma_wait3A_176] : memref<320000x64xi32, #tpu.memory_space<hbm>> -> memref<128x64xi32, #tpu.memory_space<hbm>>
    %dma_wait3A_178 = arith.constant 0 : i32
    %dma_wait3A_179 = arith.constant 0 : i32
    %dma_wait3A_180 = tpu.memref_slice %arg6[%dma_wait3A_166, %dma_wait3A_178, %dma_wait3A_179] : memref<3x128x64xi32, #tpu.memory_space<vmem>> -> memref<1x128x64xi32, #tpu.memory_space<vmem>>
    %dma_wait3A_181 = tpu.memref_squeeze %dma_wait3A_180 : memref<1x128x64xi32, #tpu.memory_space<vmem>> -> memref<128x64xi32, #tpu.memory_space<vmem>>
    tpu.wait_dma2 semaphore(%dma_wait3A_175 : memref<!tpu.dma_semaphore, #tpu.memory_space<semaphore_mem>>) src(%dma_wait3A_181 : memref<128x64xi32, #tpu.memory_space<vmem>>) dst(%dma_wait3A_177 : memref<128x64xi32, #tpu.memory_space<hbm>>)
    %dma_start3A_182 = arith.constant 1 : i32
    %dma_start3A_183 = arith.constant 1 : i32
    %dma_start3A_184 = arith.constant 0 : i32
    %dma_start3A_185 = arith.constant 0 : i32
    %dma_start3A_186 = tpu.memref_slice %arg6[%dma_start3A_182, %dma_start3A_184, %dma_start3A_185] : memref<3x128x64xi32, #tpu.memory_space<vmem>> -> memref<1x128x64xi32, #tpu.memory_space<vmem>>
    %dma_start3A_187 = tpu.memref_squeeze %dma_start3A_186 : memref<1x128x64xi32, #tpu.memory_space<vmem>> -> memref<128x64xi32, #tpu.memory_space<vmem>>
    %dma_start3A_188 = arith.constant 512 : i32
    %dma_start3A_189 = tpu.memref_slice %arg5[%dma_start3A_188] : memref<10000xi32, #tpu.memory_space<vmem>> -> memref<128xi32, #tpu.memory_space<vmem>>
    %dma_start3A_190 = arith.constant 0 : i32
    %dma_start3A_191 = arith.constant 0 : i32
    %dma_start3A_192 = tpu.memref_slice %arg2[%dma_start3A_190, %dma_start3A_191] : memref<10000x64xi32, #tpu.memory_space<hbm>> -> memref<10000x64xi32, #tpu.memory_space<hbm>>
    %dma_start3A_193 = tpu.memref_slice %arg7[%dma_start3A_183] : memref<3x!tpu.dma_semaphore, #tpu.memory_space<semaphore_mem>> -> memref<1x!tpu.dma_semaphore, #tpu.memory_space<semaphore_mem>>
    %dma_start3A_194 = tpu.memref_squeeze %dma_start3A_193 : memref<1x!tpu.dma_semaphore, #tpu.memory_space<semaphore_mem>> -> memref<!tpu.dma_semaphore, #tpu.memory_space<semaphore_mem>>
    tpu.enqueue_indirect_dma source(%dma_start3A_192 : memref<10000x64xi32, #tpu.memory_space<hbm>>) target(%dma_start3A_187 : memref<128x64xi32, #tpu.memory_space<vmem>>) offsets(%dma_start3A_189 : memref<128xi32, #tpu.memory_space<vmem>>) semaphore(%dma_start3A_194 : memref<!tpu.dma_semaphore, #tpu.memory_space<semaphore_mem>>)
    %scan3A = arith.constant 0 : i32
    %scan3A_195 = arith.constant 25 : i32
    %scan3A_196 = arith.addi %scan3A, %scan3A_195 : i32
    %scan3A_197 = arith.constant 1 : i32
    scf.for %scan3A_287 = %scan3A to %scan3A_196 step %scan3A_197  : i32 {
      %mul3A_288 = arith.constant 1 : i32
      %mul3A_289 = arith.muli %scan3A_287, %mul3A_288 : i32
      %add3A_290 = arith.constant 1 : i32
      %add3A_291 = arith.addi %add3A_290, %mul3A_289 : i32
      %mul3A_292 = arith.constant 3 : i32
      %mul3A_293 = arith.muli %add3A_291, %mul3A_292 : i32
      %mul3A_294 = arith.constant 128 : i32
      %mul3A_295 = arith.muli %mul3A_293, %mul3A_294 : i32
      %dma_wait3A_296 = arith.constant 0 : i32
      %dma_wait3A_297 = arith.constant 0 : i32
      %dma_wait3A_298 = arith.constant 0 : i32
      %dma_wait3A_299 = arith.constant 0 : i32
      %dma_wait3A_300 = tpu.memref_slice %arg6[%dma_wait3A_296, %dma_wait3A_298, %dma_wait3A_299] : memref<3x128x64xi32, #tpu.memory_space<vmem>> -> memref<1x128x64xi32, #tpu.memory_space<vmem>>
      %dma_wait3A_301 = tpu.memref_squeeze %dma_wait3A_300 : memref<1x128x64xi32, #tpu.memory_space<vmem>> -> memref<128x64xi32, #tpu.memory_space<vmem>>
      %dma_wait3A_302 = tpu.memref_slice %arg5[%mul3A_295] : memref<10000xi32, #tpu.memory_space<vmem>> -> memref<128xi32, #tpu.memory_space<vmem>>
      %dma_wait3A_303 = arith.constant 0 : i32
      %dma_wait3A_304 = arith.constant 0 : i32
      %dma_wait3A_305 = tpu.memref_slice %arg2[%dma_wait3A_303, %dma_wait3A_304] : memref<10000x64xi32, #tpu.memory_space<hbm>> -> memref<10000x64xi32, #tpu.memory_space<hbm>>
      %dma_wait3A_306 = tpu.memref_slice %arg7[%dma_wait3A_297] : memref<3x!tpu.dma_semaphore, #tpu.memory_space<semaphore_mem>> -> memref<1x!tpu.dma_semaphore, #tpu.memory_space<semaphore_mem>>
      %dma_wait3A_307 = tpu.memref_squeeze %dma_wait3A_306 : memref<1x!tpu.dma_semaphore, #tpu.memory_space<semaphore_mem>> -> memref<!tpu.dma_semaphore, #tpu.memory_space<semaphore_mem>>
      tpu.wait_indirect_dma semaphore(%dma_wait3A_307 : memref<!tpu.dma_semaphore, #tpu.memory_space<semaphore_mem>>) src(%dma_wait3A_305 : memref<10000x64xi32, #tpu.memory_space<hbm>>) dst(%dma_wait3A_301 : memref<128x64xi32, #tpu.memory_space<vmem>>)
      %mul3A_308 = arith.constant 128 : i32
      %mul3A_309 = arith.muli %mul3A_293, %mul3A_308 : i32
      %add3A_310 = arith.addi %mul3A_2, %mul3A_309 : i32
      %dma_start3A_311 = arith.constant 0 : i32
      %dma_start3A_312 = arith.constant 0 : i32
      %dma_start3A_313 = arith.constant 0 : i32
      %dma_start3A_314 = arith.constant 0 : i32
      %dma_start3A_315 = tpu.memref_slice %arg6[%dma_start3A_311, %dma_start3A_313, %dma_start3A_314] : memref<3x128x64xi32, #tpu.memory_space<vmem>> -> memref<1x128x64xi32, #tpu.memory_space<vmem>>
      %dma_start3A_316 = tpu.memref_squeeze %dma_start3A_315 : memref<1x128x64xi32, #tpu.memory_space<vmem>> -> memref<128x64xi32, #tpu.memory_space<vmem>>
      %dma_start3A_317 = arith.constant 0 : i32
      %dma_start3A_318 = tpu.memref_slice %arg4[%add3A_310, %dma_start3A_317] : memref<320000x64xi32, #tpu.memory_space<hbm>> -> memref<128x64xi32, #tpu.memory_space<hbm>>
      %dma_start3A_319 = tpu.memref_slice %arg8[%dma_start3A_312] : memref<3x!tpu.dma_semaphore, #tpu.memory_space<semaphore_mem>> -> memref<1x!tpu.dma_semaphore, #tpu.memory_space<semaphore_mem>>
      %dma_start3A_320 = tpu.memref_squeeze %dma_start3A_319 : memref<1x!tpu.dma_semaphore, #tpu.memory_space<semaphore_mem>> -> memref<!tpu.dma_semaphore, #tpu.memory_space<semaphore_mem>>
      %dma_start3A_321 = arith.constant 0 : i32
      %dma_start3A_322 = tpu.memref_slice %arg4[%add3A_310, %dma_start3A_321] : memref<320000x64xi32, #tpu.memory_space<hbm>> -> memref<128x64xi32, #tpu.memory_space<hbm>>
      %dma_start3A_323 = arith.constant 0 : i32
      %dma_start3A_324 = arith.constant 0 : i32
      %dma_start3A_325 = tpu.memref_slice %arg6[%dma_start3A_311, %dma_start3A_323, %dma_start3A_324] : memref<3x128x64xi32, #tpu.memory_space<vmem>> -> memref<1x128x64xi32, #tpu.memory_space<vmem>>
      %dma_start3A_326 = tpu.memref_squeeze %dma_start3A_325 : memref<1x128x64xi32, #tpu.memory_space<vmem>> -> memref<128x64xi32, #tpu.memory_space<vmem>>
      tpu.enqueue_dma source(%dma_start3A_326 : memref<128x64xi32, #tpu.memory_space<vmem>>) target(%dma_start3A_322 : memref<128x64xi32, #tpu.memory_space<hbm>>) target_semaphore(%dma_start3A_320 : memref<!tpu.dma_semaphore, #tpu.memory_space<semaphore_mem>>)
      %add3A_327 = arith.constant 2 : i32
      %add3A_328 = arith.addi %mul3A_293, %add3A_327 : i32
      %lt3A = arith.constant 78 : i32
      %lt3A_329 = arith.cmpi slt, %add3A_328, %lt3A : i32
      %convert_element_type3A = arith.extui %lt3A_329 : i1 to i32
      %cond3A = arith.constant 0 : i32
      %cond3A_330 = arith.cmpi ne, %convert_element_type3A, %cond3A : i32
      scf.if %cond3A_330 {
        %sub3A = arith.constant 3 : i32
        %sub3A_415 = arith.subi %add3A_328, %sub3A : i32
        %mul3A_416 = arith.constant 128 : i32
        %mul3A_417 = arith.muli %sub3A_415, %mul3A_416 : i32
        %add3A_418 = arith.addi %mul3A_2, %mul3A_417 : i32
        %dma_wait3A_419 = arith.constant 2 : i32
        %dma_wait3A_420 = arith.constant 2 : i32
        %dma_wait3A_421 = arith.constant 0 : i32
        %dma_wait3A_422 = arith.constant 0 : i32
        %dma_wait3A_423 = tpu.memref_slice %arg6[%dma_wait3A_419, %dma_wait3A_421, %dma_wait3A_422] : memref<3x128x64xi32, #tpu.memory_space<vmem>> -> memref<1x128x64xi32, #tpu.memory_space<vmem>>
        %dma_wait3A_424 = tpu.memref_squeeze %dma_wait3A_423 : memref<1x128x64xi32, #tpu.memory_space<vmem>> -> memref<128x64xi32, #tpu.memory_space<vmem>>
        %dma_wait3A_425 = arith.constant 0 : i32
        %dma_wait3A_426 = tpu.memref_slice %arg4[%add3A_418, %dma_wait3A_425] : memref<320000x64xi32, #tpu.memory_space<hbm>> -> memref<128x64xi32, #tpu.memory_space<hbm>>
        %dma_wait3A_427 = tpu.memref_slice %arg8[%dma_wait3A_420] : memref<3x!tpu.dma_semaphore, #tpu.memory_space<semaphore_mem>> -> memref<1x!tpu.dma_semaphore, #tpu.memory_space<semaphore_mem>>
        %dma_wait3A_428 = tpu.memref_squeeze %dma_wait3A_427 : memref<1x!tpu.dma_semaphore, #tpu.memory_space<semaphore_mem>> -> memref<!tpu.dma_semaphore, #tpu.memory_space<semaphore_mem>>
        %dma_wait3A_429 = arith.constant 0 : i32
        %dma_wait3A_430 = tpu.memref_slice %arg4[%add3A_418, %dma_wait3A_429] : memref<320000x64xi32, #tpu.memory_space<hbm>> -> memref<128x64xi32, #tpu.memory_space<hbm>>
        %dma_wait3A_431 = arith.constant 0 : i32
        %dma_wait3A_432 = arith.constant 0 : i32
        %dma_wait3A_433 = tpu.memref_slice %arg6[%dma_wait3A_419, %dma_wait3A_431, %dma_wait3A_432] : memref<3x128x64xi32, #tpu.memory_space<vmem>> -> memref<1x128x64xi32, #tpu.memory_space<vmem>>
        %dma_wait3A_434 = tpu.memref_squeeze %dma_wait3A_433 : memref<1x128x64xi32, #tpu.memory_space<vmem>> -> memref<128x64xi32, #tpu.memory_space<vmem>>
        tpu.wait_dma2 semaphore(%dma_wait3A_428 : memref<!tpu.dma_semaphore, #tpu.memory_space<semaphore_mem>>) src(%dma_wait3A_434 : memref<128x64xi32, #tpu.memory_space<vmem>>) dst(%dma_wait3A_430 : memref<128x64xi32, #tpu.memory_space<hbm>>)
        %mul3A_435 = arith.constant 128 : i32
        %mul3A_436 = arith.muli %add3A_328, %mul3A_435 : i32
        %dma_start3A_437 = arith.constant 2 : i32
        %dma_start3A_438 = arith.constant 2 : i32
        %dma_start3A_439 = arith.constant 0 : i32
        %dma_start3A_440 = arith.constant 0 : i32
        %dma_start3A_441 = tpu.memref_slice %arg6[%dma_start3A_437, %dma_start3A_439, %dma_start3A_440] : memref<3x128x64xi32, #tpu.memory_space<vmem>> -> memref<1x128x64xi32, #tpu.memory_space<vmem>>
        %dma_start3A_442 = tpu.memref_squeeze %dma_start3A_441 : memref<1x128x64xi32, #tpu.memory_space<vmem>> -> memref<128x64xi32, #tpu.memory_space<vmem>>
        %dma_start3A_443 = tpu.memref_slice %arg5[%mul3A_436] : memref<10000xi32, #tpu.memory_space<vmem>> -> memref<128xi32, #tpu.memory_space<vmem>>
        %dma_start3A_444 = arith.constant 0 : i32
        %dma_start3A_445 = arith.constant 0 : i32
        %dma_start3A_446 = tpu.memref_slice %arg2[%dma_start3A_444, %dma_start3A_445] : memref<10000x64xi32, #tpu.memory_space<hbm>> -> memref<10000x64xi32, #tpu.memory_space<hbm>>
        %dma_start3A_447 = tpu.memref_slice %arg7[%dma_start3A_438] : memref<3x!tpu.dma_semaphore, #tpu.memory_space<semaphore_mem>> -> memref<1x!tpu.dma_semaphore, #tpu.memory_space<semaphore_mem>>
        %dma_start3A_448 = tpu.memref_squeeze %dma_start3A_447 : memref<1x!tpu.dma_semaphore, #tpu.memory_space<semaphore_mem>> -> memref<!tpu.dma_semaphore, #tpu.memory_space<semaphore_mem>>
        tpu.enqueue_indirect_dma source(%dma_start3A_446 : memref<10000x64xi32, #tpu.memory_space<hbm>>) target(%dma_start3A_442 : memref<128x64xi32, #tpu.memory_space<vmem>>) offsets(%dma_start3A_443 : memref<128xi32, #tpu.memory_space<vmem>>) semaphore(%dma_start3A_448 : memref<!tpu.dma_semaphore, #tpu.memory_space<semaphore_mem>>)
      } else {
      }
      %add3A_331 = arith.constant 1 : i32
      %add3A_332 = arith.addi %mul3A_293, %add3A_331 : i32
      %mul3A_333 = arith.constant 128 : i32
      %mul3A_334 = arith.muli %add3A_332, %mul3A_333 : i32
      %dma_wait3A_335 = arith.constant 1 : i32
      %dma_wait3A_336 = arith.constant 1 : i32
      %dma_wait3A_337 = arith.constant 0 : i32
      %dma_wait3A_338 = arith.constant 0 : i32
      %dma_wait3A_339 = tpu.memref_slice %arg6[%dma_wait3A_335, %dma_wait3A_337, %dma_wait3A_338] : memref<3x128x64xi32, #tpu.memory_space<vmem>> -> memref<1x128x64xi32, #tpu.memory_space<vmem>>
      %dma_wait3A_340 = tpu.memref_squeeze %dma_wait3A_339 : memref<1x128x64xi32, #tpu.memory_space<vmem>> -> memref<128x64xi32, #tpu.memory_space<vmem>>
      %dma_wait3A_341 = tpu.memref_slice %arg5[%mul3A_334] : memref<10000xi32, #tpu.memory_space<vmem>> -> memref<128xi32, #tpu.memory_space<vmem>>
      %dma_wait3A_342 = arith.constant 0 : i32
      %dma_wait3A_343 = arith.constant 0 : i32
      %dma_wait3A_344 = tpu.memref_slice %arg2[%dma_wait3A_342, %dma_wait3A_343] : memref<10000x64xi32, #tpu.memory_space<hbm>> -> memref<10000x64xi32, #tpu.memory_space<hbm>>
      %dma_wait3A_345 = tpu.memref_slice %arg7[%dma_wait3A_336] : memref<3x!tpu.dma_semaphore, #tpu.memory_space<semaphore_mem>> -> memref<1x!tpu.dma_semaphore, #tpu.memory_space<semaphore_mem>>
      %dma_wait3A_346 = tpu.memref_squeeze %dma_wait3A_345 : memref<1x!tpu.dma_semaphore, #tpu.memory_space<semaphore_mem>> -> memref<!tpu.dma_semaphore, #tpu.memory_space<semaphore_mem>>
      tpu.wait_indirect_dma semaphore(%dma_wait3A_346 : memref<!tpu.dma_semaphore, #tpu.memory_space<semaphore_mem>>) src(%dma_wait3A_344 : memref<10000x64xi32, #tpu.memory_space<hbm>>) dst(%dma_wait3A_340 : memref<128x64xi32, #tpu.memory_space<vmem>>)
      %mul3A_347 = arith.constant 128 : i32
      %mul3A_348 = arith.muli %add3A_332, %mul3A_347 : i32
      %add3A_349 = arith.addi %mul3A_2, %mul3A_348 : i32
      %dma_start3A_350 = arith.constant 1 : i32
      %dma_start3A_351 = arith.constant 1 : i32
      %dma_start3A_352 = arith.constant 0 : i32
      %dma_start3A_353 = arith.constant 0 : i32
      %dma_start3A_354 = tpu.memref_slice %arg6[%dma_start3A_350, %dma_start3A_352, %dma_start3A_353] : memref<3x128x64xi32, #tpu.memory_space<vmem>> -> memref<1x128x64xi32, #tpu.memory_space<vmem>>
      %dma_start3A_355 = tpu.memref_squeeze %dma_start3A_354 : memref<1x128x64xi32, #tpu.memory_space<vmem>> -> memref<128x64xi32, #tpu.memory_space<vmem>>
      %dma_start3A_356 = arith.constant 0 : i32
      %dma_start3A_357 = tpu.memref_slice %arg4[%add3A_349, %dma_start3A_356] : memref<320000x64xi32, #tpu.memory_space<hbm>> -> memref<128x64xi32, #tpu.memory_space<hbm>>
      %dma_start3A_358 = tpu.memref_slice %arg8[%dma_start3A_351] : memref<3x!tpu.dma_semaphore, #tpu.memory_space<semaphore_mem>> -> memref<1x!tpu.dma_semaphore, #tpu.memory_space<semaphore_mem>>
      %dma_start3A_359 = tpu.memref_squeeze %dma_start3A_358 : memref<1x!tpu.dma_semaphore, #tpu.memory_space<semaphore_mem>> -> memref<!tpu.dma_semaphore, #tpu.memory_space<semaphore_mem>>
      %dma_start3A_360 = arith.constant 0 : i32
      %dma_start3A_361 = tpu.memref_slice %arg4[%add3A_349, %dma_start3A_360] : memref<320000x64xi32, #tpu.memory_space<hbm>> -> memref<128x64xi32, #tpu.memory_space<hbm>>
      %dma_start3A_362 = arith.constant 0 : i32
      %dma_start3A_363 = arith.constant 0 : i32
      %dma_start3A_364 = tpu.memref_slice %arg6[%dma_start3A_350, %dma_start3A_362, %dma_start3A_363] : memref<3x128x64xi32, #tpu.memory_space<vmem>> -> memref<1x128x64xi32, #tpu.memory_space<vmem>>
      %dma_start3A_365 = tpu.memref_squeeze %dma_start3A_364 : memref<1x128x64xi32, #tpu.memory_space<vmem>> -> memref<128x64xi32, #tpu.memory_space<vmem>>
      tpu.enqueue_dma source(%dma_start3A_365 : memref<128x64xi32, #tpu.memory_space<vmem>>) target(%dma_start3A_361 : memref<128x64xi32, #tpu.memory_space<hbm>>) target_semaphore(%dma_start3A_359 : memref<!tpu.dma_semaphore, #tpu.memory_space<semaphore_mem>>)
      %add3A_366 = arith.constant 2 : i32
      %add3A_367 = arith.addi %add3A_332, %add3A_366 : i32
      %lt3A_368 = arith.constant 78 : i32
      %lt3A_369 = arith.cmpi slt, %add3A_367, %lt3A_368 : i32
      %convert_element_type3A_370 = arith.extui %lt3A_369 : i1 to i32
      %cond3A_371 = arith.constant 0 : i32
      %cond3A_372 = arith.cmpi ne, %convert_element_type3A_370, %cond3A_371 : i32
      scf.if %cond3A_372 {
        %sub3A = arith.constant 3 : i32
        %sub3A_415 = arith.subi %add3A_367, %sub3A : i32
        %mul3A_416 = arith.constant 128 : i32
        %mul3A_417 = arith.muli %sub3A_415, %mul3A_416 : i32
        %add3A_418 = arith.addi %mul3A_2, %mul3A_417 : i32
        %dma_wait3A_419 = arith.constant 0 : i32
        %dma_wait3A_420 = arith.constant 0 : i32
        %dma_wait3A_421 = arith.constant 0 : i32
        %dma_wait3A_422 = arith.constant 0 : i32
        %dma_wait3A_423 = tpu.memref_slice %arg6[%dma_wait3A_419, %dma_wait3A_421, %dma_wait3A_422] : memref<3x128x64xi32, #tpu.memory_space<vmem>> -> memref<1x128x64xi32, #tpu.memory_space<vmem>>
        %dma_wait3A_424 = tpu.memref_squeeze %dma_wait3A_423 : memref<1x128x64xi32, #tpu.memory_space<vmem>> -> memref<128x64xi32, #tpu.memory_space<vmem>>
        %dma_wait3A_425 = arith.constant 0 : i32
        %dma_wait3A_426 = tpu.memref_slice %arg4[%add3A_418, %dma_wait3A_425] : memref<320000x64xi32, #tpu.memory_space<hbm>> -> memref<128x64xi32, #tpu.memory_space<hbm>>
        %dma_wait3A_427 = tpu.memref_slice %arg8[%dma_wait3A_420] : memref<3x!tpu.dma_semaphore, #tpu.memory_space<semaphore_mem>> -> memref<1x!tpu.dma_semaphore, #tpu.memory_space<semaphore_mem>>
        %dma_wait3A_428 = tpu.memref_squeeze %dma_wait3A_427 : memref<1x!tpu.dma_semaphore, #tpu.memory_space<semaphore_mem>> -> memref<!tpu.dma_semaphore, #tpu.memory_space<semaphore_mem>>
        %dma_wait3A_429 = arith.constant 0 : i32
        %dma_wait3A_430 = tpu.memref_slice %arg4[%add3A_418, %dma_wait3A_429] : memref<320000x64xi32, #tpu.memory_space<hbm>> -> memref<128x64xi32, #tpu.memory_space<hbm>>
        %dma_wait3A_431 = arith.constant 0 : i32
        %dma_wait3A_432 = arith.constant 0 : i32
        %dma_wait3A_433 = tpu.memref_slice %arg6[%dma_wait3A_419, %dma_wait3A_431, %dma_wait3A_432] : memref<3x128x64xi32, #tpu.memory_space<vmem>> -> memref<1x128x64xi32, #tpu.memory_space<vmem>>
        %dma_wait3A_434 = tpu.memref_squeeze %dma_wait3A_433 : memref<1x128x64xi32, #tpu.memory_space<vmem>> -> memref<128x64xi32, #tpu.memory_space<vmem>>
        tpu.wait_dma2 semaphore(%dma_wait3A_428 : memref<!tpu.dma_semaphore, #tpu.memory_space<semaphore_mem>>) src(%dma_wait3A_434 : memref<128x64xi32, #tpu.memory_space<vmem>>) dst(%dma_wait3A_430 : memref<128x64xi32, #tpu.memory_space<hbm>>)
        %mul3A_435 = arith.constant 128 : i32
        %mul3A_436 = arith.muli %add3A_367, %mul3A_435 : i32
        %dma_start3A_437 = arith.constant 0 : i32
        %dma_start3A_438 = arith.constant 0 : i32
        %dma_start3A_439 = arith.constant 0 : i32
        %dma_start3A_440 = arith.constant 0 : i32
        %dma_start3A_441 = tpu.memref_slice %arg6[%dma_start3A_437, %dma_start3A_439, %dma_start3A_440] : memref<3x128x64xi32, #tpu.memory_space<vmem>> -> memref<1x128x64xi32, #tpu.memory_space<vmem>>
        %dma_start3A_442 = tpu.memref_squeeze %dma_start3A_441 : memref<1x128x64xi32, #tpu.memory_space<vmem>> -> memref<128x64xi32, #tpu.memory_space<vmem>>
        %dma_start3A_443 = tpu.memref_slice %arg5[%mul3A_436] : memref<10000xi32, #tpu.memory_space<vmem>> -> memref<128xi32, #tpu.memory_space<vmem>>
        %dma_start3A_444 = arith.constant 0 : i32
        %dma_start3A_445 = arith.constant 0 : i32
        %dma_start3A_446 = tpu.memref_slice %arg2[%dma_start3A_444, %dma_start3A_445] : memref<10000x64xi32, #tpu.memory_space<hbm>> -> memref<10000x64xi32, #tpu.memory_space<hbm>>
        %dma_start3A_447 = tpu.memref_slice %arg7[%dma_start3A_438] : memref<3x!tpu.dma_semaphore, #tpu.memory_space<semaphore_mem>> -> memref<1x!tpu.dma_semaphore, #tpu.memory_space<semaphore_mem>>
        %dma_start3A_448 = tpu.memref_squeeze %dma_start3A_447 : memref<1x!tpu.dma_semaphore, #tpu.memory_space<semaphore_mem>> -> memref<!tpu.dma_semaphore, #tpu.memory_space<semaphore_mem>>
        tpu.enqueue_indirect_dma source(%dma_start3A_446 : memref<10000x64xi32, #tpu.memory_space<hbm>>) target(%dma_start3A_442 : memref<128x64xi32, #tpu.memory_space<vmem>>) offsets(%dma_start3A_443 : memref<128xi32, #tpu.memory_space<vmem>>) semaphore(%dma_start3A_448 : memref<!tpu.dma_semaphore, #tpu.memory_space<semaphore_mem>>)
      } else {
      }
      %add3A_373 = arith.constant 2 : i32
      %add3A_374 = arith.addi %mul3A_293, %add3A_373 : i32
      %mul3A_375 = arith.constant 128 : i32
      %mul3A_376 = arith.muli %add3A_374, %mul3A_375 : i32
      %dma_wait3A_377 = arith.constant 2 : i32
      %dma_wait3A_378 = arith.constant 2 : i32
      %dma_wait3A_379 = arith.constant 0 : i32
      %dma_wait3A_380 = arith.constant 0 : i32
      %dma_wait3A_381 = tpu.memref_slice %arg6[%dma_wait3A_377, %dma_wait3A_379, %dma_wait3A_380] : memref<3x128x64xi32, #tpu.memory_space<vmem>> -> memref<1x128x64xi32, #tpu.memory_space<vmem>>
      %dma_wait3A_382 = tpu.memref_squeeze %dma_wait3A_381 : memref<1x128x64xi32, #tpu.memory_space<vmem>> -> memref<128x64xi32, #tpu.memory_space<vmem>>
      %dma_wait3A_383 = tpu.memref_slice %arg5[%mul3A_376] : memref<10000xi32, #tpu.memory_space<vmem>> -> memref<128xi32, #tpu.memory_space<vmem>>
      %dma_wait3A_384 = arith.constant 0 : i32
      %dma_wait3A_385 = arith.constant 0 : i32
      %dma_wait3A_386 = tpu.memref_slice %arg2[%dma_wait3A_384, %dma_wait3A_385] : memref<10000x64xi32, #tpu.memory_space<hbm>> -> memref<10000x64xi32, #tpu.memory_space<hbm>>
      %dma_wait3A_387 = tpu.memref_slice %arg7[%dma_wait3A_378] : memref<3x!tpu.dma_semaphore, #tpu.memory_space<semaphore_mem>> -> memref<1x!tpu.dma_semaphore, #tpu.memory_space<semaphore_mem>>
      %dma_wait3A_388 = tpu.memref_squeeze %dma_wait3A_387 : memref<1x!tpu.dma_semaphore, #tpu.memory_space<semaphore_mem>> -> memref<!tpu.dma_semaphore, #tpu.memory_space<semaphore_mem>>
      tpu.wait_indirect_dma semaphore(%dma_wait3A_388 : memref<!tpu.dma_semaphore, #tpu.memory_space<semaphore_mem>>) src(%dma_wait3A_386 : memref<10000x64xi32, #tpu.memory_space<hbm>>) dst(%dma_wait3A_382 : memref<128x64xi32, #tpu.memory_space<vmem>>)
      %mul3A_389 = arith.constant 128 : i32
      %mul3A_390 = arith.muli %add3A_374, %mul3A_389 : i32
      %add3A_391 = arith.addi %mul3A_2, %mul3A_390 : i32
      %dma_start3A_392 = arith.constant 2 : i32
      %dma_start3A_393 = arith.constant 2 : i32
      %dma_start3A_394 = arith.constant 0 : i32
      %dma_start3A_395 = arith.constant 0 : i32
      %dma_start3A_396 = tpu.memref_slice %arg6[%dma_start3A_392, %dma_start3A_394, %dma_start3A_395] : memref<3x128x64xi32, #tpu.memory_space<vmem>> -> memref<1x128x64xi32, #tpu.memory_space<vmem>>
      %dma_start3A_397 = tpu.memref_squeeze %dma_start3A_396 : memref<1x128x64xi32, #tpu.memory_space<vmem>> -> memref<128x64xi32, #tpu.memory_space<vmem>>
      %dma_start3A_398 = arith.constant 0 : i32
      %dma_start3A_399 = tpu.memref_slice %arg4[%add3A_391, %dma_start3A_398] : memref<320000x64xi32, #tpu.memory_space<hbm>> -> memref<128x64xi32, #tpu.memory_space<hbm>>
      %dma_start3A_400 = tpu.memref_slice %arg8[%dma_start3A_393] : memref<3x!tpu.dma_semaphore, #tpu.memory_space<semaphore_mem>> -> memref<1x!tpu.dma_semaphore, #tpu.memory_space<semaphore_mem>>
      %dma_start3A_401 = tpu.memref_squeeze %dma_start3A_400 : memref<1x!tpu.dma_semaphore, #tpu.memory_space<semaphore_mem>> -> memref<!tpu.dma_semaphore, #tpu.memory_space<semaphore_mem>>
      %dma_start3A_402 = arith.constant 0 : i32
      %dma_start3A_403 = tpu.memref_slice %arg4[%add3A_391, %dma_start3A_402] : memref<320000x64xi32, #tpu.memory_space<hbm>> -> memref<128x64xi32, #tpu.memory_space<hbm>>
      %dma_start3A_404 = arith.constant 0 : i32
      %dma_start3A_405 = arith.constant 0 : i32
      %dma_start3A_406 = tpu.memref_slice %arg6[%dma_start3A_392, %dma_start3A_404, %dma_start3A_405] : memref<3x128x64xi32, #tpu.memory_space<vmem>> -> memref<1x128x64xi32, #tpu.memory_space<vmem>>
      %dma_start3A_407 = tpu.memref_squeeze %dma_start3A_406 : memref<1x128x64xi32, #tpu.memory_space<vmem>> -> memref<128x64xi32, #tpu.memory_space<vmem>>
      tpu.enqueue_dma source(%dma_start3A_407 : memref<128x64xi32, #tpu.memory_space<vmem>>) target(%dma_start3A_403 : memref<128x64xi32, #tpu.memory_space<hbm>>) target_semaphore(%dma_start3A_401 : memref<!tpu.dma_semaphore, #tpu.memory_space<semaphore_mem>>)
      %add3A_408 = arith.constant 2 : i32
      %add3A_409 = arith.addi %add3A_374, %add3A_408 : i32
      %lt3A_410 = arith.constant 78 : i32
      %lt3A_411 = arith.cmpi slt, %add3A_409, %lt3A_410 : i32
      %convert_element_type3A_412 = arith.extui %lt3A_411 : i1 to i32
      %cond3A_413 = arith.constant 0 : i32
      %cond3A_414 = arith.cmpi ne, %convert_element_type3A_412, %cond3A_413 : i32
      scf.if %cond3A_414 {
        %sub3A = arith.constant 3 : i32
        %sub3A_415 = arith.subi %add3A_409, %sub3A : i32
        %mul3A_416 = arith.constant 128 : i32
        %mul3A_417 = arith.muli %sub3A_415, %mul3A_416 : i32
        %add3A_418 = arith.addi %mul3A_2, %mul3A_417 : i32
        %dma_wait3A_419 = arith.constant 1 : i32
        %dma_wait3A_420 = arith.constant 1 : i32
        %dma_wait3A_421 = arith.constant 0 : i32
        %dma_wait3A_422 = arith.constant 0 : i32
        %dma_wait3A_423 = tpu.memref_slice %arg6[%dma_wait3A_419, %dma_wait3A_421, %dma_wait3A_422] : memref<3x128x64xi32, #tpu.memory_space<vmem>> -> memref<1x128x64xi32, #tpu.memory_space<vmem>>
        %dma_wait3A_424 = tpu.memref_squeeze %dma_wait3A_423 : memref<1x128x64xi32, #tpu.memory_space<vmem>> -> memref<128x64xi32, #tpu.memory_space<vmem>>
        %dma_wait3A_425 = arith.constant 0 : i32
        %dma_wait3A_426 = tpu.memref_slice %arg4[%add3A_418, %dma_wait3A_425] : memref<320000x64xi32, #tpu.memory_space<hbm>> -> memref<128x64xi32, #tpu.memory_space<hbm>>
        %dma_wait3A_427 = tpu.memref_slice %arg8[%dma_wait3A_420] : memref<3x!tpu.dma_semaphore, #tpu.memory_space<semaphore_mem>> -> memref<1x!tpu.dma_semaphore, #tpu.memory_space<semaphore_mem>>
        %dma_wait3A_428 = tpu.memref_squeeze %dma_wait3A_427 : memref<1x!tpu.dma_semaphore, #tpu.memory_space<semaphore_mem>> -> memref<!tpu.dma_semaphore, #tpu.memory_space<semaphore_mem>>
        %dma_wait3A_429 = arith.constant 0 : i32
        %dma_wait3A_430 = tpu.memref_slice %arg4[%add3A_418, %dma_wait3A_429] : memref<320000x64xi32, #tpu.memory_space<hbm>> -> memref<128x64xi32, #tpu.memory_space<hbm>>
        %dma_wait3A_431 = arith.constant 0 : i32
        %dma_wait3A_432 = arith.constant 0 : i32
        %dma_wait3A_433 = tpu.memref_slice %arg6[%dma_wait3A_419, %dma_wait3A_431, %dma_wait3A_432] : memref<3x128x64xi32, #tpu.memory_space<vmem>> -> memref<1x128x64xi32, #tpu.memory_space<vmem>>
        %dma_wait3A_434 = tpu.memref_squeeze %dma_wait3A_433 : memref<1x128x64xi32, #tpu.memory_space<vmem>> -> memref<128x64xi32, #tpu.memory_space<vmem>>
        tpu.wait_dma2 semaphore(%dma_wait3A_428 : memref<!tpu.dma_semaphore, #tpu.memory_space<semaphore_mem>>) src(%dma_wait3A_434 : memref<128x64xi32, #tpu.memory_space<vmem>>) dst(%dma_wait3A_430 : memref<128x64xi32, #tpu.memory_space<hbm>>)
        %mul3A_435 = arith.constant 128 : i32
        %mul3A_436 = arith.muli %add3A_409, %mul3A_435 : i32
        %dma_start3A_437 = arith.constant 1 : i32
        %dma_start3A_438 = arith.constant 1 : i32
        %dma_start3A_439 = arith.constant 0 : i32
        %dma_start3A_440 = arith.constant 0 : i32
        %dma_start3A_441 = tpu.memref_slice %arg6[%dma_start3A_437, %dma_start3A_439, %dma_start3A_440] : memref<3x128x64xi32, #tpu.memory_space<vmem>> -> memref<1x128x64xi32, #tpu.memory_space<vmem>>
        %dma_start3A_442 = tpu.memref_squeeze %dma_start3A_441 : memref<1x128x64xi32, #tpu.memory_space<vmem>> -> memref<128x64xi32, #tpu.memory_space<vmem>>
        %dma_start3A_443 = tpu.memref_slice %arg5[%mul3A_436] : memref<10000xi32, #tpu.memory_space<vmem>> -> memref<128xi32, #tpu.memory_space<vmem>>
        %dma_start3A_444 = arith.constant 0 : i32
        %dma_start3A_445 = arith.constant 0 : i32
        %dma_start3A_446 = tpu.memref_slice %arg2[%dma_start3A_444, %dma_start3A_445] : memref<10000x64xi32, #tpu.memory_space<hbm>> -> memref<10000x64xi32, #tpu.memory_space<hbm>>
        %dma_start3A_447 = tpu.memref_slice %arg7[%dma_start3A_438] : memref<3x!tpu.dma_semaphore, #tpu.memory_space<semaphore_mem>> -> memref<1x!tpu.dma_semaphore, #tpu.memory_space<semaphore_mem>>
        %dma_start3A_448 = tpu.memref_squeeze %dma_start3A_447 : memref<1x!tpu.dma_semaphore, #tpu.memory_space<semaphore_mem>> -> memref<!tpu.dma_semaphore, #tpu.memory_space<semaphore_mem>>
        tpu.enqueue_indirect_dma source(%dma_start3A_446 : memref<10000x64xi32, #tpu.memory_space<hbm>>) target(%dma_start3A_442 : memref<128x64xi32, #tpu.memory_space<vmem>>) offsets(%dma_start3A_443 : memref<128xi32, #tpu.memory_space<vmem>>) semaphore(%dma_start3A_448 : memref<!tpu.dma_semaphore, #tpu.memory_space<semaphore_mem>>)
      } else {
      }
    }
    %scan3A_198 = arith.constant 25 : i32
    %add3A_199 = arith.constant 9600 : i32
    %add3A_200 = arith.addi %mul3A_2, %add3A_199 : i32
    %dma_wait3A_201 = arith.constant 0 : i32
    %dma_wait3A_202 = arith.constant 0 : i32
    %dma_wait3A_203 = arith.constant 0 : i32
    %dma_wait3A_204 = arith.constant 0 : i32
    %dma_wait3A_205 = tpu.memref_slice %arg6[%dma_wait3A_201, %dma_wait3A_203, %dma_wait3A_204] : memref<3x128x64xi32, #tpu.memory_space<vmem>> -> memref<1x128x64xi32, #tpu.memory_space<vmem>>
    %dma_wait3A_206 = tpu.memref_squeeze %dma_wait3A_205 : memref<1x128x64xi32, #tpu.memory_space<vmem>> -> memref<128x64xi32, #tpu.memory_space<vmem>>
    %dma_wait3A_207 = arith.constant 0 : i32
    %dma_wait3A_208 = tpu.memref_slice %arg4[%add3A_200, %dma_wait3A_207] : memref<320000x64xi32, #tpu.memory_space<hbm>> -> memref<128x64xi32, #tpu.memory_space<hbm>>
    %dma_wait3A_209 = tpu.memref_slice %arg8[%dma_wait3A_202] : memref<3x!tpu.dma_semaphore, #tpu.memory_space<semaphore_mem>> -> memref<1x!tpu.dma_semaphore, #tpu.memory_space<semaphore_mem>>
    %dma_wait3A_210 = tpu.memref_squeeze %dma_wait3A_209 : memref<1x!tpu.dma_semaphore, #tpu.memory_space<semaphore_mem>> -> memref<!tpu.dma_semaphore, #tpu.memory_space<semaphore_mem>>
    %dma_wait3A_211 = arith.constant 0 : i32
    %dma_wait3A_212 = tpu.memref_slice %arg4[%add3A_200, %dma_wait3A_211] : memref<320000x64xi32, #tpu.memory_space<hbm>> -> memref<128x64xi32, #tpu.memory_space<hbm>>
    %dma_wait3A_213 = arith.constant 0 : i32
    %dma_wait3A_214 = arith.constant 0 : i32
    %dma_wait3A_215 = tpu.memref_slice %arg6[%dma_wait3A_201, %dma_wait3A_213, %dma_wait3A_214] : memref<3x128x64xi32, #tpu.memory_space<vmem>> -> memref<1x128x64xi32, #tpu.memory_space<vmem>>
    %dma_wait3A_216 = tpu.memref_squeeze %dma_wait3A_215 : memref<1x128x64xi32, #tpu.memory_space<vmem>> -> memref<128x64xi32, #tpu.memory_space<vmem>>
    tpu.wait_dma2 semaphore(%dma_wait3A_210 : memref<!tpu.dma_semaphore, #tpu.memory_space<semaphore_mem>>) src(%dma_wait3A_216 : memref<128x64xi32, #tpu.memory_space<vmem>>) dst(%dma_wait3A_212 : memref<128x64xi32, #tpu.memory_space<hbm>>)
    %add3A_217 = arith.constant 9728 : i32
    %add3A_218 = arith.addi %mul3A_2, %add3A_217 : i32
    %dma_wait3A_219 = arith.constant 1 : i32
    %dma_wait3A_220 = arith.constant 1 : i32
    %dma_wait3A_221 = arith.constant 0 : i32
    %dma_wait3A_222 = arith.constant 0 : i32
    %dma_wait3A_223 = tpu.memref_slice %arg6[%dma_wait3A_219, %dma_wait3A_221, %dma_wait3A_222] : memref<3x128x64xi32, #tpu.memory_space<vmem>> -> memref<1x128x64xi32, #tpu.memory_space<vmem>>
    %dma_wait3A_224 = tpu.memref_squeeze %dma_wait3A_223 : memref<1x128x64xi32, #tpu.memory_space<vmem>> -> memref<128x64xi32, #tpu.memory_space<vmem>>
    %dma_wait3A_225 = arith.constant 0 : i32
    %dma_wait3A_226 = tpu.memref_slice %arg4[%add3A_218, %dma_wait3A_225] : memref<320000x64xi32, #tpu.memory_space<hbm>> -> memref<128x64xi32, #tpu.memory_space<hbm>>
    %dma_wait3A_227 = tpu.memref_slice %arg8[%dma_wait3A_220] : memref<3x!tpu.dma_semaphore, #tpu.memory_space<semaphore_mem>> -> memref<1x!tpu.dma_semaphore, #tpu.memory_space<semaphore_mem>>
    %dma_wait3A_228 = tpu.memref_squeeze %dma_wait3A_227 : memref<1x!tpu.dma_semaphore, #tpu.memory_space<semaphore_mem>> -> memref<!tpu.dma_semaphore, #tpu.memory_space<semaphore_mem>>
    %dma_wait3A_229 = arith.constant 0 : i32
    %dma_wait3A_230 = tpu.memref_slice %arg4[%add3A_218, %dma_wait3A_229] : memref<320000x64xi32, #tpu.memory_space<hbm>> -> memref<128x64xi32, #tpu.memory_space<hbm>>
    %dma_wait3A_231 = arith.constant 0 : i32
    %dma_wait3A_232 = arith.constant 0 : i32
    %dma_wait3A_233 = tpu.memref_slice %arg6[%dma_wait3A_219, %dma_wait3A_231, %dma_wait3A_232] : memref<3x128x64xi32, #tpu.memory_space<vmem>> -> memref<1x128x64xi32, #tpu.memory_space<vmem>>
    %dma_wait3A_234 = tpu.memref_squeeze %dma_wait3A_233 : memref<1x128x64xi32, #tpu.memory_space<vmem>> -> memref<128x64xi32, #tpu.memory_space<vmem>>
    tpu.wait_dma2 semaphore(%dma_wait3A_228 : memref<!tpu.dma_semaphore, #tpu.memory_space<semaphore_mem>>) src(%dma_wait3A_234 : memref<128x64xi32, #tpu.memory_space<vmem>>) dst(%dma_wait3A_230 : memref<128x64xi32, #tpu.memory_space<hbm>>)
    %add3A_235 = arith.constant 9856 : i32
    %add3A_236 = arith.addi %mul3A_2, %add3A_235 : i32
    %dma_wait3A_237 = arith.constant 2 : i32
    %dma_wait3A_238 = arith.constant 2 : i32
    %dma_wait3A_239 = arith.constant 0 : i32
    %dma_wait3A_240 = arith.constant 0 : i32
    %dma_wait3A_241 = tpu.memref_slice %arg6[%dma_wait3A_237, %dma_wait3A_239, %dma_wait3A_240] : memref<3x128x64xi32, #tpu.memory_space<vmem>> -> memref<1x128x64xi32, #tpu.memory_space<vmem>>
    %dma_wait3A_242 = tpu.memref_squeeze %dma_wait3A_241 : memref<1x128x64xi32, #tpu.memory_space<vmem>> -> memref<128x64xi32, #tpu.memory_space<vmem>>
    %dma_wait3A_243 = arith.constant 0 : i32
    %dma_wait3A_244 = tpu.memref_slice %arg4[%add3A_236, %dma_wait3A_243] : memref<320000x64xi32, #tpu.memory_space<hbm>> -> memref<128x64xi32, #tpu.memory_space<hbm>>
    %dma_wait3A_245 = tpu.memref_slice %arg8[%dma_wait3A_238] : memref<3x!tpu.dma_semaphore, #tpu.memory_space<semaphore_mem>> -> memref<1x!tpu.dma_semaphore, #tpu.memory_space<semaphore_mem>>
    %dma_wait3A_246 = tpu.memref_squeeze %dma_wait3A_245 : memref<1x!tpu.dma_semaphore, #tpu.memory_space<semaphore_mem>> -> memref<!tpu.dma_semaphore, #tpu.memory_space<semaphore_mem>>
    %dma_wait3A_247 = arith.constant 0 : i32
    %dma_wait3A_248 = tpu.memref_slice %arg4[%add3A_236, %dma_wait3A_247] : memref<320000x64xi32, #tpu.memory_space<hbm>> -> memref<128x64xi32, #tpu.memory_space<hbm>>
    %dma_wait3A_249 = arith.constant 0 : i32
    %dma_wait3A_250 = arith.constant 0 : i32
    %dma_wait3A_251 = tpu.memref_slice %arg6[%dma_wait3A_237, %dma_wait3A_249, %dma_wait3A_250] : memref<3x128x64xi32, #tpu.memory_space<vmem>> -> memref<1x128x64xi32, #tpu.memory_space<vmem>>
    %dma_wait3A_252 = tpu.memref_squeeze %dma_wait3A_251 : memref<1x128x64xi32, #tpu.memory_space<vmem>> -> memref<128x64xi32, #tpu.memory_space<vmem>>
    tpu.wait_dma2 semaphore(%dma_wait3A_246 : memref<!tpu.dma_semaphore, #tpu.memory_space<semaphore_mem>>) src(%dma_wait3A_252 : memref<128x64xi32, #tpu.memory_space<vmem>>) dst(%dma_wait3A_248 : memref<128x64xi32, #tpu.memory_space<hbm>>)
    %add3A_253 = arith.constant 9984 : i32
    %add3A_254 = arith.addi %mul3A_2, %add3A_253 : i32
    %dma_start3A_255 = arith.constant 0 : i32
    %dma_start3A_256 = arith.constant 0 : i32
    %dma_start3A_257 = arith.constant 0 : i32
    %dma_start3A_258 = arith.constant 0 : i32
    %dma_start3A_259 = tpu.memref_slice %arg6[%dma_start3A_255, %dma_start3A_257, %dma_start3A_258] : memref<3x128x64xi32, #tpu.memory_space<vmem>> -> memref<1x128x64xi32, #tpu.memory_space<vmem>>
    %dma_start3A_260 = tpu.memref_squeeze %dma_start3A_259 : memref<1x128x64xi32, #tpu.memory_space<vmem>> -> memref<128x64xi32, #tpu.memory_space<vmem>>
    %dma_start3A_261 = arith.constant 0 : i32
    %dma_start3A_262 = arith.constant 0 : i32
    %dma_start3A_263 = tpu.memref_slice %dma_start3A_260[%dma_start3A_261, %dma_start3A_262] : memref<128x64xi32, #tpu.memory_space<vmem>> -> memref<16x64xi32, #tpu.memory_space<vmem>>
    %dma_start3A_264 = arith.constant 9984 : i32
    %dma_start3A_265 = tpu.memref_slice %arg5[%dma_start3A_264] : memref<10000xi32, #tpu.memory_space<vmem>> -> memref<16xi32, #tpu.memory_space<vmem>>
    %dma_start3A_266 = arith.constant 0 : i32
    %dma_start3A_267 = arith.constant 0 : i32
    %dma_start3A_268 = tpu.memref_slice %arg2[%dma_start3A_266, %dma_start3A_267] : memref<10000x64xi32, #tpu.memory_space<hbm>> -> memref<10000x64xi32, #tpu.memory_space<hbm>>
    %dma_start3A_269 = tpu.memref_slice %arg7[%dma_start3A_256] : memref<3x!tpu.dma_semaphore, #tpu.memory_space<semaphore_mem>> -> memref<1x!tpu.dma_semaphore, #tpu.memory_space<semaphore_mem>>
    %dma_start3A_270 = tpu.memref_squeeze %dma_start3A_269 : memref<1x!tpu.dma_semaphore, #tpu.memory_space<semaphore_mem>> -> memref<!tpu.dma_semaphore, #tpu.memory_space<semaphore_mem>>
    tpu.enqueue_indirect_dma source(%dma_start3A_268 : memref<10000x64xi32, #tpu.memory_space<hbm>>) target(%dma_start3A_263 : memref<16x64xi32, #tpu.memory_space<vmem>>) offsets(%dma_start3A_265 : memref<16xi32, #tpu.memory_space<vmem>>) semaphore(%dma_start3A_270 : memref<!tpu.dma_semaphore, #tpu.memory_space<semaphore_mem>>)
    %dma_wait3A_271 = arith.constant 0 : i32
    %dma_wait3A_272 = arith.constant 0 : i32
    %dma_wait3A_273 = arith.constant 0 : i32
    %dma_wait3A_274 = arith.constant 0 : i32
    %dma_wait3A_275 = tpu.memref_slice %arg6[%dma_wait3A_271, %dma_wait3A_273, %dma_wait3A_274] : memref<3x128x64xi32, #tpu.memory_space<vmem>> -> memref<1x128x64xi32, #tpu.memory_space<vmem>>
    %dma_wait3A_276 = tpu.memref_squeeze %dma_wait3A_275 : memref<1x128x64xi32, #tpu.memory_space<vmem>> -> memref<128x64xi32, #tpu.memory_space<vmem>>
    %dma_wait3A_277 = arith.constant 0 : i32
    %dma_wait3A_278 = arith.constant 0 : i32
    %dma_wait3A_279 = tpu.memref_slice %dma_wait3A_276[%dma_wait3A_277, %dma_wait3A_278] : memref<128x64xi32, #tpu.memory_space<vmem>> -> memref<16x64xi32, #tpu.memory_space<vmem>>
    %dma_wait3A_280 = arith.constant 9984 : i32
    %dma_wait3A_281 = tpu.memref_slice %arg5[%dma_wait3A_280] : memref<10000xi32, #tpu.memory_space<vmem>> -> memref<16xi32, #tpu.memory_space<vmem>>
    %dma_wait3A_282 = arith.constant 0 : i32
    %dma_wait3A_283 = arith.constant 0 : i32
    %dma_wait3A_284 = tpu.memref_slice %arg2[%dma_wait3A_282, %dma_wait3A_283] : memref<10000x64xi32, #tpu.memory_space<hbm>> -> memref<10000x64xi32, #tpu.memory_space<hbm>>
    %dma_wait3A_285 = tpu.memref_slice %arg7[%dma_wait3A_272] : memref<3x!tpu.dma_semaphore, #tpu.memory_space<semaphore_mem>> -> memref<1x!tpu.dma_semaphore, #tpu.memory_space<semaphore_mem>>
    %dma_wait3A_286 = tpu.memref_squeeze %dma_wait3A_285 : memref<1x!tpu.dma_semaphore, #tpu.memory_space<semaphore_mem>> -> memref<!tpu.dma_semaphore, #tpu.memory_space<semaphore_mem>>
    tpu.wait_indirect_dma semaphore(%dma_wait3A_286 : memref<!tpu.dma_semaphore, #tpu.memory_space<semaphore_mem>>) src(%dma_wait3A_284 : memref<10000x64xi32, #tpu.memory_space<hbm>>) dst(%dma_wait3A_279 : memref<16x64xi32, #tpu.memory_space<vmem>>)
    %run_scoped3A = arith.constant 0 : i32
    "tpu.region"() ({
      %run_scoped3A_287 = tpu.sem_alloc : memref<!tpu.dma_semaphore, #tpu.memory_space<semaphore_mem>>
      %dma_start3A_288 = arith.constant 0 : i32
      %dma_start3A_289 = arith.constant 0 : i32
      %dma_start3A_290 = tpu.memref_slice %arg6[%run_scoped3A, %dma_start3A_288, %dma_start3A_289] : memref<3x128x64xi32, #tpu.memory_space<vmem>> -> memref<1x128x64xi32, #tpu.memory_space<vmem>>
      %dma_start3A_291 = tpu.memref_squeeze %dma_start3A_290 : memref<1x128x64xi32, #tpu.memory_space<vmem>> -> memref<128x64xi32, #tpu.memory_space<vmem>>
      %dma_start3A_292 = arith.constant 0 : i32
      %dma_start3A_293 = arith.constant 0 : i32
      %dma_start3A_294 = tpu.memref_slice %dma_start3A_291[%dma_start3A_292, %dma_start3A_293] : memref<128x64xi32, #tpu.memory_space<vmem>> -> memref<16x64xi32, #tpu.memory_space<vmem>>
      %dma_start3A_295 = arith.constant 0 : i32
      %dma_start3A_296 = tpu.memref_slice %arg4[%add3A_254, %dma_start3A_295] : memref<320000x64xi32, #tpu.memory_space<hbm>> -> memref<16x64xi32, #tpu.memory_space<hbm>>
      %dma_start3A_297 = arith.constant 0 : i32
      %dma_start3A_298 = tpu.memref_slice %arg4[%add3A_254, %dma_start3A_297] : memref<320000x64xi32, #tpu.memory_space<hbm>> -> memref<16x64xi32, #tpu.memory_space<hbm>>
      %dma_start3A_299 = arith.constant 0 : i32
      %dma_start3A_300 = arith.constant 0 : i32
      %dma_start3A_301 = tpu.memref_slice %arg6[%run_scoped3A, %dma_start3A_299, %dma_start3A_300] : memref<3x128x64xi32, #tpu.memory_space<vmem>> -> memref<1x128x64xi32, #tpu.memory_space<vmem>>
      %dma_start3A_302 = tpu.memref_squeeze %dma_start3A_301 : memref<1x128x64xi32, #tpu.memory_space<vmem>> -> memref<128x64xi32, #tpu.memory_space<vmem>>
      %dma_start3A_303 = arith.constant 0 : i32
      %dma_start3A_304 = arith.constant 0 : i32
      %dma_start3A_305 = tpu.memref_slice %dma_start3A_302[%dma_start3A_303, %dma_start3A_304] : memref<128x64xi32, #tpu.memory_space<vmem>> -> memref<16x64xi32, #tpu.memory_space<vmem>>
      tpu.enqueue_dma source(%dma_start3A_305 : memref<16x64xi32, #tpu.memory_space<vmem>>) target(%dma_start3A_298 : memref<16x64xi32, #tpu.memory_space<hbm>>) target_semaphore(%run_scoped3A_287 : memref<!tpu.dma_semaphore, #tpu.memory_space<semaphore_mem>>)
      %dma_wait3A_306 = arith.constant 0 : i32
      %dma_wait3A_307 = arith.constant 0 : i32
      %dma_wait3A_308 = tpu.memref_slice %arg6[%run_scoped3A, %dma_wait3A_306, %dma_wait3A_307] : memref<3x128x64xi32, #tpu.memory_space<vmem>> -> memref<1x128x64xi32, #tpu.memory_space<vmem>>
      %dma_wait3A_309 = tpu.memref_squeeze %dma_wait3A_308 : memref<1x128x64xi32, #tpu.memory_space<vmem>> -> memref<128x64xi32, #tpu.memory_space<vmem>>
      %dma_wait3A_310 = arith.constant 0 : i32
      %dma_wait3A_311 = arith.constant 0 : i32
      %dma_wait3A_312 = tpu.memref_slice %dma_wait3A_309[%dma_wait3A_310, %dma_wait3A_311] : memref<128x64xi32, #tpu.memory_space<vmem>> -> memref<16x64xi32, #tpu.memory_space<vmem>>
      %dma_wait3A_313 = arith.constant 0 : i32
      %dma_wait3A_314 = tpu.memref_slice %arg4[%add3A_254, %dma_wait3A_313] : memref<320000x64xi32, #tpu.memory_space<hbm>> -> memref<16x64xi32, #tpu.memory_space<hbm>>
      %dma_wait3A_315 = arith.constant 0 : i32
      %dma_wait3A_316 = tpu.memref_slice %arg4[%add3A_254, %dma_wait3A_315] : memref<320000x64xi32, #tpu.memory_space<hbm>> -> memref<16x64xi32, #tpu.memory_space<hbm>>
      %dma_wait3A_317 = arith.constant 0 : i32
      %dma_wait3A_318 = arith.constant 0 : i32
      %dma_wait3A_319 = tpu.memref_slice %arg6[%run_scoped3A, %dma_wait3A_317, %dma_wait3A_318] : memref<3x128x64xi32, #tpu.memory_space<vmem>> -> memref<1x128x64xi32, #tpu.memory_space<vmem>>
      %dma_wait3A_320 = tpu.memref_squeeze %dma_wait3A_319 : memref<1x128x64xi32, #tpu.memory_space<vmem>> -> memref<128x64xi32, #tpu.memory_space<vmem>>
      %dma_wait3A_321 = arith.constant 0 : i32
      %dma_wait3A_322 = arith.constant 0 : i32
      %dma_wait3A_323 = tpu.memref_slice %dma_wait3A_320[%dma_wait3A_321, %dma_wait3A_322] : memref<128x64xi32, #tpu.memory_space<vmem>> -> memref<16x64xi32, #tpu.memory_space<vmem>>
      tpu.wait_dma2 semaphore(%run_scoped3A_287 : memref<!tpu.dma_semaphore, #tpu.memory_space<semaphore_mem>>) src(%dma_wait3A_323 : memref<16x64xi32, #tpu.memory_space<vmem>>) dst(%dma_wait3A_316 : memref<16x64xi32, #tpu.memory_space<hbm>>)
      tpu.yield
    }) : () -> ()
    return
  }
}

module attributes {stable_mosaic.version = 14 : i64} {
  func.func @_mlp_body2(%arg0: i32, %arg1: memref<2000x128xf32, #tpu.memory_space<vmem>>, %arg2: memref<4x128x128xf32, #tpu.memory_space<vmem>>, %arg3: memref<4x128xf32, #tpu.memory_space<vmem>>, %arg4: memref<2000x128xf32, #tpu.memory_space<vmem>>, %arg5: memref<2000x128xbf16, #tpu.memory_space<vmem>>) attributes {dimension_semantics = [#tpu.dimension_semantics<arbitrary>], iteration_bounds = array<i64: 5>, scalar_prefetch = 0 : i64, scratch_operands = 0 : i64, tpu.core_type = #tpu.core_type<tc>, window_params = [{transform_indices = @transform_0, window_bounds = array<i64: 2000, 128>}, {pipeline_mode = #tpu.pipeline_mode<synchronous>, transform_indices = @transform_1, window_bounds = array<i64: 4, 128, 128>}, {pipeline_mode = #tpu.pipeline_mode<synchronous>, transform_indices = @transform_2, window_bounds = array<i64: 4, 128>}, {transform_indices = @transform_3, window_bounds = array<i64: 2000, 128>}, {transform_indices = @transform_4, window_bounds = array<i64: 2000, 128>}]} {
    %get3A = arith.constant 0 : index
    %get3A_0 = arith.constant 0 : index
    %get3A_1 = vector.load %arg1[%get3A, %get3A_0] : memref<2000x128xf32, #tpu.memory_space<vmem>>, vector<2000x128xf32>
    %get3A_2 = arith.constant 0 : index
    %get3A_3 = arith.constant 0 : index
    %get3A_4 = arith.constant 0 : index
    %get3A_5 = vector.load %arg2[%get3A_2, %get3A_3, %get3A_4] : memref<4x128x128xf32, #tpu.memory_space<vmem>>, vector<1x128x128xf32>
    %get3A_6 = vector.shape_cast %get3A_5 : vector<1x128x128xf32> to vector<128x128xf32>
    %dot_general3A = arith.constant dense<0.000000e+00> : vector<2000x128xf32>
    %dot_general3A_7 = tpu.matmul %get3A_1, %get3A_6, %dot_general3A {dimension_numbers = #tpu.dot_dimension_numbers<[1], [0], [0], [1], [0, 0, 1, 1], [], []>, transpose_lhs_hint = false} : vector<2000x128xf32>, vector<128x128xf32>, vector<2000x128xf32> -> vector<2000x128xf32>
    %get3A_8 = arith.constant 0 : index
    %get3A_9 = arith.constant 0 : index
    %get3A_10 = vector.load %arg3[%get3A_8, %get3A_9] : memref<4x128xf32, #tpu.memory_space<vmem>>, vector<1x128xf32>
    %get3A_11 = vector.shape_cast %get3A_10 : vector<1x128xf32> to vector<128xf32>
    %broadcast_in_dim3A = vector.shape_cast %get3A_11 : vector<128xf32> to vector<1x128xf32>
    %add3A = vector.broadcast %broadcast_in_dim3A : vector<1x128xf32> to vector<2000x128xf32>
    %add3A_12 = arith.addf %dot_general3A_7, %add3A : vector<2000x128xf32>
    %tanh3A = math.tanh %add3A_12 : vector<2000x128xf32>
    %get3A_13 = arith.constant 1 : index
    %get3A_14 = arith.constant 0 : index
    %get3A_15 = arith.constant 0 : index
    %get3A_16 = vector.load %arg2[%get3A_13, %get3A_14, %get3A_15] : memref<4x128x128xf32, #tpu.memory_space<vmem>>, vector<1x128x128xf32>
    %get3A_17 = vector.shape_cast %get3A_16 : vector<1x128x128xf32> to vector<128x128xf32>
    %dot_general3A_18 = arith.constant dense<0.000000e+00> : vector<2000x128xf32>
    %dot_general3A_19 = tpu.matmul %tanh3A, %get3A_17, %dot_general3A_18 {dimension_numbers = #tpu.dot_dimension_numbers<[1], [0], [0], [1], [0, 0, 1, 1], [], []>, transpose_lhs_hint = false} : vector<2000x128xf32>, vector<128x128xf32>, vector<2000x128xf32> -> vector<2000x128xf32>
    %get3A_20 = arith.constant 1 : index
    %get3A_21 = arith.constant 0 : index
    %get3A_22 = vector.load %arg3[%get3A_20, %get3A_21] : memref<4x128xf32, #tpu.memory_space<vmem>>, vector<1x128xf32>
    %get3A_23 = vector.shape_cast %get3A_22 : vector<1x128xf32> to vector<128xf32>
    %broadcast_in_dim3A_24 = vector.shape_cast %get3A_23 : vector<128xf32> to vector<1x128xf32>
    %add3A_25 = vector.broadcast %broadcast_in_dim3A_24 : vector<1x128xf32> to vector<2000x128xf32>
    %add3A_26 = arith.addf %dot_general3A_19, %add3A_25 : vector<2000x128xf32>
    %tanh3A_27 = math.tanh %add3A_26 : vector<2000x128xf32>
    %get3A_28 = arith.constant 2 : index
    %get3A_29 = arith.constant 0 : index
    %get3A_30 = arith.constant 0 : index
    %get3A_31 = vector.load %arg2[%get3A_28, %get3A_29, %get3A_30] : memref<4x128x128xf32, #tpu.memory_space<vmem>>, vector<1x128x128xf32>
    %get3A_32 = vector.shape_cast %get3A_31 : vector<1x128x128xf32> to vector<128x128xf32>
    %dot_general3A_33 = arith.constant dense<0.000000e+00> : vector<2000x128xf32>
    %dot_general3A_34 = tpu.matmul %tanh3A_27, %get3A_32, %dot_general3A_33 {dimension_numbers = #tpu.dot_dimension_numbers<[1], [0], [0], [1], [0, 0, 1, 1], [], []>, transpose_lhs_hint = false} : vector<2000x128xf32>, vector<128x128xf32>, vector<2000x128xf32> -> vector<2000x128xf32>
    %get3A_35 = arith.constant 2 : index
    %get3A_36 = arith.constant 0 : index
    %get3A_37 = vector.load %arg3[%get3A_35, %get3A_36] : memref<4x128xf32, #tpu.memory_space<vmem>>, vector<1x128xf32>
    %get3A_38 = vector.shape_cast %get3A_37 : vector<1x128xf32> to vector<128xf32>
    %broadcast_in_dim3A_39 = vector.shape_cast %get3A_38 : vector<128xf32> to vector<1x128xf32>
    %add3A_40 = vector.broadcast %broadcast_in_dim3A_39 : vector<1x128xf32> to vector<2000x128xf32>
    %add3A_41 = arith.addf %dot_general3A_34, %add3A_40 : vector<2000x128xf32>
    %tanh3A_42 = math.tanh %add3A_41 : vector<2000x128xf32>
    %get3A_43 = arith.constant 3 : index
    %get3A_44 = arith.constant 0 : index
    %get3A_45 = arith.constant 0 : index
    %get3A_46 = vector.load %arg2[%get3A_43, %get3A_44, %get3A_45] : memref<4x128x128xf32, #tpu.memory_space<vmem>>, vector<1x128x128xf32>
    %get3A_47 = vector.shape_cast %get3A_46 : vector<1x128x128xf32> to vector<128x128xf32>
    %dot_general3A_48 = arith.constant dense<0.000000e+00> : vector<2000x128xf32>
    %dot_general3A_49 = tpu.matmul %tanh3A_42, %get3A_47, %dot_general3A_48 {dimension_numbers = #tpu.dot_dimension_numbers<[1], [0], [0], [1], [0, 0, 1, 1], [], []>, transpose_lhs_hint = false} : vector<2000x128xf32>, vector<128x128xf32>, vector<2000x128xf32> -> vector<2000x128xf32>
    %get3A_50 = arith.constant 3 : index
    %get3A_51 = arith.constant 0 : index
    %get3A_52 = vector.load %arg3[%get3A_50, %get3A_51] : memref<4x128xf32, #tpu.memory_space<vmem>>, vector<1x128xf32>
    %get3A_53 = vector.shape_cast %get3A_52 : vector<1x128xf32> to vector<128xf32>
    %broadcast_in_dim3A_54 = vector.shape_cast %get3A_53 : vector<128xf32> to vector<1x128xf32>
    %add3A_55 = vector.broadcast %broadcast_in_dim3A_54 : vector<1x128xf32> to vector<2000x128xf32>
    %add3A_56 = arith.addf %dot_general3A_49, %add3A_55 : vector<2000x128xf32>
    %tanh3A_57 = math.tanh %add3A_56 : vector<2000x128xf32>
    %swap3A = arith.constant 0 : index
    %swap3A_58 = arith.constant 0 : index
    %swap3A_59 = vector.load %arg4[%swap3A, %swap3A_58] : memref<2000x128xf32, #tpu.memory_space<vmem>>, vector<2000x128xf32>
    tpu.vector_store %arg4[%swap3A, %swap3A_58], %tanh3A_57 {strides = array<i32>} : memref<2000x128xf32, #tpu.memory_space<vmem>>, vector<2000x128xf32>,
    %convert_element_type3A = arith.truncf %tanh3A_57 : vector<2000x128xf32> to vector<2000x128xbf16>
    %swap3A_60 = arith.constant 0 : index
    %swap3A_61 = arith.constant 0 : index
    %swap3A_62 = vector.load %arg5[%swap3A_60, %swap3A_61] : memref<2000x128xbf16, #tpu.memory_space<vmem>>, vector<2000x128xbf16>
    tpu.vector_store %arg5[%swap3A_60, %swap3A_61], %convert_element_type3A {strides = array<i32>} : memref<2000x128xbf16, #tpu.memory_space<vmem>>, vector<2000x128xbf16>,
    return
  }
  func.func @transform_0(%arg0: i32) -> (i32, i32) {
    %c0_i32 = arith.constant 0 : i32
    %c0_i32_0 = arith.constant 0 : i32
    return %arg0, %c0_i32 : i32, i32
  }
  func.func @transform_1(%arg0: i32) -> (i32, i32, i32) {
    %c0_i32 = arith.constant 0 : i32
    %c0_i32_0 = arith.constant 0 : i32
    %c0_i32_1 = arith.constant 0 : i32
    %c0_i32_2 = arith.constant 0 : i32
    return %c0_i32, %c0_i32_0, %c0_i32_1 : i32, i32, i32
  }
  func.func @transform_2(%arg0: i32) -> (i32, i32) {
    %c0_i32 = arith.constant 0 : i32
    %c0_i32_0 = arith.constant 0 : i32
    %c0_i32_1 = arith.constant 0 : i32
    return %c0_i32, %c0_i32_0 : i32, i32
  }
  func.func @transform_3(%arg0: i32) -> (i32, i32) {
    %c0_i32 = arith.constant 0 : i32
    %c0_i32_0 = arith.constant 0 : i32
    return %arg0, %c0_i32 : i32, i32
  }
  func.func @transform_4(%arg0: i32) -> (i32, i32) {
    %c0_i32 = arith.constant 0 : i32
    %c0_i32_0 = arith.constant 0 : i32
    return %arg0, %c0_i32 : i32, i32
  }
}

module attributes {stable_mosaic.version = 14 : i64} {
  func.func @_mlp_body(%arg0: i32, %arg1: memref<3200x128xf32, #tpu.memory_space<vmem>>, %arg2: memref<4x128x128xf32, #tpu.memory_space<vmem>>, %arg3: memref<4x128xf32, #tpu.memory_space<vmem>>, %arg4: memref<3200x128xf32, #tpu.memory_space<vmem>>) attributes {dimension_semantics = [#tpu.dimension_semantics<arbitrary>], iteration_bounds = array<i64: 100>, scalar_prefetch = 0 : i64, scratch_operands = 0 : i64, tpu.core_type = #tpu.core_type<tc>, window_params = [{transform_indices = @transform_0, window_bounds = array<i64: 3200, 128>}, {pipeline_mode = #tpu.pipeline_mode<synchronous>, transform_indices = @transform_1, window_bounds = array<i64: 4, 128, 128>}, {pipeline_mode = #tpu.pipeline_mode<synchronous>, transform_indices = @transform_2, window_bounds = array<i64: 4, 128>}, {transform_indices = @transform_3, window_bounds = array<i64: 3200, 128>}]} {
    %get3A = arith.constant 0 : index
    %get3A_0 = arith.constant 0 : index
    %get3A_1 = vector.load %arg1[%get3A, %get3A_0] : memref<3200x128xf32, #tpu.memory_space<vmem>>, vector<3200x128xf32>
    %get3A_2 = arith.constant 0 : index
    %get3A_3 = arith.constant 0 : index
    %get3A_4 = arith.constant 0 : index
    %get3A_5 = vector.load %arg2[%get3A_2, %get3A_3, %get3A_4] : memref<4x128x128xf32, #tpu.memory_space<vmem>>, vector<1x128x128xf32>
    %get3A_6 = vector.shape_cast %get3A_5 : vector<1x128x128xf32> to vector<128x128xf32>
    %dot_general3A = arith.constant dense<0.000000e+00> : vector<3200x128xf32>
    %dot_general3A_7 = tpu.matmul %get3A_1, %get3A_6, %dot_general3A {dimension_numbers = #tpu.dot_dimension_numbers<[1], [0], [0], [1], [0, 0, 1, 1], [], []>, transpose_lhs_hint = false} : vector<3200x128xf32>, vector<128x128xf32>, vector<3200x128xf32> -> vector<3200x128xf32>
    %get3A_8 = arith.constant 0 : index
    %get3A_9 = arith.constant 0 : index
    %get3A_10 = vector.load %arg3[%get3A_8, %get3A_9] : memref<4x128xf32, #tpu.memory_space<vmem>>, vector<1x128xf32>
    %get3A_11 = vector.shape_cast %get3A_10 : vector<1x128xf32> to vector<128xf32>
    %broadcast_in_dim3A = vector.shape_cast %get3A_11 : vector<128xf32> to vector<1x128xf32>
    %add3A = vector.broadcast %broadcast_in_dim3A : vector<1x128xf32> to vector<3200x128xf32>
    %add3A_12 = arith.addf %dot_general3A_7, %add3A : vector<3200x128xf32>
    %tanh3A = math.tanh %add3A_12 : vector<3200x128xf32>
    %get3A_13 = arith.constant 1 : index
    %get3A_14 = arith.constant 0 : index
    %get3A_15 = arith.constant 0 : index
    %get3A_16 = vector.load %arg2[%get3A_13, %get3A_14, %get3A_15] : memref<4x128x128xf32, #tpu.memory_space<vmem>>, vector<1x128x128xf32>
    %get3A_17 = vector.shape_cast %get3A_16 : vector<1x128x128xf32> to vector<128x128xf32>
    %dot_general3A_18 = arith.constant dense<0.000000e+00> : vector<3200x128xf32>
    %dot_general3A_19 = tpu.matmul %tanh3A, %get3A_17, %dot_general3A_18 {dimension_numbers = #tpu.dot_dimension_numbers<[1], [0], [0], [1], [0, 0, 1, 1], [], []>, transpose_lhs_hint = false} : vector<3200x128xf32>, vector<128x128xf32>, vector<3200x128xf32> -> vector<3200x128xf32>
    %get3A_20 = arith.constant 1 : index
    %get3A_21 = arith.constant 0 : index
    %get3A_22 = vector.load %arg3[%get3A_20, %get3A_21] : memref<4x128xf32, #tpu.memory_space<vmem>>, vector<1x128xf32>
    %get3A_23 = vector.shape_cast %get3A_22 : vector<1x128xf32> to vector<128xf32>
    %broadcast_in_dim3A_24 = vector.shape_cast %get3A_23 : vector<128xf32> to vector<1x128xf32>
    %add3A_25 = vector.broadcast %broadcast_in_dim3A_24 : vector<1x128xf32> to vector<3200x128xf32>
    %add3A_26 = arith.addf %dot_general3A_19, %add3A_25 : vector<3200x128xf32>
    %tanh3A_27 = math.tanh %add3A_26 : vector<3200x128xf32>
    %get3A_28 = arith.constant 2 : index
    %get3A_29 = arith.constant 0 : index
    %get3A_30 = arith.constant 0 : index
    %get3A_31 = vector.load %arg2[%get3A_28, %get3A_29, %get3A_30] : memref<4x128x128xf32, #tpu.memory_space<vmem>>, vector<1x128x128xf32>
    %get3A_32 = vector.shape_cast %get3A_31 : vector<1x128x128xf32> to vector<128x128xf32>
    %dot_general3A_33 = arith.constant dense<0.000000e+00> : vector<3200x128xf32>
    %dot_general3A_34 = tpu.matmul %tanh3A_27, %get3A_32, %dot_general3A_33 {dimension_numbers = #tpu.dot_dimension_numbers<[1], [0], [0], [1], [0, 0, 1, 1], [], []>, transpose_lhs_hint = false} : vector<3200x128xf32>, vector<128x128xf32>, vector<3200x128xf32> -> vector<3200x128xf32>
    %get3A_35 = arith.constant 2 : index
    %get3A_36 = arith.constant 0 : index
    %get3A_37 = vector.load %arg3[%get3A_35, %get3A_36] : memref<4x128xf32, #tpu.memory_space<vmem>>, vector<1x128xf32>
    %get3A_38 = vector.shape_cast %get3A_37 : vector<1x128xf32> to vector<128xf32>
    %broadcast_in_dim3A_39 = vector.shape_cast %get3A_38 : vector<128xf32> to vector<1x128xf32>
    %add3A_40 = vector.broadcast %broadcast_in_dim3A_39 : vector<1x128xf32> to vector<3200x128xf32>
    %add3A_41 = arith.addf %dot_general3A_34, %add3A_40 : vector<3200x128xf32>
    %tanh3A_42 = math.tanh %add3A_41 : vector<3200x128xf32>
    %get3A_43 = arith.constant 3 : index
    %get3A_44 = arith.constant 0 : index
    %get3A_45 = arith.constant 0 : index
    %get3A_46 = vector.load %arg2[%get3A_43, %get3A_44, %get3A_45] : memref<4x128x128xf32, #tpu.memory_space<vmem>>, vector<1x128x128xf32>
    %get3A_47 = vector.shape_cast %get3A_46 : vector<1x128x128xf32> to vector<128x128xf32>
    %dot_general3A_48 = arith.constant dense<0.000000e+00> : vector<3200x128xf32>
    %dot_general3A_49 = tpu.matmul %tanh3A_42, %get3A_47, %dot_general3A_48 {dimension_numbers = #tpu.dot_dimension_numbers<[1], [0], [0], [1], [0, 0, 1, 1], [], []>, transpose_lhs_hint = false} : vector<3200x128xf32>, vector<128x128xf32>, vector<3200x128xf32> -> vector<3200x128xf32>
    %get3A_50 = arith.constant 3 : index
    %get3A_51 = arith.constant 0 : index
    %get3A_52 = vector.load %arg3[%get3A_50, %get3A_51] : memref<4x128xf32, #tpu.memory_space<vmem>>, vector<1x128xf32>
    %get3A_53 = vector.shape_cast %get3A_52 : vector<1x128xf32> to vector<128xf32>
    %broadcast_in_dim3A_54 = vector.shape_cast %get3A_53 : vector<128xf32> to vector<1x128xf32>
    %add3A_55 = vector.broadcast %broadcast_in_dim3A_54 : vector<1x128xf32> to vector<3200x128xf32>
    %add3A_56 = arith.addf %dot_general3A_49, %add3A_55 : vector<3200x128xf32>
    %tanh3A_57 = math.tanh %add3A_56 : vector<3200x128xf32>
    %swap3A = arith.constant 0 : index
    %swap3A_58 = arith.constant 0 : index
    %swap3A_59 = vector.load %arg4[%swap3A, %swap3A_58] : memref<3200x128xf32, #tpu.memory_space<vmem>>, vector<3200x128xf32>
    tpu.vector_store %arg4[%swap3A, %swap3A_58], %tanh3A_57 {strides = array<i32>} : memref<3200x128xf32, #tpu.memory_space<vmem>>, vector<3200x128xf32>,
    return
  }
  func.func @transform_0(%arg0: i32) -> (i32, i32) {
    %c0_i32 = arith.constant 0 : i32
    %c0_i32_0 = arith.constant 0 : i32
    return %arg0, %c0_i32 : i32, i32
  }
  func.func @transform_1(%arg0: i32) -> (i32, i32, i32) {
    %c0_i32 = arith.constant 0 : i32
    %c0_i32_0 = arith.constant 0 : i32
    %c0_i32_1 = arith.constant 0 : i32
    %c0_i32_2 = arith.constant 0 : i32
    return %c0_i32, %c0_i32_0, %c0_i32_1 : i32, i32, i32
  }
  func.func @transform_2(%arg0: i32) -> (i32, i32) {
    %c0_i32 = arith.constant 0 : i32
    %c0_i32_0 = arith.constant 0 : i32
    %c0_i32_1 = arith.constant 0 : i32
    return %c0_i32, %c0_i32_0 : i32, i32
  }
  func.func @transform_3(%arg0: i32) -> (i32, i32) {
    %c0_i32 = arith.constant 0 : i32
    %c0_i32_0 = arith.constant 0 : i32
    return %arg0, %c0_i32 : i32, i32
  }
}

module attributes {stable_mosaic.version = 14 : i64} {
  func.func @_attn_body(%arg0: i32, %arg1: memref<3200x64xi32, #tpu.memory_space<vmem>>, %arg2: memref<3200x64xi32, #tpu.memory_space<vmem>>, %arg3: memref<3200x128xf32, #tpu.memory_space<vmem>>, %arg4: memref<3200x1xf32, #tpu.memory_space<vmem>>, %arg5: memref<1x1xf32, #tpu.memory_space<smem>>) attributes {dimension_semantics = [#tpu.dimension_semantics<arbitrary>], iteration_bounds = array<i64: 100>, scalar_prefetch = 0 : i64, scratch_operands = 0 : i64, tpu.core_type = #tpu.core_type<tc>, window_params = [{transform_indices = @transform_0, window_bounds = array<i64: 3200, 64>}, {transform_indices = @transform_1, window_bounds = array<i64: 3200, 64>}, {transform_indices = @transform_2, window_bounds = array<i64: 3200, 128>}, {transform_indices = @transform_3, window_bounds = array<i64: 3200, 1>}, {transform_indices = @transform_4, window_bounds = array<i64: 1, 1>}]} {
    %get3A = arith.constant 0 : index
    %get3A_0 = arith.constant 0 : index
    %get3A_1 = vector.load %arg1[%get3A, %get3A_0] : memref<3200x64xi32, #tpu.memory_space<vmem>>, vector<3200x64xi32>
    %and3A = arith.constant 65535 : i32
    %and3A_2 = vector.broadcast %and3A : i32 to vector<3200x64xi32>
    %and3A_3 = arith.andi %get3A_1, %and3A_2 : vector<3200x64xi32>
    %shift_left3A = arith.constant 16 : i32
    %shift_left3A_4 = vector.broadcast %shift_left3A : i32 to vector<3200x64xi32>
    %shift_left3A_5 = arith.shli %and3A_3, %shift_left3A_4 : vector<3200x64xi32>
    %bitcast_convert_type3A = tpu.bitcast %shift_left3A_5 : vector<3200x64xi32> -> vector<3200x64xf32>
    %and3A_6 = arith.constant -65536 : i32
    %and3A_7 = vector.broadcast %and3A_6 : i32 to vector<3200x64xi32>
    %and3A_8 = arith.andi %get3A_1, %and3A_7 : vector<3200x64xi32>
    %bitcast_convert_type3A_9 = tpu.bitcast %and3A_8 : vector<3200x64xi32> -> vector<3200x64xf32>
    %get3A_10 = arith.constant 0 : index
    %get3A_11 = arith.constant 0 : index
    %get3A_12 = vector.load %arg2[%get3A_10, %get3A_11] : memref<3200x64xi32, #tpu.memory_space<vmem>>, vector<3200x64xi32>
    %and3A_13 = arith.constant 65535 : i32
    %and3A_14 = vector.broadcast %and3A_13 : i32 to vector<3200x64xi32>
    %and3A_15 = arith.andi %get3A_12, %and3A_14 : vector<3200x64xi32>
    %shift_left3A_16 = arith.constant 16 : i32
    %shift_left3A_17 = vector.broadcast %shift_left3A_16 : i32 to vector<3200x64xi32>
    %shift_left3A_18 = arith.shli %and3A_15, %shift_left3A_17 : vector<3200x64xi32>
    %bitcast_convert_type3A_19 = tpu.bitcast %shift_left3A_18 : vector<3200x64xi32> -> vector<3200x64xf32>
    %and3A_20 = arith.constant -65536 : i32
    %and3A_21 = vector.broadcast %and3A_20 : i32 to vector<3200x64xi32>
    %and3A_22 = arith.andi %get3A_12, %and3A_21 : vector<3200x64xi32>
    %bitcast_convert_type3A_23 = tpu.bitcast %and3A_22 : vector<3200x64xi32> -> vector<3200x64xf32>
    %get3A_24 = arith.constant 0 : index
    %get3A_25 = arith.constant 0 : index
    %get3A_26 = vector.load %arg3[%get3A_24, %get3A_25] : memref<3200x128xf32, #tpu.memory_space<vmem>>, vector<3200x128xf32>
    %slice3A = vector.extract_strided_slice %get3A_26 {offsets = [0, 0], sizes = [3200, 64], strides = [1, 1]} : vector<3200x128xf32> to vector<3200x64xf32>
    %mul3A = arith.mulf %bitcast_convert_type3A, %slice3A : vector<3200x64xf32>
    %mul3A_27 = arith.mulf %mul3A, %bitcast_convert_type3A_19 : vector<3200x64xf32>
    %slice3A_28 = vector.extract_strided_slice %get3A_26 {offsets = [0, 64], sizes = [3200, 64], strides = [1, 1]} : vector<3200x128xf32> to vector<3200x64xf32>
    %mul3A_29 = arith.mulf %bitcast_convert_type3A_9, %slice3A_28 : vector<3200x64xf32>
    %mul3A_30 = arith.mulf %mul3A_29, %bitcast_convert_type3A_23 : vector<3200x64xf32>
    %add3A = arith.addf %mul3A_27, %mul3A_30 : vector<3200x64xf32>
    %reduce_sum3A = arith.constant dense<0.000000e+00> : vector<3200xf32>
    %reduce_sum3A_31 = vector.multi_reduction <add>, %add3A, %reduce_sum3A [1] : vector<3200x64xf32> to vector<3200xf32>
    %broadcast_in_dim3A = vector.shape_cast %reduce_sum3A_31 : vector<3200xf32> to vector<3200x1xf32>
    %swap3A = arith.constant 0 : index
    %swap3A_32 = arith.constant 0 : index
    %swap3A_33 = vector.load %arg4[%swap3A, %swap3A_32] : memref<3200x1xf32, #tpu.memory_space<vmem>>, vector<3200x1xf32>
    tpu.vector_store %arg4[%swap3A, %swap3A_32], %broadcast_in_dim3A {strides = array<i32>} : memref<3200x1xf32, #tpu.memory_space<vmem>>, vector<3200x1xf32>,
    %reduce_max3A = vector.shape_cast %broadcast_in_dim3A : vector<3200x1xf32> to vector<1x3200x1xf32>
    %reduce_max3A_34 = arith.constant dense<0xFF800000> : vector<1xf32>
    %reduce_max3A_35 = vector.multi_reduction <maximumf>, %reduce_max3A, %reduce_max3A_34 [1, 2] : vector<1x3200x1xf32> to vector<1xf32>
    %reduce_max3A_36 = vector.shape_cast %reduce_max3A_35 : vector<1xf32> to vector<1x1x1xf32>
    %reduce_max3A_37 = vector.extract %reduce_max3A_36[0, 0, 0] : f32 from vector<1x1x1xf32>
    %eq3A = arith.constant 0 : i32
    %eq3A_38 = arith.cmpi eq, %arg0, %eq3A : i32
    %convert_element_type3A = arith.extui %eq3A_38 : i1 to i32
    %cond3A = arith.constant 0 : i32
    %cond3A_39 = arith.cmpi ne, %convert_element_type3A, %cond3A : i32
    scf.if %cond3A_39 {
      %swap3A_44 = arith.constant 0 : index
      %swap3A_45 = arith.constant 0 : index
      %swap3A_46 = memref.load %arg5[%swap3A_44, %swap3A_45] : memref<1x1xf32, #tpu.memory_space<smem>>
      memref.store %reduce_max3A_37, %arg5[%swap3A_44, %swap3A_45] : memref<1x1xf32, #tpu.memory_space<smem>>
    } else {
    }
    %gt3A = arith.constant 0 : i32
    %gt3A_40 = arith.cmpi sgt, %arg0, %gt3A : i32
    %convert_element_type3A_41 = arith.extui %gt3A_40 : i1 to i32
    %cond3A_42 = arith.constant 0 : i32
    %cond3A_43 = arith.cmpi ne, %convert_element_type3A_41, %cond3A_42 : i32
    scf.if %cond3A_43 {
      %get3A_44 = arith.constant 0 : index
      %get3A_45 = arith.constant 0 : index
      %get3A_46 = memref.load %arg5[%get3A_44, %get3A_45] : memref<1x1xf32, #tpu.memory_space<smem>>
      %max3A = arith.maximumf %get3A_46, %reduce_max3A_37 : f32
      %swap3A_47 = arith.constant 0 : index
      %swap3A_48 = arith.constant 0 : index
      %swap3A_49 = memref.load %arg5[%swap3A_47, %swap3A_48] : memref<1x1xf32, #tpu.memory_space<smem>>
      memref.store %max3A, %arg5[%swap3A_47, %swap3A_48] : memref<1x1xf32, #tpu.memory_space<smem>>
    } else {
    }
    return
  }
  func.func @transform_0(%arg0: i32) -> (i32, i32) {
    %c0_i32 = arith.constant 0 : i32
    %c0_i32_0 = arith.constant 0 : i32
    return %arg0, %c0_i32 : i32, i32
  }
  func.func @transform_1(%arg0: i32) -> (i32, i32) {
    %c0_i32 = arith.constant 0 : i32
    %c0_i32_0 = arith.constant 0 : i32
    return %arg0, %c0_i32 : i32, i32
  }
  func.func @transform_2(%arg0: i32) -> (i32, i32) {
    %c0_i32 = arith.constant 0 : i32
    %c0_i32_0 = arith.constant 0 : i32
    return %arg0, %c0_i32 : i32, i32
  }
  func.func @transform_3(%arg0: i32) -> (i32, i32) {
    %c0_i32 = arith.constant 0 : i32
    %c0_i32_0 = arith.constant 0 : i32
    return %arg0, %c0_i32 : i32, i32
  }
  func.func @transform_4(%arg0: i32) -> (i32, i32) {
    %c0_i32 = arith.constant 0 : i32
    %c0_i32_0 = arith.constant 0 : i32
    %c0_i32_1 = arith.constant 0 : i32
    return %c0_i32, %c0_i32_0 : i32, i32
  }
}

module attributes {stable_mosaic.version = 14 : i64} {
  func.func @_pw_body(%arg0: i32, %arg1: memref<3200x1xf32, #tpu.memory_space<vmem>>, %arg2: memref<1x1xf32, #tpu.memory_space<smem>>, %arg3: memref<3200x64xi32, #tpu.memory_space<vmem>>, %arg4: memref<3200x128xf32, #tpu.memory_space<vmem>>, %arg5: memref<3200x1xf32, #tpu.memory_space<vmem>>) attributes {dimension_semantics = [#tpu.dimension_semantics<arbitrary>], iteration_bounds = array<i64: 100>, scalar_prefetch = 0 : i64, scratch_operands = 0 : i64, tpu.core_type = #tpu.core_type<tc>, window_params = [{transform_indices = @transform_0, window_bounds = array<i64: 3200, 1>}, {transform_indices = @transform_1, window_bounds = array<i64: 1, 1>}, {transform_indices = @transform_2, window_bounds = array<i64: 3200, 64>}, {transform_indices = @transform_3, window_bounds = array<i64: 3200, 128>}, {transform_indices = @transform_4, window_bounds = array<i64: 3200, 1>}]} {
    %get3A = arith.constant 0 : index
    %get3A_0 = arith.constant 0 : index
    %get3A_1 = vector.load %arg1[%get3A, %get3A_0] : memref<3200x1xf32, #tpu.memory_space<vmem>>, vector<3200x1xf32>
    %get3A_2 = arith.constant 0 : index
    %get3A_3 = arith.constant 0 : index
    %get3A_4 = memref.load %arg2[%get3A_2, %get3A_3] : memref<1x1xf32, #tpu.memory_space<smem>>
    %sub3A = vector.broadcast %get3A_4 : f32 to vector<3200x1xf32>
    %sub3A_5 = arith.subf %get3A_1, %sub3A : vector<3200x1xf32>
    %exp3A = math.exp %sub3A_5 : vector<3200x1xf32>
    %get3A_6 = arith.constant 0 : index
    %get3A_7 = arith.constant 0 : index
    %get3A_8 = vector.load %arg3[%get3A_6, %get3A_7] : memref<3200x64xi32, #tpu.memory_space<vmem>>, vector<3200x64xi32>
    %and3A = arith.constant 65535 : i32
    %and3A_9 = vector.broadcast %and3A : i32 to vector<3200x64xi32>
    %and3A_10 = arith.andi %get3A_8, %and3A_9 : vector<3200x64xi32>
    %shift_left3A = arith.constant 16 : i32
    %shift_left3A_11 = vector.broadcast %shift_left3A : i32 to vector<3200x64xi32>
    %shift_left3A_12 = arith.shli %and3A_10, %shift_left3A_11 : vector<3200x64xi32>
    %bitcast_convert_type3A = tpu.bitcast %shift_left3A_12 : vector<3200x64xi32> -> vector<3200x64xf32>
    %and3A_13 = arith.constant -65536 : i32
    %and3A_14 = vector.broadcast %and3A_13 : i32 to vector<3200x64xi32>
    %and3A_15 = arith.andi %get3A_8, %and3A_14 : vector<3200x64xi32>
    %bitcast_convert_type3A_16 = tpu.bitcast %and3A_15 : vector<3200x64xi32> -> vector<3200x64xf32>
    %mul3A = vector.broadcast %exp3A : vector<3200x1xf32> to vector<3200x64xf32>
    %mul3A_17 = arith.mulf %bitcast_convert_type3A, %mul3A : vector<3200x64xf32>
    %mul3A_18 = vector.broadcast %exp3A : vector<3200x1xf32> to vector<3200x64xf32>
    %mul3A_19 = arith.mulf %bitcast_convert_type3A_16, %mul3A_18 : vector<3200x64xf32>
    %concatenate3A = tpu.concatenate %mul3A_17, %mul3A_19 in 1 : vector<3200x64xf32>, vector<3200x64xf32> -> vector<3200x128xf32>
    %swap3A = arith.constant 0 : index
    %swap3A_20 = arith.constant 0 : index
    %swap3A_21 = vector.load %arg4[%swap3A, %swap3A_20] : memref<3200x128xf32, #tpu.memory_space<vmem>>, vector<3200x128xf32>
    tpu.vector_store %arg4[%swap3A, %swap3A_20], %concatenate3A {strides = array<i32>} : memref<3200x128xf32, #tpu.memory_space<vmem>>, vector<3200x128xf32>,
    %swap3A_22 = arith.constant 0 : index
    %swap3A_23 = arith.constant 0 : index
    %swap3A_24 = vector.load %arg5[%swap3A_22, %swap3A_23] : memref<3200x1xf32, #tpu.memory_space<vmem>>, vector<3200x1xf32>
    tpu.vector_store %arg5[%swap3A_22, %swap3A_23], %exp3A {strides = array<i32>} : memref<3200x1xf32, #tpu.memory_space<vmem>>, vector<3200x1xf32>,
    return
  }
  func.func @transform_0(%arg0: i32) -> (i32, i32) {
    %c0_i32 = arith.constant 0 : i32
    %c0_i32_0 = arith.constant 0 : i32
    return %arg0, %c0_i32 : i32, i32
  }
  func.func @transform_1(%arg0: i32) -> (i32, i32) {
    %c0_i32 = arith.constant 0 : i32
    %c0_i32_0 = arith.constant 0 : i32
    %c0_i32_1 = arith.constant 0 : i32
    return %c0_i32, %c0_i32_0 : i32, i32
  }
  func.func @transform_2(%arg0: i32) -> (i32, i32) {
    %c0_i32 = arith.constant 0 : i32
    %c0_i32_0 = arith.constant 0 : i32
    return %arg0, %c0_i32 : i32, i32
  }
  func.func @transform_3(%arg0: i32) -> (i32, i32) {
    %c0_i32 = arith.constant 0 : i32
    %c0_i32_0 = arith.constant 0 : i32
    return %arg0, %c0_i32 : i32, i32
  }
  func.func @transform_4(%arg0: i32) -> (i32, i32) {
    %c0_i32 = arith.constant 0 : i32
    %c0_i32_0 = arith.constant 0 : i32
    return %arg0, %c0_i32 : i32, i32
  }
}

module attributes {stable_mosaic.version = 14 : i64} {
  func.func @_scomb_body(%arg0: memref<32x10000xf32, #tpu.memory_space<vmem>>, %arg1: memref<10000x1xf32, #tpu.memory_space<vmem>>) attributes {dimension_semantics = [], scalar_prefetch = 0 : i64, scratch_operands = 0 : i64, tpu.core_type = #tpu.core_type<tc>} {
    %get3A = arith.constant 0 : index
    %get3A_0 = arith.constant 0 : index
    %get3A_1 = vector.load %arg0[%get3A, %get3A_0] : memref<32x10000xf32, #tpu.memory_space<vmem>>, vector<32x10000xf32>
    %broadcast_in_dim3A = arith.constant 1.000000e+00 : f32
    %broadcast_in_dim3A_2 = vector.broadcast %broadcast_in_dim3A : f32 to vector<32x1xf32>
    %dot_general3A = arith.constant dense<0.000000e+00> : vector<10000x1xf32>
    %dot_general3A_3 = tpu.matmul %get3A_1, %broadcast_in_dim3A_2, %dot_general3A {dimension_numbers = #tpu.dot_dimension_numbers<[0], [0], [1], [1], [0, 1, 1, 1], [], []>, transpose_lhs_hint = false} : vector<32x10000xf32>, vector<32x1xf32>, vector<10000x1xf32> -> vector<10000x1xf32>
    %swap3A = arith.constant 0 : index
    %swap3A_4 = arith.constant 0 : index
    %swap3A_5 = vector.load %arg1[%swap3A, %swap3A_4] : memref<10000x1xf32, #tpu.memory_space<vmem>>, vector<10000x1xf32>
    tpu.vector_store %arg1[%swap3A, %swap3A_4], %dot_general3A_3 {strides = array<i32>} : memref<10000x1xf32, #tpu.memory_space<vmem>>, vector<10000x1xf32>,
    return
  }
}

module attributes {stable_mosaic.version = 14 : i64} {
  func.func @_fin_body(%arg0: i32, %arg1: memref<2x2000x128xf32, #tpu.memory_space<vmem>>, %arg2: memref<2000x1xf32, #tpu.memory_space<vmem>>, %arg3: memref<2000x128xf32, #tpu.memory_space<vmem>>, %arg4: memref<2000x128xf32, #tpu.memory_space<vmem>>, %arg5: memref<2000x128xf32, #tpu.memory_space<vmem>>) attributes {dimension_semantics = [#tpu.dimension_semantics<arbitrary>], iteration_bounds = array<i64: 5>, scalar_prefetch = 0 : i64, scratch_operands = 0 : i64, tpu.core_type = #tpu.core_type<tc>, window_params = [{transform_indices = @transform_0, window_bounds = array<i64: 2, 2000, 128>}, {transform_indices = @transform_1, window_bounds = array<i64: 2000, 1>}, {transform_indices = @transform_2, window_bounds = array<i64: 2000, 128>}, {transform_indices = @transform_3, window_bounds = array<i64: 2000, 128>}, {transform_indices = @transform_4, window_bounds = array<i64: 2000, 128>}]} {
    %get3A = arith.constant 0 : index
    %get3A_0 = arith.constant 0 : index
    %get3A_1 = arith.constant 0 : index
    %get3A_2 = vector.load %arg1[%get3A, %get3A_0, %get3A_1] : memref<2x2000x128xf32, #tpu.memory_space<vmem>>, vector<1x2000x128xf32>
    %get3A_3 = vector.shape_cast %get3A_2 : vector<1x2000x128xf32> to vector<2000x128xf32>
    %get3A_4 = arith.constant 1 : index
    %get3A_5 = arith.constant 0 : index
    %get3A_6 = arith.constant 0 : index
    %get3A_7 = vector.load %arg1[%get3A_4, %get3A_5, %get3A_6] : memref<2x2000x128xf32, #tpu.memory_space<vmem>>, vector<1x2000x128xf32>
    %get3A_8 = vector.shape_cast %get3A_7 : vector<1x2000x128xf32> to vector<2000x128xf32>
    %add3A = arith.addf %get3A_3, %get3A_8 : vector<2000x128xf32>
    %get3A_9 = arith.constant 0 : index
    %get3A_10 = arith.constant 0 : index
    %get3A_11 = vector.load %arg2[%get3A_9, %get3A_10] : memref<2000x1xf32, #tpu.memory_space<vmem>>, vector<2000x1xf32>
    %gt3A = arith.constant 0.000000e+00 : f32
    %gt3A_12 = vector.broadcast %gt3A : f32 to vector<2000x1xf32>
    %gt3A_13 = arith.cmpf ogt, %get3A_11, %gt3A_12 : vector<2000x1xf32>
    %div3A = vector.broadcast %get3A_11 : vector<2000x1xf32> to vector<2000x128xf32>
    %div3A_14 = arith.divf %add3A, %div3A : vector<2000x128xf32>
    %jit3A = arith.constant 0.000000e+00 : f32
    %broadcast_in_dim3A = vector.shape_cast %gt3A_13 : vector<2000x1xi1> to vector<2000x1xi1>
    %broadcast_in_dim3A_15 = vector.broadcast %broadcast_in_dim3A : vector<2000x1xi1> to vector<2000x128xi1>
    %broadcast_in_dim3A_16 = vector.broadcast %jit3A : f32 to vector<2000x128xf32>
    %select_n3A = arith.select %broadcast_in_dim3A_15, %div3A_14, %broadcast_in_dim3A_16 : vector<2000x128xi1>, vector<2000x128xf32>
    %swap3A = arith.constant 0 : index
    %swap3A_17 = arith.constant 0 : index
    %swap3A_18 = vector.load %arg5[%swap3A, %swap3A_17] : memref<2000x128xf32, #tpu.memory_space<vmem>>, vector<2000x128xf32>
    tpu.vector_store %arg5[%swap3A, %swap3A_17], %select_n3A {strides = array<i32>} : memref<2000x128xf32, #tpu.memory_space<vmem>>, vector<2000x128xf32>,
    %get3A_19 = arith.constant 0 : index
    %get3A_20 = arith.constant 0 : index
    %get3A_21 = vector.load %arg3[%get3A_19, %get3A_20] : memref<2000x128xf32, #tpu.memory_space<vmem>>, vector<2000x128xf32>
    %add3A_22 = arith.addf %get3A_21, %select_n3A : vector<2000x128xf32>
    %swap3A_23 = arith.constant 0 : index
    %swap3A_24 = arith.constant 0 : index
    %swap3A_25 = vector.load %arg4[%swap3A_23, %swap3A_24] : memref<2000x128xf32, #tpu.memory_space<vmem>>, vector<2000x128xf32>
    tpu.vector_store %arg4[%swap3A_23, %swap3A_24], %add3A_22 {strides = array<i32>} : memref<2000x128xf32, #tpu.memory_space<vmem>>, vector<2000x128xf32>,
    return
  }
  func.func @transform_0(%arg0: i32) -> (i32, i32, i32) {
    %c0_i32 = arith.constant 0 : i32
    %c0_i32_0 = arith.constant 0 : i32
    %c0_i32_1 = arith.constant 0 : i32
    return %c0_i32, %arg0, %c0_i32_0 : i32, i32, i32
  }
  func.func @transform_1(%arg0: i32) -> (i32, i32) {
    %c0_i32 = arith.constant 0 : i32
    %c0_i32_0 = arith.constant 0 : i32
    return %arg0, %c0_i32 : i32, i32
  }
  func.func @transform_2(%arg0: i32) -> (i32, i32) {
    %c0_i32 = arith.constant 0 : i32
    %c0_i32_0 = arith.constant 0 : i32
    return %arg0, %c0_i32 : i32, i32
  }
  func.func @transform_3(%arg0: i32) -> (i32, i32) {
    %c0_i32 = arith.constant 0 : i32
    %c0_i32_0 = arith.constant 0 : i32
    return %arg0, %c0_i32 : i32, i32
  }
  func.func @transform_4(%arg0: i32) -> (i32, i32) {
    %c0_i32 = arith.constant 0 : i32
    %c0_i32_0 = arith.constant 0 : i32
    return %arg0, %c0_i32 : i32, i32
  }
}

module attributes {stable_mosaic.version = 14 : i64} {
  func.func @_eadd_body(%arg0: i32, %arg1: memref<3200x128xf32, #tpu.memory_space<vmem>>, %arg2: memref<3200x128xf32, #tpu.memory_space<vmem>>, %arg3: memref<3200x128xf32, #tpu.memory_space<vmem>>) attributes {dimension_semantics = [#tpu.dimension_semantics<arbitrary>], iteration_bounds = array<i64: 100>, scalar_prefetch = 0 : i64, scratch_operands = 0 : i64, tpu.core_type = #tpu.core_type<tc>, window_params = [{transform_indices = @transform_0, window_bounds = array<i64: 3200, 128>}, {transform_indices = @transform_1, window_bounds = array<i64: 3200, 128>}, {transform_indices = @transform_2, window_bounds = array<i64: 3200, 128>}]} {
    %get3A = arith.constant 0 : index
    %get3A_0 = arith.constant 0 : index
    %get3A_1 = vector.load %arg1[%get3A, %get3A_0] : memref<3200x128xf32, #tpu.memory_space<vmem>>, vector<3200x128xf32>
    %get3A_2 = arith.constant 0 : index
    %get3A_3 = arith.constant 0 : index
    %get3A_4 = vector.load %arg2[%get3A_2, %get3A_3] : memref<3200x128xf32, #tpu.memory_space<vmem>>, vector<3200x128xf32>
    %add3A = arith.addf %get3A_1, %get3A_4 : vector<3200x128xf32>
    %swap3A = arith.constant 0 : index
    %swap3A_5 = arith.constant 0 : index
    %swap3A_6 = vector.load %arg3[%swap3A, %swap3A_5] : memref<3200x128xf32, #tpu.memory_space<vmem>>, vector<3200x128xf32>
    tpu.vector_store %arg3[%swap3A, %swap3A_5], %add3A {strides = array<i32>} : memref<3200x128xf32, #tpu.memory_space<vmem>>, vector<3200x128xf32>,
    return
  }
  func.func @transform_0(%arg0: i32) -> (i32, i32) {
    %c0_i32 = arith.constant 0 : i32
    %c0_i32_0 = arith.constant 0 : i32
    return %arg0, %c0_i32 : i32, i32
  }
  func.func @transform_1(%arg0: i32) -> (i32, i32) {
    %c0_i32 = arith.constant 0 : i32
    %c0_i32_0 = arith.constant 0 : i32
    return %arg0, %c0_i32 : i32, i32
  }
  func.func @transform_2(%arg0: i32) -> (i32, i32) {
    %c0_i32 = arith.constant 0 : i32
    %c0_i32_0 = arith.constant 0 : i32
    return %arg0, %c0_i32 : i32, i32
  }
}

</mosaic_0001>

<sc_bundles>
// kernel: kernel.13.cloned.1.call-start
scs
__scs_entry_jumppad:
0x0: {  	(pc) =	sbr.rel $0x88, $3  }
0x1: {  	(tag) =	ssettag $0x0;
	lr =	simm.s32 $0x1  }
0x2: {  	[smem:$0x3F8E] =	sst lr;
	_ =	strace $0xD0000000  }
0x3: {  	_ = 	snop  }
0x4: {  	_ = 	snop  }
0x5: {  	_ = 	snop  }
0x6: {  	_ = 	snop  }
0x7: {  	_ = 	snop  }
__scs_overlays_trampoline_lowered:
0x8: {  	[smem:$0x3F9D] =	sst s0  }
0x9: {  	[smem:$0x3F9E] =	sst s1  }
0xa: {  	[smem:$0x3F9F] =	sst s2  }
0xb: {  	[smem:$0x3FA0] =	sst s3  }
0xc: {  	[smem:$0x3FA1] =	sst s4  }
0xd: {  	[smem:$0x3FA2] =	sst s5  }
0xe: {  	[smem:$0x3FA3] =	sst s6  }
0xf: {  	[smem:$0x3FA4] =	sst s7  }
0x10: {  	[smem:$0x3FA5] =	sst s8  }
0x11: {  	[smem:$0x3FA6] =	sst s9;
	s0 =	simm.s32 @!p0 $0x0  }
0x12: {  	s1 =	sld [smem:$0x3F8C];
	s0 =	simm.s32 @p0 $0x1  }
0x13: {  	[smem:$0x3FA7] =	sst s0;
	s0 =	simm.s32 @!p1 $0x0  }
0x14: {  	s2 =	sld [smem:$0x3F8B];
	s0 =	simm.s32 @p1 $0x1  }
0x15: {  	[smem:$0x3FA8] =	sst s0;
	s0 =	simm.s32 @!p2 $0x0  }
0x16: {  	s3 =	sld [smem:$0x3FDB];
	s0 =	simm.s32 @p2 $0x1  }
0x17: {  	s4 =	simm.s32 $0x1BF5;
	[smem:$0x3FAA] =	sst s0  }
0x18: {  	s0 =	sld [smem:$0x3F8D];
	_ =	swait.ge [sflag:s4], $0x0  }
0x19: {  	s7 =	sld [smem:$0x3F8E]  }
0x1a: {  	s8 =	sadd.s32 $0xFFFFE003, lr  }
0x1b: {  	s9 =	sadd.s32 $0xFFFFFEF7, lr;
	s5 =	simm.s32 $0xFFFFFFFF;
	p2 =	slt.u32 s8, $0xFFFFF086  }
0x1c: {  	p1 =	slt.u32 s9, $0xF7A;
	s5 =	simm.s32 @!p2 $0x0  }
0x1d: {  	s5 =	simm.s32 @p1 $0x1;
	p0 =	seq.s32 s7, s2  }
0x1e: {  	s7 =	smul.u32 @!p0 $0xF7A, s2;
	p2 =	seq.s32 @!p0 s5, $0x0  }
0x1f: {  	s9 =	smul.u32 $0xF7A, s1;
	s8 =	simm.s32 @!p0 $0x1BF5;
	p2 =	por !p2, p0  }
0x20: {  	[sflag:s8] =	ssyncset.s32 @!p0 $0xFFFFF086;
	s6 =	sadd.s32 @!p0 s3, s7;
	s7 =	simm.s32 @!p0 $0x108  }
0x21: {  	s3 =	sadd.s32 s3, s9;
	s6 =	sadd.s32 @!p0 $0x88, s6;
	s7 =	simm.s32 @p2 $0x1082  }
0x22: {  	[simem:s7], [sflag:s8] =	dma.local @!p0 [hbm:s6], $0xF7A  }
0x23: {  	s9 =	sor.u32 $0xD0000000, s2;
	s6 =	simm.s32 $0x108;
	_ =	swait.ge @!p0 [sflag:s8], $0x0  }
0x24: {  	s3 =	sadd.s32 $0x88, s3;
	s6 =	simm.s32 @!p1 $0x1082;
	[sflag:s4] =	ssyncset.s32 $0xFFFFF086  }
0x25: {  	[simem:s6], [sflag:s4] =	dma.local [hbm:s3], $0xF7A  }
0x26: {  	[smem:$0x3F8E] =	sst s1;
	(tag) =	ssettag s2;
	_ =	strace s9  }
0x27: {  	s1 =	sld [smem:$0x3F9E]  }
0x28: {  	s2 =	sld [smem:$0x3F9F]  }
0x29: {  	s4 =	sld [smem:$0x3FA1]  }
0x2a: {  	p0 =	seq.s32 s5, $0x0;
	s5 =	sld [smem:$0x3FA2]  }
0x2b: {  	s6 =	sld [smem:$0x3FA3]  }
0x2c: {  	s7 =	sld [smem:$0x3FA4]  }
0x2d: {  	s3 =	simm.s32 $0x108;
	s8 =	sld [smem:$0x3FA5]  }
0x2e: {  	s3 =	simm.s32 @!p0 $0x1082;
	s9 =	sld [smem:$0x3FA6]  }
0x2f: {  	lr =	sadd.s32 s0, s3;
	s0 =	sld [smem:$0x3F9D]  }
0x30: {  	s3 =	sld [smem:$0x3FA0]  }
0x31: {  	[smem:$0x3FA9] =	sst s10  }
0x32: {  	s10 =	sld [smem:$0x3FA7];
	_ =	sdelay $0x3  }
0x33: {  	p0 =	seq.s32 s10, $0x1;
	s10 =	sld [smem:$0x3FA9];
	_ =	sdelay $0x3  }
0x34: {  	[smem:$0x3FA9] =	sst s10  }
0x35: {  	s10 =	sld [smem:$0x3FA8];
	_ =	sdelay $0x3  }
0x36: {  	p1 =	seq.s32 s10, $0x1;
	s10 =	sld [smem:$0x3FA9];
	_ =	sdelay $0x3  }
0x37: {  	[smem:$0x3FA9] =	sst s10  }
0x38: {  	s10 =	sld [smem:$0x3FAA]  }
0x39: {  	_ = 	snop;
	(pc) =	sbr.ind lr, $3  }
0x3a: {  	_ = 	snop  }
0x3b: {  	_ = 	snop  }
0x3c: {  	p2 =	seq.s32 s10, $0x1;
	s10 =	sld [smem:$0x3FA9]  }
0x3d: {  	_ =	shalt  }
0x3e: {  	_ =	shalt  }
0x3f: {  	_ =	shalt  }
0x40: {  	_ =	shalt  }
0x41: {  	_ =	shalt  }
0x42: {  	_ =	shalt  }
0x43: {  	_ =	shalt  }
0x44: {  	_ =	shalt  }
0x45: {  	_ =	shalt  }
0x46: {  	_ =	shalt  }
0x47: {  	_ =	shalt  }
0x48: {  	_ =	shalt  }
0x49: {  	_ =	shalt  }
0x4a: {  	_ =	shalt  }
0x4b: {  	_ =	shalt  }
0x4c: {  	_ =	shalt  }
0x4d: {  	_ =	shalt  }
0x4e: {  	_ =	shalt  }
0x4f: {  	_ =	shalt  }
0x50: {  	_ =	shalt  }
0x51: {  	_ =	shalt  }
0x52: {  	_ =	shalt  }
0x53: {  	_ =	shalt  }
0x54: {  	_ =	shalt  }
0x55: {  	_ =	shalt  }
0x56: {  	_ =	shalt  }
0x57: {  	_ =	shalt  }
0x58: {  	_ =	shalt  }
0x59: {  	_ =	shalt  }
0x5a: {  	_ =	shalt  }
0x5b: {  	_ =	shalt  }
0x5c: {  	_ =	shalt  }
0x5d: {  	_ =	shalt  }
0x5e: {  	_ =	shalt  }
0x5f: {  	_ =	shalt  }
0x60: {  	_ =	shalt  }
0x61: {  	_ =	shalt  }
0x62: {  	_ =	shalt  }
0x63: {  	_ =	shalt  }
0x64: {  	_ =	shalt  }
0x65: {  	_ =	shalt  }
0x66: {  	_ =	shalt  }
0x67: {  	_ =	shalt  }
0x68: {  	_ =	shalt  }
0x69: {  	_ =	shalt  }
0x6a: {  	_ =	shalt  }
0x6b: {  	_ =	shalt  }
0x6c: {  	_ =	shalt  }
0x6d: {  	_ =	shalt  }
0x6e: {  	_ =	shalt  }
0x6f: {  	_ =	shalt  }
0x70: {  	_ =	shalt  }
0x71: {  	_ =	shalt  }
0x72: {  	_ =	shalt  }
0x73: {  	_ =	shalt  }
0x74: {  	_ =	shalt  }
0x75: {  	_ =	shalt  }
0x76: {  	_ =	shalt  }
0x77: {  	_ =	shalt  }
0x78: {  	_ =	shalt  }
0x79: {  	_ =	shalt  }
0x7a: {  	_ =	shalt  }
0x7b: {  	_ =	shalt  }
0x7c: {  	_ =	shalt  }
0x7d: {  	_ =	shalt  }
0x7e: {  	_ =	shalt  }
0x7f: {  	_ =	shalt  }
0x80: {  	_ =	shalt  }
0x81: {  	_ =	shalt  }
0x82: {  	_ =	shalt  }
0x83: {  	_ =	shalt  }
0x84: {  	_ =	shalt  }
0x85: {  	_ =	shalt  }
0x86: {  	_ =	shalt  }
0x87: {  	_ =	shalt  }
.Lfunc_end0:
.L_simem_size_0:
called_computation_lowered:
.L_overlay_start_0:
0x88: {  	s2 =	sld [smem:$0x3FD9]  }
0x89: {  	s3 =	sld [smem:$0x3FFE];
	_ =	sdelay $0x1  }
0x8a: {  	s1 =	srdreg.scid  }
0x8b: {  	s0 =	sand.u32 $0x1, s1  }
0x8c: {  	s14 =	sshll.u32 s0, $0xA;
	s2 =	sadd.s32 s3, s2  }
0x8d: {  	s2 =	sadd.s32 s2, s14  }
0x8e: {  	[smem:$0x3FB5] =	sst s2  }
0x8f: {  	_ = 	snop  }
0x90: {  	s2 =	sld [smem:$0x3FD0];
	_ =	sdelay $0x2  }
0x91: {  	s15 =	simm.s32 $0xB;
	s4 =	simm.s32 $0x10  }
0x92: {  	[smem:s4], [sflag:s15] =	dma.local [hbm:s2], $0x1  }
0x93: {  	_ =	swait.eq [sflag:s15], $0x1  }
0x94: {  	[sflag:s15] =	ssyncset.done $0x0  }
0x95: {  	[sflag:s15] =	ssyncadd.s32 $0xFFFFFFFF  }
0x96: {  	s16 =	sld [smem:$0x10];
	(tm) =	ssettm $0x1  }
0x97: {  	s17 =	sld [smem:$0x3FFB];
	_ =	sdelay $0x3  }
0x98: {  	_ =	strace s17  }
0x99: {  	s3 =	sld [smem:$0x3FFC];
	_ =	sdelay $0x3  }
0x9a: {  	_ =	strace s3  }
0x9b: {  	s3 =	sld [smem:$0x3FFD];
	_ =	sdelay $0x3  }
0x9c: {  	_ =	strace s3  }
0x9d: {  	_ =	strace $0x8FFFFFFF  }
0x9e: {  	s18 =	sld [smem:$0x3FDB];
	_ =	sdelay $0x1  }
0x9f: {  	s19 =	simm.s32 $_scs_section_size  }
0xa0: {  	s5 =	simm.s32 $_size__tile_overlayer_lowered;
	s6 =	simm.s32 $_tile_overlayer_lowered  }
0xa1: {  	s22 =	simm.s32 $0x1BFF;
	s21 =	sshll.u32 s6, $0x1;
	s3 =	sadd.s32 s19, s18  }
0xa2: {  	s7 =	simm.s32 $0x0;
	s20 =	sshll.u32 s5, $0x1;
	s5 =	sadd.s32 s21, s3  }
0xa3: {  	[timem:s7], [sflag:s22] =	dma.local [hbm:s5], s20  }
0xa4: {  	_ =	swait.ge [sflag:s22], s20  }
0xa5: {  	s4 =	ssub.s32 $0x0, s20;
	[sflag:s22] =	ssyncset.done $0x0  }
0xa6: {  	[sflag:s22] =	ssyncadd.s32 s4;
	_ =	sdelay $0x1  }
0xa7: {  	s23 =	simm.s32 $0x1B8B  }
0xa8: {  	_ =	swait.ge [sflag:s23], $0x1  }
0xa9: {  	[sflag:s23] =	ssyncset.done $0x0  }
0xaa: {  	s25 =	simm.s32 $0x1B8E;
	s24 =	sld [smem:$0x3FFE];
	[sflag:s23] =	ssyncadd.s32 $0xFFFFFFFF  }
0xab: {  	s26 =	simm.s32 $execute0_lowered;
	[smem:$0x3FD2] =	sst s25  }
0xac: {  	s5 =	sshll.u32 s26, $0x1;
	_ =	strace $0x80000046;
	[dreg:$0x1] =	wrdreg $0xFFFFFFFF  }
0xad: {  	s28 =	simm.s32 $_size_execute0_lowered;
	s3 =	sadd.s32 s3, s5;
	[dreg:$0x0] =	wrdreg $0x0  }
0xae: {  	s5 =	sshll.u32 s28, $0x1;
	[dreg:$0x2] =	wrdreg s3  }
0xaf: {  	[dreg:$0x3] =	wrdreg s5  }
0xb0: {  	[dreg:$0x4] =	wrdreg $0xC0  }
0xb1: {  	_ =	task [dreg:s7], $0x5FFFF  }
0xb2: {  	[dreg:$0x1] =	wrdreg $0xFFFFFFFF  }
0xb3: {  	[dreg:$0x0] =	wrdreg $0x60  }
0xb4: {  	[dreg:$0x2] =	wrdreg s16  }
0xb5: {  	[dreg:$0x3] =	wrdreg s24  }
0xb6: {  	[dreg:$0x4] =	wrdreg $0x9  }
0xb7: {  	_ =	task.clear_ibuf [dreg:s7], $0x5FFFF;
	_ =	strace $0x90000046  }
0xb8: {  	s29 =	simm.s32 $0x9;
	_ =	strace $0x80000048  }
0xb9: {  	_ =	swait.ge [sflag:s29], $0x1  }
0xba: {  	[sflag:s29] =	ssyncadd.s32 $0xFFFFFFFF  }
0xbb: {  	_ =	strace $0x90000048  }
0xbc: {  	_ =	sfence  }
0xbd: {  	s30 =	sld [smem:$0x0];
	_ =	sdelay $0x2  }
0xbe: {  	s31 =	sshll.u32 s1, $0xD;
	s1 =	sshrl.u32 s1, $0x2  }
0xbf: {  	s3 =	sand.u32 $0x4000, s31;
	s1 =	sadd.s32 s1, s30  }
0xc0: {  	s0 =	sor.u32 s3, s0;
	s1 =	sshll.u32 s1, $0x11  }
0xc1: {  	s0 =	sor.u32 s1, s0  }
0xc2: {  	s0 =	sadd.s32 $0x8F2B, s0  }
0xc3: {  	[sflag:s0] =	ssyncadd.remote.s32 $0x1  }
0xc4: {  	_ =	sfence.sel $0xFFFF  }
0xc5: {  	[dreg:$0x0] =	wrdreg $0xFFFFFFFF;
	(pc) =	sbr.abs _section_cstart, $3  }
0xc6: {  	[dreg:$0x1] =	wrdreg $0xFFFFFFFF  }
0xc7: {  	_ =	task.clear_ibuf [dreg:s7], $0x2FFFF;
	_ =	strace $0x9FFFFFFF  }
0xc8: {  	(tm) =	ssettm $0x7FFFFFFF  }
0xc9: {  	_ =	shalt  }
tec
execute0_lowered:
.L_overlay_start_1:
0x0: {  	(tag) =	ssettag $0x1  }
0x1: {  	s0 =	srdreg.scid;
	s2 =	rddreg [dreg:$0x0]  }
0x2: {  	s8 =	stileid.u32;
	s4 =	rddreg [dreg:$0x1];
	s3 =	simm.s32 $0x0  }
0x3: {  	s16 =	simm.s32 $0x7;
	s17 =	simm.s32 $0x80;
	s18 =	simm.s32 $0x2710  }
0x4: {  	s19 =	simm.s32 $0x4710;
	s20 =	simm.s32 $0x1;
	s22 =	simm.s32 $0x6710  }
0x5: {  	s23 =	simm.s32 $0x2;
	s24 =	simm.s32 $0x4;
	s11 =	smul.u32 $0x4E20, s8  }
0x6: {  	s28 =	simm.s32 $0x5;
	s0 =	sand.u32 $0x1, s0;
	s13 =	smul.u32 $0x138800, s8  }
0x7: {  	s30 =	simm.s32 $0x6;
	s1 =	sshll.u32 s8, $0x1;
	s12 =	smul.u32 $0x2710, s0  }
0x8: {  	s1 =	sor.u32 s0, s1;
	s7 =	ssub.s32 $0x2, s0;
	s0 =	smul.u32 $0x9C400, s0  }
0x9: {  	s21 =	simm.s32 $0x0;
	[smem:$0x7FF] =	sst s3;
	s5 =	smul.u32 $0x2710, s1  }
0xa: {  	s15 =	sadd.s32 $0x3DE00, s4;
	s6 =	smul.u32 $0x13880, s1;
	s25 =	sshrl.u32 s7, $0x1  }
0xb: {  	_ =	strace $0x80000047;
	s1 =	smul.u32 $0x9C400, s1;
	s9 =	ssub.s32 s7, s25  }
0xc: {  	s12 =	sadd.s32 s12, s11;
	s0 =	sadd.s32 s0, s13;
	s5 =	sshrl.u32 s5, $0x3  }
0xd: {  	s1 =	sshrl.u32 s1, $0x3;
	s9 =	smax.u32 s9, $0x1;
	s29 =	sshll.u32 s12, $0x3  }
0xe: {  	s0 =	sadd.s32 $0xA000, s0;
	s5 =	sadd.s32 s5, s4;
	s1 =	sadd.s32 s15, s1  }
0xf: {  	s31 =	sadd.s32 s15, s29;
	s0 =	sshrl.u32 s0, $0x3;
	s26 =	sadd.s32 $0x34000, s5  }
0x10: {  	s5 =	sadd.s32 s15, s6;
	s6 =	sadd.s32 $0x400, s1;
	s7 =	sadd.s32 $0x800, s1  }
0x11: {  	s8 =	sadd.s32 $0x13800, s1;
	s12 =	sadd.s32 $0x13400, s1;
	s13 =	sadd.s32 $0x1000, s31  }
0x12: {  	s14 =	sadd.s32 $0xC00, s31;
	s15 =	sadd.s32 s0, s15;
	[dreg:$0x3] =	wrdreg s26  }
0x13: {  	s10 =	sadd.s32 $0x12C00, s5;
	s11 =	sadd.s32 $0x13000, s5;
	s26 =	simm.s32 $0x3  }
.LBB2_1:
0x14: {  	s0 =	rddreg [dreg:$0x3]  }
0x15: {  	[tilespmem:s3], [sflag:$0x7] =	stream.linear.gather [hbm4b:s0+s3], $0x2710, $0x38;
	[tilespmem:$0x8710] =	vst v63  }
0x16: {  	_ =	swait.ge [sflag:s16], $0x2710  }
0x17: {  	[sflag:s16] =	ssyncset.done $0x0  }
0x18: {  	[sflag:s16] =	ssyncadd.s32 $0xFFFFD8F0  }
0x19: {  	[tilespmem:s18], [sflag:$0x1] =	stream.indirect.gather [hbm4b:s2+s17], $0x40, s3, s17, $0xb8;
	[tilespmem:$0x8710] =	vst v63  }
0x1a: {  	_ = 	snop  }
0x1b: {  	[tilespmem:s19], [sflag:$0x2] =	stream.indirect.gather [hbm4b:s2+s17], $0x40, s17, s17, $0xb8;
	[tilespmem:$0x8710] =	vst v63  }
0x1c: {  	_ =	swait.ge [sflag:s20], $0x2000  }
0x1d: {  	[sflag:s20] =	ssyncset.done $0x0  }
0x1e: {  	[sflag:s20] =	ssyncadd.s32 $0xFFFFE000  }
0x1f: {  	[hbm4b:s5+s3] =	stream.linear.scatter [tilespmem:s18], [sflag:$0x4], $0x2000, $0x38;
	[tilespmem:$0x8710] =	vst v63  }
0x20: {  	s4 =	simm.s32 $0x100  }
0x21: {  	[tilespmem:s22], [sflag:$0x3] =	stream.indirect.gather [hbm4b:s2+s17], $0x40, s4, s17, $0xb8;
	[tilespmem:$0x8710] =	vst v63  }
0x22: {  	_ =	swait.ge [sflag:s23], $0x2000  }
0x23: {  	[sflag:s23] =	ssyncset.done $0x0  }
0x24: {  	[sflag:s23] =	ssyncadd.s32 $0xFFFFE000  }
0x25: {  	[hbm4b:s6+s3] =	stream.linear.scatter [tilespmem:s19], [sflag:$0x5], $0x2000, $0x38;
	[tilespmem:$0x8710] =	vst v63  }
0x26: {  	_ =	swait.ge [sflag:s24], $0x2000  }
0x27: {  	[sflag:s24] =	ssyncset.done $0x0  }
0x28: {  	s25 =	simm.s32 $0x180;
	[sflag:s24] =	ssyncadd.s32 $0xFFFFE000  }
0x29: {  	[tilespmem:s18], [sflag:$0x1] =	stream.indirect.gather [hbm4b:s2+s17], $0x40, s25, s17, $0xb8;
	[tilespmem:$0x8710] =	vst v63  }
0x2a: {  	_ =	swait.ge [sflag:s26], $0x2000  }
0x2b: {  	[sflag:s26] =	ssyncset.done $0x0  }
0x2c: {  	[sflag:s26] =	ssyncadd.s32 $0xFFFFE000  }
0x2d: {  	[hbm4b:s7+s3] =	stream.linear.scatter [tilespmem:s22], [sflag:$0x6], $0x2000, $0x38;
	[tilespmem:$0x8710] =	vst v63  }
0x2e: {  	_ =	swait.ge [sflag:s28], $0x2000  }
0x2f: {  	[sflag:s28] =	ssyncset.done $0x0  }
0x30: {  	s1 =	simm.s32 $0x200;
	[sflag:s28] =	ssyncadd.s32 $0xFFFFE000  }
0x31: {  	[tilespmem:s19], [sflag:$0x2] =	stream.indirect.gather [hbm4b:s2+s17], $0x40, s1, s17, $0xb8;
	[tilespmem:$0x8710] =	vst v63  }
0x32: {  	_ =	swait.ge [sflag:s20], $0x2000  }
0x33: {  	[sflag:s20] =	ssyncset.done $0x0  }
0x34: {  	[sflag:s20] =	ssyncadd.s32 $0xFFFFE000  }
0x35: {  	[hbm4b:s14+s3] =	stream.linear.scatter [tilespmem:s18], [sflag:$0x4], $0x2000, $0x38;
	[tilespmem:$0x8710] =	vst v63  }
0x36: {  	_ =	swait.ge [sflag:s30], $0x2000  }
0x37: {  	[sflag:s30] =	ssyncset.done $0x0  }
0x38: {  	s4 =	simm.s32 $0x280;
	[sflag:s30] =	ssyncadd.s32 $0xFFFFE000  }
0x39: {  	[tilespmem:s22], [sflag:$0x3] =	stream.indirect.gather [hbm4b:s2+s17], $0x40, s4, s17, $0xb8;
	[tilespmem:$0x8710] =	vst v63  }
0x3a: {  	_ =	swait.ge [sflag:s23], $0x2000  }
0x3b: {  	[sflag:s23] =	ssyncset.done $0x0  }
0x3c: {  	[sflag:s23] =	ssyncadd.s32 $0xFFFFE000  }
0x3d: {  	[hbm4b:s13+s3] =	stream.linear.scatter [tilespmem:s19], [sflag:$0x5], $0x2000, $0x38;
	[tilespmem:$0x8710] =	vst v63  }
0x3e: {  	_ =	swait.ge [sflag:s24], $0x2000  }
0x3f: {  	[sflag:s24] =	ssyncset.done $0x0  }
0x40: {  	s25 =	simm.s32 $0x300;
	[sflag:s24] =	ssyncadd.s32 $0xFFFFE000  }
0x41: {  	[tilespmem:s18], [sflag:$0x1] =	stream.indirect.gather [hbm4b:s2+s17], $0x40, s25, s17, $0xb8;
	[tilespmem:$0x8710] =	vst v63  }
0x42: {  	_ =	swait.ge [sflag:s26], $0x2000  }
0x43: {  	[sflag:s26] =	ssyncset.done $0x0  }
0x44: {  	[sflag:s26] =	ssyncadd.s32 $0xFFFFE000  }
0x45: {  	[hbm4b:s15+s3] =	stream.linear.scatter [tilespmem:s22], [sflag:$0x6], $0x2000, $0x38;
	[tilespmem:$0x8710] =	vst v63  }
0x46: {  	s29 =	sadd.s32 $0xC00, s14;
	_ =	swait.ge [sflag:s28], $0x2000  }
0x47: {  	s31 =	sadd.s32 $0xC00, s15;
	s0 =	simm.s32 $0x380;
	[sflag:s28] =	ssyncset.done $0x0  }
0x48: {  	s1 =	sadd.s32 $0xC00, s13;
	s25 =	simm.s32 $0x600;
	[sflag:s28] =	ssyncadd.s32 $0xFFFFE000  }
.LBB2_2:
0x49: {  	[tilespmem:s19], [sflag:$0x2] =	stream.indirect.gather [hbm4b:s2+s17], $0x40, s0, s17, $0xb8;
	[tilespmem:$0x8710] =	vst v63  }
0x4a: {  	s0 =	smov.u32 s25  }
0x4b: {  	p0 =	sne.s32 s25, $0x8A00;
	s25 =	sadd.s32 $0x600, s25;
	_ =	swait.ge [sflag:s20], $0x2000  }
0x4c: {  	[sflag:s20] =	ssyncset.done $0x0  }
0x4d: {  	[sflag:s20] =	ssyncadd.s32 $0xFFFFE000  }
0x4e: {  	[hbm4b:s29+s3] =	stream.linear.scatter [tilespmem:s18], [sflag:$0x4], $0x2000, $0x38;
	[tilespmem:$0x8710] =	vst v63  }
0x4f: {  	_ =	swait.ge [sflag:s30], $0x2000  }
0x50: {  	s0 =	sshra.s32 s0, $0x2;
	[sflag:s30] =	ssyncset.done $0x0  }
0x51: {  	s4 =	sadd.s32 $0x280, s0;
	[sflag:s30] =	ssyncadd.s32 $0xFFFFE000  }
0x52: {  	[tilespmem:s22], [sflag:$0x3] =	stream.indirect.gather [hbm4b:s2+s17], $0x40, s4, s17, $0xb8;
	[tilespmem:$0x8710] =	vst v63  }
0x53: {  	_ =	swait.ge [sflag:s23], $0x2000  }
0x54: {  	[sflag:s23] =	ssyncset.done $0x0  }
0x55: {  	[sflag:s23] =	ssyncadd.s32 $0xFFFFE000  }
0x56: {  	[hbm4b:s1+s3] =	stream.linear.scatter [tilespmem:s19], [sflag:$0x5], $0x2000, $0x38;
	[tilespmem:$0x8710] =	vst v63  }
0x57: {  	_ =	swait.ge [sflag:s24], $0x2000  }
0x58: {  	[sflag:s24] =	ssyncset.done $0x0  }
0x59: {  	s4 =	sadd.s32 $0x300, s0;
	[sflag:s24] =	ssyncadd.s32 $0xFFFFE000  }
0x5a: {  	[tilespmem:s18], [sflag:$0x1] =	stream.indirect.gather [hbm4b:s2+s17], $0x40, s4, s17, $0xb8;
	[tilespmem:$0x8710] =	vst v63  }
0x5b: {  	_ =	swait.ge [sflag:s26], $0x2000  }
0x5c: {  	[sflag:s26] =	ssyncset.done $0x0  }
.Ltmp0:
0x5d: {  	[sflag:s26] =	ssyncadd.s32 $0xFFFFE000;
	(pc) =	sbr.rel @p0 .LBB2_2-.Ltmp0, $4  }
0x5e: {  	[hbm4b:s31+s3] =	stream.linear.scatter [tilespmem:s22], [sflag:$0x6], $0x2000, $0x38;
	[tilespmem:$0x8710] =	vst v63  }
0x5f: {  	_ =	swait.ge [sflag:s28], $0x2000  }
0x60: {  	s29 =	sadd.s32 $0xC00, s29;
	s31 =	sadd.s32 $0xC00, s31;
	[sflag:s28] =	ssyncset.done $0x0  }
0x61: {  	s0 =	sadd.s32 $0x380, s0;
	s1 =	sadd.s32 $0xC00, s1;
	[sflag:s28] =	ssyncadd.s32 $0xFFFFE000  }
0x62: {  	[tilespmem:s19], [sflag:$0x2] =	stream.indirect.gather [hbm4b:s2+s17], $0x40, s0, s17, $0xb8;
	[tilespmem:$0x8710] =	vst v63  }
0x63: {  	_ =	swait.ge [sflag:s20], $0x2000  }
0x64: {  	[sflag:s20] =	ssyncset.done $0x0  }
0x65: {  	[sflag:s20] =	ssyncadd.s32 $0xFFFFE000  }
0x66: {  	[hbm4b:s10+s3] =	stream.linear.scatter [tilespmem:s18], [sflag:$0x4], $0x2000, $0x38;
	[tilespmem:$0x8710] =	vst v63  }
0x67: {  	_ =	swait.ge [sflag:s30], $0x2000  }
0x68: {  	[sflag:s30] =	ssyncset.done $0x0  }
0x69: {  	s29 =	simm.s32 $0x2680;
	[sflag:s30] =	ssyncadd.s32 $0xFFFFE000  }
0x6a: {  	[tilespmem:s22], [sflag:$0x3] =	stream.indirect.gather [hbm4b:s2+s17], $0x40, s29, s17, $0xb8;
	[tilespmem:$0x8710] =	vst v63  }
0x6b: {  	_ =	swait.ge [sflag:s23], $0x2000  }
0x6c: {  	[sflag:s23] =	ssyncset.done $0x0  }
0x6d: {  	[sflag:s23] =	ssyncadd.s32 $0xFFFFE000  }
0x6e: {  	[hbm4b:s11+s3] =	stream.linear.scatter [tilespmem:s19], [sflag:$0x5], $0x2000, $0x38;
	[tilespmem:$0x8710] =	vst v63  }
0x6f: {  	_ =	swait.ge [sflag:s26], $0x2000  }
0x70: {  	[sflag:s26] =	ssyncset.done $0x0  }
0x71: {  	[sflag:s26] =	ssyncadd.s32 $0xFFFFE000  }
0x72: {  	[hbm4b:s12+s3] =	stream.linear.scatter [tilespmem:s22], [sflag:$0x6], $0x2000, $0x38;
	[tilespmem:$0x8710] =	vst v63  }
0x73: {  	_ =	swait.ge [sflag:s24], $0x2000  }
0x74: {  	[sflag:s24] =	ssyncset.done $0x0  }
0x75: {  	[sflag:s24] =	ssyncadd.s32 $0xFFFFE000  }
0x76: {  	_ =	swait.ge [sflag:s28], $0x2000  }
0x77: {  	[sflag:s28] =	ssyncset.done $0x0  }
0x78: {  	[sflag:s28] =	ssyncadd.s32 $0xFFFFE000  }
0x79: {  	_ =	swait.ge [sflag:s30], $0x2000  }
0x7a: {  	[sflag:s30] =	ssyncset.done $0x0  }
0x7b: {  	s31 =	simm.s32 $0x10;
	s1 =	simm.s32 $0x2700;
	[sflag:s30] =	ssyncadd.s32 $0xFFFFE000  }
0x7c: {  	[tilespmem:s18], [sflag:$0x1] =	stream.indirect.gather [hbm4b:s2+s31], $0x40, s1, s31, $0xb8;
	[tilespmem:$0x8710] =	vst v63  }
0x7d: {  	s21 =	sadd.s32 $0x1, s21;
	_ =	swait.ge [sflag:s20], $0x400  }
0x7e: {  	p0 =	sne.s32 s21, s9;
	[sflag:s20] =	ssyncset.done $0x0  }
.Ltmp1:
0x7f: {  	[sflag:s20] =	ssyncadd.s32 $0xFFFFFC00;
	(pc) =	sbr.rel @p0 .LBB2_1-.Ltmp1, $4  }
0x80: {  	[hbm4b:s8+s3] =	stream.linear.scatter [tilespmem:s18], [sflag:$0x7], $0x400, $0x38;
	[tilespmem:$0x8710] =	vst v63  }
0x81: {  	_ =	swait.ge [sflag:s16], $0x400  }
0x82: {  	[sflag:s16] =	ssyncset.done $0x0  }
0x83: {  	[sflag:s16] =	ssyncadd.s32 $0xFFFFFC00  }
0x84: {  	_ =	sfence.sel $0x180000  }
0x85: {  	[bflag:$0x0] =	sbarrier.arrive $0xFFFF  }
0x86: {  	_ =	strace $0x90000047  }
0x87: {  	s0 =	stileid.u32;
	[bflag:$0x2] =	sbarrier.arrive $0xFFFF  }
0x88: {  	p0 =	sne.s32 s0, $0x0;
	s0 =	rddreg [dreg:$0x2]  }
0x89: {  	s0 =	sadd.s32 @!p0 $0x100000, s0  }
0x8a: {  	[sflag:s0] =	ssyncadd.tile.s32 @!p0 $0x1;
	_ =	shalt  }
.Lfunc_end2:
_tile_overlayer_lowered:
.L_overlay_start_2:
0x8b: {  	(tag) =	ssettag $0x2  }
0x8c: {  	s0 =	rddreg [dreg:$0x0];
	s2 =	stileid.u32  }
0x8d: {  	s1 =	rddreg [dreg:$0x1];
	p0 =	sne.s32 s2, $0x0  }
0x8e: {  	s3 =	rddreg [dreg:$0x2];
	[bflag:$0x3] =	sbarrier.arrive $0xFFFF;
	s2 =	simm.s32 @!p0 $0x1C07  }
0x8f: {  	[timem:s3], [sflag:s2] =	dma.local @!p0 [hbm:s0], s1  }
0x90: {  	s0 =	simm.s32 @!p0 $0x7  }
0x91: {  	_ =	swait.ge @!p0 [sflag:s0], s1  }
0x92: {  	s1 =	ssub.s32 @!p0 $0x0, s1;
	[sflag:s0] =	ssyncset.done @!p0 $0x0  }
0x93: {  	[sflag:s0] =	ssyncadd.s32 @!p0 s1  }
0x94: {  	[bflag:$0x3] =	sbarrier.arrive $0xFFFF  }
0x95: {  	_ =	shalt  }

// kernel: kernel.16.cloned.1.call-start
scs
__scs_entry_jumppad:
0x0: {  	(pc) =	sbr.rel $0x88, $3  }
0x1: {  	(tag) =	ssettag $0x0;
	lr =	simm.s32 $0x1  }
0x2: {  	[smem:$0x3F8E] =	sst lr;
	_ =	strace $0xD0000000  }
0x3: {  	_ = 	snop  }
0x4: {  	_ = 	snop  }
0x5: {  	_ = 	snop  }
0x6: {  	_ = 	snop  }
0x7: {  	_ = 	snop  }
__scs_overlays_trampoline_lowered:
0x8: {  	[smem:$0x3F9D] =	sst s0  }
0x9: {  	[smem:$0x3F9E] =	sst s1  }
0xa: {  	[smem:$0x3F9F] =	sst s2  }
0xb: {  	[smem:$0x3FA0] =	sst s3  }
0xc: {  	[smem:$0x3FA1] =	sst s4  }
0xd: {  	[smem:$0x3FA2] =	sst s5  }
0xe: {  	[smem:$0x3FA3] =	sst s6  }
0xf: {  	[smem:$0x3FA4] =	sst s7  }
0x10: {  	[smem:$0x3FA5] =	sst s8  }
0x11: {  	[smem:$0x3FA6] =	sst s9;
	s0 =	simm.s32 @!p0 $0x0  }
0x12: {  	s1 =	sld [smem:$0x3F8C];
	s0 =	simm.s32 @p0 $0x1  }
0x13: {  	[smem:$0x3FA7] =	sst s0;
	s0 =	simm.s32 @!p1 $0x0  }
0x14: {  	s2 =	sld [smem:$0x3F8B];
	s0 =	simm.s32 @p1 $0x1  }
0x15: {  	[smem:$0x3FA8] =	sst s0;
	s0 =	simm.s32 @!p2 $0x0  }
0x16: {  	s3 =	sld [smem:$0x3FDB];
	s0 =	simm.s32 @p2 $0x1  }
0x17: {  	s4 =	simm.s32 $0x1BF5;
	[smem:$0x3FAA] =	sst s0  }
0x18: {  	s0 =	sld [smem:$0x3F8D];
	_ =	swait.ge [sflag:s4], $0x0  }
0x19: {  	s7 =	sld [smem:$0x3F8E]  }
0x1a: {  	s8 =	sadd.s32 $0xFFFFE003, lr  }
0x1b: {  	s9 =	sadd.s32 $0xFFFFFEF7, lr;
	s5 =	simm.s32 $0xFFFFFFFF;
	p2 =	slt.u32 s8, $0xFFFFF086  }
0x1c: {  	p1 =	slt.u32 s9, $0xF7A;
	s5 =	simm.s32 @!p2 $0x0  }
0x1d: {  	s5 =	simm.s32 @p1 $0x1;
	p0 =	seq.s32 s7, s2  }
0x1e: {  	s7 =	smul.u32 @!p0 $0xF7A, s2;
	p2 =	seq.s32 @!p0 s5, $0x0  }
0x1f: {  	s9 =	smul.u32 $0xF7A, s1;
	s8 =	simm.s32 @!p0 $0x1BF5;
	p2 =	por !p2, p0  }
0x20: {  	[sflag:s8] =	ssyncset.s32 @!p0 $0xFFFFF086;
	s6 =	sadd.s32 @!p0 s3, s7;
	s7 =	simm.s32 @!p0 $0x108  }
0x21: {  	s3 =	sadd.s32 s3, s9;
	s6 =	sadd.s32 @!p0 $0x88, s6;
	s7 =	simm.s32 @p2 $0x1082  }
0x22: {  	[simem:s7], [sflag:s8] =	dma.local @!p0 [hbm:s6], $0xF7A  }
0x23: {  	s9 =	sor.u32 $0xD0000000, s2;
	s6 =	simm.s32 $0x108;
	_ =	swait.ge @!p0 [sflag:s8], $0x0  }
0x24: {  	s3 =	sadd.s32 $0x88, s3;
	s6 =	simm.s32 @!p1 $0x1082;
	[sflag:s4] =	ssyncset.s32 $0xFFFFF086  }
0x25: {  	[simem:s6], [sflag:s4] =	dma.local [hbm:s3], $0xF7A  }
0x26: {  	[smem:$0x3F8E] =	sst s1;
	(tag) =	ssettag s2;
	_ =	strace s9  }
0x27: {  	s1 =	sld [smem:$0x3F9E]  }
0x28: {  	s2 =	sld [smem:$0x3F9F]  }
0x29: {  	s4 =	sld [smem:$0x3FA1]  }
0x2a: {  	p0 =	seq.s32 s5, $0x0;
	s5 =	sld [smem:$0x3FA2]  }
0x2b: {  	s6 =	sld [smem:$0x3FA3]  }
0x2c: {  	s7 =	sld [smem:$0x3FA4]  }
0x2d: {  	s3 =	simm.s32 $0x108;
	s8 =	sld [smem:$0x3FA5]  }
0x2e: {  	s3 =	simm.s32 @!p0 $0x1082;
	s9 =	sld [smem:$0x3FA6]  }
0x2f: {  	lr =	sadd.s32 s0, s3;
	s0 =	sld [smem:$0x3F9D]  }
0x30: {  	s3 =	sld [smem:$0x3FA0]  }
0x31: {  	[smem:$0x3FA9] =	sst s10  }
0x32: {  	s10 =	sld [smem:$0x3FA7];
	_ =	sdelay $0x3  }
0x33: {  	p0 =	seq.s32 s10, $0x1;
	s10 =	sld [smem:$0x3FA9];
	_ =	sdelay $0x3  }
0x34: {  	[smem:$0x3FA9] =	sst s10  }
0x35: {  	s10 =	sld [smem:$0x3FA8];
	_ =	sdelay $0x3  }
0x36: {  	p1 =	seq.s32 s10, $0x1;
	s10 =	sld [smem:$0x3FA9];
	_ =	sdelay $0x3  }
0x37: {  	[smem:$0x3FA9] =	sst s10  }
0x38: {  	s10 =	sld [smem:$0x3FAA]  }
0x39: {  	_ = 	snop;
	(pc) =	sbr.ind lr, $3  }
0x3a: {  	_ = 	snop  }
0x3b: {  	_ = 	snop  }
0x3c: {  	p2 =	seq.s32 s10, $0x1;
	s10 =	sld [smem:$0x3FA9]  }
0x3d: {  	_ =	shalt  }
0x3e: {  	_ =	shalt  }
0x3f: {  	_ =	shalt  }
0x40: {  	_ =	shalt  }
0x41: {  	_ =	shalt  }
0x42: {  	_ =	shalt  }
0x43: {  	_ =	shalt  }
0x44: {  	_ =	shalt  }
0x45: {  	_ =	shalt  }
0x46: {  	_ =	shalt  }
0x47: {  	_ =	shalt  }
0x48: {  	_ =	shalt  }
0x49: {  	_ =	shalt  }
0x4a: {  	_ =	shalt  }
0x4b: {  	_ =	shalt  }
0x4c: {  	_ =	shalt  }
0x4d: {  	_ =	shalt  }
0x4e: {  	_ =	shalt  }
0x4f: {  	_ =	shalt  }
0x50: {  	_ =	shalt  }
0x51: {  	_ =	shalt  }
0x52: {  	_ =	shalt  }
0x53: {  	_ =	shalt  }
0x54: {  	_ =	shalt  }
0x55: {  	_ =	shalt  }
0x56: {  	_ =	shalt  }
0x57: {  	_ =	shalt  }
0x58: {  	_ =	shalt  }
0x59: {  	_ =	shalt  }
0x5a: {  	_ =	shalt  }
0x5b: {  	_ =	shalt  }
0x5c: {  	_ =	shalt  }
0x5d: {  	_ =	shalt  }
0x5e: {  	_ =	shalt  }
0x5f: {  	_ =	shalt  }
0x60: {  	_ =	shalt  }
0x61: {  	_ =	shalt  }
0x62: {  	_ =	shalt  }
0x63: {  	_ =	shalt  }
0x64: {  	_ =	shalt  }
0x65: {  	_ =	shalt  }
0x66: {  	_ =	shalt  }
0x67: {  	_ =	shalt  }
0x68: {  	_ =	shalt  }
0x69: {  	_ =	shalt  }
0x6a: {  	_ =	shalt  }
0x6b: {  	_ =	shalt  }
0x6c: {  	_ =	shalt  }
0x6d: {  	_ =	shalt  }
0x6e: {  	_ =	shalt  }
0x6f: {  	_ =	shalt  }
0x70: {  	_ =	shalt  }
0x71: {  	_ =	shalt  }
0x72: {  	_ =	shalt  }
0x73: {  	_ =	shalt  }
0x74: {  	_ =	shalt  }
0x75: {  	_ =	shalt  }
0x76: {  	_ =	shalt  }
0x77: {  	_ =	shalt  }
0x78: {  	_ =	shalt  }
0x79: {  	_ =	shalt  }
0x7a: {  	_ =	shalt  }
0x7b: {  	_ =	shalt  }
0x7c: {  	_ =	shalt  }
0x7d: {  	_ =	shalt  }
0x7e: {  	_ =	shalt  }
0x7f: {  	_ =	shalt  }
0x80: {  	_ =	shalt  }
0x81: {  	_ =	shalt  }
0x82: {  	_ =	shalt  }
0x83: {  	_ =	shalt  }
0x84: {  	_ =	shalt  }
0x85: {  	_ =	shalt  }
0x86: {  	_ =	shalt  }
0x87: {  	_ =	shalt  }
.Lfunc_end0:
.L_simem_size_0:
called_computation.1_lowered:
.L_overlay_start_0:
0x88: {  	s2 =	sld [smem:$0x3FD9]  }
0x89: {  	s3 =	sld [smem:$0x3FFE];
	_ =	sdelay $0x1  }
0x8a: {  	s1 =	srdreg.scid  }
0x8b: {  	s0 =	sand.u32 $0x1, s1  }
0x8c: {  	s15 =	sshll.u32 s0, $0xA;
	s2 =	sadd.s32 s3, s2  }
0x8d: {  	s2 =	sadd.s32 s2, s15  }
0x8e: {  	[smem:$0x3FB5] =	sst s2  }
0x8f: {  	_ = 	snop  }
0x90: {  	s2 =	sld [smem:$0x3FD0];
	_ =	sdelay $0x2  }
0x91: {  	s16 =	simm.s32 $0xB;
	s4 =	simm.s32 $0x10  }
0x92: {  	[smem:s4], [sflag:s16] =	dma.local [hbm:s2], $0x1  }
0x93: {  	_ =	swait.eq [sflag:s16], $0x1  }
0x94: {  	[sflag:s16] =	ssyncset.done $0x0  }
0x95: {  	[sflag:s16] =	ssyncadd.s32 $0xFFFFFFFF  }
0x96: {  	s17 =	sld [smem:$0x10];
	(tm) =	ssettm $0x1  }
0x97: {  	s18 =	sld [smem:$0x3FFB];
	_ =	sdelay $0x3  }
0x98: {  	_ =	strace s18  }
0x99: {  	s2 =	sld [smem:$0x3FFC];
	_ =	sdelay $0x3  }
0x9a: {  	_ =	strace s2  }
0x9b: {  	s2 =	sld [smem:$0x3FFD];
	_ =	sdelay $0x3  }
0x9c: {  	_ =	strace s2  }
0x9d: {  	_ =	strace $0x8FFFFFFF  }
0x9e: {  	s19 =	sld [smem:$0x3FDB];
	_ =	sdelay $0x1  }
0x9f: {  	s20 =	simm.s32 $_scs_section_size  }
0xa0: {  	s5 =	simm.s32 $_size__tile_overlayer_lowered;
	s6 =	simm.s32 $_tile_overlayer_lowered  }
0xa1: {  	s7 =	simm.s32 $0x1BFF;
	s21 =	sshll.u32 s6, $0x1;
	s4 =	sadd.s32 s20, s19  }
0xa2: {  	s22 =	simm.s32 $0x0;
	s5 =	sshll.u32 s5, $0x1;
	s6 =	sadd.s32 s21, s4  }
0xa3: {  	[timem:s22], [sflag:s7] =	dma.local [hbm:s6], s5  }
0xa4: {  	_ =	swait.ge [sflag:s7], s5  }
0xa5: {  	s5 =	ssub.s32 $0x0, s5;
	[sflag:s7] =	ssyncset.done $0x0  }
0xa6: {  	[sflag:s7] =	ssyncadd.s32 s5;
	_ =	sdelay $0x1  }
0xa7: {  	s23 =	simm.s32 $0x1B8B  }
0xa8: {  	_ =	swait.ge [sflag:s23], $0x1  }
0xa9: {  	[sflag:s23] =	ssyncset.done $0x0  }
0xaa: {  	[sflag:s23] =	ssyncadd.s32 $0xFFFFFFFF  }
0xab: {  	s5 =	sld [smem:$0x0]  }
0xac: {  	s6 =	sand.u32 $0xFFFFFFFE, s1  }
0xad: {  	p0 =	sne.s32 s1, s6  }
0xae: {  	s6 =	sshll.u32 @p0 s6, $0xE  }
0xaf: {  	s6 =	sadd.s32 @p0 $0x11B8D, s6;
	s7 =	sshll.u32 @p0 s5, $0x11  }
0xb0: {  	s6 =	sor.u32 @p0 s7, s6  }
0xb1: {  	[sflag:s6] =	ssyncadd.remote.s32 @p0 $0x1;
	_ =	sdelay $0x1  }
0xb2: {  	s6 =	simm.s32 @p0 $0x1B8D  }
0xb3: {  	_ =	swait.eq @p0 [sflag:s6], $0x1  }
0xb4: {  	[sflag:s6] =	ssyncadd.s32 @p0 $0xFFFFFFFF  }
0xb5: {  	s7 =	sshll.u32 @!p0 s1, $0xE  }
0xb6: {  	s7 =	sor.u32 @!p0 $0x4000, s7;
	s6 =	simm.s32 @!p0 $0x1B8D  }
0xb7: {  	s5 =	sshll.u32 @!p0 s5, $0x11;
	s7 =	sadd.s32 @!p0 $0x11B8D, s7;
	_ =	swait.eq @!p0 [sflag:s6], $0x1  }
0xb8: {  	s5 =	sor.u32 @!p0 s5, s7;
	[sflag:s6] =	ssyncadd.s32 @!p0 $0xFFFFFFFF  }
0xb9: {  	s25 =	simm.s32 $0x1B8E;
	s24 =	sld [smem:$0x3FFE];
	[sflag:s5] =	ssyncadd.remote.s32 @!p0 $0x1  }
0xba: {  	s26 =	simm.s32 $execute0_lowered;
	[smem:$0x3FD2] =	sst s25  }
0xbb: {  	s6 =	sshll.u32 s26, $0x1;
	_ =	strace $0x80000049;
	[dreg:$0x1] =	wrdreg $0xFFFFFFFF  }
0xbc: {  	s28 =	simm.s32 $_size_execute0_lowered;
	s4 =	sadd.s32 s4, s6;
	[dreg:$0x0] =	wrdreg $0x0  }
0xbd: {  	s6 =	sshll.u32 s28, $0x1;
	[dreg:$0x2] =	wrdreg s4  }
0xbe: {  	[dreg:$0x3] =	wrdreg s6  }
0xbf: {  	[dreg:$0x4] =	wrdreg $0xC0  }
0xc0: {  	_ =	task [dreg:s22], $0x5FFFF  }
0xc1: {  	[dreg:$0x1] =	wrdreg $0xFFFFFFFF  }
0xc2: {  	[dreg:$0x0] =	wrdreg $0x60  }
0xc3: {  	[dreg:$0x2] =	wrdreg s17  }
0xc4: {  	[dreg:$0x3] =	wrdreg s24  }
0xc5: {  	[dreg:$0x4] =	wrdreg $0xA  }
0xc6: {  	_ =	task.clear_ibuf [dreg:s22], $0x5FFFF;
	_ =	strace $0x90000049  }
0xc7: {  	s29 =	simm.s32 $0xA;
	_ =	strace $0x8000004B  }
0xc8: {  	_ =	swait.ge [sflag:s29], $0x1  }
0xc9: {  	[sflag:s29] =	ssyncadd.s32 $0xFFFFFFFF  }
0xca: {  	_ =	strace $0x9000004B  }
0xcb: {  	_ =	sfence  }
0xcc: {  	s30 =	sld [smem:$0x0];
	_ =	sdelay $0x2  }
0xcd: {  	s31 =	sshll.u32 s1, $0xD;
	s1 =	sshrl.u32 s1, $0x2  }
0xce: {  	s4 =	sand.u32 $0x4000, s31;
	s1 =	sadd.s32 s1, s30  }
0xcf: {  	s0 =	sor.u32 s4, s0;
	s1 =	sshll.u32 s1, $0x11  }
0xd0: {  	s0 =	sor.u32 s1, s0  }
0xd1: {  	s0 =	sadd.s32 $0x8F2B, s0  }
0xd2: {  	[sflag:s0] =	ssyncadd.remote.s32 $0x1  }
0xd3: {  	_ =	sfence.sel $0xFFFF  }
0xd4: {  	[dreg:$0x0] =	wrdreg $0xFFFFFFFF;
	(pc) =	sbr.abs _section_cstart, $3  }
0xd5: {  	[dreg:$0x1] =	wrdreg $0xFFFFFFFF  }
0xd6: {  	_ =	task.clear_ibuf [dreg:s22], $0x2FFFF;
	_ =	strace $0x9FFFFFFF  }
0xd7: {  	(tm) =	ssettm $0x7FFFFFFF  }
tec
execute0_lowered:
.L_overlay_start_1:
0x0: {  	(tag) =	ssettag $0x1  }
0x1: {  	s0 =	srdreg.scid;
	s2 =	rddreg [dreg:$0x0]  }
0x2: {  	s8 =	stileid.u32;
	s4 =	rddreg [dreg:$0x1];
	s3 =	simm.s32 $0x0  }
0x3: {  	s16 =	simm.s32 $0x7;
	s17 =	simm.s32 $0x80;
	s18 =	simm.s32 $0x2710  }
0x4: {  	s19 =	simm.s32 $0x4710;
	s20 =	simm.s32 $0x1;
	s22 =	simm.s32 $0x6710  }
0x5: {  	s23 =	simm.s32 $0x2;
	s24 =	simm.s32 $0x4;
	s11 =	smul.u32 $0x4E20, s8  }
0x6: {  	s28 =	simm.s32 $0x5;
	s0 =	sand.u32 $0x1, s0;
	s13 =	smul.u32 $0x138800, s8  }
0x7: {  	s30 =	simm.s32 $0x6;
	s1 =	sshll.u32 s8, $0x1;
	s12 =	smul.u32 $0x2710, s0  }
0x8: {  	s1 =	sor.u32 s0, s1;
	s7 =	ssub.s32 $0x2, s0;
	s0 =	smul.u32 $0x9C400, s0  }
0x9: {  	s21 =	simm.s32 $0x0;
	[smem:$0x7FF] =	sst s3;
	s5 =	smul.u32 $0x2710, s1  }
0xa: {  	s15 =	sadd.s32 $0x2AEE00, s4;
	s6 =	smul.u32 $0x13880, s1;
	s25 =	sshrl.u32 s7, $0x1  }
0xb: {  	_ =	strace $0x8000004A;
	s1 =	smul.u32 $0x9C400, s1;
	s9 =	ssub.s32 s7, s25  }
0xc: {  	s12 =	sadd.s32 s12, s11;
	s0 =	sadd.s32 s0, s13;
	s5 =	sshrl.u32 s5, $0x3  }
0xd: {  	s1 =	sshrl.u32 s1, $0x3;
	s9 =	smax.u32 s9, $0x1;
	s29 =	sshll.u32 s12, $0x3  }
0xe: {  	s0 =	sadd.s32 $0xA000, s0;
	s5 =	sadd.s32 s5, s4;
	s1 =	sadd.s32 s15, s1  }
0xf: {  	s31 =	sadd.s32 s15, s29;
	s0 =	sshrl.u32 s0, $0x3;
	s26 =	sadd.s32 $0x2A200, s5  }
0x10: {  	s5 =	sadd.s32 s15, s6;
	s6 =	sadd.s32 $0x400, s1;
	s7 =	sadd.s32 $0x800, s1  }
0x11: {  	s8 =	sadd.s32 $0x13800, s1;
	s12 =	sadd.s32 $0x13400, s1;
	s13 =	sadd.s32 $0x1000, s31  }
0x12: {  	s14 =	sadd.s32 $0xC00, s31;
	s15 =	sadd.s32 s0, s15;
	[dreg:$0x3] =	wrdreg s26  }
0x13: {  	s10 =	sadd.s32 $0x12C00, s5;
	s11 =	sadd.s32 $0x13000, s5;
	s26 =	simm.s32 $0x3  }
.LBB2_1:
0x14: {  	s0 =	rddreg [dreg:$0x3]  }
0x15: {  	[tilespmem:s3], [sflag:$0x7] =	stream.linear.gather [hbm4b:s0+s3], $0x2710, $0x38;
	[tilespmem:$0x8710] =	vst v63  }
0x16: {  	_ =	swait.ge [sflag:s16], $0x2710  }
0x17: {  	[sflag:s16] =	ssyncset.done $0x0  }
0x18: {  	[sflag:s16] =	ssyncadd.s32 $0xFFFFD8F0  }
0x19: {  	[tilespmem:s18], [sflag:$0x1] =	stream.indirect.gather [hbm4b:s2+s17], $0x40, s3, s17, $0xb8;
	[tilespmem:$0x8710] =	vst v63  }
0x1a: {  	_ = 	snop  }
0x1b: {  	[tilespmem:s19], [sflag:$0x2] =	stream.indirect.gather [hbm4b:s2+s17], $0x40, s17, s17, $0xb8;
	[tilespmem:$0x8710] =	vst v63  }
0x1c: {  	_ =	swait.ge [sflag:s20], $0x2000  }
0x1d: {  	[sflag:s20] =	ssyncset.done $0x0  }
0x1e: {  	[sflag:s20] =	ssyncadd.s32 $0xFFFFE000  }
0x1f: {  	[hbm4b:s5+s3] =	stream.linear.scatter [tilespmem:s18], [sflag:$0x4], $0x2000, $0x38;
	[tilespmem:$0x8710] =	vst v63  }
0x20: {  	s4 =	simm.s32 $0x100  }
0x21: {  	[tilespmem:s22], [sflag:$0x3] =	stream.indirect.gather [hbm4b:s2+s17], $0x40, s4, s17, $0xb8;
	[tilespmem:$0x8710] =	vst v63  }
0x22: {  	_ =	swait.ge [sflag:s23], $0x2000  }
0x23: {  	[sflag:s23] =	ssyncset.done $0x0  }
0x24: {  	[sflag:s23] =	ssyncadd.s32 $0xFFFFE000  }
0x25: {  	[hbm4b:s6+s3] =	stream.linear.scatter [tilespmem:s19], [sflag:$0x5], $0x2000, $0x38;
	[tilespmem:$0x8710] =	vst v63  }
0x26: {  	_ =	swait.ge [sflag:s24], $0x2000  }
0x27: {  	[sflag:s24] =	ssyncset.done $0x0  }
0x28: {  	s25 =	simm.s32 $0x180;
	[sflag:s24] =	ssyncadd.s32 $0xFFFFE000  }
0x29: {  	[tilespmem:s18], [sflag:$0x1] =	stream.indirect.gather [hbm4b:s2+s17], $0x40, s25, s17, $0xb8;
	[tilespmem:$0x8710] =	vst v63  }
0x2a: {  	_ =	swait.ge [sflag:s26], $0x2000  }
0x2b: {  	[sflag:s26] =	ssyncset.done $0x0  }
0x2c: {  	[sflag:s26] =	ssyncadd.s32 $0xFFFFE000  }
0x2d: {  	[hbm4b:s7+s3] =	stream.linear.scatter [tilespmem:s22], [sflag:$0x6], $0x2000, $0x38;
	[tilespmem:$0x8710] =	vst v63  }
0x2e: {  	_ =	swait.ge [sflag:s28], $0x2000  }
0x2f: {  	[sflag:s28] =	ssyncset.done $0x0  }
0x30: {  	s1 =	simm.s32 $0x200;
	[sflag:s28] =	ssyncadd.s32 $0xFFFFE000  }
0x31: {  	[tilespmem:s19], [sflag:$0x2] =	stream.indirect.gather [hbm4b:s2+s17], $0x40, s1, s17, $0xb8;
	[tilespmem:$0x8710] =	vst v63  }
0x32: {  	_ =	swait.ge [sflag:s20], $0x2000  }
0x33: {  	[sflag:s20] =	ssyncset.done $0x0  }
0x34: {  	[sflag:s20] =	ssyncadd.s32 $0xFFFFE000  }
0x35: {  	[hbm4b:s14+s3] =	stream.linear.scatter [tilespmem:s18], [sflag:$0x4], $0x2000, $0x38;
	[tilespmem:$0x8710] =	vst v63  }
0x36: {  	_ =	swait.ge [sflag:s30], $0x2000  }
0x37: {  	[sflag:s30] =	ssyncset.done $0x0  }
0x38: {  	s4 =	simm.s32 $0x280;
	[sflag:s30] =	ssyncadd.s32 $0xFFFFE000  }
0x39: {  	[tilespmem:s22], [sflag:$0x3] =	stream.indirect.gather [hbm4b:s2+s17], $0x40, s4, s17, $0xb8;
	[tilespmem:$0x8710] =	vst v63  }
0x3a: {  	_ =	swait.ge [sflag:s23], $0x2000  }
0x3b: {  	[sflag:s23] =	ssyncset.done $0x0  }
0x3c: {  	[sflag:s23] =	ssyncadd.s32 $0xFFFFE000  }
0x3d: {  	[hbm4b:s13+s3] =	stream.linear.scatter [tilespmem:s19], [sflag:$0x5], $0x2000, $0x38;
	[tilespmem:$0x8710] =	vst v63  }
0x3e: {  	_ =	swait.ge [sflag:s24], $0x2000  }
0x3f: {  	[sflag:s24] =	ssyncset.done $0x0  }
0x40: {  	s25 =	simm.s32 $0x300;
	[sflag:s24] =	ssyncadd.s32 $0xFFFFE000  }
0x41: {  	[tilespmem:s18], [sflag:$0x1] =	stream.indirect.gather [hbm4b:s2+s17], $0x40, s25, s17, $0xb8;
	[tilespmem:$0x8710] =	vst v63  }
0x42: {  	_ =	swait.ge [sflag:s26], $0x2000  }
0x43: {  	[sflag:s26] =	ssyncset.done $0x0  }
0x44: {  	[sflag:s26] =	ssyncadd.s32 $0xFFFFE000  }
0x45: {  	[hbm4b:s15+s3] =	stream.linear.scatter [tilespmem:s22], [sflag:$0x6], $0x2000, $0x38;
	[tilespmem:$0x8710] =	vst v63  }
0x46: {  	s29 =	sadd.s32 $0xC00, s14;
	_ =	swait.ge [sflag:s28], $0x2000  }
0x47: {  	s31 =	sadd.s32 $0xC00, s15;
	s0 =	simm.s32 $0x380;
	[sflag:s28] =	ssyncset.done $0x0  }
0x48: {  	s1 =	sadd.s32 $0xC00, s13;
	s25 =	simm.s32 $0x600;
	[sflag:s28] =	ssyncadd.s32 $0xFFFFE000  }
.LBB2_2:
0x49: {  	[tilespmem:s19], [sflag:$0x2] =	stream.indirect.gather [hbm4b:s2+s17], $0x40, s0, s17, $0xb8;
	[tilespmem:$0x8710] =	vst v63  }
0x4a: {  	s0 =	smov.u32 s25  }
0x4b: {  	p0 =	sne.s32 s25, $0x8A00;
	s25 =	sadd.s32 $0x600, s25;
	_ =	swait.ge [sflag:s20], $0x2000  }
0x4c: {  	[sflag:s20] =	ssyncset.done $0x0  }
0x4d: {  	[sflag:s20] =	ssyncadd.s32 $0xFFFFE000  }
0x4e: {  	[hbm4b:s29+s3] =	stream.linear.scatter [tilespmem:s18], [sflag:$0x4], $0x2000, $0x38;
	[tilespmem:$0x8710] =	vst v63  }
0x4f: {  	_ =	swait.ge [sflag:s30], $0x2000  }
0x50: {  	s0 =	sshra.s32 s0, $0x2;
	[sflag:s30] =	ssyncset.done $0x0  }
0x51: {  	s4 =	sadd.s32 $0x280, s0;
	[sflag:s30] =	ssyncadd.s32 $0xFFFFE000  }
0x52: {  	[tilespmem:s22], [sflag:$0x3] =	stream.indirect.gather [hbm4b:s2+s17], $0x40, s4, s17, $0xb8;
	[tilespmem:$0x8710] =	vst v63  }
0x53: {  	_ =	swait.ge [sflag:s23], $0x2000  }
0x54: {  	[sflag:s23] =	ssyncset.done $0x0  }
0x55: {  	[sflag:s23] =	ssyncadd.s32 $0xFFFFE000  }
0x56: {  	[hbm4b:s1+s3] =	stream.linear.scatter [tilespmem:s19], [sflag:$0x5], $0x2000, $0x38;
	[tilespmem:$0x8710] =	vst v63  }
0x57: {  	_ =	swait.ge [sflag:s24], $0x2000  }
0x58: {  	[sflag:s24] =	ssyncset.done $0x0  }
0x59: {  	s4 =	sadd.s32 $0x300, s0;
	[sflag:s24] =	ssyncadd.s32 $0xFFFFE000  }
0x5a: {  	[tilespmem:s18], [sflag:$0x1] =	stream.indirect.gather [hbm4b:s2+s17], $0x40, s4, s17, $0xb8;
	[tilespmem:$0x8710] =	vst v63  }
0x5b: {  	_ =	swait.ge [sflag:s26], $0x2000  }
0x5c: {  	[sflag:s26] =	ssyncset.done $0x0  }
.Ltmp0:
0x5d: {  	[sflag:s26] =	ssyncadd.s32 $0xFFFFE000;
	(pc) =	sbr.rel @p0 .LBB2_2-.Ltmp0, $4  }
0x5e: {  	[hbm4b:s31+s3] =	stream.linear.scatter [tilespmem:s22], [sflag:$0x6], $0x2000, $0x38;
	[tilespmem:$0x8710] =	vst v63  }
0x5f: {  	_ =	swait.ge [sflag:s28], $0x2000  }
0x60: {  	s29 =	sadd.s32 $0xC00, s29;
	s31 =	sadd.s32 $0xC00, s31;
	[sflag:s28] =	ssyncset.done $0x0  }
0x61: {  	s0 =	sadd.s32 $0x380, s0;
	s1 =	sadd.s32 $0xC00, s1;
	[sflag:s28] =	ssyncadd.s32 $0xFFFFE000  }
0x62: {  	[tilespmem:s19], [sflag:$0x2] =	stream.indirect.gather [hbm4b:s2+s17], $0x40, s0, s17, $0xb8;
	[tilespmem:$0x8710] =	vst v63  }
0x63: {  	_ =	swait.ge [sflag:s20], $0x2000  }
0x64: {  	[sflag:s20] =	ssyncset.done $0x0  }
0x65: {  	[sflag:s20] =	ssyncadd.s32 $0xFFFFE000  }
0x66: {  	[hbm4b:s10+s3] =	stream.linear.scatter [tilespmem:s18], [sflag:$0x4], $0x2000, $0x38;
	[tilespmem:$0x8710] =	vst v63  }
0x67: {  	_ =	swait.ge [sflag:s30], $0x2000  }
0x68: {  	[sflag:s30] =	ssyncset.done $0x0  }
0x69: {  	s29 =	simm.s32 $0x2680;
	[sflag:s30] =	ssyncadd.s32 $0xFFFFE000  }
0x6a: {  	[tilespmem:s22], [sflag:$0x3] =	stream.indirect.gather [hbm4b:s2+s17], $0x40, s29, s17, $0xb8;
	[tilespmem:$0x8710] =	vst v63  }
0x6b: {  	_ =	swait.ge [sflag:s23], $0x2000  }
0x6c: {  	[sflag:s23] =	ssyncset.done $0x0  }
0x6d: {  	[sflag:s23] =	ssyncadd.s32 $0xFFFFE000  }
0x6e: {  	[hbm4b:s11+s3] =	stream.linear.scatter [tilespmem:s19], [sflag:$0x5], $0x2000, $0x38;
	[tilespmem:$0x8710] =	vst v63  }
0x6f: {  	_ =	swait.ge [sflag:s26], $0x2000  }
0x70: {  	[sflag:s26] =	ssyncset.done $0x0  }
0x71: {  	[sflag:s26] =	ssyncadd.s32 $0xFFFFE000  }
0x72: {  	[hbm4b:s12+s3] =	stream.linear.scatter [tilespmem:s22], [sflag:$0x6], $0x2000, $0x38;
	[tilespmem:$0x8710] =	vst v63  }
0x73: {  	_ =	swait.ge [sflag:s24], $0x2000  }
0x74: {  	[sflag:s24] =	ssyncset.done $0x0  }
0x75: {  	[sflag:s24] =	ssyncadd.s32 $0xFFFFE000  }
0x76: {  	_ =	swait.ge [sflag:s28], $0x2000  }
0x77: {  	[sflag:s28] =	ssyncset.done $0x0  }
0x78: {  	[sflag:s28] =	ssyncadd.s32 $0xFFFFE000  }
0x79: {  	_ =	swait.ge [sflag:s30], $0x2000  }
0x7a: {  	[sflag:s30] =	ssyncset.done $0x0  }
0x7b: {  	s31 =	simm.s32 $0x10;
	s1 =	simm.s32 $0x2700;
	[sflag:s30] =	ssyncadd.s32 $0xFFFFE000  }
0x7c: {  	[tilespmem:s18], [sflag:$0x1] =	stream.indirect.gather [hbm4b:s2+s31], $0x40, s1, s31, $0xb8;
	[tilespmem:$0x8710] =	vst v63  }
0x7d: {  	s21 =	sadd.s32 $0x1, s21;
	_ =	swait.ge [sflag:s20], $0x400  }
0x7e: {  	p0 =	sne.s32 s21, s9;
	[sflag:s20] =	ssyncset.done $0x0  }
.Ltmp1:
0x7f: {  	[sflag:s20] =	ssyncadd.s32 $0xFFFFFC00;
	(pc) =	sbr.rel @p0 .LBB2_1-.Ltmp1, $4  }
0x80: {  	[hbm4b:s8+s3] =	stream.linear.scatter [tilespmem:s18], [sflag:$0x7], $0x400, $0x38;
	[tilespmem:$0x8710] =	vst v63  }
0x81: {  	_ =	swait.ge [sflag:s16], $0x400  }
0x82: {  	[sflag:s16] =	ssyncset.done $0x0  }
0x83: {  	[sflag:s16] =	ssyncadd.s32 $0xFFFFFC00  }
0x84: {  	_ =	sfence.sel $0x180000  }
0x85: {  	[bflag:$0x0] =	sbarrier.arrive $0xFFFF  }
0x86: {  	_ =	strace $0x9000004A  }
0x87: {  	s0 =	stileid.u32;
	[bflag:$0x2] =	sbarrier.arrive $0xFFFF  }
0x88: {  	p0 =	sne.s32 s0, $0x0;
	s0 =	rddreg [dreg:$0x2]  }
0x89: {  	s0 =	sadd.s32 @!p0 $0x100000, s0  }
0x8a: {  	[sflag:s0] =	ssyncadd.tile.s32 @!p0 $0x1;
	_ =	shalt  }
.Lfunc_end2:
_tile_overlayer_lowered:
.L_overlay_start_2:
0x8b: {  	(tag) =	ssettag $0x2  }
0x8c: {  	s0 =	rddreg [dreg:$0x0];
	s2 =	stileid.u32  }
0x8d: {  	s1 =	rddreg [dreg:$0x1];
	p0 =	sne.s32 s2, $0x0  }
0x8e: {  	s3 =	rddreg [dreg:$0x2];
	[bflag:$0x3] =	sbarrier.arrive $0xFFFF;
	s2 =	simm.s32 @!p0 $0x1C07  }
0x8f: {  	[timem:s3], [sflag:s2] =	dma.local @!p0 [hbm:s0], s1  }
0x90: {  	s0 =	simm.s32 @!p0 $0x7  }
0x91: {  	_ =	swait.ge @!p0 [sflag:s0], s1  }
0x92: {  	s1 =	ssub.s32 @!p0 $0x0, s1;
	[sflag:s0] =	ssyncset.done @!p0 $0x0  }
0x93: {  	[sflag:s0] =	ssyncadd.s32 @!p0 s1  }
0x94: {  	[bflag:$0x3] =	sbarrier.arrive $0xFFFF  }
0x95: {  	_ =	shalt  }

// kernel: kernel.19.cloned.1.call-start
scs
__scs_entry_jumppad:
0x0: {  	(pc) =	sbr.rel $0x88, $3  }
0x1: {  	(tag) =	ssettag $0x0;
	lr =	simm.s32 $0x1  }
0x2: {  	[smem:$0x3F8E] =	sst lr;
	_ =	strace $0xD0000000  }
0x3: {  	_ = 	snop  }
0x4: {  	_ = 	snop  }
0x5: {  	_ = 	snop  }
0x6: {  	_ = 	snop  }
0x7: {  	_ = 	snop  }
__scs_overlays_trampoline_lowered:
0x8: {  	[smem:$0x3F9D] =	sst s0  }
0x9: {  	[smem:$0x3F9E] =	sst s1  }
0xa: {  	[smem:$0x3F9F] =	sst s2  }
0xb: {  	[smem:$0x3FA0] =	sst s3  }
0xc: {  	[smem:$0x3FA1] =	sst s4  }
0xd: {  	[smem:$0x3FA2] =	sst s5  }
0xe: {  	[smem:$0x3FA3] =	sst s6  }
0xf: {  	[smem:$0x3FA4] =	sst s7  }
0x10: {  	[smem:$0x3FA5] =	sst s8  }
0x11: {  	[smem:$0x3FA6] =	sst s9;
	s0 =	simm.s32 @!p0 $0x0  }
0x12: {  	s1 =	sld [smem:$0x3F8C];
	s0 =	simm.s32 @p0 $0x1  }
0x13: {  	[smem:$0x3FA7] =	sst s0;
	s0 =	simm.s32 @!p1 $0x0  }
0x14: {  	s2 =	sld [smem:$0x3F8B];
	s0 =	simm.s32 @p1 $0x1  }
0x15: {  	[smem:$0x3FA8] =	sst s0;
	s0 =	simm.s32 @!p2 $0x0  }
0x16: {  	s3 =	sld [smem:$0x3FDB];
	s0 =	simm.s32 @p2 $0x1  }
0x17: {  	s4 =	simm.s32 $0x1BF5;
	[smem:$0x3FAA] =	sst s0  }
0x18: {  	s0 =	sld [smem:$0x3F8D];
	_ =	swait.ge [sflag:s4], $0x0  }
0x19: {  	s7 =	sld [smem:$0x3F8E]  }
0x1a: {  	s8 =	sadd.s32 $0xFFFFE003, lr  }
0x1b: {  	s9 =	sadd.s32 $0xFFFFFEF7, lr;
	s5 =	simm.s32 $0xFFFFFFFF;
	p2 =	slt.u32 s8, $0xFFFFF086  }
0x1c: {  	p1 =	slt.u32 s9, $0xF7A;
	s5 =	simm.s32 @!p2 $0x0  }
0x1d: {  	s5 =	simm.s32 @p1 $0x1;
	p0 =	seq.s32 s7, s2  }
0x1e: {  	s7 =	smul.u32 @!p0 $0xF7A, s2;
	p2 =	seq.s32 @!p0 s5, $0x0  }
0x1f: {  	s9 =	smul.u32 $0xF7A, s1;
	s8 =	simm.s32 @!p0 $0x1BF5;
	p2 =	por !p2, p0  }
0x20: {  	[sflag:s8] =	ssyncset.s32 @!p0 $0xFFFFF086;
	s6 =	sadd.s32 @!p0 s3, s7;
	s7 =	simm.s32 @!p0 $0x108  }
0x21: {  	s3 =	sadd.s32 s3, s9;
	s6 =	sadd.s32 @!p0 $0x88, s6;
	s7 =	simm.s32 @p2 $0x1082  }
0x22: {  	[simem:s7], [sflag:s8] =	dma.local @!p0 [hbm:s6], $0xF7A  }
0x23: {  	s9 =	sor.u32 $0xD0000000, s2;
	s6 =	simm.s32 $0x108;
	_ =	swait.ge @!p0 [sflag:s8], $0x0  }
0x24: {  	s3 =	sadd.s32 $0x88, s3;
	s6 =	simm.s32 @!p1 $0x1082;
	[sflag:s4] =	ssyncset.s32 $0xFFFFF086  }
0x25: {  	[simem:s6], [sflag:s4] =	dma.local [hbm:s3], $0xF7A  }
0x26: {  	[smem:$0x3F8E] =	sst s1;
	(tag) =	ssettag s2;
	_ =	strace s9  }
0x27: {  	s1 =	sld [smem:$0x3F9E]  }
0x28: {  	s2 =	sld [smem:$0x3F9F]  }
0x29: {  	s4 =	sld [smem:$0x3FA1]  }
0x2a: {  	p0 =	seq.s32 s5, $0x0;
	s5 =	sld [smem:$0x3FA2]  }
0x2b: {  	s6 =	sld [smem:$0x3FA3]  }
0x2c: {  	s7 =	sld [smem:$0x3FA4]  }
0x2d: {  	s3 =	simm.s32 $0x108;
	s8 =	sld [smem:$0x3FA5]  }
0x2e: {  	s3 =	simm.s32 @!p0 $0x1082;
	s9 =	sld [smem:$0x3FA6]  }
0x2f: {  	lr =	sadd.s32 s0, s3;
	s0 =	sld [smem:$0x3F9D]  }
0x30: {  	s3 =	sld [smem:$0x3FA0]  }
0x31: {  	[smem:$0x3FA9] =	sst s10  }
0x32: {  	s10 =	sld [smem:$0x3FA7];
	_ =	sdelay $0x3  }
0x33: {  	p0 =	seq.s32 s10, $0x1;
	s10 =	sld [smem:$0x3FA9];
	_ =	sdelay $0x3  }
0x34: {  	[smem:$0x3FA9] =	sst s10  }
0x35: {  	s10 =	sld [smem:$0x3FA8];
	_ =	sdelay $0x3  }
0x36: {  	p1 =	seq.s32 s10, $0x1;
	s10 =	sld [smem:$0x3FA9];
	_ =	sdelay $0x3  }
0x37: {  	[smem:$0x3FA9] =	sst s10  }
0x38: {  	s10 =	sld [smem:$0x3FAA]  }
0x39: {  	_ = 	snop;
	(pc) =	sbr.ind lr, $3  }
0x3a: {  	_ = 	snop  }
0x3b: {  	_ = 	snop  }
0x3c: {  	p2 =	seq.s32 s10, $0x1;
	s10 =	sld [smem:$0x3FA9]  }
0x3d: {  	_ =	shalt  }
0x3e: {  	_ =	shalt  }
0x3f: {  	_ =	shalt  }
0x40: {  	_ =	shalt  }
0x41: {  	_ =	shalt  }
0x42: {  	_ =	shalt  }
0x43: {  	_ =	shalt  }
0x44: {  	_ =	shalt  }
0x45: {  	_ =	shalt  }
0x46: {  	_ =	shalt  }
0x47: {  	_ =	shalt  }
0x48: {  	_ =	shalt  }
0x49: {  	_ =	shalt  }
0x4a: {  	_ =	shalt  }
0x4b: {  	_ =	shalt  }
0x4c: {  	_ =	shalt  }
0x4d: {  	_ =	shalt  }
0x4e: {  	_ =	shalt  }
0x4f: {  	_ =	shalt  }
0x50: {  	_ =	shalt  }
0x51: {  	_ =	shalt  }
0x52: {  	_ =	shalt  }
0x53: {  	_ =	shalt  }
0x54: {  	_ =	shalt  }
0x55: {  	_ =	shalt  }
0x56: {  	_ =	shalt  }
0x57: {  	_ =	shalt  }
0x58: {  	_ =	shalt  }
0x59: {  	_ =	shalt  }
0x5a: {  	_ =	shalt  }
0x5b: {  	_ =	shalt  }
0x5c: {  	_ =	shalt  }
0x5d: {  	_ =	shalt  }
0x5e: {  	_ =	shalt  }
0x5f: {  	_ =	shalt  }
0x60: {  	_ =	shalt  }
0x61: {  	_ =	shalt  }
0x62: {  	_ =	shalt  }
0x63: {  	_ =	shalt  }
0x64: {  	_ =	shalt  }
0x65: {  	_ =	shalt  }
0x66: {  	_ =	shalt  }
0x67: {  	_ =	shalt  }
0x68: {  	_ =	shalt  }
0x69: {  	_ =	shalt  }
0x6a: {  	_ =	shalt  }
0x6b: {  	_ =	shalt  }
0x6c: {  	_ =	shalt  }
0x6d: {  	_ =	shalt  }
0x6e: {  	_ =	shalt  }
0x6f: {  	_ =	shalt  }
0x70: {  	_ =	shalt  }
0x71: {  	_ =	shalt  }
0x72: {  	_ =	shalt  }
0x73: {  	_ =	shalt  }
0x74: {  	_ =	shalt  }
0x75: {  	_ =	shalt  }
0x76: {  	_ =	shalt  }
0x77: {  	_ =	shalt  }
0x78: {  	_ =	shalt  }
0x79: {  	_ =	shalt  }
0x7a: {  	_ =	shalt  }
0x7b: {  	_ =	shalt  }
0x7c: {  	_ =	shalt  }
0x7d: {  	_ =	shalt  }
0x7e: {  	_ =	shalt  }
0x7f: {  	_ =	shalt  }
0x80: {  	_ =	shalt  }
0x81: {  	_ =	shalt  }
0x82: {  	_ =	shalt  }
0x83: {  	_ =	shalt  }
0x84: {  	_ =	shalt  }
0x85: {  	_ =	shalt  }
0x86: {  	_ =	shalt  }
0x87: {  	_ =	shalt  }
.Lfunc_end0:
.L_simem_size_0:
called_computation.2_lowered:
.L_overlay_start_0:
0x88: {  	s2 =	sld [smem:$0x3FD9]  }
0x89: {  	s3 =	sld [smem:$0x3FFE];
	_ =	sdelay $0x1  }
0x8a: {  	s1 =	srdreg.scid  }
0x8b: {  	s0 =	sand.u32 $0x1, s1  }
0x8c: {  	s14 =	sshll.u32 s0, $0xA;
	s2 =	sadd.s32 s3, s2  }
0x8d: {  	s2 =	sadd.s32 s2, s14  }
0x8e: {  	[smem:$0x3FB5] =	sst s2  }
0x8f: {  	_ = 	snop  }
0x90: {  	s2 =	sld [smem:$0x3FD0];
	_ =	sdelay $0x2  }
0x91: {  	s15 =	simm.s32 $0xB;
	s4 =	simm.s32 $0x10  }
0x92: {  	[smem:s4], [sflag:s15] =	dma.local [hbm:s2], $0x1  }
0x93: {  	_ =	swait.eq [sflag:s15], $0x1  }
0x94: {  	[sflag:s15] =	ssyncset.done $0x0  }
0x95: {  	s16 =	sld [smem:$0x10];
	[sflag:s15] =	ssyncadd.s32 $0xFFFFFFFF  }
0x96: {  	s17 =	sld [smem:$0x11];
	(tm) =	ssettm $0x1  }
0x97: {  	s18 =	sld [smem:$0x3FFB];
	_ =	sdelay $0x3  }
0x98: {  	_ =	strace s18  }
0x99: {  	s4 =	sld [smem:$0x3FFC];
	_ =	sdelay $0x3  }
0x9a: {  	_ =	strace s4  }
0x9b: {  	s4 =	sld [smem:$0x3FFD];
	_ =	sdelay $0x3  }
0x9c: {  	_ =	strace s4  }
0x9d: {  	_ =	strace $0x8FFFFFFF  }
0x9e: {  	s19 =	sld [smem:$0x3FDB];
	_ =	sdelay $0x1  }
0x9f: {  	s5 =	simm.s32 $_scs_section_size  }
0xa0: {  	s6 =	simm.s32 $_size__tile_overlayer_lowered;
	s7 =	simm.s32 $_tile_overlayer_lowered  }
0xa1: {  	s22 =	simm.s32 $0x1BFF;
	s21 =	sshll.u32 s7, $0x1;
	s4 =	sadd.s32 s5, s19  }
0xa2: {  	s8 =	simm.s32 $0x0;
	s20 =	sshll.u32 s6, $0x1;
	s6 =	sadd.s32 s21, s4  }
0xa3: {  	[timem:s8], [sflag:s22] =	dma.local [hbm:s6], s20  }
0xa4: {  	_ =	swait.ge [sflag:s22], s20  }
0xa5: {  	s5 =	ssub.s32 $0x0, s20;
	[sflag:s22] =	ssyncset.done $0x0  }
0xa6: {  	[sflag:s22] =	ssyncadd.s32 s5;
	_ =	sdelay $0x1  }
0xa7: {  	s23 =	simm.s32 $0x1B8B  }
0xa8: {  	_ =	swait.ge [sflag:s23], $0x1  }
0xa9: {  	[sflag:s23] =	ssyncset.done $0x0  }
0xaa: {  	s25 =	simm.s32 $0x1B8E;
	s24 =	sld [smem:$0x3FFE];
	[sflag:s23] =	ssyncadd.s32 $0xFFFFFFFF  }
0xab: {  	s26 =	simm.s32 $execute0_lowered;
	[smem:$0x3FD2] =	sst s25  }
0xac: {  	s6 =	sshll.u32 s26, $0x1;
	_ =	strace $0x8000004C;
	[dreg:$0x1] =	wrdreg $0xFFFFFFFF  }
0xad: {  	s28 =	simm.s32 $_size_execute0_lowered;
	s4 =	sadd.s32 s4, s6;
	[dreg:$0x0] =	wrdreg $0x0  }
0xae: {  	s6 =	sshll.u32 s28, $0x1;
	[dreg:$0x2] =	wrdreg s4  }
0xaf: {  	[dreg:$0x3] =	wrdreg s6  }
0xb0: {  	[dreg:$0x4] =	wrdreg $0xC0  }
0xb1: {  	_ =	task [dreg:s8], $0x5FFFF  }
0xb2: {  	[dreg:$0x1] =	wrdreg $0xFFFFFFFF  }
0xb3: {  	[dreg:$0x0] =	wrdreg $0x60  }
0xb4: {  	[dreg:$0x2] =	wrdreg s24  }
0xb5: {  	[dreg:$0x3] =	wrdreg s16  }
0xb6: {  	[dreg:$0x4] =	wrdreg s17  }
0xb7: {  	[dreg:$0x5] =	wrdreg $0xA3800  }
0xb8: {  	[dreg:$0x6] =	wrdreg $0x9  }
0xb9: {  	_ =	task.clear_ibuf [dreg:s8], $0x7FFFF;
	_ =	strace $0x9000004C  }
0xba: {  	s29 =	simm.s32 $0x9;
	_ =	strace $0x8000004E  }
0xbb: {  	_ =	swait.ge [sflag:s29], $0x1  }
0xbc: {  	[sflag:s29] =	ssyncadd.s32 $0xFFFFFFFF  }
0xbd: {  	_ =	strace $0x9000004E  }
0xbe: {  	_ =	sfence  }
0xbf: {  	s30 =	sld [smem:$0x0];
	_ =	sdelay $0x2  }
0xc0: {  	s31 =	sshll.u32 s1, $0xD;
	s1 =	sshrl.u32 s1, $0x2  }
0xc1: {  	s3 =	sand.u32 $0x4000, s31;
	s1 =	sadd.s32 s1, s30  }
0xc2: {  	s0 =	sor.u32 s3, s0;
	s1 =	sshll.u32 s1, $0x11  }
0xc3: {  	s0 =	sor.u32 s1, s0  }
0xc4: {  	s0 =	sadd.s32 $0x8F2B, s0  }
0xc5: {  	[sflag:s0] =	ssyncadd.remote.s32 $0x1  }
0xc6: {  	_ =	sfence.sel $0xFFFF  }
0xc7: {  	[dreg:$0x0] =	wrdreg $0xFFFFFFFF;
	(pc) =	sbr.abs _section_cstart, $3  }
0xc8: {  	[dreg:$0x1] =	wrdreg $0xFFFFFFFF  }
0xc9: {  	_ =	task.clear_ibuf [dreg:s8], $0x2FFFF;
	_ =	strace $0x9FFFFFFF  }
0xca: {  	(tm) =	ssettm $0x7FFFFFFF  }
0xcb: {  	_ =	shalt  }
tec
execute0_lowered:
.L_overlay_start_1:
0x0: {  	(tag) =	ssettag $0x1  }
0x1: {  	s2 =	rddreg [dreg:$0x0]  }
0x2: {  	s0 =	rddreg [dreg:$0x1]  }
0x3: {  	s6 =	rddreg [dreg:$0x2];
	s20 =	stileid.u32  }
0x4: {  	s1 =	rddreg [dreg:$0x3];
	s11 =	smul.u32 $0x4F000, s20  }
0x5: {  	s3 =	srdreg.scid;
	s29 =	simm.s32 $0x0;
	s18 =	smul.u32 $0x2710, s20  }
0x6: {  	s7 =	sand.u32 $0x1, s3;
	s3 =	simm.s32 $0x0;
	s22 =	smul.u32 $0x27100, s20  }
0x7: {  	s8 =	sadd.s32 $0xEE3E00, s2;
	s10 =	sshll.u32 s20, $0x7;
	s26 =	smul.u32 $0x2780, s20  }
0x8: {  	p0 =	seq.s32 s20, $0xF;
	s4 =	sshll.u32 s7, $0x4;
	[smem:$0x7FF] =	sst s3  }
0x9: {  	s10 =	sand.u32 $0x380, s10;
	s28 =	ssub.s32 $0x2, s7;
	s15 =	smul.u32 $0x27100, s7  }
0xa: {  	s7 =	smul.u32 $0x271000, s7;
	s5 =	sor.u32 s20, s4;
	_ =	strace $0x8000004D  }
0xb: {  	s13 =	sshrl.u32 s28, $0x1;
	[dreg:$0xf] =	wrdreg s26;
	s12 =	smul.u32 $0x2710, s5  }
0xc: {  	s20 =	simm.s32 $0x8;
	s4 =	sshrl.u32 s5, $0x3;
	s14 =	smul.u32 $0x27100, s5  }
0xd: {  	s5 =	sadd.s32 $0x2A200, s2;
	s6 =	sadd.s32 s6, s15;
	s7 =	sadd.s32 s7, s8  }
0xe: {  	s9 =	smul.u32 $0x13C00, s4;
	s4 =	sadd.s32 $0x3DE00, s2;
	[dreg:$0xd] =	wrdreg s6  }
0xf: {  	s6 =	sadd.s32 s22, s7;
	s30 =	sadd.s32 s8, s14;
	s14 =	sadd.s32 $0xA0, s12  }
0x10: {  	s17 =	sadd.s32 $0x2670, s12;
	s9 =	sor.u32 s10, s9;
	s10 =	sshrl.u32 s11, $0x2  }
0x11: {  	[dreg:$0x9] =	wrdreg s30;
	s11 =	sadd.s32 $0x50, s12;
	s16 =	sshll.u32 s14, $0x4  }
0x12: {  	s19 =	sshll.u32 s17, $0x4;
	s9 =	sshrl.u32 s9, $0x3;
	s31 =	sshll.u32 s11, $0x4  }
0x13: {  	s16 =	sadd.s32 s8, s16;
	s10 =	sadd.s32 s10, s1;
	s2 =	sadd.s32 s9, s2  }
0x14: {  	s9 =	ssub.s32 s28, s13;
	s13 =	sadd.s32 s8, s31;
	[dreg:$0xb] =	wrdreg s16  }
0x15: {  	s16 =	sadd.s32 s18, s15;
	[dreg:$0x10] =	wrdreg s10;
	s31 =	sadd.s32 s0, s26  }
0x16: {  	s0 =	sadd.s32 $0x25080, s0;
	[dreg:$0xa] =	wrdreg s13;
	s13 =	sadd.s32 s8, s19  }
0x17: {  	s19 =	sadd.s32 $0x190, s16;
	s25 =	sadd.s32 $0x140, s16;
	[dreg:$0x11] =	wrdreg s31  }
0x18: {  	[dreg:$0x12] =	wrdreg s0;
	s26 =	smax.u32 s9, $0x1;
	s31 =	sadd.s32 $0x128400, s1  }
0x19: {  	s9 =	simm.s32 $0x1;
	[dreg:$0xc] =	wrdreg s13;
	s13 =	sadd.s32 $0x26C0, s12  }
0x1a: {  	s23 =	sshrl.u32 s19, $0x3;
	s7 =	sshrl.u32 s25, $0x3;
	[dreg:$0x1e] =	wrdreg s26  }
0x1b: {  	s25 =	sadd.s32 $0x47C00, s2;
	[smem:$0x7FD] =	sst s31;
	s2 =	simm.s32 $0x7A00  }
0x1c: {  	s26 =	simm.s32 $0xC;
	s21 =	sshll.u32 s13, $0x4;
	s24 =	sadd.s32 s23, s4  }
0x1d: {  	s28 =	sadd.s32 s23, s5;
	s30 =	sadd.s32 s7, s4;
	[dreg:$0x1d] =	wrdreg s25  }
0x1e: {  	s7 =	sadd.s32 s7, s5;
	s23 =	sshrl.u32 s13, $0x3;
	[dreg:$0x5] =	wrdreg s24  }
0x1f: {  	s13 =	simm.s32 $0x7;
	s25 =	simm.s32 $0xB;
	[dreg:$0x6] =	wrdreg s28  }
0x20: {  	s18 =	sadd.s32 s8, s21;
	[dreg:$0x7] =	wrdreg s30;
	s8 =	sshrl.u32 s12, $0x3  }
0x21: {  	[dreg:$0x8] =	wrdreg s7;
	s12 =	sshrl.u32 s11, $0x3;
	s21 =	sshrl.u32 s17, $0x3  }
0x22: {  	s24 =	sadd.s32 s5, s23;
	s28 =	sadd.s32 $0x1900, s6;
	s30 =	sadd.s32 $0xF0, s16  }
0x23: {  	s6 =	simm.s32 $0x80;
	s7 =	simm.s32 $0x2A00;
	[dreg:$0xe] =	wrdreg s18  }
0x24: {  	s11 =	simm.s32 $0x4;
	s16 =	simm.s32 $0x100;
	[dreg:$0x1b] =	wrdreg s24  }
0x25: {  	s17 =	simm.s32 $0x7B00;
	s10 =	sadd.s32 s5, s8;
	[dreg:$0x1f] =	wrdreg s28  }
0x26: {  	s0 =	sadd.s32 s4, s8;
	s15 =	sadd.s32 s5, s12;
	[smem:$0x7FC] =	sst s30  }
0x27: {  	s18 =	sshrl.u32 s14, $0x3;
	s22 =	sadd.s32 s5, s21;
	[dreg:$0x13] =	wrdreg s10  }
0x28: {  	s8 =	simm.s32 $0x7A80;
	s14 =	simm.s32 $0x50;
	[dreg:$0x14] =	wrdreg s0  }
0x29: {  	s24 =	simm.s32 $0x9;
	[dreg:$0x15] =	wrdreg s15;
	s0 =	sadd.s32 s4, s12  }
0x2a: {  	s19 =	sadd.s32 s5, s18;
	[dreg:$0x19] =	wrdreg s22;
	s15 =	simm.s32 $0x7C00  }
0x2b: {  	s12 =	simm.s32 $0x5200;
	s22 =	simm.s32 $0x3;
	[dreg:$0x16] =	wrdreg s0  }
0x2c: {  	[dreg:$0x17] =	wrdreg s19;
	s0 =	sadd.s32 s4, s18;
	s18 =	simm.s32 $0x2  }
0x2d: {  	s19 =	simm.s32 $0x5;
	[dreg:$0x18] =	wrdreg s0;
	s0 =	sadd.s32 s4, s21  }
0x2e: {  	s21 =	simm.s32 $0xA;
	[dreg:$0x1a] =	wrdreg s0;
	s0 =	sadd.s32 s4, s23  }
0x2f: {  	v0 =	vimm.f32 $0.0e+00;
	s23 =	simm.s32 $0x6;
	[dreg:$0x1c] =	wrdreg s0;
	s0 =	simm.s32 $0x200  }
.LBB2_1:
0x30: {  	s10 =	sld [smem:$0x7FD];
	_ =	sdelay $0x1  }
0x31: {  	[smem:$0x7F8] =	sst s29  }
0x32: {  	s28 =	rddreg [dreg:$0x12];
	s29 =	sshrl.u32 @p0 s10, $0x3  }
0x33: {  	s10 =	simm.s32 @p0 $0x1FCD;
	[smem:$0x7F9] =	sst s29  }
0x34: {  	[spmem:s29], [sflag:s10] =	dma.local @p0 [hbm:s28], $0x2080  }
0x35: {  	s10 =	simm.s32 @p0 $0xD  }
0x36: {  	s28 =	stileid.u32;
	_ =	swait.ge @p0 [sflag:s10], $0x2080  }
0x37: {  	s28 =	sshll.u32 @!p0 s28, $0x6;
	[sflag:s10] =	ssyncset.done @p0 $0x0  }
0x38: {  	s28 =	sor.u32 @!p0 $0x1C0D, s28;
	[sflag:s10] =	ssyncadd.s32 @p0 $0xFFFFDF80;
	s10 =	rddreg [dreg:$0x10]  }
0x39: {  	[smem:$0x7FA] =	sst s28  }
0x3a: {  	s29 =	sshrl.u32 @!p0 s10, $0x3;
	s10 =	rddreg [dreg:$0x11]  }
0x3b: {  	[smem:$0x7FB] =	sst s29  }
0x3c: {  	[spmem:s29], [sflag:s28] =	dma.local @!p0 [hbm:s10], $0x2780  }
0x3d: {  	s10 =	simm.s32 @!p0 $0xD  }
0x3e: {  	_ =	swait.ge @!p0 [sflag:s10], $0x2780  }
0x3f: {  	[sflag:s10] =	ssyncset.done @!p0 $0x0  }
0x40: {  	s29 =	simm.s32 $0x0;
	[sflag:s10] =	ssyncadd.s32 @!p0 $0xFFFFD880;
	s10 =	simm.s32 $0x40  }
.LBB2_2:
0x41: {  	p1 =	sne.s32 s10, $0x9C00;
	[tilespmem:s29+$0x7C00] =	vst v0;
	s29 =	smov.u32 s10;
	s10 =	sadd.s32 $0x40, s10  }
.Ltmp0:
0x42: {  	(pc) =	sbr.rel @p1 .LBB2_2-.Ltmp0, $2  }
0x43: {  	_ =	sdelay $0x2  }
0x44: {  	s29 =	sshra.s32 s29, $0x2  }
0x45: {  	[tilespmem:s29+$0x7C00] =	vst v0  }
0x46: {  	[bflag:$0x0] =	sbarrier.arrive $0xFFFF  }
0x47: {  	s10 =	simm.s32 $0x0;
	s28 =	rddreg [dreg:$0x13]  }
0x48: {  	[tilespmem:s10], [sflag:$0x1] =	stream.linear.gather [hbm4b:s28+s10], $0x50, $0x38;
	[tilespmem:$0x1DC00] =	vst v63  }
0x49: {  	s31 =	rddreg [dreg:$0x9]  }
0x4a: {  	[tilespmem:s0], [sflag:$0x4] =	stream.linear.gather [hbm4b:s31+s10], $0x2800, $0x38;
	[tilespmem:$0x1DC00] =	vst v63  }
0x4b: {  	s31 =	rddreg [dreg:$0x14]  }
0x4c: {  	[tilespmem:s2], [sflag:$0x7] =	stream.linear.gather [hbm4b:s31+s10], $0x50, $0x38;
	[tilespmem:$0x1DC00] =	vst v63  }
0x4d: {  	s31 =	rddreg [dreg:$0x15]  }
0x4e: {  	[tilespmem:s6], [sflag:$0x2] =	stream.linear.gather [hbm4b:s31+s10], $0x50, $0x38;
	[tilespmem:$0x1DC00] =	vst v63  }
0x4f: {  	s31 =	rddreg [dreg:$0xa]  }
0x50: {  	[tilespmem:s7], [sflag:$0x5] =	stream.linear.gather [hbm4b:s31+s10], $0x2800, $0x38;
	[tilespmem:$0x1DC00] =	vst v63  }
0x51: {  	s31 =	rddreg [dreg:$0x16]  }
0x52: {  	[tilespmem:s8], [sflag:$0x8] =	stream.linear.gather [hbm4b:s31+s10], $0x50, $0x38;
	[tilespmem:$0x1DC00] =	vst v63  }
0x53: {  	_ =	swait.ge [sflag:s9], $0x50  }
0x54: {  	[sflag:s9] =	ssyncset.done $0x0  }
0x55: {  	[sflag:s9] =	ssyncadd.s32 $0xFFFFFFB0  }
0x56: {  	_ =	swait.ge [sflag:s11], $0x2800  }
0x57: {  	[sflag:s11] =	ssyncset.done $0x0  }
0x58: {  	[sflag:s11] =	ssyncadd.s32 $0xFFFFD800  }
0x59: {  	_ =	swait.ge [sflag:s13], $0x50  }
0x5a: {  	[sflag:s13] =	ssyncset.done $0x0  }
0x5b: {  	[sflag:s13] =	ssyncadd.s32 $0xFFFFFFB0  }
0x5c: {  	[spmem:s1] =	stream.indirect.scatter.add.f32 [tilespmem:s0], [sflag:$0xA], $0x80, s10, s14, $0xb8;
	[tilespmem:$0x1DC00] =	vst v63  }
0x5d: {  	v1 =	vld [tilespmem:$0x0];
	_ =	sdelay $0x2  }
0x5e: {  	v2 =	vld [tilespmem:$0x7A00];
	_ =	sdelay $0x4  }
0x5f: {  	[tilespmem:v1+s15+$0x0] =	vst.idx.add.f32.msk $0xffff, v2  }
0x60: {  	v1 =	vld [tilespmem:$0x10];
	_ =	sdelay $0x2  }
0x61: {  	v2 =	vld [tilespmem:$0x7A10];
	_ =	sdelay $0x4  }
0x62: {  	[tilespmem:v1+s15+$0x0] =	vst.idx.add.f32.msk $0xffff, v2  }
0x63: {  	v1 =	vld [tilespmem:$0x20];
	_ =	sdelay $0x2  }
0x64: {  	v2 =	vld [tilespmem:$0x7A20];
	_ =	sdelay $0x4  }
0x65: {  	[tilespmem:v1+s15+$0x0] =	vst.idx.add.f32.msk $0xffff, v2  }
0x66: {  	v1 =	vld [tilespmem:$0x30];
	_ =	sdelay $0x2  }
0x67: {  	v2 =	vld [tilespmem:$0x7A30];
	_ =	sdelay $0x4  }
0x68: {  	[tilespmem:v1+s15+$0x0] =	vst.idx.add.f32.msk $0xffff, v2  }
0x69: {  	v1 =	vld [tilespmem:$0x40];
	_ =	sdelay $0x2  }
0x6a: {  	v2 =	vld [tilespmem:$0x7A40];
	_ =	sdelay $0x4  }
0x6b: {  	s31 =	rddreg [dreg:$0x17];
	[tilespmem:v1+s15+$0x0] =	vst.idx.add.f32.msk $0xffff, v2  }
0x6c: {  	[tilespmem:s16], [sflag:$0x3] =	stream.linear.gather [hbm4b:s31+s10], $0x50, $0x38;
	[tilespmem:$0x1DC00] =	vst v63  }
0x6d: {  	s31 =	rddreg [dreg:$0xb]  }
0x6e: {  	[tilespmem:s12], [sflag:$0x6] =	stream.linear.gather [hbm4b:s31+s10], $0x2800, $0x38;
	[tilespmem:$0x1DC00] =	vst v63  }
0x6f: {  	s31 =	rddreg [dreg:$0x18]  }
0x70: {  	[tilespmem:s17], [sflag:$0x9] =	stream.linear.gather [hbm4b:s31+s10], $0x50, $0x38;
	[tilespmem:$0x1DC00] =	vst v63  }
0x71: {  	_ =	swait.ge [sflag:s18], $0x50  }
0x72: {  	[sflag:s18] =	ssyncset.done $0x0  }
0x73: {  	[sflag:s18] =	ssyncadd.s32 $0xFFFFFFB0  }
0x74: {  	_ =	swait.ge [sflag:s19], $0x2800  }
0x75: {  	[sflag:s19] =	ssyncset.done $0x0  }
0x76: {  	[sflag:s19] =	ssyncadd.s32 $0xFFFFD800  }
0x77: {  	_ =	swait.ge [sflag:s20], $0x50  }
0x78: {  	[sflag:s20] =	ssyncset.done $0x0  }
0x79: {  	[sflag:s20] =	ssyncadd.s32 $0xFFFFFFB0  }
0x7a: {  	[spmem:s1] =	stream.indirect.scatter.add.f32 [tilespmem:s7], [sflag:$0xB], $0x80, s6, s14, $0xb8;
	[tilespmem:$0x1DC00] =	vst v63  }
0x7b: {  	v1 =	vld [tilespmem:$0x80];
	_ =	sdelay $0x2  }
0x7c: {  	v2 =	vld [tilespmem:$0x7A80];
	_ =	sdelay $0x4  }
0x7d: {  	[tilespmem:v1+s15+$0x0] =	vst.idx.add.f32.msk $0xffff, v2  }
0x7e: {  	v1 =	vld [tilespmem:$0x90];
	_ =	sdelay $0x2  }
0x7f: {  	v2 =	vld [tilespmem:$0x7A90];
	_ =	sdelay $0x4  }
0x80: {  	[tilespmem:v1+s15+$0x0] =	vst.idx.add.f32.msk $0xffff, v2  }
0x81: {  	v1 =	vld [tilespmem:$0xA0];
	_ =	sdelay $0x2  }
0x82: {  	v2 =	vld [tilespmem:$0x7AA0];
	_ =	sdelay $0x4  }
0x83: {  	[tilespmem:v1+s15+$0x0] =	vst.idx.add.f32.msk $0xffff, v2  }
0x84: {  	v1 =	vld [tilespmem:$0xB0];
	_ =	sdelay $0x2  }
0x85: {  	v2 =	vld [tilespmem:$0x7AB0];
	_ =	sdelay $0x4  }
0x86: {  	[tilespmem:v1+s15+$0x0] =	vst.idx.add.f32.msk $0xffff, v2  }
0x87: {  	v1 =	vld [tilespmem:$0xC0];
	_ =	sdelay $0x2  }
0x88: {  	v2 =	vld [tilespmem:$0x7AC0];
	_ =	sdelay $0x3  }
0x89: {  	s29 =	sld [smem:$0x7FC]  }
0x8a: {  	s30 =	rddreg [dreg:$0x1f];
	[tilespmem:v1+s15+$0x0] =	vst.idx.add.f32.msk $0xffff, v2  }
.LBB2_4:
0x8b: {  	_ =	swait.ge [sflag:s21], $0x2800  }
0x8c: {  	s28 =	sshrl.u32 s29, $0x3;
	[sflag:s21] =	ssyncset.done $0x0  }
0x8d: {  	s31 =	sadd.s32 s5, s28;
	[sflag:s21] =	ssyncadd.s32 $0xFFFFD800  }
0x8e: {  	[tilespmem:s3], [sflag:$0x1] =	stream.linear.gather [hbm4b:s31+s3], $0x50, $0x38;
	[tilespmem:$0x1DC00] =	vst v63  }
0x8f: {  	s31 =	sadd.s32 $0xFFFFF600, s30  }
0x90: {  	[tilespmem:s0], [sflag:$0x4] =	stream.linear.gather [hbm4b:s31+s3], $0x2800, $0x38;
	[tilespmem:$0x1DC00] =	vst v63  }
0x91: {  	s28 =	sadd.s32 s4, s28  }
0x92: {  	[tilespmem:s2], [sflag:$0x7] =	stream.linear.gather [hbm4b:s28+s3], $0x50, $0x38;
	[tilespmem:$0x1DC00] =	vst v63  }
0x93: {  	_ =	swait.ge [sflag:s22], $0x50  }
0x94: {  	[sflag:s22] =	ssyncset.done $0x0  }
0x95: {  	[sflag:s22] =	ssyncadd.s32 $0xFFFFFFB0  }
0x96: {  	_ =	swait.ge [sflag:s23], $0x2800  }
0x97: {  	[sflag:s23] =	ssyncset.done $0x0  }
0x98: {  	[sflag:s23] =	ssyncadd.s32 $0xFFFFD800  }
0x99: {  	_ =	swait.ge [sflag:s24], $0x50  }
0x9a: {  	[sflag:s24] =	ssyncset.done $0x0  }
0x9b: {  	[sflag:s24] =	ssyncadd.s32 $0xFFFFFFB0  }
0x9c: {  	[spmem:s1] =	stream.indirect.scatter.add.f32 [tilespmem:s12], [sflag:$0xC], $0x80, s16, s14, $0xb8;
	[tilespmem:$0x1DC00] =	vst v63  }
0x9d: {  	v1 =	vld [tilespmem:$0x100];
	_ =	sdelay $0x2  }
0x9e: {  	v2 =	vld [tilespmem:$0x7B00];
	_ =	sdelay $0x4  }
0x9f: {  	[tilespmem:v1+s15+$0x0] =	vst.idx.add.f32.msk $0xffff, v2  }
0xa0: {  	v1 =	vld [tilespmem:$0x110];
	_ =	sdelay $0x2  }
0xa1: {  	v2 =	vld [tilespmem:$0x7B10];
	_ =	sdelay $0x4  }
0xa2: {  	[tilespmem:v1+s15+$0x0] =	vst.idx.add.f32.msk $0xffff, v2  }
0xa3: {  	v1 =	vld [tilespmem:$0x120];
	_ =	sdelay $0x2  }
0xa4: {  	v2 =	vld [tilespmem:$0x7B20];
	_ =	sdelay $0x4  }
0xa5: {  	[tilespmem:v1+s15+$0x0] =	vst.idx.add.f32.msk $0xffff, v2  }
0xa6: {  	v1 =	vld [tilespmem:$0x130];
	_ =	sdelay $0x2  }
0xa7: {  	v2 =	vld [tilespmem:$0x7B30];
	_ =	sdelay $0x4  }
0xa8: {  	[tilespmem:v1+s15+$0x0] =	vst.idx.add.f32.msk $0xffff, v2  }
0xa9: {  	v1 =	vld [tilespmem:$0x140];
	_ =	sdelay $0x2  }
0xaa: {  	v2 =	vld [tilespmem:$0x7B40];
	_ =	sdelay $0x4  }
0xab: {  	[tilespmem:v1+s15+$0x0] =	vst.idx.add.f32.msk $0xffff, v2  }
0xac: {  	_ =	swait.ge [sflag:s25], $0x2800  }
0xad: {  	s31 =	rddreg [dreg:$0x8];
	[sflag:s25] =	ssyncset.done $0x0  }
0xae: {  	[sflag:s25] =	ssyncadd.s32 $0xFFFFD800;
	s28 =	sadd.s32 s10, s31  }
0xaf: {  	[tilespmem:s6], [sflag:$0x2] =	stream.linear.gather [hbm4b:s28+s3], $0x50, $0x38;
	[tilespmem:$0x1DC00] =	vst v63  }
0xb0: {  	s31 =	sadd.s32 $0xFFFFFB00, s30;
	s28 =	rddreg [dreg:$0x7]  }
0xb1: {  	[tilespmem:s7], [sflag:$0x5] =	stream.linear.gather [hbm4b:s31+s3], $0x2800, $0x38;
	[tilespmem:$0x1DC00] =	vst v63  }
0xb2: {  	s28 =	sadd.s32 s10, s28  }
0xb3: {  	[tilespmem:s8], [sflag:$0x8] =	stream.linear.gather [hbm4b:s28+s3], $0x50, $0x38;
	[tilespmem:$0x1DC00] =	vst v63  }
0xb4: {  	_ =	swait.ge [sflag:s9], $0x50  }
0xb5: {  	[sflag:s9] =	ssyncset.done $0x0  }
0xb6: {  	[sflag:s9] =	ssyncadd.s32 $0xFFFFFFB0  }
0xb7: {  	_ =	swait.ge [sflag:s11], $0x2800  }
0xb8: {  	[sflag:s11] =	ssyncset.done $0x0  }
0xb9: {  	[sflag:s11] =	ssyncadd.s32 $0xFFFFD800  }
0xba: {  	_ =	swait.ge [sflag:s13], $0x50  }
0xbb: {  	[sflag:s13] =	ssyncset.done $0x0  }
0xbc: {  	[sflag:s13] =	ssyncadd.s32 $0xFFFFFFB0  }
0xbd: {  	[spmem:s1] =	stream.indirect.scatter.add.f32 [tilespmem:s0], [sflag:$0xA], $0x80, s3, s14, $0xb8;
	[tilespmem:$0x1DC00] =	vst v63  }
0xbe: {  	v1 =	vld [tilespmem:$0x0];
	_ =	sdelay $0x2  }
0xbf: {  	v2 =	vld [tilespmem:$0x7A00];
	_ =	sdelay $0x4  }
0xc0: {  	[tilespmem:v1+s15+$0x0] =	vst.idx.add.f32.msk $0xffff, v2  }
0xc1: {  	v1 =	vld [tilespmem:$0x10];
	_ =	sdelay $0x2  }
0xc2: {  	v2 =	vld [tilespmem:$0x7A10];
	_ =	sdelay $0x4  }
0xc3: {  	[tilespmem:v1+s15+$0x0] =	vst.idx.add.f32.msk $0xffff, v2  }
0xc4: {  	v1 =	vld [tilespmem:$0x20];
	_ =	sdelay $0x2  }
0xc5: {  	v2 =	vld [tilespmem:$0x7A20];
	_ =	sdelay $0x4  }
0xc6: {  	[tilespmem:v1+s15+$0x0] =	vst.idx.add.f32.msk $0xffff, v2  }
0xc7: {  	v1 =	vld [tilespmem:$0x30];
	_ =	sdelay $0x2  }
0xc8: {  	v2 =	vld [tilespmem:$0x7A30];
	_ =	sdelay $0x4  }
0xc9: {  	[tilespmem:v1+s15+$0x0] =	vst.idx.add.f32.msk $0xffff, v2  }
0xca: {  	v1 =	vld [tilespmem:$0x40];
	_ =	sdelay $0x2  }
0xcb: {  	v2 =	vld [tilespmem:$0x7A40];
	_ =	sdelay $0x4  }
0xcc: {  	[tilespmem:v1+s15+$0x0] =	vst.idx.add.f32.msk $0xffff, v2  }
0xcd: {  	_ =	swait.ge [sflag:s26], $0x2800  }
0xce: {  	s31 =	rddreg [dreg:$0x6];
	[sflag:s26] =	ssyncset.done $0x0  }
0xcf: {  	[sflag:s26] =	ssyncadd.s32 $0xFFFFD800;
	s28 =	sadd.s32 s10, s31  }
0xd0: {  	[tilespmem:s16], [sflag:$0x3] =	stream.linear.gather [hbm4b:s28+s3], $0x50, $0x38;
	[tilespmem:$0x1DC00] =	vst v63  }
0xd1: {  	s31 =	rddreg [dreg:$0x5]  }
0xd2: {  	[tilespmem:s12], [sflag:$0x6] =	stream.linear.gather [hbm4b:s30+s3], $0x2800, $0x38;
	[tilespmem:$0x1DC00] =	vst v63  }
0xd3: {  	s28 =	sadd.s32 s10, s31  }
0xd4: {  	[tilespmem:s17], [sflag:$0x9] =	stream.linear.gather [hbm4b:s28+s3], $0x50, $0x38;
	[tilespmem:$0x1DC00] =	vst v63  }
0xd5: {  	_ =	swait.ge [sflag:s18], $0x50  }
0xd6: {  	[sflag:s18] =	ssyncset.done $0x0  }
0xd7: {  	[sflag:s18] =	ssyncadd.s32 $0xFFFFFFB0  }
0xd8: {  	_ =	swait.ge [sflag:s19], $0x2800  }
0xd9: {  	[sflag:s19] =	ssyncset.done $0x0  }
0xda: {  	[sflag:s19] =	ssyncadd.s32 $0xFFFFD800  }
0xdb: {  	_ =	swait.ge [sflag:s20], $0x50  }
0xdc: {  	[sflag:s20] =	ssyncset.done $0x0  }
0xdd: {  	[sflag:s20] =	ssyncadd.s32 $0xFFFFFFB0  }
0xde: {  	[spmem:s1] =	stream.indirect.scatter.add.f32 [tilespmem:s7], [sflag:$0xB], $0x80, s6, s14, $0xb8;
	[tilespmem:$0x1DC00] =	vst v63  }
0xdf: {  	v1 =	vld [tilespmem:$0x80];
	_ =	sdelay $0x2  }
0xe0: {  	v2 =	vld [tilespmem:$0x7A80];
	_ =	sdelay $0x4  }
0xe1: {  	[tilespmem:v1+s15+$0x0] =	vst.idx.add.f32.msk $0xffff, v2  }
0xe2: {  	v1 =	vld [tilespmem:$0x90];
	_ =	sdelay $0x2  }
0xe3: {  	v2 =	vld [tilespmem:$0x7A90];
	_ =	sdelay $0x4  }
0xe4: {  	[tilespmem:v1+s15+$0x0] =	vst.idx.add.f32.msk $0xffff, v2  }
0xe5: {  	v1 =	vld [tilespmem:$0xA0];
	_ =	sdelay $0x2  }
0xe6: {  	v2 =	vld [tilespmem:$0x7AA0];
	_ =	sdelay $0x4  }
0xe7: {  	[tilespmem:v1+s15+$0x0] =	vst.idx.add.f32.msk $0xffff, v2  }
0xe8: {  	v1 =	vld [tilespmem:$0xB0];
	_ =	sdelay $0x2  }
0xe9: {  	v2 =	vld [tilespmem:$0x7AB0];
	_ =	sdelay $0x4  }
0xea: {  	[tilespmem:v1+s15+$0x0] =	vst.idx.add.f32.msk $0xffff, v2  }
0xeb: {  	v1 =	vld [tilespmem:$0xC0];
	_ =	sdelay $0x2  }
0xec: {  	p1 =	sne.s32 s10, $0x492;
	v2 =	vld [tilespmem:$0x7AC0]  }
.Ltmp1:
0xed: {  	_ = 	snop;
	(pc) =	sbr.rel @p1 .LBB2_4-.Ltmp1, $2  }
0xee: {  	_ =	sdelay $0x2  }
0xef: {  	s29 =	sadd.s32 $0xF0, s29;
	s10 =	sadd.s32 $0x1E, s10;
	s30 =	sadd.s32 $0xF00, s30;
	[tilespmem:v1+s15+$0x0] =	vst.idx.add.f32.msk $0xffff, v2  }
0xf0: {  	_ =	swait.ge [sflag:s21], $0x2800  }
0xf1: {  	[sflag:s21] =	ssyncset.done $0x0  }
0xf2: {  	s10 =	rddreg [dreg:$0x19];
	[sflag:s21] =	ssyncadd.s32 $0xFFFFD800  }
0xf3: {  	[tilespmem:s3], [sflag:$0x1] =	stream.linear.gather [hbm4b:s10+s3], $0x50, $0x38;
	[tilespmem:$0x1DC00] =	vst v63  }
0xf4: {  	s31 =	rddreg [dreg:$0xc]  }
0xf5: {  	[tilespmem:s0], [sflag:$0x4] =	stream.linear.gather [hbm4b:s31+s3], $0x2800, $0x38;
	[tilespmem:$0x1DC00] =	vst v63  }
0xf6: {  	s28 =	rddreg [dreg:$0x1a]  }
0xf7: {  	[tilespmem:s2], [sflag:$0x7] =	stream.linear.gather [hbm4b:s28+s3], $0x50, $0x38;
	[tilespmem:$0x1DC00] =	vst v63  }
0xf8: {  	_ =	swait.ge [sflag:s22], $0x50  }
0xf9: {  	[sflag:s22] =	ssyncset.done $0x0  }
0xfa: {  	[sflag:s22] =	ssyncadd.s32 $0xFFFFFFB0  }
0xfb: {  	_ =	swait.ge [sflag:s23], $0x2800  }
0xfc: {  	[sflag:s23] =	ssyncset.done $0x0  }
0xfd: {  	[sflag:s23] =	ssyncadd.s32 $0xFFFFD800  }
0xfe: {  	_ =	swait.ge [sflag:s24], $0x50  }
0xff: {  	[sflag:s24] =	ssyncset.done $0x0  }
0x100: {  	[sflag:s24] =	ssyncadd.s32 $0xFFFFFFB0  }
0x101: {  	[spmem:s1] =	stream.indirect.scatter.add.f32 [tilespmem:s12], [sflag:$0xC], $0x80, s16, s14, $0xb8;
	[tilespmem:$0x1DC00] =	vst v63  }
0x102: {  	v1 =	vld [tilespmem:$0x100];
	_ =	sdelay $0x2  }
0x103: {  	v2 =	vld [tilespmem:$0x7B00];
	_ =	sdelay $0x4  }
0x104: {  	[tilespmem:v1+s15+$0x0] =	vst.idx.add.f32.msk $0xffff, v2  }
0x105: {  	v1 =	vld [tilespmem:$0x110];
	_ =	sdelay $0x2  }
0x106: {  	v2 =	vld [tilespmem:$0x7B10];
	_ =	sdelay $0x4  }
0x107: {  	[tilespmem:v1+s15+$0x0] =	vst.idx.add.f32.msk $0xffff, v2  }
0x108: {  	v1 =	vld [tilespmem:$0x120];
	_ =	sdelay $0x2  }
0x109: {  	v2 =	vld [tilespmem:$0x7B20];
	_ =	sdelay $0x4  }
0x10a: {  	[tilespmem:v1+s15+$0x0] =	vst.idx.add.f32.msk $0xffff, v2  }
0x10b: {  	v1 =	vld [tilespmem:$0x130];
	_ =	sdelay $0x2  }
0x10c: {  	v2 =	vld [tilespmem:$0x7B30];
	_ =	sdelay $0x4  }
0x10d: {  	[tilespmem:v1+s15+$0x0] =	vst.idx.add.f32.msk $0xffff, v2  }
0x10e: {  	v1 =	vld [tilespmem:$0x140];
	_ =	sdelay $0x2  }
0x10f: {  	v2 =	vld [tilespmem:$0x7B40];
	_ =	sdelay $0x4  }
0x110: {  	[tilespmem:v1+s15+$0x0] =	vst.idx.add.f32.msk $0xffff, v2  }
0x111: {  	_ =	swait.ge [sflag:s25], $0x2800  }
0x112: {  	[sflag:s25] =	ssyncset.done $0x0  }
0x113: {  	s30 =	rddreg [dreg:$0x1b];
	[sflag:s25] =	ssyncadd.s32 $0xFFFFD800  }
0x114: {  	[tilespmem:s6], [sflag:$0x2] =	stream.linear.gather [hbm4b:s30+s3], $0x50, $0x38;
	[tilespmem:$0x1DC00] =	vst v63  }
0x115: {  	s31 =	rddreg [dreg:$0xe]  }
0x116: {  	[tilespmem:s7], [sflag:$0x5] =	stream.linear.gather [hbm4b:s31+s3], $0x2800, $0x38;
	[tilespmem:$0x1DC00] =	vst v63  }
0x117: {  	s28 =	rddreg [dreg:$0x1c]  }
0x118: {  	[tilespmem:s8], [sflag:$0x8] =	stream.linear.gather [hbm4b:s28+s3], $0x50, $0x38;
	[tilespmem:$0x1DC00] =	vst v63  }
0x119: {  	_ =	swait.ge [sflag:s9], $0x50  }
0x11a: {  	[sflag:s9] =	ssyncset.done $0x0  }
0x11b: {  	[sflag:s9] =	ssyncadd.s32 $0xFFFFFFB0  }
0x11c: {  	_ =	swait.ge [sflag:s11], $0x2800  }
0x11d: {  	[sflag:s11] =	ssyncset.done $0x0  }
0x11e: {  	[sflag:s11] =	ssyncadd.s32 $0xFFFFD800  }
0x11f: {  	_ =	swait.ge [sflag:s13], $0x50  }
0x120: {  	[sflag:s13] =	ssyncset.done $0x0  }
0x121: {  	[sflag:s13] =	ssyncadd.s32 $0xFFFFFFB0  }
0x122: {  	[spmem:s1] =	stream.indirect.scatter.add.f32 [tilespmem:s0], [sflag:$0xA], $0x80, s3, s14, $0xb8;
	[tilespmem:$0x1DC00] =	vst v63  }
0x123: {  	v1 =	vld [tilespmem:$0x0];
	_ =	sdelay $0x2  }
0x124: {  	v2 =	vld [tilespmem:$0x7A00];
	_ =	sdelay $0x4  }
0x125: {  	[tilespmem:v1+s15+$0x0] =	vst.idx.add.f32.msk $0xffff, v2  }
0x126: {  	v1 =	vld [tilespmem:$0x10];
	_ =	sdelay $0x2  }
0x127: {  	v2 =	vld [tilespmem:$0x7A10];
	_ =	sdelay $0x4  }
0x128: {  	[tilespmem:v1+s15+$0x0] =	vst.idx.add.f32.msk $0xffff, v2  }
0x129: {  	v1 =	vld [tilespmem:$0x20];
	_ =	sdelay $0x2  }
0x12a: {  	v2 =	vld [tilespmem:$0x7A20];
	_ =	sdelay $0x4  }
0x12b: {  	[tilespmem:v1+s15+$0x0] =	vst.idx.add.f32.msk $0xffff, v2  }
0x12c: {  	v1 =	vld [tilespmem:$0x30];
	_ =	sdelay $0x2  }
0x12d: {  	v2 =	vld [tilespmem:$0x7A30];
	_ =	sdelay $0x4  }
0x12e: {  	[tilespmem:v1+s15+$0x0] =	vst.idx.add.f32.msk $0xffff, v2  }
0x12f: {  	v1 =	vld [tilespmem:$0x40];
	_ =	sdelay $0x2  }
0x130: {  	v2 =	vld [tilespmem:$0x7A40];
	_ =	sdelay $0x4  }
0x131: {  	[tilespmem:v1+s15+$0x0] =	vst.idx.add.f32.msk $0xffff, v2  }
0x132: {  	_ =	swait.ge [sflag:s18], $0x50  }
0x133: {  	[sflag:s18] =	ssyncset.done $0x0  }
0x134: {  	[sflag:s18] =	ssyncadd.s32 $0xFFFFFFB0  }
0x135: {  	_ =	swait.ge [sflag:s19], $0x2800  }
0x136: {  	[sflag:s19] =	ssyncset.done $0x0  }
0x137: {  	[sflag:s19] =	ssyncadd.s32 $0xFFFFD800  }
0x138: {  	_ =	swait.ge [sflag:s20], $0x50  }
0x139: {  	[sflag:s20] =	ssyncset.done $0x0  }
0x13a: {  	[sflag:s20] =	ssyncadd.s32 $0xFFFFFFB0  }
0x13b: {  	[spmem:s1] =	stream.indirect.scatter.add.f32 [tilespmem:s7], [sflag:$0xB], $0x80, s6, s14, $0xb8;
	[tilespmem:$0x1DC00] =	vst v63  }
0x13c: {  	v1 =	vld [tilespmem:$0x80];
	_ =	sdelay $0x2  }
0x13d: {  	v2 =	vld [tilespmem:$0x7A80];
	_ =	sdelay $0x4  }
0x13e: {  	[tilespmem:v1+s15+$0x0] =	vst.idx.add.f32.msk $0xffff, v2  }
0x13f: {  	v1 =	vld [tilespmem:$0x90];
	_ =	sdelay $0x2  }
0x140: {  	v2 =	vld [tilespmem:$0x7A90];
	_ =	sdelay $0x4  }
0x141: {  	[tilespmem:v1+s15+$0x0] =	vst.idx.add.f32.msk $0xffff, v2  }
0x142: {  	v1 =	vld [tilespmem:$0xA0];
	_ =	sdelay $0x2  }
0x143: {  	v2 =	vld [tilespmem:$0x7AA0];
	_ =	sdelay $0x4  }
0x144: {  	[tilespmem:v1+s15+$0x0] =	vst.idx.add.f32.msk $0xffff, v2  }
0x145: {  	v1 =	vld [tilespmem:$0xB0];
	_ =	sdelay $0x2  }
0x146: {  	v2 =	vld [tilespmem:$0x7AB0];
	_ =	sdelay $0x4  }
0x147: {  	[tilespmem:v1+s15+$0x0] =	vst.idx.add.f32.msk $0xffff, v2  }
0x148: {  	v1 =	vld [tilespmem:$0xC0];
	_ =	sdelay $0x2  }
0x149: {  	v2 =	vld [tilespmem:$0x7AC0];
	_ =	sdelay $0x4  }
0x14a: {  	[tilespmem:v1+s15+$0x0] =	vst.idx.add.f32.msk $0xffff, v2  }
0x14b: {  	_ =	swait.ge [sflag:s21], $0x2800  }
0x14c: {  	[sflag:s21] =	ssyncset.done $0x0  }
0x14d: {  	[sflag:s21] =	ssyncadd.s32 $0xFFFFD800  }
0x14e: {  	_ =	swait.ge [sflag:s25], $0x2800  }
0x14f: {  	[sflag:s25] =	ssyncset.done $0x0  }
0x150: {  	[sflag:s25] =	ssyncadd.s32 $0xFFFFD800  }
0x151: {  	_ =	swait.ge [sflag:s26], $0x2800  }
0x152: {  	[sflag:s26] =	ssyncset.done $0x0  }
0x153: {  	[sflag:s26] =	ssyncadd.s32 $0xFFFFD800  }
0x154: {  	[bflag:$0x0] =	sbarrier.arrive $0xFFFF  }
0x155: {  	s30 =	sld [smem:$0x7F9]  }
0x156: {  	s29 =	rddreg [dreg:$0xd]  }
0x157: {  	s28 =	simm.s32 @p0 $0x1FCD;
	s10 =	sadd.s32 @p0 $0x25080, s29  }
0x158: {  	[hbm:s10], [sflag:s28] =	dma.local @p0 [spmem:s30], $0x2080  }
0x159: {  	s10 =	simm.s32 @p0 $0xD  }
0x15a: {  	_ =	swait.ge @p0 [sflag:s10], $0x2080  }
0x15b: {  	[sflag:s10] =	ssyncset.done @p0 $0x0;
	s28 =	sld [smem:$0x7FA]  }
0x15c: {  	[sflag:s10] =	ssyncadd.s32 @p0 $0xFFFFDF80;
	s10 =	rddreg [dreg:$0xf]  }
0x15d: {  	s10 =	sadd.s32 @!p0 s10, s29;
	s29 =	sld [smem:$0x7FB];
	_ =	sdelay $0x2  }
0x15e: {  	[hbm:s10], [sflag:s28] =	dma.local @!p0 [spmem:s29], $0x2780  }
0x15f: {  	s10 =	simm.s32 @!p0 $0xD  }
0x160: {  	_ =	swait.ge @!p0 [sflag:s10], $0x2780  }
0x161: {  	[sflag:s10] =	ssyncset.done @!p0 $0x0  }
0x162: {  	s31 =	simm.s32 $0x400;
	s30 =	rddreg [dreg:$0x1d];
	[sflag:s10] =	ssyncadd.s32 @!p0 $0xFFFFD880  }
0x163: {  	[hbm4b:s30+s6] =	stream.strided.scatter [tilespmem:s15], [sflag:$0xD], $0x2780, s31, s6, $0x38;
	[tilespmem:$0x1DC00] =	vst v63  }
0x164: {  	s30 =	simm.s32 $0xD  }
0x165: {  	_ =	swait.ge [sflag:s30], $0x2780  }
0x166: {  	s29 =	sld [smem:$0x7F8];
	_ =	sdelay $0x2  }
0x167: {  	s31 =	rddreg [dreg:$0x1e];
	s29 =	sadd.s32 $0x1, s29  }
0x168: {  	p1 =	sne.s32 s29, s31  }
.Ltmp2:
0x169: {  	_ = 	snop;
	(pc) =	sbr.rel @p1 .LBB2_1-.Ltmp2, $3  }
0x16a: {  	_ =	sdelay $0x1  }
0x16b: {  	[sflag:s30] =	ssyncset.done $0x0  }
0x16c: {  	[sflag:s30] =	ssyncadd.s32 $0xFFFFD880  }
0x16d: {  	_ =	sfence.sel $0x180000  }
0x16e: {  	[bflag:$0x0] =	sbarrier.arrive $0xFFFF  }
0x16f: {  	_ =	strace $0x9000004D  }
0x170: {  	s0 =	stileid.u32;
	[bflag:$0x2] =	sbarrier.arrive $0xFFFF  }
0x171: {  	p0 =	sne.s32 s0, $0x0;
	s0 =	rddreg [dreg:$0x4]  }
0x172: {  	s0 =	sadd.s32 @!p0 $0x100000, s0  }
0x173: {  	[sflag:s0] =	ssyncadd.tile.s32 @!p0 $0x1;
	_ =	shalt  }
.Lfunc_end2:
_tile_overlayer_lowered:
.L_overlay_start_2:
0x174: {  	(tag) =	ssettag $0x2  }
0x175: {  	s0 =	rddreg [dreg:$0x0];
	s2 =	stileid.u32  }
0x176: {  	s1 =	rddreg [dreg:$0x1];
	p0 =	sne.s32 s2, $0x0  }
0x177: {  	s3 =	rddreg [dreg:$0x2];
	[bflag:$0x3] =	sbarrier.arrive $0xFFFF;
	s2 =	simm.s32 @!p0 $0x1C0D  }
0x178: {  	[timem:s3], [sflag:s2] =	dma.local @!p0 [hbm:s0], s1  }
0x179: {  	s0 =	simm.s32 @!p0 $0xD  }
0x17a: {  	_ =	swait.ge @!p0 [sflag:s0], s1  }
0x17b: {  	s1 =	ssub.s32 @!p0 $0x0, s1;
	[sflag:s0] =	ssyncset.done @!p0 $0x0  }
0x17c: {  	[sflag:s0] =	ssyncadd.s32 @!p0 s1  }
0x17d: {  	[bflag:$0x3] =	sbarrier.arrive $0xFFFF  }
0x17e: {  	_ =	shalt  }

// kernel: kernel.22.cloned.1.call-start
scs
__scs_entry_jumppad:
0x0: {  	(pc) =	sbr.rel $0x88, $3  }
0x1: {  	(tag) =	ssettag $0x0;
	lr =	simm.s32 $0x1  }
0x2: {  	[smem:$0x3F8E] =	sst lr;
	_ =	strace $0xD0000000  }
0x3: {  	_ = 	snop  }
0x4: {  	_ = 	snop  }
0x5: {  	_ = 	snop  }
0x6: {  	_ = 	snop  }
0x7: {  	_ = 	snop  }
__scs_overlays_trampoline_lowered:
0x8: {  	[smem:$0x3F9D] =	sst s0  }
0x9: {  	[smem:$0x3F9E] =	sst s1  }
0xa: {  	[smem:$0x3F9F] =	sst s2  }
0xb: {  	[smem:$0x3FA0] =	sst s3  }
0xc: {  	[smem:$0x3FA1] =	sst s4  }
0xd: {  	[smem:$0x3FA2] =	sst s5  }
0xe: {  	[smem:$0x3FA3] =	sst s6  }
0xf: {  	[smem:$0x3FA4] =	sst s7  }
0x10: {  	[smem:$0x3FA5] =	sst s8  }
0x11: {  	[smem:$0x3FA6] =	sst s9;
	s0 =	simm.s32 @!p0 $0x0  }
0x12: {  	s1 =	sld [smem:$0x3F8C];
	s0 =	simm.s32 @p0 $0x1  }
0x13: {  	[smem:$0x3FA7] =	sst s0;
	s0 =	simm.s32 @!p1 $0x0  }
0x14: {  	s2 =	sld [smem:$0x3F8B];
	s0 =	simm.s32 @p1 $0x1  }
0x15: {  	[smem:$0x3FA8] =	sst s0;
	s0 =	simm.s32 @!p2 $0x0  }
0x16: {  	s3 =	sld [smem:$0x3FDB];
	s0 =	simm.s32 @p2 $0x1  }
0x17: {  	s4 =	simm.s32 $0x1BF5;
	[smem:$0x3FAA] =	sst s0  }
0x18: {  	s0 =	sld [smem:$0x3F8D];
	_ =	swait.ge [sflag:s4], $0x0  }
0x19: {  	s7 =	sld [smem:$0x3F8E]  }
0x1a: {  	s8 =	sadd.s32 $0xFFFFE003, lr  }
0x1b: {  	s9 =	sadd.s32 $0xFFFFFEF7, lr;
	s5 =	simm.s32 $0xFFFFFFFF;
	p2 =	slt.u32 s8, $0xFFFFF086  }
0x1c: {  	p1 =	slt.u32 s9, $0xF7A;
	s5 =	simm.s32 @!p2 $0x0  }
0x1d: {  	s5 =	simm.s32 @p1 $0x1;
	p0 =	seq.s32 s7, s2  }
0x1e: {  	s7 =	smul.u32 @!p0 $0xF7A, s2;
	p2 =	seq.s32 @!p0 s5, $0x0  }
0x1f: {  	s9 =	smul.u32 $0xF7A, s1;
	s8 =	simm.s32 @!p0 $0x1BF5;
	p2 =	por !p2, p0  }
0x20: {  	[sflag:s8] =	ssyncset.s32 @!p0 $0xFFFFF086;
	s6 =	sadd.s32 @!p0 s3, s7;
	s7 =	simm.s32 @!p0 $0x108  }
0x21: {  	s3 =	sadd.s32 s3, s9;
	s6 =	sadd.s32 @!p0 $0x88, s6;
	s7 =	simm.s32 @p2 $0x1082  }
0x22: {  	[simem:s7], [sflag:s8] =	dma.local @!p0 [hbm:s6], $0xF7A  }
0x23: {  	s9 =	sor.u32 $0xD0000000, s2;
	s6 =	simm.s32 $0x108;
	_ =	swait.ge @!p0 [sflag:s8], $0x0  }
0x24: {  	s3 =	sadd.s32 $0x88, s3;
	s6 =	simm.s32 @!p1 $0x1082;
	[sflag:s4] =	ssyncset.s32 $0xFFFFF086  }
0x25: {  	[simem:s6], [sflag:s4] =	dma.local [hbm:s3], $0xF7A  }
0x26: {  	[smem:$0x3F8E] =	sst s1;
	(tag) =	ssettag s2;
	_ =	strace s9  }
0x27: {  	s1 =	sld [smem:$0x3F9E]  }
0x28: {  	s2 =	sld [smem:$0x3F9F]  }
0x29: {  	s4 =	sld [smem:$0x3FA1]  }
0x2a: {  	p0 =	seq.s32 s5, $0x0;
	s5 =	sld [smem:$0x3FA2]  }
0x2b: {  	s6 =	sld [smem:$0x3FA3]  }
0x2c: {  	s7 =	sld [smem:$0x3FA4]  }
0x2d: {  	s3 =	simm.s32 $0x108;
	s8 =	sld [smem:$0x3FA5]  }
0x2e: {  	s3 =	simm.s32 @!p0 $0x1082;
	s9 =	sld [smem:$0x3FA6]  }
0x2f: {  	lr =	sadd.s32 s0, s3;
	s0 =	sld [smem:$0x3F9D]  }
0x30: {  	s3 =	sld [smem:$0x3FA0]  }
0x31: {  	[smem:$0x3FA9] =	sst s10  }
0x32: {  	s10 =	sld [smem:$0x3FA7];
	_ =	sdelay $0x3  }
0x33: {  	p0 =	seq.s32 s10, $0x1;
	s10 =	sld [smem:$0x3FA9];
	_ =	sdelay $0x3  }
0x34: {  	[smem:$0x3FA9] =	sst s10  }
0x35: {  	s10 =	sld [smem:$0x3FA8];
	_ =	sdelay $0x3  }
0x36: {  	p1 =	seq.s32 s10, $0x1;
	s10 =	sld [smem:$0x3FA9];
	_ =	sdelay $0x3  }
0x37: {  	[smem:$0x3FA9] =	sst s10  }
0x38: {  	s10 =	sld [smem:$0x3FAA]  }
0x39: {  	_ = 	snop;
	(pc) =	sbr.ind lr, $3  }
0x3a: {  	_ = 	snop  }
0x3b: {  	_ = 	snop  }
0x3c: {  	p2 =	seq.s32 s10, $0x1;
	s10 =	sld [smem:$0x3FA9]  }
0x3d: {  	_ =	shalt  }
0x3e: {  	_ =	shalt  }
0x3f: {  	_ =	shalt  }
0x40: {  	_ =	shalt  }
0x41: {  	_ =	shalt  }
0x42: {  	_ =	shalt  }
0x43: {  	_ =	shalt  }
0x44: {  	_ =	shalt  }
0x45: {  	_ =	shalt  }
0x46: {  	_ =	shalt  }
0x47: {  	_ =	shalt  }
0x48: {  	_ =	shalt  }
0x49: {  	_ =	shalt  }
0x4a: {  	_ =	shalt  }
0x4b: {  	_ =	shalt  }
0x4c: {  	_ =	shalt  }
0x4d: {  	_ =	shalt  }
0x4e: {  	_ =	shalt  }
0x4f: {  	_ =	shalt  }
0x50: {  	_ =	shalt  }
0x51: {  	_ =	shalt  }
0x52: {  	_ =	shalt  }
0x53: {  	_ =	shalt  }
0x54: {  	_ =	shalt  }
0x55: {  	_ =	shalt  }
0x56: {  	_ =	shalt  }
0x57: {  	_ =	shalt  }
0x58: {  	_ =	shalt  }
0x59: {  	_ =	shalt  }
0x5a: {  	_ =	shalt  }
0x5b: {  	_ =	shalt  }
0x5c: {  	_ =	shalt  }
0x5d: {  	_ =	shalt  }
0x5e: {  	_ =	shalt  }
0x5f: {  	_ =	shalt  }
0x60: {  	_ =	shalt  }
0x61: {  	_ =	shalt  }
0x62: {  	_ =	shalt  }
0x63: {  	_ =	shalt  }
0x64: {  	_ =	shalt  }
0x65: {  	_ =	shalt  }
0x66: {  	_ =	shalt  }
0x67: {  	_ =	shalt  }
0x68: {  	_ =	shalt  }
0x69: {  	_ =	shalt  }
0x6a: {  	_ =	shalt  }
0x6b: {  	_ =	shalt  }
0x6c: {  	_ =	shalt  }
0x6d: {  	_ =	shalt  }
0x6e: {  	_ =	shalt  }
0x6f: {  	_ =	shalt  }
0x70: {  	_ =	shalt  }
0x71: {  	_ =	shalt  }
0x72: {  	_ =	shalt  }
0x73: {  	_ =	shalt  }
0x74: {  	_ =	shalt  }
0x75: {  	_ =	shalt  }
0x76: {  	_ =	shalt  }
0x77: {  	_ =	shalt  }
0x78: {  	_ =	shalt  }
0x79: {  	_ =	shalt  }
0x7a: {  	_ =	shalt  }
0x7b: {  	_ =	shalt  }
0x7c: {  	_ =	shalt  }
0x7d: {  	_ =	shalt  }
0x7e: {  	_ =	shalt  }
0x7f: {  	_ =	shalt  }
0x80: {  	_ =	shalt  }
0x81: {  	_ =	shalt  }
0x82: {  	_ =	shalt  }
0x83: {  	_ =	shalt  }
0x84: {  	_ =	shalt  }
0x85: {  	_ =	shalt  }
0x86: {  	_ =	shalt  }
0x87: {  	_ =	shalt  }
.Lfunc_end0:
.L_simem_size_0:
called_computation.3_lowered:
.L_overlay_start_0:
0x88: {  	s2 =	sld [smem:$0x3FD9]  }
0x89: {  	s3 =	sld [smem:$0x3FFE];
	_ =	sdelay $0x1  }
0x8a: {  	s1 =	srdreg.scid  }
0x8b: {  	s0 =	sand.u32 $0x1, s1  }
0x8c: {  	s14 =	sshll.u32 s0, $0xA;
	s2 =	sadd.s32 s3, s2  }
0x8d: {  	s2 =	sadd.s32 s2, s14  }
0x8e: {  	[smem:$0x3FB5] =	sst s2  }
0x8f: {  	_ = 	snop  }
0x90: {  	s2 =	sld [smem:$0x3FD0];
	_ =	sdelay $0x2  }
0x91: {  	s15 =	simm.s32 $0xB;
	s4 =	simm.s32 $0x10  }
0x92: {  	[smem:s4], [sflag:s15] =	dma.local [hbm:s2], $0x1  }
0x93: {  	_ =	swait.eq [sflag:s15], $0x1  }
0x94: {  	[sflag:s15] =	ssyncset.done $0x0  }
0x95: {  	[sflag:s15] =	ssyncadd.s32 $0xFFFFFFFF  }
0x96: {  	s16 =	sld [smem:$0x11];
	(tm) =	ssettm $0x1  }
0x97: {  	s17 =	sld [smem:$0x3FFB];
	_ =	sdelay $0x3  }
0x98: {  	_ =	strace s17  }
0x99: {  	s3 =	sld [smem:$0x3FFC];
	_ =	sdelay $0x3  }
0x9a: {  	_ =	strace s3  }
0x9b: {  	s3 =	sld [smem:$0x3FFD];
	_ =	sdelay $0x3  }
0x9c: {  	_ =	strace s3  }
0x9d: {  	_ =	strace $0x8FFFFFFF  }
0x9e: {  	s18 =	sld [smem:$0x3FDB];
	_ =	sdelay $0x1  }
0x9f: {  	s19 =	simm.s32 $_scs_section_size  }
0xa0: {  	s5 =	simm.s32 $_size__tile_overlayer_lowered;
	s6 =	simm.s32 $_tile_overlayer_lowered  }
0xa1: {  	s22 =	simm.s32 $0x1BFF;
	s21 =	sshll.u32 s6, $0x1;
	s3 =	sadd.s32 s19, s18  }
0xa2: {  	s7 =	simm.s32 $0x0;
	s20 =	sshll.u32 s5, $0x1;
	s5 =	sadd.s32 s21, s3  }
0xa3: {  	[timem:s7], [sflag:s22] =	dma.local [hbm:s5], s20  }
0xa4: {  	_ =	swait.ge [sflag:s22], s20  }
0xa5: {  	s4 =	ssub.s32 $0x0, s20;
	[sflag:s22] =	ssyncset.done $0x0  }
0xa6: {  	[sflag:s22] =	ssyncadd.s32 s4;
	_ =	sdelay $0x1  }
0xa7: {  	s23 =	simm.s32 $0x1B8B  }
0xa8: {  	_ =	swait.ge [sflag:s23], $0x1  }
0xa9: {  	[sflag:s23] =	ssyncset.done $0x0  }
0xaa: {  	s25 =	simm.s32 $0x1B8E;
	s24 =	sld [smem:$0x3FFE];
	[sflag:s23] =	ssyncadd.s32 $0xFFFFFFFF  }
0xab: {  	s26 =	simm.s32 $execute0_lowered;
	[smem:$0x3FD2] =	sst s25  }
0xac: {  	s5 =	sshll.u32 s26, $0x1;
	_ =	strace $0x8000004F;
	[dreg:$0x1] =	wrdreg $0xFFFFFFFF  }
0xad: {  	s28 =	simm.s32 $_size_execute0_lowered;
	s3 =	sadd.s32 s3, s5;
	[dreg:$0x0] =	wrdreg $0x0  }
0xae: {  	s5 =	sshll.u32 s28, $0x1;
	[dreg:$0x2] =	wrdreg s3  }
0xaf: {  	[dreg:$0x3] =	wrdreg s5  }
0xb0: {  	[dreg:$0x4] =	wrdreg $0xC0  }
0xb1: {  	_ =	task [dreg:s7], $0x5FFFF  }
0xb2: {  	[dreg:$0x1] =	wrdreg $0xFFFFFFFF  }
0xb3: {  	[dreg:$0x0] =	wrdreg $0x60  }
0xb4: {  	[dreg:$0x2] =	wrdreg s16  }
0xb5: {  	[dreg:$0x3] =	wrdreg s24  }
0xb6: {  	[dreg:$0x4] =	wrdreg $0x9  }
0xb7: {  	_ =	task.clear_ibuf [dreg:s7], $0x5FFFF;
	_ =	strace $0x9000004F  }
0xb8: {  	s29 =	simm.s32 $0x9;
	_ =	strace $0x80000051  }
0xb9: {  	_ =	swait.ge [sflag:s29], $0x1  }
0xba: {  	[sflag:s29] =	ssyncadd.s32 $0xFFFFFFFF  }
0xbb: {  	_ =	strace $0x90000051  }
0xbc: {  	_ =	sfence  }
0xbd: {  	s30 =	sld [smem:$0x0];
	_ =	sdelay $0x2  }
0xbe: {  	s31 =	sshll.u32 s1, $0xD;
	s1 =	sshrl.u32 s1, $0x2  }
0xbf: {  	s3 =	sand.u32 $0x4000, s31;
	s1 =	sadd.s32 s1, s30  }
0xc0: {  	s0 =	sor.u32 s3, s0;
	s1 =	sshll.u32 s1, $0x11  }
0xc1: {  	s0 =	sor.u32 s1, s0  }
0xc2: {  	s0 =	sadd.s32 $0x8F2B, s0  }
0xc3: {  	[sflag:s0] =	ssyncadd.remote.s32 $0x1  }
0xc4: {  	_ =	sfence.sel $0xFFFF  }
0xc5: {  	[dreg:$0x0] =	wrdreg $0xFFFFFFFF;
	(pc) =	sbr.abs _section_cstart, $3  }
0xc6: {  	[dreg:$0x1] =	wrdreg $0xFFFFFFFF  }
0xc7: {  	_ =	task.clear_ibuf [dreg:s7], $0x2FFFF;
	_ =	strace $0x9FFFFFFF  }
0xc8: {  	(tm) =	ssettm $0x7FFFFFFF  }
0xc9: {  	_ =	shalt  }
tec
execute0_lowered:
.L_overlay_start_1:
0x0: {  	(tag) =	ssettag $0x1  }
0x1: {  	s0 =	srdreg.scid;
	s2 =	rddreg [dreg:$0x0]  }
0x2: {  	s8 =	stileid.u32;
	s4 =	rddreg [dreg:$0x1];
	s3 =	simm.s32 $0x0  }
0x3: {  	s16 =	simm.s32 $0x7;
	s17 =	simm.s32 $0x80;
	s18 =	simm.s32 $0x2710  }
0x4: {  	s19 =	simm.s32 $0x6710;
	s20 =	simm.s32 $0x1;
	s22 =	simm.s32 $0xA710  }
0x5: {  	s23 =	simm.s32 $0x2;
	s24 =	simm.s32 $0x4;
	s11 =	smul.u32 $0x4E20, s8  }
0x6: {  	s28 =	simm.s32 $0x5;
	s0 =	sand.u32 $0x1, s0;
	s13 =	smul.u32 $0x271000, s8  }
0x7: {  	s30 =	simm.s32 $0x6;
	s1 =	sshll.u32 s8, $0x1;
	s12 =	smul.u32 $0x2710, s0  }
0x8: {  	s1 =	sor.u32 s0, s1;
	s7 =	ssub.s32 $0x2, s0;
	s0 =	smul.u32 $0x138800, s0  }
0x9: {  	s21 =	simm.s32 $0x0;
	[smem:$0x7FF] =	sst s3;
	s5 =	smul.u32 $0x2710, s1  }
0xa: {  	s15 =	sadd.s32 $0x3DE00, s4;
	s6 =	smul.u32 $0x27100, s1;
	s25 =	sshrl.u32 s7, $0x1  }
0xb: {  	_ =	strace $0x80000050;
	s1 =	smul.u32 $0x138800, s1;
	s9 =	ssub.s32 s7, s25  }
0xc: {  	s12 =	sadd.s32 s12, s11;
	s0 =	sadd.s32 s0, s13;
	s5 =	sshrl.u32 s5, $0x3  }
0xd: {  	s1 =	sshrl.u32 s1, $0x3;
	s9 =	smax.u32 s9, $0x1;
	s29 =	sshll.u32 s12, $0x4  }
0xe: {  	s0 =	sadd.s32 $0x14000, s0;
	s5 =	sadd.s32 s5, s4;
	s1 =	sadd.s32 s15, s1  }
0xf: {  	s31 =	sadd.s32 s15, s29;
	s0 =	sshrl.u32 s0, $0x3;
	s26 =	sadd.s32 $0x34000, s5  }
0x10: {  	s5 =	sadd.s32 s15, s6;
	s6 =	sadd.s32 $0x800, s1;
	s7 =	sadd.s32 $0x1000, s1  }
0x11: {  	s8 =	sadd.s32 $0x27000, s1;
	s12 =	sadd.s32 $0x26800, s1;
	s13 =	sadd.s32 $0x2000, s31  }
0x12: {  	s14 =	sadd.s32 $0x1800, s31;
	s15 =	sadd.s32 s0, s15;
	[dreg:$0x3] =	wrdreg s26  }
0x13: {  	s10 =	sadd.s32 $0x25800, s5;
	s11 =	sadd.s32 $0x26000, s5;
	s26 =	simm.s32 $0x3  }
.LBB2_1:
0x14: {  	s0 =	rddreg [dreg:$0x3]  }
0x15: {  	[tilespmem:s3], [sflag:$0x7] =	stream.linear.gather [hbm4b:s0+s3], $0x2710, $0x38;
	[tilespmem:$0xE710] =	vst v63  }
0x16: {  	_ =	swait.ge [sflag:s16], $0x2710  }
0x17: {  	[sflag:s16] =	ssyncset.done $0x0  }
0x18: {  	[sflag:s16] =	ssyncadd.s32 $0xFFFFD8F0  }
0x19: {  	[tilespmem:s18], [sflag:$0x1] =	stream.indirect.gather [hbm4b:s2+s17], $0x80, s3, s17, $0xb8;
	[tilespmem:$0xE710] =	vst v63  }
0x1a: {  	_ = 	snop  }
0x1b: {  	[tilespmem:s19], [sflag:$0x2] =	stream.indirect.gather [hbm4b:s2+s17], $0x80, s17, s17, $0xb8;
	[tilespmem:$0xE710] =	vst v63  }
0x1c: {  	_ =	swait.ge [sflag:s20], $0x4000  }
0x1d: {  	[sflag:s20] =	ssyncset.done $0x0  }
0x1e: {  	[sflag:s20] =	ssyncadd.s32 $0xFFFFC000  }
0x1f: {  	[hbm4b:s5+s3] =	stream.linear.scatter [tilespmem:s18], [sflag:$0x4], $0x4000, $0x38;
	[tilespmem:$0xE710] =	vst v63  }
0x20: {  	s4 =	simm.s32 $0x100  }
0x21: {  	[tilespmem:s22], [sflag:$0x3] =	stream.indirect.gather [hbm4b:s2+s17], $0x80, s4, s17, $0xb8;
	[tilespmem:$0xE710] =	vst v63  }
0x22: {  	_ =	swait.ge [sflag:s23], $0x4000  }
0x23: {  	[sflag:s23] =	ssyncset.done $0x0  }
0x24: {  	[sflag:s23] =	ssyncadd.s32 $0xFFFFC000  }
0x25: {  	[hbm4b:s6+s3] =	stream.linear.scatter [tilespmem:s19], [sflag:$0x5], $0x4000, $0x38;
	[tilespmem:$0xE710] =	vst v63  }
0x26: {  	_ =	swait.ge [sflag:s24], $0x4000  }
0x27: {  	[sflag:s24] =	ssyncset.done $0x0  }
0x28: {  	s25 =	simm.s32 $0x180;
	[sflag:s24] =	ssyncadd.s32 $0xFFFFC000  }
0x29: {  	[tilespmem:s18], [sflag:$0x1] =	stream.indirect.gather [hbm4b:s2+s17], $0x80, s25, s17, $0xb8;
	[tilespmem:$0xE710] =	vst v63  }
0x2a: {  	_ =	swait.ge [sflag:s26], $0x4000  }
0x2b: {  	[sflag:s26] =	ssyncset.done $0x0  }
0x2c: {  	[sflag:s26] =	ssyncadd.s32 $0xFFFFC000  }
0x2d: {  	[hbm4b:s7+s3] =	stream.linear.scatter [tilespmem:s22], [sflag:$0x6], $0x4000, $0x38;
	[tilespmem:$0xE710] =	vst v63  }
0x2e: {  	_ =	swait.ge [sflag:s28], $0x4000  }
0x2f: {  	[sflag:s28] =	ssyncset.done $0x0  }
0x30: {  	s1 =	simm.s32 $0x200;
	[sflag:s28] =	ssyncadd.s32 $0xFFFFC000  }
0x31: {  	[tilespmem:s19], [sflag:$0x2] =	stream.indirect.gather [hbm4b:s2+s17], $0x80, s1, s17, $0xb8;
	[tilespmem:$0xE710] =	vst v63  }
0x32: {  	_ =	swait.ge [sflag:s20], $0x4000  }
0x33: {  	[sflag:s20] =	ssyncset.done $0x0  }
0x34: {  	[sflag:s20] =	ssyncadd.s32 $0xFFFFC000  }
0x35: {  	[hbm4b:s14+s3] =	stream.linear.scatter [tilespmem:s18], [sflag:$0x4], $0x4000, $0x38;
	[tilespmem:$0xE710] =	vst v63  }
0x36: {  	_ =	swait.ge [sflag:s30], $0x4000  }
0x37: {  	[sflag:s30] =	ssyncset.done $0x0  }
0x38: {  	s4 =	simm.s32 $0x280;
	[sflag:s30] =	ssyncadd.s32 $0xFFFFC000  }
0x39: {  	[tilespmem:s22], [sflag:$0x3] =	stream.indirect.gather [hbm4b:s2+s17], $0x80, s4, s17, $0xb8;
	[tilespmem:$0xE710] =	vst v63  }
0x3a: {  	_ =	swait.ge [sflag:s23], $0x4000  }
0x3b: {  	[sflag:s23] =	ssyncset.done $0x0  }
0x3c: {  	[sflag:s23] =	ssyncadd.s32 $0xFFFFC000  }
0x3d: {  	[hbm4b:s13+s3] =	stream.linear.scatter [tilespmem:s19], [sflag:$0x5], $0x4000, $0x38;
	[tilespmem:$0xE710] =	vst v63  }
0x3e: {  	_ =	swait.ge [sflag:s24], $0x4000  }
0x3f: {  	[sflag:s24] =	ssyncset.done $0x0  }
0x40: {  	s25 =	simm.s32 $0x300;
	[sflag:s24] =	ssyncadd.s32 $0xFFFFC000  }
0x41: {  	[tilespmem:s18], [sflag:$0x1] =	stream.indirect.gather [hbm4b:s2+s17], $0x80, s25, s17, $0xb8;
	[tilespmem:$0xE710] =	vst v63  }
0x42: {  	_ =	swait.ge [sflag:s26], $0x4000  }
0x43: {  	[sflag:s26] =	ssyncset.done $0x0  }
0x44: {  	[sflag:s26] =	ssyncadd.s32 $0xFFFFC000  }
0x45: {  	[hbm4b:s15+s3] =	stream.linear.scatter [tilespmem:s22], [sflag:$0x6], $0x4000, $0x38;
	[tilespmem:$0xE710] =	vst v63  }
0x46: {  	s29 =	sadd.s32 $0x1800, s14;
	_ =	swait.ge [sflag:s28], $0x4000  }
0x47: {  	s31 =	sadd.s32 $0x1800, s15;
	s0 =	simm.s32 $0x380;
	[sflag:s28] =	ssyncset.done $0x0  }
0x48: {  	s1 =	sadd.s32 $0x1800, s13;
	s25 =	simm.s32 $0x600;
	[sflag:s28] =	ssyncadd.s32 $0xFFFFC000  }
.LBB2_2:
0x49: {  	[tilespmem:s19], [sflag:$0x2] =	stream.indirect.gather [hbm4b:s2+s17], $0x80, s0, s17, $0xb8;
	[tilespmem:$0xE710] =	vst v63  }
0x4a: {  	s0 =	smov.u32 s25  }
0x4b: {  	p0 =	sne.s32 s25, $0x8A00;
	s25 =	sadd.s32 $0x600, s25;
	_ =	swait.ge [sflag:s20], $0x4000  }
0x4c: {  	[sflag:s20] =	ssyncset.done $0x0  }
0x4d: {  	[sflag:s20] =	ssyncadd.s32 $0xFFFFC000  }
0x4e: {  	[hbm4b:s29+s3] =	stream.linear.scatter [tilespmem:s18], [sflag:$0x4], $0x4000, $0x38;
	[tilespmem:$0xE710] =	vst v63  }
0x4f: {  	_ =	swait.ge [sflag:s30], $0x4000  }
0x50: {  	s0 =	sshra.s32 s0, $0x2;
	[sflag:s30] =	ssyncset.done $0x0  }
0x51: {  	s4 =	sadd.s32 $0x280, s0;
	[sflag:s30] =	ssyncadd.s32 $0xFFFFC000  }
0x52: {  	[tilespmem:s22], [sflag:$0x3] =	stream.indirect.gather [hbm4b:s2+s17], $0x80, s4, s17, $0xb8;
	[tilespmem:$0xE710] =	vst v63  }
0x53: {  	_ =	swait.ge [sflag:s23], $0x4000  }
0x54: {  	[sflag:s23] =	ssyncset.done $0x0  }
0x55: {  	[sflag:s23] =	ssyncadd.s32 $0xFFFFC000  }
0x56: {  	[hbm4b:s1+s3] =	stream.linear.scatter [tilespmem:s19], [sflag:$0x5], $0x4000, $0x38;
	[tilespmem:$0xE710] =	vst v63  }
0x57: {  	_ =	swait.ge [sflag:s24], $0x4000  }
0x58: {  	[sflag:s24] =	ssyncset.done $0x0  }
0x59: {  	s4 =	sadd.s32 $0x300, s0;
	[sflag:s24] =	ssyncadd.s32 $0xFFFFC000  }
0x5a: {  	[tilespmem:s18], [sflag:$0x1] =	stream.indirect.gather [hbm4b:s2+s17], $0x80, s4, s17, $0xb8;
	[tilespmem:$0xE710] =	vst v63  }
0x5b: {  	_ =	swait.ge [sflag:s26], $0x4000  }
0x5c: {  	[sflag:s26] =	ssyncset.done $0x0  }
.Ltmp0:
0x5d: {  	[sflag:s26] =	ssyncadd.s32 $0xFFFFC000;
	(pc) =	sbr.rel @p0 .LBB2_2-.Ltmp0, $4  }
0x5e: {  	[hbm4b:s31+s3] =	stream.linear.scatter [tilespmem:s22], [sflag:$0x6], $0x4000, $0x38;
	[tilespmem:$0xE710] =	vst v63  }
0x5f: {  	_ =	swait.ge [sflag:s28], $0x4000  }
0x60: {  	s29 =	sadd.s32 $0x1800, s29;
	s31 =	sadd.s32 $0x1800, s31;
	[sflag:s28] =	ssyncset.done $0x0  }
0x61: {  	s0 =	sadd.s32 $0x380, s0;
	s1 =	sadd.s32 $0x1800, s1;
	[sflag:s28] =	ssyncadd.s32 $0xFFFFC000  }
0x62: {  	[tilespmem:s19], [sflag:$0x2] =	stream.indirect.gather [hbm4b:s2+s17], $0x80, s0, s17, $0xb8;
	[tilespmem:$0xE710] =	vst v63  }
0x63: {  	_ =	swait.ge [sflag:s20], $0x4000  }
0x64: {  	[sflag:s20] =	ssyncset.done $0x0  }
0x65: {  	[sflag:s20] =	ssyncadd.s32 $0xFFFFC000  }
0x66: {  	[hbm4b:s10+s3] =	stream.linear.scatter [tilespmem:s18], [sflag:$0x4], $0x4000, $0x38;
	[tilespmem:$0xE710] =	vst v63  }
0x67: {  	_ =	swait.ge [sflag:s30], $0x4000  }
0x68: {  	[sflag:s30] =	ssyncset.done $0x0  }
0x69: {  	s29 =	simm.s32 $0x2680;
	[sflag:s30] =	ssyncadd.s32 $0xFFFFC000  }
0x6a: {  	[tilespmem:s22], [sflag:$0x3] =	stream.indirect.gather [hbm4b:s2+s17], $0x80, s29, s17, $0xb8;
	[tilespmem:$0xE710] =	vst v63  }
0x6b: {  	_ =	swait.ge [sflag:s23], $0x4000  }
0x6c: {  	[sflag:s23] =	ssyncset.done $0x0  }
0x6d: {  	[sflag:s23] =	ssyncadd.s32 $0xFFFFC000  }
0x6e: {  	[hbm4b:s11+s3] =	stream.linear.scatter [tilespmem:s19], [sflag:$0x5], $0x4000, $0x38;
	[tilespmem:$0xE710] =	vst v63  }
0x6f: {  	_ =	swait.ge [sflag:s26], $0x4000  }
0x70: {  	[sflag:s26] =	ssyncset.done $0x0  }
0x71: {  	[sflag:s26] =	ssyncadd.s32 $0xFFFFC000  }
0x72: {  	[hbm4b:s12+s3] =	stream.linear.scatter [tilespmem:s22], [sflag:$0x6], $0x4000, $0x38;
	[tilespmem:$0xE710] =	vst v63  }
0x73: {  	_ =	swait.ge [sflag:s24], $0x4000  }
0x74: {  	[sflag:s24] =	ssyncset.done $0x0  }
0x75: {  	[sflag:s24] =	ssyncadd.s32 $0xFFFFC000  }
0x76: {  	_ =	swait.ge [sflag:s28], $0x4000  }
0x77: {  	[sflag:s28] =	ssyncset.done $0x0  }
0x78: {  	[sflag:s28] =	ssyncadd.s32 $0xFFFFC000  }
0x79: {  	_ =	swait.ge [sflag:s30], $0x4000  }
0x7a: {  	[sflag:s30] =	ssyncset.done $0x0  }
0x7b: {  	s31 =	simm.s32 $0x10;
	s1 =	simm.s32 $0x2700;
	[sflag:s30] =	ssyncadd.s32 $0xFFFFC000  }
0x7c: {  	[tilespmem:s18], [sflag:$0x1] =	stream.indirect.gather [hbm4b:s2+s31], $0x80, s1, s31, $0xb8;
	[tilespmem:$0xE710] =	vst v63  }
0x7d: {  	s21 =	sadd.s32 $0x1, s21;
	_ =	swait.ge [sflag:s20], $0x800  }
0x7e: {  	p0 =	sne.s32 s21, s9;
	[sflag:s20] =	ssyncset.done $0x0  }
.Ltmp1:
0x7f: {  	[sflag:s20] =	ssyncadd.s32 $0xFFFFF800;
	(pc) =	sbr.rel @p0 .LBB2_1-.Ltmp1, $4  }
0x80: {  	[hbm4b:s8+s3] =	stream.linear.scatter [tilespmem:s18], [sflag:$0x7], $0x800, $0x38;
	[tilespmem:$0xE710] =	vst v63  }
0x81: {  	_ =	swait.ge [sflag:s16], $0x800  }
0x82: {  	[sflag:s16] =	ssyncset.done $0x0  }
0x83: {  	[sflag:s16] =	ssyncadd.s32 $0xFFFFF800  }
0x84: {  	_ =	sfence.sel $0x180000  }
0x85: {  	[bflag:$0x0] =	sbarrier.arrive $0xFFFF  }
0x86: {  	_ =	strace $0x90000050  }
0x87: {  	s0 =	stileid.u32;
	[bflag:$0x2] =	sbarrier.arrive $0xFFFF  }
0x88: {  	p0 =	sne.s32 s0, $0x0;
	s0 =	rddreg [dreg:$0x2]  }
0x89: {  	s0 =	sadd.s32 @!p0 $0x100000, s0  }
0x8a: {  	[sflag:s0] =	ssyncadd.tile.s32 @!p0 $0x1;
	_ =	shalt  }
.Lfunc_end2:
_tile_overlayer_lowered:
.L_overlay_start_2:
0x8b: {  	(tag) =	ssettag $0x2  }
0x8c: {  	s0 =	rddreg [dreg:$0x0];
	s2 =	stileid.u32  }
0x8d: {  	s1 =	rddreg [dreg:$0x1];
	p0 =	sne.s32 s2, $0x0  }
0x8e: {  	s3 =	rddreg [dreg:$0x2];
	[bflag:$0x3] =	sbarrier.arrive $0xFFFF;
	s2 =	simm.s32 @!p0 $0x1C07  }
0x8f: {  	[timem:s3], [sflag:s2] =	dma.local @!p0 [hbm:s0], s1  }
0x90: {  	s0 =	simm.s32 @!p0 $0x7  }
0x91: {  	_ =	swait.ge @!p0 [sflag:s0], s1  }
0x92: {  	s1 =	ssub.s32 @!p0 $0x0, s1;
	[sflag:s0] =	ssyncset.done @!p0 $0x0  }
0x93: {  	[sflag:s0] =	ssyncadd.s32 @!p0 s1  }
0x94: {  	[bflag:$0x3] =	sbarrier.arrive $0xFFFF  }
0x95: {  	_ =	shalt  }

</sc_bundles>
